<compile_context>
chip_gen: v7x
topology: tpu7x:2x2x1
jax: 0.10.2.dev20260603
libtpu: 0.0.44.dev20260713+nightly
codegen_flags: <defaults>
</compile_context>

<pallas_src>
import jax
import jax.numpy as jnp
from jax import lax
from jax.experimental import pallas as pl
from jax.experimental.pallas import tpu as pltpu, tpu_sc as plsc

N = 10000
E = 320000
C = 128
NEG_SLOPE = 0.2

NW = 32
EPW = E // NW
CH = 80
NCH = EPW // CH
W1 = 25
NWIN1 = NCH // W1
W2 = 20
NWIN2 = 6
TAIL2 = NCH - NWIN2 * W2
TSL = 1000

_SC_PARAMS = pltpu.CompilerParams(
    use_tc_tiling_on_sc=False, needs_layout_passes=False)


def _stage_a_body(x_ref, w_ref, att2_ref, xw16_ref, s2_ref):
    xwb = jnp.dot(x_ref[...], w_ref[...], preferred_element_type=jnp.float32)
    xw16_ref[...] = xwb.astype(jnp.bfloat16)
    s2_ref[...] = lax.dot_general(
        att2_ref[...], xwb, (((1,), (1,)), ((), ())),
        preferred_element_type=jnp.float32)


def _stage_a(x, weight, att2):
    return pl.pallas_call(
        _stage_a_body,
        out_shape=[
            jax.ShapeDtypeStruct((N, C), jnp.bfloat16),
            jax.ShapeDtypeStruct((2, N), jnp.float32),
        ],
    )(x, weight, att2)


def _pass1_body(s2_hbm, ei4_hbm, zeros_hbm, den_part_hbm, w_hbm,
                src_idx_v, dst_idx_v, sdst_v, ssrc_v,
                w8a_v, w8b_v, w8c_v, w8d_v, wlin_v,
                den_sh, wsema, wsemb, wsemc, wsemd):
    core = lax.axis_index("c")
    sub = lax.axis_index("s")
    wid = core * 16 + sub
    w8s = [w8a_v, w8b_v, w8c_v, w8d_v]
    wsems = [wsema, wsemb, wsemc, wsemd]

    pltpu.sync_copy(s2_hbm.at[0], sdst_v)
    pltpu.sync_copy(s2_hbm.at[1], ssrc_v)
    for w8 in w8s:
        pltpu.sync_copy(zeros_hbm.at[pl.ds(0, CH), pl.ds(0, 8)], w8)

    @pl.when(sub < 10)
    def _zero():
        pltpu.sync_copy(zeros_hbm.at[pl.ds(TSL * sub, TSL), pl.ds(0, 8)],
                        den_sh.at[pl.ds(TSL * sub, TSL)])
    plsc.subcore_barrier()

    zeros16 = jnp.zeros((16,), jnp.int32)
    iota16 = lax.iota(jnp.int32, 16)

    def compute_w(j, w8):
        for k in range(CH // 16):
            di = dst_idx_v[j, pl.ds(16 * k, 16)]
            si = src_idx_v[j, pl.ds(16 * k, 16)]
            a = (plsc.load_gather(sdst_v, [di])
                 + plsc.load_gather(ssrc_v, [si]))
            a = jnp.maximum(a, NEG_SLOPE * a)
            w = jnp.exp(a)
            plsc.store_scatter(w8, [iota16 + 16 * k, zeros16], w)
            wlin_v[pl.ds(CH * j + 16 * k, 16)] = w

    def window_body(win, carry0):
        pltpu.sync_copy(ei4_hbm.at[0, wid, pl.ds(W1 * win, W1)], src_idx_v)
        pltpu.sync_copy(ei4_hbm.at[1, wid, pl.ds(W1 * win, W1)], dst_idx_v)

        def quad_body(jq, carry):
            descs = []
            for i in range(4):
                j = 4 * jq + i
                compute_w(j, w8s[i])
                descs.append(pltpu.async_copy(
                    w8s[i], den_sh.at[dst_idx_v.at[j]], wsems[i], add=True))
            for d in descs:
                d.wait()
            return carry

        lax.fori_loop(0, W1 // 4, quad_body, 0)
        compute_w(W1 - 1, w8a_v)
        pltpu.async_copy(w8a_v, den_sh.at[dst_idx_v.at[W1 - 1]], wsema,
                         add=True).wait()
        pltpu.sync_copy(wlin_v, w_hbm.at[wid, pl.ds(CH * W1 * win, CH * W1)])
        return carry0

    lax.fori_loop(0, NWIN1, window_body, 0)
    plsc.subcore_barrier()

    @pl.when(sub < 10)
    def _writeback():
        pltpu.sync_copy(den_sh.at[pl.ds(TSL * sub, TSL)],
                        den_part_hbm.at[core, pl.ds(TSL * sub, TSL)])


def _pass1(s2, ei4, zeros):
    mesh = plsc.VectorSubcoreMesh(core_axis_name="c", subcore_axis_name="s")
    return pl.kernel(
        _pass1_body,
        out_type=[
            jax.ShapeDtypeStruct((2, N, 8), jnp.float32),
            jax.ShapeDtypeStruct((NW, EPW), jnp.float32),
        ],
        mesh=mesh,
        scratch_types=[
            pltpu.VMEM((W1, CH), jnp.int32),
            pltpu.VMEM((W1, CH), jnp.int32),
            pltpu.VMEM((N,), jnp.float32),
            pltpu.VMEM((N,), jnp.float32),
            pltpu.VMEM((CH, 8), jnp.float32),
            pltpu.VMEM((CH, 8), jnp.float32),
            pltpu.VMEM((CH, 8), jnp.float32),
            pltpu.VMEM((CH, 8), jnp.float32),
            pltpu.VMEM((W1 * CH,), jnp.float32),
            pltpu.VMEM_SHARED((N, 8), jnp.float32),
            pltpu.SemaphoreType.DMA,
            pltpu.SemaphoreType.DMA,
            pltpu.SemaphoreType.DMA,
            pltpu.SemaphoreType.DMA,
        ],
        compiler_params=_SC_PARAMS,
    )(s2, ei4, zeros)


def _pass2_body(xw16_hbm, ei4_hbm, w_hbm, zeros_hbm, out_part_hbm,
                src_idx_v, dst_idx_v, wlin_v,
                rows0_v, rows1_v, rows2_v, rows3_v, stg0_v, stg1_v, out_sh,
                gsem0, gsem1, gsem2, gsem3, ssem0, ssem1):
    core = lax.axis_index("c")
    sub = lax.axis_index("s")
    wid = core * 16 + sub
    bufs = [rows0_v, rows1_v, rows2_v, rows3_v]
    gsems = [gsem0, gsem1, gsem2, gsem3]
    stgs = [stg0_v, stg1_v]
    ssems = [ssem0, ssem1]

    @pl.when(sub < 10)
    def _zero():
        pltpu.sync_copy(zeros_hbm.at[pl.ds(TSL * sub, TSL)],
                        out_sh.at[pl.ds(TSL * sub, TSL)])
    plsc.subcore_barrier()

    iota16 = lax.iota(jnp.int32, 16)

    def fire_gather(c, i):
        pltpu.async_copy(xw16_hbm.at[src_idx_v.at[c]], bufs[i], gsems[i])

    def wait_gather(i):
        pltpu.make_async_copy(xw16_hbm.at[src_idx_v.at[0]], bufs[i],
                              gsems[i]).wait()

    def fire_scatter(c, p):
        pltpu.async_copy(stgs[p], out_sh.at[dst_idx_v.at[c]], ssems[p],
                         add=True)

    def wait_scatter(p):
        pltpu.make_async_copy(stgs[p], out_sh.at[dst_idx_v.at[0]],
                              ssems[p]).wait()

    def scale(i, p, wbase):
        rows = bufs[i]
        stg = stgs[p]

        @plsc.parallel_loop(0, CH, 1, unroll=2)
        def row_body(r):
            wsp = plsc.load_gather(wlin_v, [jnp.full((16,), wbase + r,
                                                     jnp.int32)])
            rsplat = jnp.full((16,), r, jnp.int32)
            for g in range(C // 32):
                v = rows[r, pl.ds(32 * g, 32)]
                a, b = plsc.unpack(v, format=plsc.PackFormat.INTERLEAVED)
                plsc.store_scatter(stg, [rsplat, 32 * g + 2 * iota16],
                                   a * wsp)
                plsc.store_scatter(stg, [rsplat, 32 * g + 1 + 2 * iota16],
                                   b * wsp)

    def window_body(win, carry0):
        @pl.when(win > 0)
        def _drain():
            wait_scatter(0)
            wait_scatter(1)
        pltpu.sync_copy(ei4_hbm.at[0, wid, pl.ds(W2 * win, W2)], src_idx_v)
        pltpu.sync_copy(ei4_hbm.at[1, wid, pl.ds(W2 * win, W2)], dst_idx_v)
        pltpu.sync_copy(w_hbm.at[wid, pl.ds(CH * W2 * win, CH * W2)], wlin_v)

        for i in range(3):
            fire_gather(i, i)

        def quad_body(q, carry):
            for i in range(4):
                c = 4 * q + i
                p = i % 2

                @pl.when(c < W2 - 3)
                def _fg(c=c, i=i):
                    fire_gather(c + 3, (i + 3) % 4)

                wait_gather(i)

                @pl.when(c >= 2)
                def _ws(p=p):
                    wait_scatter(p)

                scale(i, p, CH * c)
                fire_scatter(c, p)
            return carry

        lax.fori_loop(0, W2 // 4, quad_body, 0)
        return carry0

    lax.fori_loop(0, NWIN2, window_body, 0)

    wait_scatter(0)
    wait_scatter(1)
    pltpu.sync_copy(ei4_hbm.at[0, wid, pl.ds(NWIN2 * W2, TAIL2)],
                    src_idx_v.at[pl.ds(0, TAIL2)])
    pltpu.sync_copy(ei4_hbm.at[1, wid, pl.ds(NWIN2 * W2, TAIL2)],
                    dst_idx_v.at[pl.ds(0, TAIL2)])
    pltpu.sync_copy(w_hbm.at[wid, pl.ds(CH * NWIN2 * W2, CH * TAIL2)],
                    wlin_v.at[pl.ds(0, CH * TAIL2)])
    for i in range(3):
        fire_gather(i, i)
    fire_gather(3, 3)
    wait_gather(0)
    scale(0, 0, 0)
    fire_scatter(0, 0)
    fire_gather(4, 0)
    wait_gather(1)
    scale(1, 1, CH)
    fire_scatter(1, 1)
    for c in range(2, TAIL2):
        i = c % 4
        p = c % 2
        wait_gather(i)
        wait_scatter(p)
        scale(i, p, CH * c)
        fire_scatter(c, p)
    wait_scatter(1)
    wait_scatter(0)

    plsc.subcore_barrier()

    @pl.when(sub < 10)
    def _writeback():
        pltpu.sync_copy(out_sh.at[pl.ds(TSL * sub, TSL)],
                        out_part_hbm.at[core, pl.ds(TSL * sub, TSL)])


def _pass2(xw16, ei4, w, zeros):
    mesh = plsc.VectorSubcoreMesh(core_axis_name="c", subcore_axis_name="s")
    return pl.kernel(
        _pass2_body,
        out_type=jax.ShapeDtypeStruct((2, N, C), jnp.float32),
        mesh=mesh,
        scratch_types=[
            pltpu.VMEM((W2, CH), jnp.int32),
            pltpu.VMEM((W2, CH), jnp.int32),
            pltpu.VMEM((W2 * CH,), jnp.float32),
            pltpu.VMEM((CH, C), jnp.bfloat16),
            pltpu.VMEM((CH, C), jnp.bfloat16),
            pltpu.VMEM((CH, C), jnp.bfloat16),
            pltpu.VMEM((CH, C), jnp.bfloat16),
            pltpu.VMEM((CH, C), jnp.float32),
            pltpu.VMEM((CH, C), jnp.float32),
            pltpu.VMEM_SHARED((N, C), jnp.float32),
            pltpu.SemaphoreType.DMA,
            pltpu.SemaphoreType.DMA,
            pltpu.SemaphoreType.DMA,
            pltpu.SemaphoreType.DMA,
            pltpu.SemaphoreType.DMA,
            pltpu.SemaphoreType.DMA,
        ],
        compiler_params=_SC_PARAMS,
    )(xw16, ei4, w, zeros)


def _stage_c_body(op_ref, den_ref, bias_ref, out_ref):
    p = op_ref[0] + op_ref[1]
    d = den_ref[0, :, 0] + den_ref[1, :, 0]
    out_ref[...] = p / (d[:, None] + 1e-16) + bias_ref[...][None, :]


def _stage_c(out_part, den_part, bias):
    blk = 1000
    return pl.pallas_call(
        _stage_c_body,
        grid=(N // blk,),
        in_specs=[
            pl.BlockSpec((2, blk, C), lambda i: (0, i, 0)),
            pl.BlockSpec((2, blk, 8), lambda i: (0, i, 0)),
            pl.BlockSpec((C,), lambda i: (0,)),
        ],
        out_specs=pl.BlockSpec((blk, C), lambda i: (i, 0)),
        out_shape=jax.ShapeDtypeStruct((N, C), jnp.float32),
    )(out_part, den_part, bias)


@jax.jit
def kernel(x, edge_index, mask, weight, att, bias):
    del mask
    att2 = att.reshape(2, C)
    ei4 = edge_index.reshape(2, NW, NCH, CH)
    zeros = jnp.zeros((N, C), jnp.float32)
    xw, s2 = _stage_a(x, weight, att2)
    den_part, w = _pass1(s2, ei4, zeros)
    out_part = _pass2(xw, ei4, w, zeros)
    return _stage_c(out_part, den_part, bias)

# --- scband reference (transcript-rebuilt; emitter-appended) ---
"""Pipeline reference for scband-gatconv-multi-quant-49194555408767 (READ-ONLY COPY).

The authoritative reference and input builder live on the scoring server;
editing this copy changes nothing except your own understanding.
"""

import jax, jax.numpy as jnp
import numpy as np

N = 10000
E = 320000
IN_CH = 128
HEADS = 1
OUT_CH = 128
NEG_SLOPE = 0.2


def setup_inputs(seed: int = 0) -> dict:
    key = jax.random.key(seed)
    k1, k2, k3, k4, k5 = jax.random.split(key, 5)
    x = jax.random.normal(k1, (N, IN_CH), dtype=jnp.float32)
    edge_index = jax.random.randint(k2, (2, E), 0, N, dtype=jnp.int32)
    mask = jax.random.randint(k3, (N,), 0, 2, dtype=jnp.int32).astype(jnp.bool_)
    # glorot-ish init for learned parameters
    weight = jax.random.normal(k4, (IN_CH, HEADS * OUT_CH), dtype=jnp.float32) * (1.0 / np.sqrt(IN_CH))
    att = jax.random.normal(k5, (1, HEADS, 2 * OUT_CH), dtype=jnp.float32) * (1.0 / np.sqrt(2 * OUT_CH))
    bias = jnp.zeros((HEADS * OUT_CH,), dtype=jnp.float32)
    return {"x": x, "edge_index": edge_index, "mask": mask, "weight": weight, "att": att, "bias": bias}


def reference(x, edge_index, mask, weight, att, bias):
    # Eval-mode GATConvMultiQuant: all quantizers are identity, dropout=0.
    # flow='source_to_target' => i,j = (1,0): targets = edge_index[1], sources = edge_index[0]
    n = x.shape[0]
    xw = x @ weight  # [N, H*C]
    idx_i = edge_index[1]  # aggregation index (destination)
    idx_j = edge_index[0]  # source / message origin
    x_i = jnp.take(xw, idx_i, axis=0).reshape(-1, HEADS, OUT_CH)
    x_j = jnp.take(xw, idx_j, axis=0).reshape(-1, HEADS, OUT_CH)
    # attention logits
    alpha = (jnp.concatenate([x_i, x_j], axis=-1) * att).sum(axis=-1)  # [E, H]
    alpha = jax.nn.leaky_relu(alpha, negative_slope=NEG_SLOPE)
    # softmax over incoming edges per destination node (numerically stable)
    amax = jax.ops.segment_max(alpha, idx_i, num_segments=n)  # [N, H]
    amax = jnp.where(jnp.isfinite(amax), amax, 0.0)
    a_exp = jnp.exp(alpha - jnp.take(amax, idx_i, axis=0))
    denom = jax.ops.segment_sum(a_exp, idx_i, num_segments=n)  # [N, H]
    alpha = a_exp / (jnp.take(denom, idx_i, axis=0) + 1e-16)
    # message = x_j weighted by attention
    msg = x_j * alpha[:, :, None]  # [E, H, C]
    # aggregate: scatter-add over destination nodes
    out = jax.ops.segment_sum(msg, idx_i, num_segments=n)  # [N, H, C]
    # update: concat=True -> flatten heads, add bias
    out = out.reshape(n, HEADS * OUT_CH) + bias
    return out

if __name__ == "__main__":
    import jax
    _d = setup_inputs()
    print(jax.jit(kernel)(*tuple(_d.values())))

</pallas_src>

<mosaic_0001>
#map = affine_map<(d0, d1) -> (0, 0)>
#map1 = affine_map<(d0, d1) -> (0, 0, 0, 0)>
#map2 = affine_map<(d0, d1) -> (0, 0, 0)>
module attributes {stable_mosaic.version = 14 : i64} {
  func.func @_pass2_body(%arg0: i32, %arg1: i32, %arg2: memref<10000x128xbf16, #tpu.memory_space<hbm>>, %arg3: memref<2x32x125x80xi32, #tpu.memory_space<hbm>>, %arg4: memref<32x10000xf32, #tpu.memory_space<hbm>>, %arg5: memref<10000x128xf32, #tpu.memory_space<hbm>>, %arg6: memref<2x10000x128xf32, #tpu.memory_space<hbm>>, %arg7: memref<20x80xi32, #tpu.memory_space<vmem>>, %arg8: memref<20x80xi32, #tpu.memory_space<vmem>>, %arg9: memref<1600xf32, #tpu.memory_space<vmem>>, %arg10: memref<80x128xbf16, #tpu.memory_space<vmem>>, %arg11: memref<80x128xbf16, #tpu.memory_space<vmem>>, %arg12: memref<80x128xbf16, #tpu.memory_space<vmem>>, %arg13: memref<80x128xbf16, #tpu.memory_space<vmem>>, %arg14: memref<80x128xf32, #tpu.memory_space<vmem>>, %arg15: memref<80x128xf32, #tpu.memory_space<vmem>>, %arg16: memref<10000x128xf32, #tpu.memory_space<vmem_shared>>, %arg17: memref<!tpu.dma_semaphore, #tpu.memory_space<semaphore_mem>>, %arg18: memref<!tpu.dma_semaphore, #tpu.memory_space<semaphore_mem>>, %arg19: memref<!tpu.dma_semaphore, #tpu.memory_space<semaphore_mem>>, %arg20: memref<!tpu.dma_semaphore, #tpu.memory_space<semaphore_mem>>, %arg21: memref<!tpu.dma_semaphore, #tpu.memory_space<semaphore_mem>>, %arg22: memref<!tpu.dma_semaphore, #tpu.memory_space<semaphore_mem>>) attributes {dimension_semantics = [#tpu.dimension_semantics<core_parallel>, #tpu.dimension_semantics<subcore_parallel>], iteration_bounds = array<i64: 2, 16>, scalar_prefetch = 0 : i64, scratch_operands = 16 : i64, tpu.core_type = #tpu.core_type<sc_vector_subcore>, window_params = [{transform_indices = #map}, {transform_indices = #map1}, {transform_indices = #map}, {transform_indices = #map}, {transform_indices = #map2}]} {
    %mul3A = arith.constant 16 : i32
    %mul3A_0 = arith.muli %arg0, %mul3A : i32
    %add3A = arith.addi %mul3A_0, %arg1 : i32
    %lt3A = arith.constant 10 : i32
    %lt3A_1 = arith.cmpi slt, %arg1, %lt3A : i32
    %convert_element_type3A = arith.extui %lt3A_1 : i1 to i32
    %cond3A = arith.constant 0 : i32
    %cond3A_2 = arith.cmpi ne, %convert_element_type3A, %cond3A : i32
    scf.if %cond3A_2 {
      %mul3A_181 = arith.constant 1000 : i32
      %mul3A_182 = arith.muli %mul3A_181, %arg1 : i32
      %mul3A_183 = arith.constant 1000 : i32
      %mul3A_184 = arith.muli %mul3A_183, %arg1 : i32
      "tpu.region"() ({
        %run_scoped3A_185 = tpu.sem_alloc : memref<!tpu.dma_semaphore, #tpu.memory_space<semaphore_mem>>
        %dma_start3A_186 = arith.constant 0 : i32
        %dma_start3A_187 = tpu.memref_slice %arg16[%mul3A_184, %dma_start3A_186] : memref<10000x128xf32, #tpu.memory_space<vmem_shared>> -> memref<1000x128xf32, #tpu.memory_space<vmem_shared>>
        %dma_start3A_188 = arith.constant 0 : i32
        %dma_start3A_189 = tpu.memref_slice %arg5[%mul3A_182, %dma_start3A_188] : memref<10000x128xf32, #tpu.memory_space<hbm>> -> memref<1000x128xf32, #tpu.memory_space<hbm>>
        tpu.enqueue_dma source(%dma_start3A_189 : memref<1000x128xf32, #tpu.memory_space<hbm>>) target(%dma_start3A_187 : memref<1000x128xf32, #tpu.memory_space<vmem_shared>>) target_semaphore(%run_scoped3A_185 : memref<!tpu.dma_semaphore, #tpu.memory_space<semaphore_mem>>)
        %dma_wait3A_190 = arith.constant 0 : i32
        %dma_wait3A_191 = tpu.memref_slice %arg16[%mul3A_184, %dma_wait3A_190] : memref<10000x128xf32, #tpu.memory_space<vmem_shared>> -> memref<1000x128xf32, #tpu.memory_space<vmem_shared>>
        %dma_wait3A_192 = arith.constant 0 : i32
        %dma_wait3A_193 = tpu.memref_slice %arg5[%mul3A_182, %dma_wait3A_192] : memref<10000x128xf32, #tpu.memory_space<hbm>> -> memref<1000x128xf32, #tpu.memory_space<hbm>>
        tpu.wait_dma2 semaphore(%run_scoped3A_185 : memref<!tpu.dma_semaphore, #tpu.memory_space<semaphore_mem>>) src(%dma_wait3A_193 : memref<1000x128xf32, #tpu.memory_space<hbm>>) dst(%dma_wait3A_191 : memref<1000x128xf32, #tpu.memory_space<vmem_shared>>)
        tpu.yield
      }) : () -> ()
    } else {
    }
    %barrier3A = arith.constant 0 : index
    tpu.barrier barrier_id(%barrier3A)
    %iota3A = tpu.iota {dimensions = array<i32: 0>} : vector<16xi32>
    %scan3A = arith.constant 0 : i32
    %scan3A_3 = arith.constant 0 : i32
    %scan3A_4 = arith.constant 6 : i32
    %scan3A_5 = arith.addi %scan3A_3, %scan3A_4 : i32
    %scan3A_6 = arith.constant 1 : i32
    scf.for %scan3A_181 = %scan3A_3 to %scan3A_5 step %scan3A_6  : i32 {
      %gt3A = arith.constant 0 : i32
      %gt3A_182 = arith.cmpi sgt, %scan3A_181, %gt3A : i32
      %convert_element_type3A_183 = arith.extui %gt3A_182 : i1 to i32
      %cond3A_184 = arith.constant 0 : i32
      %cond3A_185 = arith.cmpi ne, %convert_element_type3A_183, %cond3A_184 : i32
      scf.if %cond3A_185 {
        %dma_wait3A_221 = arith.constant 0 : i32
        %dma_wait3A_222 = arith.constant 0 : i32
        %dma_wait3A_223 = tpu.memref_slice %arg8[%dma_wait3A_221, %dma_wait3A_222] : memref<20x80xi32, #tpu.memory_space<vmem>> -> memref<1x80xi32, #tpu.memory_space<vmem>>
        %dma_wait3A_224 = tpu.memref_squeeze %dma_wait3A_223 : memref<1x80xi32, #tpu.memory_space<vmem>> -> memref<80xi32, #tpu.memory_space<vmem>>
        %dma_wait3A_225 = arith.constant 0 : i32
        %dma_wait3A_226 = arith.constant 0 : i32
        %dma_wait3A_227 = tpu.memref_slice %arg16[%dma_wait3A_225, %dma_wait3A_226] : memref<10000x128xf32, #tpu.memory_space<vmem_shared>> -> memref<10000x128xf32, #tpu.memory_space<vmem_shared>>
        tpu.wait_indirect_dma semaphore(%arg21 : memref<!tpu.dma_semaphore, #tpu.memory_space<semaphore_mem>>) src(%arg14 : memref<80x128xf32, #tpu.memory_space<vmem>>) dst(%dma_wait3A_227 : memref<10000x128xf32, #tpu.memory_space<vmem_shared>>)
        %dma_wait3A_228 = arith.constant 0 : i32
        %dma_wait3A_229 = arith.constant 0 : i32
        %dma_wait3A_230 = tpu.memref_slice %arg8[%dma_wait3A_228, %dma_wait3A_229] : memref<20x80xi32, #tpu.memory_space<vmem>> -> memref<1x80xi32, #tpu.memory_space<vmem>>
        %dma_wait3A_231 = tpu.memref_squeeze %dma_wait3A_230 : memref<1x80xi32, #tpu.memory_space<vmem>> -> memref<80xi32, #tpu.memory_space<vmem>>
        %dma_wait3A_232 = arith.constant 0 : i32
        %dma_wait3A_233 = arith.constant 0 : i32
        %dma_wait3A_234 = tpu.memref_slice %arg16[%dma_wait3A_232, %dma_wait3A_233] : memref<10000x128xf32, #tpu.memory_space<vmem_shared>> -> memref<10000x128xf32, #tpu.memory_space<vmem_shared>>
        tpu.wait_indirect_dma semaphore(%arg22 : memref<!tpu.dma_semaphore, #tpu.memory_space<semaphore_mem>>) src(%arg15 : memref<80x128xf32, #tpu.memory_space<vmem>>) dst(%dma_wait3A_234 : memref<10000x128xf32, #tpu.memory_space<vmem_shared>>)
      } else {
      }
      %mul3A_186 = arith.constant 20 : i32
      %mul3A_187 = arith.muli %mul3A_186, %scan3A_181 : i32
      %run_scoped3A_188 = arith.constant 0 : i32
      "tpu.region"() ({
        %run_scoped3A_221 = tpu.sem_alloc : memref<!tpu.dma_semaphore, #tpu.memory_space<semaphore_mem>>
        %dma_start3A_222 = arith.constant 0 : i32
        %dma_start3A_223 = tpu.memref_slice %arg3[%run_scoped3A_188, %add3A, %mul3A_187, %dma_start3A_222] : memref<2x32x125x80xi32, #tpu.memory_space<hbm>> -> memref<1x1x20x80xi32, #tpu.memory_space<hbm>>
        %dma_start3A_224 = tpu.memref_squeeze %dma_start3A_223 : memref<1x1x20x80xi32, #tpu.memory_space<hbm>> -> memref<20x80xi32, #tpu.memory_space<hbm>>
        %dma_start3A_225 = arith.constant 0 : i32
        %dma_start3A_226 = tpu.memref_slice %arg3[%run_scoped3A_188, %add3A, %mul3A_187, %dma_start3A_225] : memref<2x32x125x80xi32, #tpu.memory_space<hbm>> -> memref<1x1x20x80xi32, #tpu.memory_space<hbm>>
        %dma_start3A_227 = tpu.memref_squeeze %dma_start3A_226 : memref<1x1x20x80xi32, #tpu.memory_space<hbm>> -> memref<20x80xi32, #tpu.memory_space<hbm>>
        tpu.enqueue_dma source(%dma_start3A_227 : memref<20x80xi32, #tpu.memory_space<hbm>>) target(%arg7 : memref<20x80xi32, #tpu.memory_space<vmem>>) target_semaphore(%run_scoped3A_221 : memref<!tpu.dma_semaphore, #tpu.memory_space<semaphore_mem>>)
        %dma_wait3A_228 = arith.constant 0 : i32
        %dma_wait3A_229 = tpu.memref_slice %arg3[%run_scoped3A_188, %add3A, %mul3A_187, %dma_wait3A_228] : memref<2x32x125x80xi32, #tpu.memory_space<hbm>> -> memref<1x1x20x80xi32, #tpu.memory_space<hbm>>
        %dma_wait3A_230 = tpu.memref_squeeze %dma_wait3A_229 : memref<1x1x20x80xi32, #tpu.memory_space<hbm>> -> memref<20x80xi32, #tpu.memory_space<hbm>>
        %dma_wait3A_231 = arith.constant 0 : i32
        %dma_wait3A_232 = tpu.memref_slice %arg3[%run_scoped3A_188, %add3A, %mul3A_187, %dma_wait3A_231] : memref<2x32x125x80xi32, #tpu.memory_space<hbm>> -> memref<1x1x20x80xi32, #tpu.memory_space<hbm>>
        %dma_wait3A_233 = tpu.memref_squeeze %dma_wait3A_232 : memref<1x1x20x80xi32, #tpu.memory_space<hbm>> -> memref<20x80xi32, #tpu.memory_space<hbm>>
        tpu.wait_dma2 semaphore(%run_scoped3A_221 : memref<!tpu.dma_semaphore, #tpu.memory_space<semaphore_mem>>) src(%dma_wait3A_233 : memref<20x80xi32, #tpu.memory_space<hbm>>) dst(%arg7 : memref<20x80xi32, #tpu.memory_space<vmem>>)
        tpu.yield
      }) : () -> ()
      %mul3A_189 = arith.constant 20 : i32
      %mul3A_190 = arith.muli %mul3A_189, %scan3A_181 : i32
      %run_scoped3A_191 = arith.constant 1 : i32
      "tpu.region"() ({
        %run_scoped3A_221 = tpu.sem_alloc : memref<!tpu.dma_semaphore, #tpu.memory_space<semaphore_mem>>
        %dma_start3A_222 = arith.constant 0 : i32
        %dma_start3A_223 = tpu.memref_slice %arg3[%run_scoped3A_191, %add3A, %mul3A_190, %dma_start3A_222] : memref<2x32x125x80xi32, #tpu.memory_space<hbm>> -> memref<1x1x20x80xi32, #tpu.memory_space<hbm>>
        %dma_start3A_224 = tpu.memref_squeeze %dma_start3A_223 : memref<1x1x20x80xi32, #tpu.memory_space<hbm>> -> memref<20x80xi32, #tpu.memory_space<hbm>>
        %dma_start3A_225 = arith.constant 0 : i32
        %dma_start3A_226 = tpu.memref_slice %arg3[%run_scoped3A_191, %add3A, %mul3A_190, %dma_start3A_225] : memref<2x32x125x80xi32, #tpu.memory_space<hbm>> -> memref<1x1x20x80xi32, #tpu.memory_space<hbm>>
        %dma_start3A_227 = tpu.memref_squeeze %dma_start3A_226 : memref<1x1x20x80xi32, #tpu.memory_space<hbm>> -> memref<20x80xi32, #tpu.memory_space<hbm>>
        tpu.enqueue_dma source(%dma_start3A_227 : memref<20x80xi32, #tpu.memory_space<hbm>>) target(%arg8 : memref<20x80xi32, #tpu.memory_space<vmem>>) target_semaphore(%run_scoped3A_221 : memref<!tpu.dma_semaphore, #tpu.memory_space<semaphore_mem>>)
        %dma_wait3A_228 = arith.constant 0 : i32
        %dma_wait3A_229 = tpu.memref_slice %arg3[%run_scoped3A_191, %add3A, %mul3A_190, %dma_wait3A_228] : memref<2x32x125x80xi32, #tpu.memory_space<hbm>> -> memref<1x1x20x80xi32, #tpu.memory_space<hbm>>
        %dma_wait3A_230 = tpu.memref_squeeze %dma_wait3A_229 : memref<1x1x20x80xi32, #tpu.memory_space<hbm>> -> memref<20x80xi32, #tpu.memory_space<hbm>>
        %dma_wait3A_231 = arith.constant 0 : i32
        %dma_wait3A_232 = tpu.memref_slice %arg3[%run_scoped3A_191, %add3A, %mul3A_190, %dma_wait3A_231] : memref<2x32x125x80xi32, #tpu.memory_space<hbm>> -> memref<1x1x20x80xi32, #tpu.memory_space<hbm>>
        %dma_wait3A_233 = tpu.memref_squeeze %dma_wait3A_232 : memref<1x1x20x80xi32, #tpu.memory_space<hbm>> -> memref<20x80xi32, #tpu.memory_space<hbm>>
        tpu.wait_dma2 semaphore(%run_scoped3A_221 : memref<!tpu.dma_semaphore, #tpu.memory_space<semaphore_mem>>) src(%dma_wait3A_233 : memref<20x80xi32, #tpu.memory_space<hbm>>) dst(%arg8 : memref<20x80xi32, #tpu.memory_space<vmem>>)
        tpu.yield
      }) : () -> ()
      %mul3A_192 = arith.constant 1600 : i32
      %mul3A_193 = arith.muli %mul3A_192, %scan3A_181 : i32
      "tpu.region"() ({
        %run_scoped3A_221 = tpu.sem_alloc : memref<!tpu.dma_semaphore, #tpu.memory_space<semaphore_mem>>
        %dma_start3A_222 = tpu.memref_slice %arg4[%add3A, %mul3A_193] : memref<32x10000xf32, #tpu.memory_space<hbm>> -> memref<1x1600xf32, #tpu.memory_space<hbm>>
        %dma_start3A_223 = tpu.memref_squeeze %dma_start3A_222 : memref<1x1600xf32, #tpu.memory_space<hbm>> -> memref<1600xf32, #tpu.memory_space<hbm>>
        %dma_start3A_224 = tpu.memref_slice %arg4[%add3A, %mul3A_193] : memref<32x10000xf32, #tpu.memory_space<hbm>> -> memref<1x1600xf32, #tpu.memory_space<hbm>>
        %dma_start3A_225 = tpu.memref_squeeze %dma_start3A_224 : memref<1x1600xf32, #tpu.memory_space<hbm>> -> memref<1600xf32, #tpu.memory_space<hbm>>
        tpu.enqueue_dma source(%dma_start3A_225 : memref<1600xf32, #tpu.memory_space<hbm>>) target(%arg9 : memref<1600xf32, #tpu.memory_space<vmem>>) target_semaphore(%run_scoped3A_221 : memref<!tpu.dma_semaphore, #tpu.memory_space<semaphore_mem>>)
        %dma_wait3A_226 = tpu.memref_slice %arg4[%add3A, %mul3A_193] : memref<32x10000xf32, #tpu.memory_space<hbm>> -> memref<1x1600xf32, #tpu.memory_space<hbm>>
        %dma_wait3A_227 = tpu.memref_squeeze %dma_wait3A_226 : memref<1x1600xf32, #tpu.memory_space<hbm>> -> memref<1600xf32, #tpu.memory_space<hbm>>
        %dma_wait3A_228 = tpu.memref_slice %arg4[%add3A, %mul3A_193] : memref<32x10000xf32, #tpu.memory_space<hbm>> -> memref<1x1600xf32, #tpu.memory_space<hbm>>
        %dma_wait3A_229 = tpu.memref_squeeze %dma_wait3A_228 : memref<1x1600xf32, #tpu.memory_space<hbm>> -> memref<1600xf32, #tpu.memory_space<hbm>>
        tpu.wait_dma2 semaphore(%run_scoped3A_221 : memref<!tpu.dma_semaphore, #tpu.memory_space<semaphore_mem>>) src(%dma_wait3A_229 : memref<1600xf32, #tpu.memory_space<hbm>>) dst(%arg9 : memref<1600xf32, #tpu.memory_space<vmem>>)
        tpu.yield
      }) : () -> ()
      %dma_start3A_194 = arith.constant 0 : i32
      %dma_start3A_195 = arith.constant 0 : i32
      %dma_start3A_196 = tpu.memref_slice %arg7[%dma_start3A_194, %dma_start3A_195] : memref<20x80xi32, #tpu.memory_space<vmem>> -> memref<1x80xi32, #tpu.memory_space<vmem>>
      %dma_start3A_197 = tpu.memref_squeeze %dma_start3A_196 : memref<1x80xi32, #tpu.memory_space<vmem>> -> memref<80xi32, #tpu.memory_space<vmem>>
      %dma_start3A_198 = arith.constant 0 : i32
      %dma_start3A_199 = arith.constant 0 : i32
      %dma_start3A_200 = tpu.memref_slice %arg2[%dma_start3A_198, %dma_start3A_199] : memref<10000x128xbf16, #tpu.memory_space<hbm>> -> memref<10000x128xbf16, #tpu.memory_space<hbm>>
      tpu.enqueue_indirect_dma source(%dma_start3A_200 : memref<10000x128xbf16, #tpu.memory_space<hbm>>) target(%arg10 : memref<80x128xbf16, #tpu.memory_space<vmem>>) offsets(%dma_start3A_197 : memref<80xi32, #tpu.memory_space<vmem>>) semaphore(%arg17 : memref<!tpu.dma_semaphore, #tpu.memory_space<semaphore_mem>>)
      %dma_start3A_201 = arith.constant 1 : i32
      %dma_start3A_202 = arith.constant 0 : i32
      %dma_start3A_203 = tpu.memref_slice %arg7[%dma_start3A_201, %dma_start3A_202] : memref<20x80xi32, #tpu.memory_space<vmem>> -> memref<1x80xi32, #tpu.memory_space<vmem>>
      %dma_start3A_204 = tpu.memref_squeeze %dma_start3A_203 : memref<1x80xi32, #tpu.memory_space<vmem>> -> memref<80xi32, #tpu.memory_space<vmem>>
      %dma_start3A_205 = arith.constant 0 : i32
      %dma_start3A_206 = arith.constant 0 : i32
      %dma_start3A_207 = tpu.memref_slice %arg2[%dma_start3A_205, %dma_start3A_206] : memref<10000x128xbf16, #tpu.memory_space<hbm>> -> memref<10000x128xbf16, #tpu.memory_space<hbm>>
      tpu.enqueue_indirect_dma source(%dma_start3A_207 : memref<10000x128xbf16, #tpu.memory_space<hbm>>) target(%arg11 : memref<80x128xbf16, #tpu.memory_space<vmem>>) offsets(%dma_start3A_204 : memref<80xi32, #tpu.memory_space<vmem>>) semaphore(%arg18 : memref<!tpu.dma_semaphore, #tpu.memory_space<semaphore_mem>>)
      %dma_start3A_208 = arith.constant 2 : i32
      %dma_start3A_209 = arith.constant 0 : i32
      %dma_start3A_210 = tpu.memref_slice %arg7[%dma_start3A_208, %dma_start3A_209] : memref<20x80xi32, #tpu.memory_space<vmem>> -> memref<1x80xi32, #tpu.memory_space<vmem>>
      %dma_start3A_211 = tpu.memref_squeeze %dma_start3A_210 : memref<1x80xi32, #tpu.memory_space<vmem>> -> memref<80xi32, #tpu.memory_space<vmem>>
      %dma_start3A_212 = arith.constant 0 : i32
      %dma_start3A_213 = arith.constant 0 : i32
      %dma_start3A_214 = tpu.memref_slice %arg2[%dma_start3A_212, %dma_start3A_213] : memref<10000x128xbf16, #tpu.memory_space<hbm>> -> memref<10000x128xbf16, #tpu.memory_space<hbm>>
      tpu.enqueue_indirect_dma source(%dma_start3A_214 : memref<10000x128xbf16, #tpu.memory_space<hbm>>) target(%arg12 : memref<80x128xbf16, #tpu.memory_space<vmem>>) offsets(%dma_start3A_211 : memref<80xi32, #tpu.memory_space<vmem>>) semaphore(%arg19 : memref<!tpu.dma_semaphore, #tpu.memory_space<semaphore_mem>>)
      %scan3A_215 = arith.constant 0 : i32
      %scan3A_216 = arith.constant 0 : i32
      %scan3A_217 = arith.constant 5 : i32
      %scan3A_218 = arith.addi %scan3A_216, %scan3A_217 : i32
      %scan3A_219 = arith.constant 1 : i32
      scf.for %scan3A_221 = %scan3A_216 to %scan3A_218 step %scan3A_219  : i32 {
        %mul3A_222 = arith.constant 4 : i32
        %mul3A_223 = arith.muli %mul3A_222, %scan3A_221 : i32
        %add3A_224 = arith.constant 0 : i32
        %add3A_225 = arith.addi %mul3A_223, %add3A_224 : i32
        %lt3A_226 = arith.constant 17 : i32
        %lt3A_227 = arith.cmpi slt, %add3A_225, %lt3A_226 : i32
        %convert_element_type3A_228 = arith.extui %lt3A_227 : i1 to i32
        %cond3A_229 = arith.constant 0 : i32
        %cond3A_230 = arith.cmpi ne, %convert_element_type3A_228, %cond3A_229 : i32
        scf.if %cond3A_230 {
          %add3A_349 = arith.constant 3 : i32
          %add3A_350 = arith.addi %add3A_225, %add3A_349 : i32
          %dma_start3A_351 = arith.constant 0 : i32
          %dma_start3A_352 = tpu.memref_slice %arg7[%add3A_350, %dma_start3A_351] : memref<20x80xi32, #tpu.memory_space<vmem>> -> memref<1x80xi32, #tpu.memory_space<vmem>>
          %dma_start3A_353 = tpu.memref_squeeze %dma_start3A_352 : memref<1x80xi32, #tpu.memory_space<vmem>> -> memref<80xi32, #tpu.memory_space<vmem>>
          %dma_start3A_354 = arith.constant 0 : i32
          %dma_start3A_355 = arith.constant 0 : i32
          %dma_start3A_356 = tpu.memref_slice %arg2[%dma_start3A_354, %dma_start3A_355] : memref<10000x128xbf16, #tpu.memory_space<hbm>> -> memref<10000x128xbf16, #tpu.memory_space<hbm>>
          tpu.enqueue_indirect_dma source(%dma_start3A_356 : memref<10000x128xbf16, #tpu.memory_space<hbm>>) target(%arg13 : memref<80x128xbf16, #tpu.memory_space<vmem>>) offsets(%dma_start3A_353 : memref<80xi32, #tpu.memory_space<vmem>>) semaphore(%arg20 : memref<!tpu.dma_semaphore, #tpu.memory_space<semaphore_mem>>)
        } else {
        }
        %dma_wait3A_231 = arith.constant 0 : i32
        %dma_wait3A_232 = arith.constant 0 : i32
        %dma_wait3A_233 = tpu.memref_slice %arg7[%dma_wait3A_231, %dma_wait3A_232] : memref<20x80xi32, #tpu.memory_space<vmem>> -> memref<1x80xi32, #tpu.memory_space<vmem>>
        %dma_wait3A_234 = tpu.memref_squeeze %dma_wait3A_233 : memref<1x80xi32, #tpu.memory_space<vmem>> -> memref<80xi32, #tpu.memory_space<vmem>>
        %dma_wait3A_235 = arith.constant 0 : i32
        %dma_wait3A_236 = arith.constant 0 : i32
        %dma_wait3A_237 = tpu.memref_slice %arg2[%dma_wait3A_235, %dma_wait3A_236] : memref<10000x128xbf16, #tpu.memory_space<hbm>> -> memref<10000x128xbf16, #tpu.memory_space<hbm>>
        tpu.wait_indirect_dma semaphore(%arg17 : memref<!tpu.dma_semaphore, #tpu.memory_space<semaphore_mem>>) src(%dma_wait3A_237 : memref<10000x128xbf16, #tpu.memory_space<hbm>>) dst(%arg10 : memref<80x128xbf16, #tpu.memory_space<vmem>>)
        %ge3A = arith.constant 2 : i32
        %ge3A_238 = arith.cmpi sge, %add3A_225, %ge3A : i32
        %convert_element_type3A_239 = arith.extui %ge3A_238 : i1 to i32
        %cond3A_240 = arith.constant 0 : i32
        %cond3A_241 = arith.cmpi ne, %convert_element_type3A_239, %cond3A_240 : i32
        scf.if %cond3A_241 {
          %dma_wait3A_349 = arith.constant 0 : i32
          %dma_wait3A_350 = arith.constant 0 : i32
          %dma_wait3A_351 = tpu.memref_slice %arg8[%dma_wait3A_349, %dma_wait3A_350] : memref<20x80xi32, #tpu.memory_space<vmem>> -> memref<1x80xi32, #tpu.memory_space<vmem>>
          %dma_wait3A_352 = tpu.memref_squeeze %dma_wait3A_351 : memref<1x80xi32, #tpu.memory_space<vmem>> -> memref<80xi32, #tpu.memory_space<vmem>>
          %dma_wait3A_353 = arith.constant 0 : i32
          %dma_wait3A_354 = arith.constant 0 : i32
          %dma_wait3A_355 = tpu.memref_slice %arg16[%dma_wait3A_353, %dma_wait3A_354] : memref<10000x128xf32, #tpu.memory_space<vmem_shared>> -> memref<10000x128xf32, #tpu.memory_space<vmem_shared>>
          tpu.wait_indirect_dma semaphore(%arg21 : memref<!tpu.dma_semaphore, #tpu.memory_space<semaphore_mem>>) src(%arg14 : memref<80x128xf32, #tpu.memory_space<vmem>>) dst(%dma_wait3A_355 : memref<10000x128xf32, #tpu.memory_space<vmem_shared>>)
        } else {
        }
        %mul3A_242 = arith.constant 80 : i32
        %mul3A_243 = arith.muli %mul3A_242, %add3A_225 : i32
        %parallel_loop3A_244 = arith.constant 0 : i32
        %parallel_loop3A_245 = arith.constant 80 : i32
        %parallel_loop3A_246 = arith.constant 1 : i32
        scf.for %parallel_loop3A_349 = %parallel_loop3A_244 to %parallel_loop3A_245 step %parallel_loop3A_246  : i32 {
          %parallel_loop3A_350 = arith.addi %mul3A_243, %parallel_loop3A_349 : i32
          %parallel_loop3A_351 = vector.broadcast %parallel_loop3A_350 : i32 to vector<16xi32>
          %parallel_loop3A_352 = tpu.vector_load_idx %arg9[%parallel_loop3A_351] : memref<1600xf32, #tpu.memory_space<vmem>>[vector<16xi32>], vector<16xf32>,
          %parallel_loop3A_353 = vector.broadcast %parallel_loop3A_349 : i32 to vector<16xi32>
          %parallel_loop3A_354 = arith.index_cast %parallel_loop3A_349 : i32 to index
          %parallel_loop3A_355 = arith.constant 0 : index
          %parallel_loop3A_356 = tpu.vector_load %arg10[%parallel_loop3A_354, %parallel_loop3A_355] {strides = array<i32>} : memref<80x128xbf16, #tpu.memory_space<vmem>>, vector<32xbf16>,
          %parallel_loop3A_357 = tpu.unpack_subelements %parallel_loop3A_356, 0 {pack_format = #tpu.pack_format<interleaved>} : vector<32xbf16> -> vector<16xf32>
          %parallel_loop3A_358 = tpu.unpack_subelements %parallel_loop3A_356, 1 {pack_format = #tpu.pack_format<interleaved>} : vector<32xbf16> -> vector<16xf32>
          %parallel_loop3A_359 = arith.constant 2 : i32
          %parallel_loop3A_360 = vector.broadcast %parallel_loop3A_359 : i32 to vector<16xi32>
          %parallel_loop3A_361 = arith.muli %parallel_loop3A_360, %iota3A : vector<16xi32>
          %parallel_loop3A_362 = arith.constant 0 : i32
          %parallel_loop3A_363 = vector.broadcast %parallel_loop3A_362 : i32 to vector<16xi32>
          %parallel_loop3A_364 = arith.addi %parallel_loop3A_363, %parallel_loop3A_361 : vector<16xi32>
          %parallel_loop3A_365 = arith.mulf %parallel_loop3A_357, %parallel_loop3A_352 : vector<16xf32>
          tpu.vector_store_idx %arg14[%parallel_loop3A_353, %parallel_loop3A_364], %parallel_loop3A_365 : memref<80x128xf32, #tpu.memory_space<vmem>>[vector<16xi32>, vector<16xi32>], vector<16xf32>,
          %parallel_loop3A_366 = arith.constant 2 : i32
          %parallel_loop3A_367 = vector.broadcast %parallel_loop3A_366 : i32 to vector<16xi32>
          %parallel_loop3A_368 = arith.muli %parallel_loop3A_367, %iota3A : vector<16xi32>
          %parallel_loop3A_369 = arith.constant 1 : i32
          %parallel_loop3A_370 = vector.broadcast %parallel_loop3A_369 : i32 to vector<16xi32>
          %parallel_loop3A_371 = arith.addi %parallel_loop3A_370, %parallel_loop3A_368 : vector<16xi32>
          %parallel_loop3A_372 = arith.mulf %parallel_loop3A_358, %parallel_loop3A_352 : vector<16xf32>
          tpu.vector_store_idx %arg14[%parallel_loop3A_353, %parallel_loop3A_371], %parallel_loop3A_372 : memref<80x128xf32, #tpu.memory_space<vmem>>[vector<16xi32>, vector<16xi32>], vector<16xf32>,
          %parallel_loop3A_373 = arith.index_cast %parallel_loop3A_349 : i32 to index
          %parallel_loop3A_374 = arith.constant 32 : index
          %parallel_loop3A_375 = tpu.vector_load %arg10[%parallel_loop3A_373, %parallel_loop3A_374] {strides = array<i32>} : memref<80x128xbf16, #tpu.memory_space<vmem>>, vector<32xbf16>,
          %parallel_loop3A_376 = tpu.unpack_subelements %parallel_loop3A_375, 0 {pack_format = #tpu.pack_format<interleaved>} : vector<32xbf16> -> vector<16xf32>
          %parallel_loop3A_377 = tpu.unpack_subelements %parallel_loop3A_375, 1 {pack_format = #tpu.pack_format<interleaved>} : vector<32xbf16> -> vector<16xf32>
          %parallel_loop3A_378 = arith.constant 2 : i32
          %parallel_loop3A_379 = vector.broadcast %parallel_loop3A_378 : i32 to vector<16xi32>
          %parallel_loop3A_380 = arith.muli %parallel_loop3A_379, %iota3A : vector<16xi32>
          %parallel_loop3A_381 = arith.constant 32 : i32
          %parallel_loop3A_382 = vector.broadcast %parallel_loop3A_381 : i32 to vector<16xi32>
          %parallel_loop3A_383 = arith.addi %parallel_loop3A_382, %parallel_loop3A_380 : vector<16xi32>
          %parallel_loop3A_384 = arith.mulf %parallel_loop3A_376, %parallel_loop3A_352 : vector<16xf32>
          tpu.vector_store_idx %arg14[%parallel_loop3A_353, %parallel_loop3A_383], %parallel_loop3A_384 : memref<80x128xf32, #tpu.memory_space<vmem>>[vector<16xi32>, vector<16xi32>], vector<16xf32>,
          %parallel_loop3A_385 = arith.constant 2 : i32
          %parallel_loop3A_386 = vector.broadcast %parallel_loop3A_385 : i32 to vector<16xi32>
          %parallel_loop3A_387 = arith.muli %parallel_loop3A_386, %iota3A : vector<16xi32>
          %parallel_loop3A_388 = arith.constant 33 : i32
          %parallel_loop3A_389 = vector.broadcast %parallel_loop3A_388 : i32 to vector<16xi32>
          %parallel_loop3A_390 = arith.addi %parallel_loop3A_389, %parallel_loop3A_387 : vector<16xi32>
          %parallel_loop3A_391 = arith.mulf %parallel_loop3A_377, %parallel_loop3A_352 : vector<16xf32>
          tpu.vector_store_idx %arg14[%parallel_loop3A_353, %parallel_loop3A_390], %parallel_loop3A_391 : memref<80x128xf32, #tpu.memory_space<vmem>>[vector<16xi32>, vector<16xi32>], vector<16xf32>,
          %parallel_loop3A_392 = arith.index_cast %parallel_loop3A_349 : i32 to index
          %parallel_loop3A_393 = arith.constant 64 : index
          %parallel_loop3A_394 = tpu.vector_load %arg10[%parallel_loop3A_392, %parallel_loop3A_393] {strides = array<i32>} : memref<80x128xbf16, #tpu.memory_space<vmem>>, vector<32xbf16>,
          %parallel_loop3A_395 = tpu.unpack_subelements %parallel_loop3A_394, 0 {pack_format = #tpu.pack_format<interleaved>} : vector<32xbf16> -> vector<16xf32>
          %parallel_loop3A_396 = tpu.unpack_subelements %parallel_loop3A_394, 1 {pack_format = #tpu.pack_format<interleaved>} : vector<32xbf16> -> vector<16xf32>
          %parallel_loop3A_397 = arith.constant 2 : i32
          %parallel_loop3A_398 = vector.broadcast %parallel_loop3A_397 : i32 to vector<16xi32>
          %parallel_loop3A_399 = arith.muli %parallel_loop3A_398, %iota3A : vector<16xi32>
          %parallel_loop3A_400 = arith.constant 64 : i32
          %parallel_loop3A_401 = vector.broadcast %parallel_loop3A_400 : i32 to vector<16xi32>
          %parallel_loop3A_402 = arith.addi %parallel_loop3A_401, %parallel_loop3A_399 : vector<16xi32>
          %parallel_loop3A_403 = arith.mulf %parallel_loop3A_395, %parallel_loop3A_352 : vector<16xf32>
          tpu.vector_store_idx %arg14[%parallel_loop3A_353, %parallel_loop3A_402], %parallel_loop3A_403 : memref<80x128xf32, #tpu.memory_space<vmem>>[vector<16xi32>, vector<16xi32>], vector<16xf32>,
          %parallel_loop3A_404 = arith.constant 2 : i32
          %parallel_loop3A_405 = vector.broadcast %parallel_loop3A_404 : i32 to vector<16xi32>
          %parallel_loop3A_406 = arith.muli %parallel_loop3A_405, %iota3A : vector<16xi32>
          %parallel_loop3A_407 = arith.constant 65 : i32
          %parallel_loop3A_408 = vector.broadcast %parallel_loop3A_407 : i32 to vector<16xi32>
          %parallel_loop3A_409 = arith.addi %parallel_loop3A_408, %parallel_loop3A_406 : vector<16xi32>
          %parallel_loop3A_410 = arith.mulf %parallel_loop3A_396, %parallel_loop3A_352 : vector<16xf32>
          tpu.vector_store_idx %arg14[%parallel_loop3A_353, %parallel_loop3A_409], %parallel_loop3A_410 : memref<80x128xf32, #tpu.memory_space<vmem>>[vector<16xi32>, vector<16xi32>], vector<16xf32>,
          %parallel_loop3A_411 = arith.index_cast %parallel_loop3A_349 : i32 to index
          %parallel_loop3A_412 = arith.constant 96 : index
          %parallel_loop3A_413 = tpu.vector_load %arg10[%parallel_loop3A_411, %parallel_loop3A_412] {strides = array<i32>} : memref<80x128xbf16, #tpu.memory_space<vmem>>, vector<32xbf16>,
          %parallel_loop3A_414 = tpu.unpack_subelements %parallel_loop3A_413, 0 {pack_format = #tpu.pack_format<interleaved>} : vector<32xbf16> -> vector<16xf32>
          %parallel_loop3A_415 = tpu.unpack_subelements %parallel_loop3A_413, 1 {pack_format = #tpu.pack_format<interleaved>} : vector<32xbf16> -> vector<16xf32>
          %parallel_loop3A_416 = arith.constant 2 : i32
          %parallel_loop3A_417 = vector.broadcast %parallel_loop3A_416 : i32 to vector<16xi32>
          %parallel_loop3A_418 = arith.muli %parallel_loop3A_417, %iota3A : vector<16xi32>
          %parallel_loop3A_419 = arith.constant 96 : i32
          %parallel_loop3A_420 = vector.broadcast %parallel_loop3A_419 : i32 to vector<16xi32>
          %parallel_loop3A_421 = arith.addi %parallel_loop3A_420, %parallel_loop3A_418 : vector<16xi32>
          %parallel_loop3A_422 = arith.mulf %parallel_loop3A_414, %parallel_loop3A_352 : vector<16xf32>
          tpu.vector_store_idx %arg14[%parallel_loop3A_353, %parallel_loop3A_421], %parallel_loop3A_422 : memref<80x128xf32, #tpu.memory_space<vmem>>[vector<16xi32>, vector<16xi32>], vector<16xf32>,
          %parallel_loop3A_423 = arith.constant 2 : i32
          %parallel_loop3A_424 = vector.broadcast %parallel_loop3A_423 : i32 to vector<16xi32>
          %parallel_loop3A_425 = arith.muli %parallel_loop3A_424, %iota3A : vector<16xi32>
          %parallel_loop3A_426 = arith.constant 97 : i32
          %parallel_loop3A_427 = vector.broadcast %parallel_loop3A_426 : i32 to vector<16xi32>
          %parallel_loop3A_428 = arith.addi %parallel_loop3A_427, %parallel_loop3A_425 : vector<16xi32>
          %parallel_loop3A_429 = arith.mulf %parallel_loop3A_415, %parallel_loop3A_352 : vector<16xf32>
          tpu.vector_store_idx %arg14[%parallel_loop3A_353, %parallel_loop3A_428], %parallel_loop3A_429 : memref<80x128xf32, #tpu.memory_space<vmem>>[vector<16xi32>, vector<16xi32>], vector<16xf32>,
        } {sc.loop_unroll_factor = 2 : i64, sc.parallel_access}
        %dma_start3A_247 = arith.constant 0 : i32
        %dma_start3A_248 = tpu.memref_slice %arg8[%add3A_225, %dma_start3A_247] : memref<20x80xi32, #tpu.memory_space<vmem>> -> memref<1x80xi32, #tpu.memory_space<vmem>>
        %dma_start3A_249 = tpu.memref_squeeze %dma_start3A_248 : memref<1x80xi32, #tpu.memory_space<vmem>> -> memref<80xi32, #tpu.memory_space<vmem>>
        %dma_start3A_250 = arith.constant 0 : i32
        %dma_start3A_251 = arith.constant 0 : i32
        %dma_start3A_252 = tpu.memref_slice %arg16[%dma_start3A_250, %dma_start3A_251] : memref<10000x128xf32, #tpu.memory_space<vmem_shared>> -> memref<10000x128xf32, #tpu.memory_space<vmem_shared>>
        tpu.enqueue_indirect_dma source(%arg14 : memref<80x128xf32, #tpu.memory_space<vmem>>) target(%dma_start3A_252 : memref<10000x128xf32, #tpu.memory_space<vmem_shared>>) offsets(%dma_start3A_249 : memref<80xi32, #tpu.memory_space<vmem>>) semaphore(%arg21 : memref<!tpu.dma_semaphore, #tpu.memory_space<semaphore_mem>>) {add = true}
        %mul3A_253 = arith.constant 4 : i32
        %mul3A_254 = arith.muli %mul3A_253, %scan3A_221 : i32
        %add3A_255 = arith.constant 1 : i32
        %add3A_256 = arith.addi %mul3A_254, %add3A_255 : i32
        %lt3A_257 = arith.constant 17 : i32
        %lt3A_258 = arith.cmpi slt, %add3A_256, %lt3A_257 : i32
        %convert_element_type3A_259 = arith.extui %lt3A_258 : i1 to i32
        %cond3A_260 = arith.constant 0 : i32
        %cond3A_261 = arith.cmpi ne, %convert_element_type3A_259, %cond3A_260 : i32
        scf.if %cond3A_261 {
          %add3A_349 = arith.constant 3 : i32
          %add3A_350 = arith.addi %add3A_256, %add3A_349 : i32
          %dma_start3A_351 = arith.constant 0 : i32
          %dma_start3A_352 = tpu.memref_slice %arg7[%add3A_350, %dma_start3A_351] : memref<20x80xi32, #tpu.memory_space<vmem>> -> memref<1x80xi32, #tpu.memory_space<vmem>>
          %dma_start3A_353 = tpu.memref_squeeze %dma_start3A_352 : memref<1x80xi32, #tpu.memory_space<vmem>> -> memref<80xi32, #tpu.memory_space<vmem>>
          %dma_start3A_354 = arith.constant 0 : i32
          %dma_start3A_355 = arith.constant 0 : i32
          %dma_start3A_356 = tpu.memref_slice %arg2[%dma_start3A_354, %dma_start3A_355] : memref<10000x128xbf16, #tpu.memory_space<hbm>> -> memref<10000x128xbf16, #tpu.memory_space<hbm>>
          tpu.enqueue_indirect_dma source(%dma_start3A_356 : memref<10000x128xbf16, #tpu.memory_space<hbm>>) target(%arg10 : memref<80x128xbf16, #tpu.memory_space<vmem>>) offsets(%dma_start3A_353 : memref<80xi32, #tpu.memory_space<vmem>>) semaphore(%arg17 : memref<!tpu.dma_semaphore, #tpu.memory_space<semaphore_mem>>)
        } else {
        }
        %dma_wait3A_262 = arith.constant 0 : i32
        %dma_wait3A_263 = arith.constant 0 : i32
        %dma_wait3A_264 = tpu.memref_slice %arg7[%dma_wait3A_262, %dma_wait3A_263] : memref<20x80xi32, #tpu.memory_space<vmem>> -> memref<1x80xi32, #tpu.memory_space<vmem>>
        %dma_wait3A_265 = tpu.memref_squeeze %dma_wait3A_264 : memref<1x80xi32, #tpu.memory_space<vmem>> -> memref<80xi32, #tpu.memory_space<vmem>>
        %dma_wait3A_266 = arith.constant 0 : i32
        %dma_wait3A_267 = arith.constant 0 : i32
        %dma_wait3A_268 = tpu.memref_slice %arg2[%dma_wait3A_266, %dma_wait3A_267] : memref<10000x128xbf16, #tpu.memory_space<hbm>> -> memref<10000x128xbf16, #tpu.memory_space<hbm>>
        tpu.wait_indirect_dma semaphore(%arg18 : memref<!tpu.dma_semaphore, #tpu.memory_space<semaphore_mem>>) src(%dma_wait3A_268 : memref<10000x128xbf16, #tpu.memory_space<hbm>>) dst(%arg11 : memref<80x128xbf16, #tpu.memory_space<vmem>>)
        %ge3A_269 = arith.constant 2 : i32
        %ge3A_270 = arith.cmpi sge, %add3A_256, %ge3A_269 : i32
        %convert_element_type3A_271 = arith.extui %ge3A_270 : i1 to i32
        %cond3A_272 = arith.constant 0 : i32
        %cond3A_273 = arith.cmpi ne, %convert_element_type3A_271, %cond3A_272 : i32
        scf.if %cond3A_273 {
          %dma_wait3A_349 = arith.constant 0 : i32
          %dma_wait3A_350 = arith.constant 0 : i32
          %dma_wait3A_351 = tpu.memref_slice %arg8[%dma_wait3A_349, %dma_wait3A_350] : memref<20x80xi32, #tpu.memory_space<vmem>> -> memref<1x80xi32, #tpu.memory_space<vmem>>
          %dma_wait3A_352 = tpu.memref_squeeze %dma_wait3A_351 : memref<1x80xi32, #tpu.memory_space<vmem>> -> memref<80xi32, #tpu.memory_space<vmem>>
          %dma_wait3A_353 = arith.constant 0 : i32
          %dma_wait3A_354 = arith.constant 0 : i32
          %dma_wait3A_355 = tpu.memref_slice %arg16[%dma_wait3A_353, %dma_wait3A_354] : memref<10000x128xf32, #tpu.memory_space<vmem_shared>> -> memref<10000x128xf32, #tpu.memory_space<vmem_shared>>
          tpu.wait_indirect_dma semaphore(%arg22 : memref<!tpu.dma_semaphore, #tpu.memory_space<semaphore_mem>>) src(%arg15 : memref<80x128xf32, #tpu.memory_space<vmem>>) dst(%dma_wait3A_355 : memref<10000x128xf32, #tpu.memory_space<vmem_shared>>)
        } else {
        }
        %mul3A_274 = arith.constant 80 : i32
        %mul3A_275 = arith.muli %mul3A_274, %add3A_256 : i32
        %parallel_loop3A_276 = arith.constant 0 : i32
        %parallel_loop3A_277 = arith.constant 80 : i32
        %parallel_loop3A_278 = arith.constant 1 : i32
        scf.for %parallel_loop3A_349 = %parallel_loop3A_276 to %parallel_loop3A_277 step %parallel_loop3A_278  : i32 {
          %parallel_loop3A_350 = arith.addi %mul3A_275, %parallel_loop3A_349 : i32
          %parallel_loop3A_351 = vector.broadcast %parallel_loop3A_350 : i32 to vector<16xi32>
          %parallel_loop3A_352 = tpu.vector_load_idx %arg9[%parallel_loop3A_351] : memref<1600xf32, #tpu.memory_space<vmem>>[vector<16xi32>], vector<16xf32>,
          %parallel_loop3A_353 = vector.broadcast %parallel_loop3A_349 : i32 to vector<16xi32>
          %parallel_loop3A_354 = arith.index_cast %parallel_loop3A_349 : i32 to index
          %parallel_loop3A_355 = arith.constant 0 : index
          %parallel_loop3A_356 = tpu.vector_load %arg11[%parallel_loop3A_354, %parallel_loop3A_355] {strides = array<i32>} : memref<80x128xbf16, #tpu.memory_space<vmem>>, vector<32xbf16>,
          %parallel_loop3A_357 = tpu.unpack_subelements %parallel_loop3A_356, 0 {pack_format = #tpu.pack_format<interleaved>} : vector<32xbf16> -> vector<16xf32>
          %parallel_loop3A_358 = tpu.unpack_subelements %parallel_loop3A_356, 1 {pack_format = #tpu.pack_format<interleaved>} : vector<32xbf16> -> vector<16xf32>
          %parallel_loop3A_359 = arith.constant 2 : i32
          %parallel_loop3A_360 = vector.broadcast %parallel_loop3A_359 : i32 to vector<16xi32>
          %parallel_loop3A_361 = arith.muli %parallel_loop3A_360, %iota3A : vector<16xi32>
          %parallel_loop3A_362 = arith.constant 0 : i32
          %parallel_loop3A_363 = vector.broadcast %parallel_loop3A_362 : i32 to vector<16xi32>
          %parallel_loop3A_364 = arith.addi %parallel_loop3A_363, %parallel_loop3A_361 : vector<16xi32>
          %parallel_loop3A_365 = arith.mulf %parallel_loop3A_357, %parallel_loop3A_352 : vector<16xf32>
          tpu.vector_store_idx %arg15[%parallel_loop3A_353, %parallel_loop3A_364], %parallel_loop3A_365 : memref<80x128xf32, #tpu.memory_space<vmem>>[vector<16xi32>, vector<16xi32>], vector<16xf32>,
          %parallel_loop3A_366 = arith.constant 2 : i32
          %parallel_loop3A_367 = vector.broadcast %parallel_loop3A_366 : i32 to vector<16xi32>
          %parallel_loop3A_368 = arith.muli %parallel_loop3A_367, %iota3A : vector<16xi32>
          %parallel_loop3A_369 = arith.constant 1 : i32
          %parallel_loop3A_370 = vector.broadcast %parallel_loop3A_369 : i32 to vector<16xi32>
          %parallel_loop3A_371 = arith.addi %parallel_loop3A_370, %parallel_loop3A_368 : vector<16xi32>
          %parallel_loop3A_372 = arith.mulf %parallel_loop3A_358, %parallel_loop3A_352 : vector<16xf32>
          tpu.vector_store_idx %arg15[%parallel_loop3A_353, %parallel_loop3A_371], %parallel_loop3A_372 : memref<80x128xf32, #tpu.memory_space<vmem>>[vector<16xi32>, vector<16xi32>], vector<16xf32>,
          %parallel_loop3A_373 = arith.index_cast %parallel_loop3A_349 : i32 to index
          %parallel_loop3A_374 = arith.constant 32 : index
          %parallel_loop3A_375 = tpu.vector_load %arg11[%parallel_loop3A_373, %parallel_loop3A_374] {strides = array<i32>} : memref<80x128xbf16, #tpu.memory_space<vmem>>, vector<32xbf16>,
          %parallel_loop3A_376 = tpu.unpack_subelements %parallel_loop3A_375, 0 {pack_format = #tpu.pack_format<interleaved>} : vector<32xbf16> -> vector<16xf32>
          %parallel_loop3A_377 = tpu.unpack_subelements %parallel_loop3A_375, 1 {pack_format = #tpu.pack_format<interleaved>} : vector<32xbf16> -> vector<16xf32>
          %parallel_loop3A_378 = arith.constant 2 : i32
          %parallel_loop3A_379 = vector.broadcast %parallel_loop3A_378 : i32 to vector<16xi32>
          %parallel_loop3A_380 = arith.muli %parallel_loop3A_379, %iota3A : vector<16xi32>
          %parallel_loop3A_381 = arith.constant 32 : i32
          %parallel_loop3A_382 = vector.broadcast %parallel_loop3A_381 : i32 to vector<16xi32>
          %parallel_loop3A_383 = arith.addi %parallel_loop3A_382, %parallel_loop3A_380 : vector<16xi32>
          %parallel_loop3A_384 = arith.mulf %parallel_loop3A_376, %parallel_loop3A_352 : vector<16xf32>
          tpu.vector_store_idx %arg15[%parallel_loop3A_353, %parallel_loop3A_383], %parallel_loop3A_384 : memref<80x128xf32, #tpu.memory_space<vmem>>[vector<16xi32>, vector<16xi32>], vector<16xf32>,
          %parallel_loop3A_385 = arith.constant 2 : i32
          %parallel_loop3A_386 = vector.broadcast %parallel_loop3A_385 : i32 to vector<16xi32>
          %parallel_loop3A_387 = arith.muli %parallel_loop3A_386, %iota3A : vector<16xi32>
          %parallel_loop3A_388 = arith.constant 33 : i32
          %parallel_loop3A_389 = vector.broadcast %parallel_loop3A_388 : i32 to vector<16xi32>
          %parallel_loop3A_390 = arith.addi %parallel_loop3A_389, %parallel_loop3A_387 : vector<16xi32>
          %parallel_loop3A_391 = arith.mulf %parallel_loop3A_377, %parallel_loop3A_352 : vector<16xf32>
          tpu.vector_store_idx %arg15[%parallel_loop3A_353, %parallel_loop3A_390], %parallel_loop3A_391 : memref<80x128xf32, #tpu.memory_space<vmem>>[vector<16xi32>, vector<16xi32>], vector<16xf32>,
          %parallel_loop3A_392 = arith.index_cast %parallel_loop3A_349 : i32 to index
          %parallel_loop3A_393 = arith.constant 64 : index
          %parallel_loop3A_394 = tpu.vector_load %arg11[%parallel_loop3A_392, %parallel_loop3A_393] {strides = array<i32>} : memref<80x128xbf16, #tpu.memory_space<vmem>>, vector<32xbf16>,
          %parallel_loop3A_395 = tpu.unpack_subelements %parallel_loop3A_394, 0 {pack_format = #tpu.pack_format<interleaved>} : vector<32xbf16> -> vector<16xf32>
          %parallel_loop3A_396 = tpu.unpack_subelements %parallel_loop3A_394, 1 {pack_format = #tpu.pack_format<interleaved>} : vector<32xbf16> -> vector<16xf32>
          %parallel_loop3A_397 = arith.constant 2 : i32
          %parallel_loop3A_398 = vector.broadcast %parallel_loop3A_397 : i32 to vector<16xi32>
          %parallel_loop3A_399 = arith.muli %parallel_loop3A_398, %iota3A : vector<16xi32>
          %parallel_loop3A_400 = arith.constant 64 : i32
          %parallel_loop3A_401 = vector.broadcast %parallel_loop3A_400 : i32 to vector<16xi32>
          %parallel_loop3A_402 = arith.addi %parallel_loop3A_401, %parallel_loop3A_399 : vector<16xi32>
          %parallel_loop3A_403 = arith.mulf %parallel_loop3A_395, %parallel_loop3A_352 : vector<16xf32>
          tpu.vector_store_idx %arg15[%parallel_loop3A_353, %parallel_loop3A_402], %parallel_loop3A_403 : memref<80x128xf32, #tpu.memory_space<vmem>>[vector<16xi32>, vector<16xi32>], vector<16xf32>,
          %parallel_loop3A_404 = arith.constant 2 : i32
          %parallel_loop3A_405 = vector.broadcast %parallel_loop3A_404 : i32 to vector<16xi32>
          %parallel_loop3A_406 = arith.muli %parallel_loop3A_405, %iota3A : vector<16xi32>
          %parallel_loop3A_407 = arith.constant 65 : i32
          %parallel_loop3A_408 = vector.broadcast %parallel_loop3A_407 : i32 to vector<16xi32>
          %parallel_loop3A_409 = arith.addi %parallel_loop3A_408, %parallel_loop3A_406 : vector<16xi32>
          %parallel_loop3A_410 = arith.mulf %parallel_loop3A_396, %parallel_loop3A_352 : vector<16xf32>
          tpu.vector_store_idx %arg15[%parallel_loop3A_353, %parallel_loop3A_409], %parallel_loop3A_410 : memref<80x128xf32, #tpu.memory_space<vmem>>[vector<16xi32>, vector<16xi32>], vector<16xf32>,
          %parallel_loop3A_411 = arith.index_cast %parallel_loop3A_349 : i32 to index
          %parallel_loop3A_412 = arith.constant 96 : index
          %parallel_loop3A_413 = tpu.vector_load %arg11[%parallel_loop3A_411, %parallel_loop3A_412] {strides = array<i32>} : memref<80x128xbf16, #tpu.memory_space<vmem>>, vector<32xbf16>,
          %parallel_loop3A_414 = tpu.unpack_subelements %parallel_loop3A_413, 0 {pack_format = #tpu.pack_format<interleaved>} : vector<32xbf16> -> vector<16xf32>
          %parallel_loop3A_415 = tpu.unpack_subelements %parallel_loop3A_413, 1 {pack_format = #tpu.pack_format<interleaved>} : vector<32xbf16> -> vector<16xf32>
          %parallel_loop3A_416 = arith.constant 2 : i32
          %parallel_loop3A_417 = vector.broadcast %parallel_loop3A_416 : i32 to vector<16xi32>
          %parallel_loop3A_418 = arith.muli %parallel_loop3A_417, %iota3A : vector<16xi32>
          %parallel_loop3A_419 = arith.constant 96 : i32
          %parallel_loop3A_420 = vector.broadcast %parallel_loop3A_419 : i32 to vector<16xi32>
          %parallel_loop3A_421 = arith.addi %parallel_loop3A_420, %parallel_loop3A_418 : vector<16xi32>
          %parallel_loop3A_422 = arith.mulf %parallel_loop3A_414, %parallel_loop3A_352 : vector<16xf32>
          tpu.vector_store_idx %arg15[%parallel_loop3A_353, %parallel_loop3A_421], %parallel_loop3A_422 : memref<80x128xf32, #tpu.memory_space<vmem>>[vector<16xi32>, vector<16xi32>], vector<16xf32>,
          %parallel_loop3A_423 = arith.constant 2 : i32
          %parallel_loop3A_424 = vector.broadcast %parallel_loop3A_423 : i32 to vector<16xi32>
          %parallel_loop3A_425 = arith.muli %parallel_loop3A_424, %iota3A : vector<16xi32>
          %parallel_loop3A_426 = arith.constant 97 : i32
          %parallel_loop3A_427 = vector.broadcast %parallel_loop3A_426 : i32 to vector<16xi32>
          %parallel_loop3A_428 = arith.addi %parallel_loop3A_427, %parallel_loop3A_425 : vector<16xi32>
          %parallel_loop3A_429 = arith.mulf %parallel_loop3A_415, %parallel_loop3A_352 : vector<16xf32>
          tpu.vector_store_idx %arg15[%parallel_loop3A_353, %parallel_loop3A_428], %parallel_loop3A_429 : memref<80x128xf32, #tpu.memory_space<vmem>>[vector<16xi32>, vector<16xi32>], vector<16xf32>,
        } {sc.loop_unroll_factor = 2 : i64, sc.parallel_access}
        %dma_start3A_279 = arith.constant 0 : i32
        %dma_start3A_280 = tpu.memref_slice %arg8[%add3A_256, %dma_start3A_279] : memref<20x80xi32, #tpu.memory_space<vmem>> -> memref<1x80xi32, #tpu.memory_space<vmem>>
        %dma_start3A_281 = tpu.memref_squeeze %dma_start3A_280 : memref<1x80xi32, #tpu.memory_space<vmem>> -> memref<80xi32, #tpu.memory_space<vmem>>
        %dma_start3A_282 = arith.constant 0 : i32
        %dma_start3A_283 = arith.constant 0 : i32
        %dma_start3A_284 = tpu.memref_slice %arg16[%dma_start3A_282, %dma_start3A_283] : memref<10000x128xf32, #tpu.memory_space<vmem_shared>> -> memref<10000x128xf32, #tpu.memory_space<vmem_shared>>
        tpu.enqueue_indirect_dma source(%arg15 : memref<80x128xf32, #tpu.memory_space<vmem>>) target(%dma_start3A_284 : memref<10000x128xf32, #tpu.memory_space<vmem_shared>>) offsets(%dma_start3A_281 : memref<80xi32, #tpu.memory_space<vmem>>) semaphore(%arg22 : memref<!tpu.dma_semaphore, #tpu.memory_space<semaphore_mem>>) {add = true}
        %mul3A_285 = arith.constant 4 : i32
        %mul3A_286 = arith.muli %mul3A_285, %scan3A_221 : i32
        %add3A_287 = arith.constant 2 : i32
        %add3A_288 = arith.addi %mul3A_286, %add3A_287 : i32
        %lt3A_289 = arith.constant 17 : i32
        %lt3A_290 = arith.cmpi slt, %add3A_288, %lt3A_289 : i32
        %convert_element_type3A_291 = arith.extui %lt3A_290 : i1 to i32
        %cond3A_292 = arith.constant 0 : i32
        %cond3A_293 = arith.cmpi ne, %convert_element_type3A_291, %cond3A_292 : i32
        scf.if %cond3A_293 {
          %add3A_349 = arith.constant 3 : i32
          %add3A_350 = arith.addi %add3A_288, %add3A_349 : i32
          %dma_start3A_351 = arith.constant 0 : i32
          %dma_start3A_352 = tpu.memref_slice %arg7[%add3A_350, %dma_start3A_351] : memref<20x80xi32, #tpu.memory_space<vmem>> -> memref<1x80xi32, #tpu.memory_space<vmem>>
          %dma_start3A_353 = tpu.memref_squeeze %dma_start3A_352 : memref<1x80xi32, #tpu.memory_space<vmem>> -> memref<80xi32, #tpu.memory_space<vmem>>
          %dma_start3A_354 = arith.constant 0 : i32
          %dma_start3A_355 = arith.constant 0 : i32
          %dma_start3A_356 = tpu.memref_slice %arg2[%dma_start3A_354, %dma_start3A_355] : memref<10000x128xbf16, #tpu.memory_space<hbm>> -> memref<10000x128xbf16, #tpu.memory_space<hbm>>
          tpu.enqueue_indirect_dma source(%dma_start3A_356 : memref<10000x128xbf16, #tpu.memory_space<hbm>>) target(%arg11 : memref<80x128xbf16, #tpu.memory_space<vmem>>) offsets(%dma_start3A_353 : memref<80xi32, #tpu.memory_space<vmem>>) semaphore(%arg18 : memref<!tpu.dma_semaphore, #tpu.memory_space<semaphore_mem>>)
        } else {
        }
        %dma_wait3A_294 = arith.constant 0 : i32
        %dma_wait3A_295 = arith.constant 0 : i32
        %dma_wait3A_296 = tpu.memref_slice %arg7[%dma_wait3A_294, %dma_wait3A_295] : memref<20x80xi32, #tpu.memory_space<vmem>> -> memref<1x80xi32, #tpu.memory_space<vmem>>
        %dma_wait3A_297 = tpu.memref_squeeze %dma_wait3A_296 : memref<1x80xi32, #tpu.memory_space<vmem>> -> memref<80xi32, #tpu.memory_space<vmem>>
        %dma_wait3A_298 = arith.constant 0 : i32
        %dma_wait3A_299 = arith.constant 0 : i32
        %dma_wait3A_300 = tpu.memref_slice %arg2[%dma_wait3A_298, %dma_wait3A_299] : memref<10000x128xbf16, #tpu.memory_space<hbm>> -> memref<10000x128xbf16, #tpu.memory_space<hbm>>
        tpu.wait_indirect_dma semaphore(%arg19 : memref<!tpu.dma_semaphore, #tpu.memory_space<semaphore_mem>>) src(%dma_wait3A_300 : memref<10000x128xbf16, #tpu.memory_space<hbm>>) dst(%arg12 : memref<80x128xbf16, #tpu.memory_space<vmem>>)
        %ge3A_301 = arith.constant 2 : i32
        %ge3A_302 = arith.cmpi sge, %add3A_288, %ge3A_301 : i32
        %convert_element_type3A_303 = arith.extui %ge3A_302 : i1 to i32
        %cond3A_304 = arith.constant 0 : i32
        %cond3A_305 = arith.cmpi ne, %convert_element_type3A_303, %cond3A_304 : i32
        scf.if %cond3A_305 {
          %dma_wait3A_349 = arith.constant 0 : i32
          %dma_wait3A_350 = arith.constant 0 : i32
          %dma_wait3A_351 = tpu.memref_slice %arg8[%dma_wait3A_349, %dma_wait3A_350] : memref<20x80xi32, #tpu.memory_space<vmem>> -> memref<1x80xi32, #tpu.memory_space<vmem>>
          %dma_wait3A_352 = tpu.memref_squeeze %dma_wait3A_351 : memref<1x80xi32, #tpu.memory_space<vmem>> -> memref<80xi32, #tpu.memory_space<vmem>>
          %dma_wait3A_353 = arith.constant 0 : i32
          %dma_wait3A_354 = arith.constant 0 : i32
          %dma_wait3A_355 = tpu.memref_slice %arg16[%dma_wait3A_353, %dma_wait3A_354] : memref<10000x128xf32, #tpu.memory_space<vmem_shared>> -> memref<10000x128xf32, #tpu.memory_space<vmem_shared>>
          tpu.wait_indirect_dma semaphore(%arg21 : memref<!tpu.dma_semaphore, #tpu.memory_space<semaphore_mem>>) src(%arg14 : memref<80x128xf32, #tpu.memory_space<vmem>>) dst(%dma_wait3A_355 : memref<10000x128xf32, #tpu.memory_space<vmem_shared>>)
        } else {
        }
        %mul3A_306 = arith.constant 80 : i32
        %mul3A_307 = arith.muli %mul3A_306, %add3A_288 : i32
        %parallel_loop3A_308 = arith.constant 0 : i32
        %parallel_loop3A_309 = arith.constant 80 : i32
        %parallel_loop3A_310 = arith.constant 1 : i32
        scf.for %parallel_loop3A_349 = %parallel_loop3A_308 to %parallel_loop3A_309 step %parallel_loop3A_310  : i32 {
          %parallel_loop3A_350 = arith.addi %mul3A_307, %parallel_loop3A_349 : i32
          %parallel_loop3A_351 = vector.broadcast %parallel_loop3A_350 : i32 to vector<16xi32>
          %parallel_loop3A_352 = tpu.vector_load_idx %arg9[%parallel_loop3A_351] : memref<1600xf32, #tpu.memory_space<vmem>>[vector<16xi32>], vector<16xf32>,
          %parallel_loop3A_353 = vector.broadcast %parallel_loop3A_349 : i32 to vector<16xi32>
          %parallel_loop3A_354 = arith.index_cast %parallel_loop3A_349 : i32 to index
          %parallel_loop3A_355 = arith.constant 0 : index
          %parallel_loop3A_356 = tpu.vector_load %arg12[%parallel_loop3A_354, %parallel_loop3A_355] {strides = array<i32>} : memref<80x128xbf16, #tpu.memory_space<vmem>>, vector<32xbf16>,
          %parallel_loop3A_357 = tpu.unpack_subelements %parallel_loop3A_356, 0 {pack_format = #tpu.pack_format<interleaved>} : vector<32xbf16> -> vector<16xf32>
          %parallel_loop3A_358 = tpu.unpack_subelements %parallel_loop3A_356, 1 {pack_format = #tpu.pack_format<interleaved>} : vector<32xbf16> -> vector<16xf32>
          %parallel_loop3A_359 = arith.constant 2 : i32
          %parallel_loop3A_360 = vector.broadcast %parallel_loop3A_359 : i32 to vector<16xi32>
          %parallel_loop3A_361 = arith.muli %parallel_loop3A_360, %iota3A : vector<16xi32>
          %parallel_loop3A_362 = arith.constant 0 : i32
          %parallel_loop3A_363 = vector.broadcast %parallel_loop3A_362 : i32 to vector<16xi32>
          %parallel_loop3A_364 = arith.addi %parallel_loop3A_363, %parallel_loop3A_361 : vector<16xi32>
          %parallel_loop3A_365 = arith.mulf %parallel_loop3A_357, %parallel_loop3A_352 : vector<16xf32>
          tpu.vector_store_idx %arg14[%parallel_loop3A_353, %parallel_loop3A_364], %parallel_loop3A_365 : memref<80x128xf32, #tpu.memory_space<vmem>>[vector<16xi32>, vector<16xi32>], vector<16xf32>,
          %parallel_loop3A_366 = arith.constant 2 : i32
          %parallel_loop3A_367 = vector.broadcast %parallel_loop3A_366 : i32 to vector<16xi32>
          %parallel_loop3A_368 = arith.muli %parallel_loop3A_367, %iota3A : vector<16xi32>
          %parallel_loop3A_369 = arith.constant 1 : i32
          %parallel_loop3A_370 = vector.broadcast %parallel_loop3A_369 : i32 to vector<16xi32>
          %parallel_loop3A_371 = arith.addi %parallel_loop3A_370, %parallel_loop3A_368 : vector<16xi32>
          %parallel_loop3A_372 = arith.mulf %parallel_loop3A_358, %parallel_loop3A_352 : vector<16xf32>
          tpu.vector_store_idx %arg14[%parallel_loop3A_353, %parallel_loop3A_371], %parallel_loop3A_372 : memref<80x128xf32, #tpu.memory_space<vmem>>[vector<16xi32>, vector<16xi32>], vector<16xf32>,
          %parallel_loop3A_373 = arith.index_cast %parallel_loop3A_349 : i32 to index
          %parallel_loop3A_374 = arith.constant 32 : index
          %parallel_loop3A_375 = tpu.vector_load %arg12[%parallel_loop3A_373, %parallel_loop3A_374] {strides = array<i32>} : memref<80x128xbf16, #tpu.memory_space<vmem>>, vector<32xbf16>,
          %parallel_loop3A_376 = tpu.unpack_subelements %parallel_loop3A_375, 0 {pack_format = #tpu.pack_format<interleaved>} : vector<32xbf16> -> vector<16xf32>
          %parallel_loop3A_377 = tpu.unpack_subelements %parallel_loop3A_375, 1 {pack_format = #tpu.pack_format<interleaved>} : vector<32xbf16> -> vector<16xf32>
          %parallel_loop3A_378 = arith.constant 2 : i32
          %parallel_loop3A_379 = vector.broadcast %parallel_loop3A_378 : i32 to vector<16xi32>
          %parallel_loop3A_380 = arith.muli %parallel_loop3A_379, %iota3A : vector<16xi32>
          %parallel_loop3A_381 = arith.constant 32 : i32
          %parallel_loop3A_382 = vector.broadcast %parallel_loop3A_381 : i32 to vector<16xi32>
          %parallel_loop3A_383 = arith.addi %parallel_loop3A_382, %parallel_loop3A_380 : vector<16xi32>
          %parallel_loop3A_384 = arith.mulf %parallel_loop3A_376, %parallel_loop3A_352 : vector<16xf32>
          tpu.vector_store_idx %arg14[%parallel_loop3A_353, %parallel_loop3A_383], %parallel_loop3A_384 : memref<80x128xf32, #tpu.memory_space<vmem>>[vector<16xi32>, vector<16xi32>], vector<16xf32>,
          %parallel_loop3A_385 = arith.constant 2 : i32
          %parallel_loop3A_386 = vector.broadcast %parallel_loop3A_385 : i32 to vector<16xi32>
          %parallel_loop3A_387 = arith.muli %parallel_loop3A_386, %iota3A : vector<16xi32>
          %parallel_loop3A_388 = arith.constant 33 : i32
          %parallel_loop3A_389 = vector.broadcast %parallel_loop3A_388 : i32 to vector<16xi32>
          %parallel_loop3A_390 = arith.addi %parallel_loop3A_389, %parallel_loop3A_387 : vector<16xi32>
          %parallel_loop3A_391 = arith.mulf %parallel_loop3A_377, %parallel_loop3A_352 : vector<16xf32>
          tpu.vector_store_idx %arg14[%parallel_loop3A_353, %parallel_loop3A_390], %parallel_loop3A_391 : memref<80x128xf32, #tpu.memory_space<vmem>>[vector<16xi32>, vector<16xi32>], vector<16xf32>,
          %parallel_loop3A_392 = arith.index_cast %parallel_loop3A_349 : i32 to index
          %parallel_loop3A_393 = arith.constant 64 : index
          %parallel_loop3A_394 = tpu.vector_load %arg12[%parallel_loop3A_392, %parallel_loop3A_393] {strides = array<i32>} : memref<80x128xbf16, #tpu.memory_space<vmem>>, vector<32xbf16>,
          %parallel_loop3A_395 = tpu.unpack_subelements %parallel_loop3A_394, 0 {pack_format = #tpu.pack_format<interleaved>} : vector<32xbf16> -> vector<16xf32>
          %parallel_loop3A_396 = tpu.unpack_subelements %parallel_loop3A_394, 1 {pack_format = #tpu.pack_format<interleaved>} : vector<32xbf16> -> vector<16xf32>
          %parallel_loop3A_397 = arith.constant 2 : i32
          %parallel_loop3A_398 = vector.broadcast %parallel_loop3A_397 : i32 to vector<16xi32>
          %parallel_loop3A_399 = arith.muli %parallel_loop3A_398, %iota3A : vector<16xi32>
          %parallel_loop3A_400 = arith.constant 64 : i32
          %parallel_loop3A_401 = vector.broadcast %parallel_loop3A_400 : i32 to vector<16xi32>
          %parallel_loop3A_402 = arith.addi %parallel_loop3A_401, %parallel_loop3A_399 : vector<16xi32>
          %parallel_loop3A_403 = arith.mulf %parallel_loop3A_395, %parallel_loop3A_352 : vector<16xf32>
          tpu.vector_store_idx %arg14[%parallel_loop3A_353, %parallel_loop3A_402], %parallel_loop3A_403 : memref<80x128xf32, #tpu.memory_space<vmem>>[vector<16xi32>, vector<16xi32>], vector<16xf32>,
          %parallel_loop3A_404 = arith.constant 2 : i32
          %parallel_loop3A_405 = vector.broadcast %parallel_loop3A_404 : i32 to vector<16xi32>
          %parallel_loop3A_406 = arith.muli %parallel_loop3A_405, %iota3A : vector<16xi32>
          %parallel_loop3A_407 = arith.constant 65 : i32
          %parallel_loop3A_408 = vector.broadcast %parallel_loop3A_407 : i32 to vector<16xi32>
          %parallel_loop3A_409 = arith.addi %parallel_loop3A_408, %parallel_loop3A_406 : vector<16xi32>
          %parallel_loop3A_410 = arith.mulf %parallel_loop3A_396, %parallel_loop3A_352 : vector<16xf32>
          tpu.vector_store_idx %arg14[%parallel_loop3A_353, %parallel_loop3A_409], %parallel_loop3A_410 : memref<80x128xf32, #tpu.memory_space<vmem>>[vector<16xi32>, vector<16xi32>], vector<16xf32>,
          %parallel_loop3A_411 = arith.index_cast %parallel_loop3A_349 : i32 to index
          %parallel_loop3A_412 = arith.constant 96 : index
          %parallel_loop3A_413 = tpu.vector_load %arg12[%parallel_loop3A_411, %parallel_loop3A_412] {strides = array<i32>} : memref<80x128xbf16, #tpu.memory_space<vmem>>, vector<32xbf16>,
          %parallel_loop3A_414 = tpu.unpack_subelements %parallel_loop3A_413, 0 {pack_format = #tpu.pack_format<interleaved>} : vector<32xbf16> -> vector<16xf32>
          %parallel_loop3A_415 = tpu.unpack_subelements %parallel_loop3A_413, 1 {pack_format = #tpu.pack_format<interleaved>} : vector<32xbf16> -> vector<16xf32>
          %parallel_loop3A_416 = arith.constant 2 : i32
          %parallel_loop3A_417 = vector.broadcast %parallel_loop3A_416 : i32 to vector<16xi32>
          %parallel_loop3A_418 = arith.muli %parallel_loop3A_417, %iota3A : vector<16xi32>
          %parallel_loop3A_419 = arith.constant 96 : i32
          %parallel_loop3A_420 = vector.broadcast %parallel_loop3A_419 : i32 to vector<16xi32>
          %parallel_loop3A_421 = arith.addi %parallel_loop3A_420, %parallel_loop3A_418 : vector<16xi32>
          %parallel_loop3A_422 = arith.mulf %parallel_loop3A_414, %parallel_loop3A_352 : vector<16xf32>
          tpu.vector_store_idx %arg14[%parallel_loop3A_353, %parallel_loop3A_421], %parallel_loop3A_422 : memref<80x128xf32, #tpu.memory_space<vmem>>[vector<16xi32>, vector<16xi32>], vector<16xf32>,
          %parallel_loop3A_423 = arith.constant 2 : i32
          %parallel_loop3A_424 = vector.broadcast %parallel_loop3A_423 : i32 to vector<16xi32>
          %parallel_loop3A_425 = arith.muli %parallel_loop3A_424, %iota3A : vector<16xi32>
          %parallel_loop3A_426 = arith.constant 97 : i32
          %parallel_loop3A_427 = vector.broadcast %parallel_loop3A_426 : i32 to vector<16xi32>
          %parallel_loop3A_428 = arith.addi %parallel_loop3A_427, %parallel_loop3A_425 : vector<16xi32>
          %parallel_loop3A_429 = arith.mulf %parallel_loop3A_415, %parallel_loop3A_352 : vector<16xf32>
          tpu.vector_store_idx %arg14[%parallel_loop3A_353, %parallel_loop3A_428], %parallel_loop3A_429 : memref<80x128xf32, #tpu.memory_space<vmem>>[vector<16xi32>, vector<16xi32>], vector<16xf32>,
        } {sc.loop_unroll_factor = 2 : i64, sc.parallel_access}
        %dma_start3A_311 = arith.constant 0 : i32
        %dma_start3A_312 = tpu.memref_slice %arg8[%add3A_288, %dma_start3A_311] : memref<20x80xi32, #tpu.memory_space<vmem>> -> memref<1x80xi32, #tpu.memory_space<vmem>>
        %dma_start3A_313 = tpu.memref_squeeze %dma_start3A_312 : memref<1x80xi32, #tpu.memory_space<vmem>> -> memref<80xi32, #tpu.memory_space<vmem>>
        %dma_start3A_314 = arith.constant 0 : i32
        %dma_start3A_315 = arith.constant 0 : i32
        %dma_start3A_316 = tpu.memref_slice %arg16[%dma_start3A_314, %dma_start3A_315] : memref<10000x128xf32, #tpu.memory_space<vmem_shared>> -> memref<10000x128xf32, #tpu.memory_space<vmem_shared>>
        tpu.enqueue_indirect_dma source(%arg14 : memref<80x128xf32, #tpu.memory_space<vmem>>) target(%dma_start3A_316 : memref<10000x128xf32, #tpu.memory_space<vmem_shared>>) offsets(%dma_start3A_313 : memref<80xi32, #tpu.memory_space<vmem>>) semaphore(%arg21 : memref<!tpu.dma_semaphore, #tpu.memory_space<semaphore_mem>>) {add = true}
        %mul3A_317 = arith.constant 4 : i32
        %mul3A_318 = arith.muli %mul3A_317, %scan3A_221 : i32
        %add3A_319 = arith.constant 3 : i32
        %add3A_320 = arith.addi %mul3A_318, %add3A_319 : i32
        %lt3A_321 = arith.constant 17 : i32
        %lt3A_322 = arith.cmpi slt, %add3A_320, %lt3A_321 : i32
        %convert_element_type3A_323 = arith.extui %lt3A_322 : i1 to i32
        %cond3A_324 = arith.constant 0 : i32
        %cond3A_325 = arith.cmpi ne, %convert_element_type3A_323, %cond3A_324 : i32
        scf.if %cond3A_325 {
          %add3A_349 = arith.constant 3 : i32
          %add3A_350 = arith.addi %add3A_320, %add3A_349 : i32
          %dma_start3A_351 = arith.constant 0 : i32
          %dma_start3A_352 = tpu.memref_slice %arg7[%add3A_350, %dma_start3A_351] : memref<20x80xi32, #tpu.memory_space<vmem>> -> memref<1x80xi32, #tpu.memory_space<vmem>>
          %dma_start3A_353 = tpu.memref_squeeze %dma_start3A_352 : memref<1x80xi32, #tpu.memory_space<vmem>> -> memref<80xi32, #tpu.memory_space<vmem>>
          %dma_start3A_354 = arith.constant 0 : i32
          %dma_start3A_355 = arith.constant 0 : i32
          %dma_start3A_356 = tpu.memref_slice %arg2[%dma_start3A_354, %dma_start3A_355] : memref<10000x128xbf16, #tpu.memory_space<hbm>> -> memref<10000x128xbf16, #tpu.memory_space<hbm>>
          tpu.enqueue_indirect_dma source(%dma_start3A_356 : memref<10000x128xbf16, #tpu.memory_space<hbm>>) target(%arg12 : memref<80x128xbf16, #tpu.memory_space<vmem>>) offsets(%dma_start3A_353 : memref<80xi32, #tpu.memory_space<vmem>>) semaphore(%arg19 : memref<!tpu.dma_semaphore, #tpu.memory_space<semaphore_mem>>)
        } else {
        }
        %dma_wait3A_326 = arith.constant 0 : i32
        %dma_wait3A_327 = arith.constant 0 : i32
        %dma_wait3A_328 = tpu.memref_slice %arg7[%dma_wait3A_326, %dma_wait3A_327] : memref<20x80xi32, #tpu.memory_space<vmem>> -> memref<1x80xi32, #tpu.memory_space<vmem>>
        %dma_wait3A_329 = tpu.memref_squeeze %dma_wait3A_328 : memref<1x80xi32, #tpu.memory_space<vmem>> -> memref<80xi32, #tpu.memory_space<vmem>>
        %dma_wait3A_330 = arith.constant 0 : i32
        %dma_wait3A_331 = arith.constant 0 : i32
        %dma_wait3A_332 = tpu.memref_slice %arg2[%dma_wait3A_330, %dma_wait3A_331] : memref<10000x128xbf16, #tpu.memory_space<hbm>> -> memref<10000x128xbf16, #tpu.memory_space<hbm>>
        tpu.wait_indirect_dma semaphore(%arg20 : memref<!tpu.dma_semaphore, #tpu.memory_space<semaphore_mem>>) src(%dma_wait3A_332 : memref<10000x128xbf16, #tpu.memory_space<hbm>>) dst(%arg13 : memref<80x128xbf16, #tpu.memory_space<vmem>>)
        %ge3A_333 = arith.constant 2 : i32
        %ge3A_334 = arith.cmpi sge, %add3A_320, %ge3A_333 : i32
        %convert_element_type3A_335 = arith.extui %ge3A_334 : i1 to i32
        %cond3A_336 = arith.constant 0 : i32
        %cond3A_337 = arith.cmpi ne, %convert_element_type3A_335, %cond3A_336 : i32
        scf.if %cond3A_337 {
          %dma_wait3A_349 = arith.constant 0 : i32
          %dma_wait3A_350 = arith.constant 0 : i32
          %dma_wait3A_351 = tpu.memref_slice %arg8[%dma_wait3A_349, %dma_wait3A_350] : memref<20x80xi32, #tpu.memory_space<vmem>> -> memref<1x80xi32, #tpu.memory_space<vmem>>
          %dma_wait3A_352 = tpu.memref_squeeze %dma_wait3A_351 : memref<1x80xi32, #tpu.memory_space<vmem>> -> memref<80xi32, #tpu.memory_space<vmem>>
          %dma_wait3A_353 = arith.constant 0 : i32
          %dma_wait3A_354 = arith.constant 0 : i32
          %dma_wait3A_355 = tpu.memref_slice %arg16[%dma_wait3A_353, %dma_wait3A_354] : memref<10000x128xf32, #tpu.memory_space<vmem_shared>> -> memref<10000x128xf32, #tpu.memory_space<vmem_shared>>
          tpu.wait_indirect_dma semaphore(%arg22 : memref<!tpu.dma_semaphore, #tpu.memory_space<semaphore_mem>>) src(%arg15 : memref<80x128xf32, #tpu.memory_space<vmem>>) dst(%dma_wait3A_355 : memref<10000x128xf32, #tpu.memory_space<vmem_shared>>)
        } else {
        }
        %mul3A_338 = arith.constant 80 : i32
        %mul3A_339 = arith.muli %mul3A_338, %add3A_320 : i32
        %parallel_loop3A_340 = arith.constant 0 : i32
        %parallel_loop3A_341 = arith.constant 80 : i32
        %parallel_loop3A_342 = arith.constant 1 : i32
        scf.for %parallel_loop3A_349 = %parallel_loop3A_340 to %parallel_loop3A_341 step %parallel_loop3A_342  : i32 {
          %parallel_loop3A_350 = arith.addi %mul3A_339, %parallel_loop3A_349 : i32
          %parallel_loop3A_351 = vector.broadcast %parallel_loop3A_350 : i32 to vector<16xi32>
          %parallel_loop3A_352 = tpu.vector_load_idx %arg9[%parallel_loop3A_351] : memref<1600xf32, #tpu.memory_space<vmem>>[vector<16xi32>], vector<16xf32>,
          %parallel_loop3A_353 = vector.broadcast %parallel_loop3A_349 : i32 to vector<16xi32>
          %parallel_loop3A_354 = arith.index_cast %parallel_loop3A_349 : i32 to index
          %parallel_loop3A_355 = arith.constant 0 : index
          %parallel_loop3A_356 = tpu.vector_load %arg13[%parallel_loop3A_354, %parallel_loop3A_355] {strides = array<i32>} : memref<80x128xbf16, #tpu.memory_space<vmem>>, vector<32xbf16>,
          %parallel_loop3A_357 = tpu.unpack_subelements %parallel_loop3A_356, 0 {pack_format = #tpu.pack_format<interleaved>} : vector<32xbf16> -> vector<16xf32>
          %parallel_loop3A_358 = tpu.unpack_subelements %parallel_loop3A_356, 1 {pack_format = #tpu.pack_format<interleaved>} : vector<32xbf16> -> vector<16xf32>
          %parallel_loop3A_359 = arith.constant 2 : i32
          %parallel_loop3A_360 = vector.broadcast %parallel_loop3A_359 : i32 to vector<16xi32>
          %parallel_loop3A_361 = arith.muli %parallel_loop3A_360, %iota3A : vector<16xi32>
          %parallel_loop3A_362 = arith.constant 0 : i32
          %parallel_loop3A_363 = vector.broadcast %parallel_loop3A_362 : i32 to vector<16xi32>
          %parallel_loop3A_364 = arith.addi %parallel_loop3A_363, %parallel_loop3A_361 : vector<16xi32>
          %parallel_loop3A_365 = arith.mulf %parallel_loop3A_357, %parallel_loop3A_352 : vector<16xf32>
          tpu.vector_store_idx %arg15[%parallel_loop3A_353, %parallel_loop3A_364], %parallel_loop3A_365 : memref<80x128xf32, #tpu.memory_space<vmem>>[vector<16xi32>, vector<16xi32>], vector<16xf32>,
          %parallel_loop3A_366 = arith.constant 2 : i32
          %parallel_loop3A_367 = vector.broadcast %parallel_loop3A_366 : i32 to vector<16xi32>
          %parallel_loop3A_368 = arith.muli %parallel_loop3A_367, %iota3A : vector<16xi32>
          %parallel_loop3A_369 = arith.constant 1 : i32
          %parallel_loop3A_370 = vector.broadcast %parallel_loop3A_369 : i32 to vector<16xi32>
          %parallel_loop3A_371 = arith.addi %parallel_loop3A_370, %parallel_loop3A_368 : vector<16xi32>
          %parallel_loop3A_372 = arith.mulf %parallel_loop3A_358, %parallel_loop3A_352 : vector<16xf32>
          tpu.vector_store_idx %arg15[%parallel_loop3A_353, %parallel_loop3A_371], %parallel_loop3A_372 : memref<80x128xf32, #tpu.memory_space<vmem>>[vector<16xi32>, vector<16xi32>], vector<16xf32>,
          %parallel_loop3A_373 = arith.index_cast %parallel_loop3A_349 : i32 to index
          %parallel_loop3A_374 = arith.constant 32 : index
          %parallel_loop3A_375 = tpu.vector_load %arg13[%parallel_loop3A_373, %parallel_loop3A_374] {strides = array<i32>} : memref<80x128xbf16, #tpu.memory_space<vmem>>, vector<32xbf16>,
          %parallel_loop3A_376 = tpu.unpack_subelements %parallel_loop3A_375, 0 {pack_format = #tpu.pack_format<interleaved>} : vector<32xbf16> -> vector<16xf32>
          %parallel_loop3A_377 = tpu.unpack_subelements %parallel_loop3A_375, 1 {pack_format = #tpu.pack_format<interleaved>} : vector<32xbf16> -> vector<16xf32>
          %parallel_loop3A_378 = arith.constant 2 : i32
          %parallel_loop3A_379 = vector.broadcast %parallel_loop3A_378 : i32 to vector<16xi32>
          %parallel_loop3A_380 = arith.muli %parallel_loop3A_379, %iota3A : vector<16xi32>
          %parallel_loop3A_381 = arith.constant 32 : i32
          %parallel_loop3A_382 = vector.broadcast %parallel_loop3A_381 : i32 to vector<16xi32>
          %parallel_loop3A_383 = arith.addi %parallel_loop3A_382, %parallel_loop3A_380 : vector<16xi32>
          %parallel_loop3A_384 = arith.mulf %parallel_loop3A_376, %parallel_loop3A_352 : vector<16xf32>
          tpu.vector_store_idx %arg15[%parallel_loop3A_353, %parallel_loop3A_383], %parallel_loop3A_384 : memref<80x128xf32, #tpu.memory_space<vmem>>[vector<16xi32>, vector<16xi32>], vector<16xf32>,
          %parallel_loop3A_385 = arith.constant 2 : i32
          %parallel_loop3A_386 = vector.broadcast %parallel_loop3A_385 : i32 to vector<16xi32>
          %parallel_loop3A_387 = arith.muli %parallel_loop3A_386, %iota3A : vector<16xi32>
          %parallel_loop3A_388 = arith.constant 33 : i32
          %parallel_loop3A_389 = vector.broadcast %parallel_loop3A_388 : i32 to vector<16xi32>
          %parallel_loop3A_390 = arith.addi %parallel_loop3A_389, %parallel_loop3A_387 : vector<16xi32>
          %parallel_loop3A_391 = arith.mulf %parallel_loop3A_377, %parallel_loop3A_352 : vector<16xf32>
          tpu.vector_store_idx %arg15[%parallel_loop3A_353, %parallel_loop3A_390], %parallel_loop3A_391 : memref<80x128xf32, #tpu.memory_space<vmem>>[vector<16xi32>, vector<16xi32>], vector<16xf32>,
          %parallel_loop3A_392 = arith.index_cast %parallel_loop3A_349 : i32 to index
          %parallel_loop3A_393 = arith.constant 64 : index
          %parallel_loop3A_394 = tpu.vector_load %arg13[%parallel_loop3A_392, %parallel_loop3A_393] {strides = array<i32>} : memref<80x128xbf16, #tpu.memory_space<vmem>>, vector<32xbf16>,
          %parallel_loop3A_395 = tpu.unpack_subelements %parallel_loop3A_394, 0 {pack_format = #tpu.pack_format<interleaved>} : vector<32xbf16> -> vector<16xf32>
          %parallel_loop3A_396 = tpu.unpack_subelements %parallel_loop3A_394, 1 {pack_format = #tpu.pack_format<interleaved>} : vector<32xbf16> -> vector<16xf32>
          %parallel_loop3A_397 = arith.constant 2 : i32
          %parallel_loop3A_398 = vector.broadcast %parallel_loop3A_397 : i32 to vector<16xi32>
          %parallel_loop3A_399 = arith.muli %parallel_loop3A_398, %iota3A : vector<16xi32>
          %parallel_loop3A_400 = arith.constant 64 : i32
          %parallel_loop3A_401 = vector.broadcast %parallel_loop3A_400 : i32 to vector<16xi32>
          %parallel_loop3A_402 = arith.addi %parallel_loop3A_401, %parallel_loop3A_399 : vector<16xi32>
          %parallel_loop3A_403 = arith.mulf %parallel_loop3A_395, %parallel_loop3A_352 : vector<16xf32>
          tpu.vector_store_idx %arg15[%parallel_loop3A_353, %parallel_loop3A_402], %parallel_loop3A_403 : memref<80x128xf32, #tpu.memory_space<vmem>>[vector<16xi32>, vector<16xi32>], vector<16xf32>,
          %parallel_loop3A_404 = arith.constant 2 : i32
          %parallel_loop3A_405 = vector.broadcast %parallel_loop3A_404 : i32 to vector<16xi32>
          %parallel_loop3A_406 = arith.muli %parallel_loop3A_405, %iota3A : vector<16xi32>
          %parallel_loop3A_407 = arith.constant 65 : i32
          %parallel_loop3A_408 = vector.broadcast %parallel_loop3A_407 : i32 to vector<16xi32>
          %parallel_loop3A_409 = arith.addi %parallel_loop3A_408, %parallel_loop3A_406 : vector<16xi32>
          %parallel_loop3A_410 = arith.mulf %parallel_loop3A_396, %parallel_loop3A_352 : vector<16xf32>
          tpu.vector_store_idx %arg15[%parallel_loop3A_353, %parallel_loop3A_409], %parallel_loop3A_410 : memref<80x128xf32, #tpu.memory_space<vmem>>[vector<16xi32>, vector<16xi32>], vector<16xf32>,
          %parallel_loop3A_411 = arith.index_cast %parallel_loop3A_349 : i32 to index
          %parallel_loop3A_412 = arith.constant 96 : index
          %parallel_loop3A_413 = tpu.vector_load %arg13[%parallel_loop3A_411, %parallel_loop3A_412] {strides = array<i32>} : memref<80x128xbf16, #tpu.memory_space<vmem>>, vector<32xbf16>,
          %parallel_loop3A_414 = tpu.unpack_subelements %parallel_loop3A_413, 0 {pack_format = #tpu.pack_format<interleaved>} : vector<32xbf16> -> vector<16xf32>
          %parallel_loop3A_415 = tpu.unpack_subelements %parallel_loop3A_413, 1 {pack_format = #tpu.pack_format<interleaved>} : vector<32xbf16> -> vector<16xf32>
          %parallel_loop3A_416 = arith.constant 2 : i32
          %parallel_loop3A_417 = vector.broadcast %parallel_loop3A_416 : i32 to vector<16xi32>
          %parallel_loop3A_418 = arith.muli %parallel_loop3A_417, %iota3A : vector<16xi32>
          %parallel_loop3A_419 = arith.constant 96 : i32
          %parallel_loop3A_420 = vector.broadcast %parallel_loop3A_419 : i32 to vector<16xi32>
          %parallel_loop3A_421 = arith.addi %parallel_loop3A_420, %parallel_loop3A_418 : vector<16xi32>
          %parallel_loop3A_422 = arith.mulf %parallel_loop3A_414, %parallel_loop3A_352 : vector<16xf32>
          tpu.vector_store_idx %arg15[%parallel_loop3A_353, %parallel_loop3A_421], %parallel_loop3A_422 : memref<80x128xf32, #tpu.memory_space<vmem>>[vector<16xi32>, vector<16xi32>], vector<16xf32>,
          %parallel_loop3A_423 = arith.constant 2 : i32
          %parallel_loop3A_424 = vector.broadcast %parallel_loop3A_423 : i32 to vector<16xi32>
          %parallel_loop3A_425 = arith.muli %parallel_loop3A_424, %iota3A : vector<16xi32>
          %parallel_loop3A_426 = arith.constant 97 : i32
          %parallel_loop3A_427 = vector.broadcast %parallel_loop3A_426 : i32 to vector<16xi32>
          %parallel_loop3A_428 = arith.addi %parallel_loop3A_427, %parallel_loop3A_425 : vector<16xi32>
          %parallel_loop3A_429 = arith.mulf %parallel_loop3A_415, %parallel_loop3A_352 : vector<16xf32>
          tpu.vector_store_idx %arg15[%parallel_loop3A_353, %parallel_loop3A_428], %parallel_loop3A_429 : memref<80x128xf32, #tpu.memory_space<vmem>>[vector<16xi32>, vector<16xi32>], vector<16xf32>,
        } {sc.loop_unroll_factor = 2 : i64, sc.parallel_access}
        %dma_start3A_343 = arith.constant 0 : i32
        %dma_start3A_344 = tpu.memref_slice %arg8[%add3A_320, %dma_start3A_343] : memref<20x80xi32, #tpu.memory_space<vmem>> -> memref<1x80xi32, #tpu.memory_space<vmem>>
        %dma_start3A_345 = tpu.memref_squeeze %dma_start3A_344 : memref<1x80xi32, #tpu.memory_space<vmem>> -> memref<80xi32, #tpu.memory_space<vmem>>
        %dma_start3A_346 = arith.constant 0 : i32
        %dma_start3A_347 = arith.constant 0 : i32
        %dma_start3A_348 = tpu.memref_slice %arg16[%dma_start3A_346, %dma_start3A_347] : memref<10000x128xf32, #tpu.memory_space<vmem_shared>> -> memref<10000x128xf32, #tpu.memory_space<vmem_shared>>
        tpu.enqueue_indirect_dma source(%arg15 : memref<80x128xf32, #tpu.memory_space<vmem>>) target(%dma_start3A_348 : memref<10000x128xf32, #tpu.memory_space<vmem_shared>>) offsets(%dma_start3A_345 : memref<80xi32, #tpu.memory_space<vmem>>) semaphore(%arg22 : memref<!tpu.dma_semaphore, #tpu.memory_space<semaphore_mem>>) {add = true}
      }
      %scan3A_220 = arith.constant 5 : i32
    }
    %scan3A_7 = arith.constant 6 : i32
    %dma_wait3A = arith.constant 0 : i32
    %dma_wait3A_8 = arith.constant 0 : i32
    %dma_wait3A_9 = tpu.memref_slice %arg8[%dma_wait3A, %dma_wait3A_8] : memref<20x80xi32, #tpu.memory_space<vmem>> -> memref<1x80xi32, #tpu.memory_space<vmem>>
    %dma_wait3A_10 = tpu.memref_squeeze %dma_wait3A_9 : memref<1x80xi32, #tpu.memory_space<vmem>> -> memref<80xi32, #tpu.memory_space<vmem>>
    %dma_wait3A_11 = arith.constant 0 : i32
    %dma_wait3A_12 = arith.constant 0 : i32
    %dma_wait3A_13 = tpu.memref_slice %arg16[%dma_wait3A_11, %dma_wait3A_12] : memref<10000x128xf32, #tpu.memory_space<vmem_shared>> -> memref<10000x128xf32, #tpu.memory_space<vmem_shared>>
    tpu.wait_indirect_dma semaphore(%arg21 : memref<!tpu.dma_semaphore, #tpu.memory_space<semaphore_mem>>) src(%arg14 : memref<80x128xf32, #tpu.memory_space<vmem>>) dst(%dma_wait3A_13 : memref<10000x128xf32, #tpu.memory_space<vmem_shared>>)
    %dma_wait3A_14 = arith.constant 0 : i32
    %dma_wait3A_15 = arith.constant 0 : i32
    %dma_wait3A_16 = tpu.memref_slice %arg8[%dma_wait3A_14, %dma_wait3A_15] : memref<20x80xi32, #tpu.memory_space<vmem>> -> memref<1x80xi32, #tpu.memory_space<vmem>>
    %dma_wait3A_17 = tpu.memref_squeeze %dma_wait3A_16 : memref<1x80xi32, #tpu.memory_space<vmem>> -> memref<80xi32, #tpu.memory_space<vmem>>
    %dma_wait3A_18 = arith.constant 0 : i32
    %dma_wait3A_19 = arith.constant 0 : i32
    %dma_wait3A_20 = tpu.memref_slice %arg16[%dma_wait3A_18, %dma_wait3A_19] : memref<10000x128xf32, #tpu.memory_space<vmem_shared>> -> memref<10000x128xf32, #tpu.memory_space<vmem_shared>>
    tpu.wait_indirect_dma semaphore(%arg22 : memref<!tpu.dma_semaphore, #tpu.memory_space<semaphore_mem>>) src(%arg15 : memref<80x128xf32, #tpu.memory_space<vmem>>) dst(%dma_wait3A_20 : memref<10000x128xf32, #tpu.memory_space<vmem_shared>>)
    %run_scoped3A = arith.constant 0 : i32
    "tpu.region"() ({
      %run_scoped3A_181 = tpu.sem_alloc : memref<!tpu.dma_semaphore, #tpu.memory_space<semaphore_mem>>
      %dma_start3A_182 = arith.constant 0 : i32
      %dma_start3A_183 = arith.constant 0 : i32
      %dma_start3A_184 = tpu.memref_slice %arg7[%dma_start3A_182, %dma_start3A_183] : memref<20x80xi32, #tpu.memory_space<vmem>> -> memref<5x80xi32, #tpu.memory_space<vmem>>
      %dma_start3A_185 = arith.constant 120 : i32
      %dma_start3A_186 = arith.constant 0 : i32
      %dma_start3A_187 = tpu.memref_slice %arg3[%run_scoped3A, %add3A, %dma_start3A_185, %dma_start3A_186] : memref<2x32x125x80xi32, #tpu.memory_space<hbm>> -> memref<1x1x5x80xi32, #tpu.memory_space<hbm>>
      %dma_start3A_188 = tpu.memref_squeeze %dma_start3A_187 : memref<1x1x5x80xi32, #tpu.memory_space<hbm>> -> memref<5x80xi32, #tpu.memory_space<hbm>>
      %dma_start3A_189 = arith.constant 0 : i32
      %dma_start3A_190 = arith.constant 0 : i32
      %dma_start3A_191 = tpu.memref_slice %arg7[%dma_start3A_189, %dma_start3A_190] : memref<20x80xi32, #tpu.memory_space<vmem>> -> memref<5x80xi32, #tpu.memory_space<vmem>>
      %dma_start3A_192 = arith.constant 120 : i32
      %dma_start3A_193 = arith.constant 0 : i32
      %dma_start3A_194 = tpu.memref_slice %arg3[%run_scoped3A, %add3A, %dma_start3A_192, %dma_start3A_193] : memref<2x32x125x80xi32, #tpu.memory_space<hbm>> -> memref<1x1x5x80xi32, #tpu.memory_space<hbm>>
      %dma_start3A_195 = tpu.memref_squeeze %dma_start3A_194 : memref<1x1x5x80xi32, #tpu.memory_space<hbm>> -> memref<5x80xi32, #tpu.memory_space<hbm>>
      tpu.enqueue_dma source(%dma_start3A_195 : memref<5x80xi32, #tpu.memory_space<hbm>>) target(%dma_start3A_191 : memref<5x80xi32, #tpu.memory_space<vmem>>) target_semaphore(%run_scoped3A_181 : memref<!tpu.dma_semaphore, #tpu.memory_space<semaphore_mem>>)
      %dma_wait3A_196 = arith.constant 0 : i32
      %dma_wait3A_197 = arith.constant 0 : i32
      %dma_wait3A_198 = tpu.memref_slice %arg7[%dma_wait3A_196, %dma_wait3A_197] : memref<20x80xi32, #tpu.memory_space<vmem>> -> memref<5x80xi32, #tpu.memory_space<vmem>>
      %dma_wait3A_199 = arith.constant 120 : i32
      %dma_wait3A_200 = arith.constant 0 : i32
      %dma_wait3A_201 = tpu.memref_slice %arg3[%run_scoped3A, %add3A, %dma_wait3A_199, %dma_wait3A_200] : memref<2x32x125x80xi32, #tpu.memory_space<hbm>> -> memref<1x1x5x80xi32, #tpu.memory_space<hbm>>
      %dma_wait3A_202 = tpu.memref_squeeze %dma_wait3A_201 : memref<1x1x5x80xi32, #tpu.memory_space<hbm>> -> memref<5x80xi32, #tpu.memory_space<hbm>>
      %dma_wait3A_203 = arith.constant 0 : i32
      %dma_wait3A_204 = arith.constant 0 : i32
      %dma_wait3A_205 = tpu.memref_slice %arg7[%dma_wait3A_203, %dma_wait3A_204] : memref<20x80xi32, #tpu.memory_space<vmem>> -> memref<5x80xi32, #tpu.memory_space<vmem>>
      %dma_wait3A_206 = arith.constant 120 : i32
      %dma_wait3A_207 = arith.constant 0 : i32
      %dma_wait3A_208 = tpu.memref_slice %arg3[%run_scoped3A, %add3A, %dma_wait3A_206, %dma_wait3A_207] : memref<2x32x125x80xi32, #tpu.memory_space<hbm>> -> memref<1x1x5x80xi32, #tpu.memory_space<hbm>>
      %dma_wait3A_209 = tpu.memref_squeeze %dma_wait3A_208 : memref<1x1x5x80xi32, #tpu.memory_space<hbm>> -> memref<5x80xi32, #tpu.memory_space<hbm>>
      tpu.wait_dma2 semaphore(%run_scoped3A_181 : memref<!tpu.dma_semaphore, #tpu.memory_space<semaphore_mem>>) src(%dma_wait3A_209 : memref<5x80xi32, #tpu.memory_space<hbm>>) dst(%dma_wait3A_205 : memref<5x80xi32, #tpu.memory_space<vmem>>)
      tpu.yield
    }) : () -> ()
    %run_scoped3A_21 = arith.constant 1 : i32
    "tpu.region"() ({
      %run_scoped3A_181 = tpu.sem_alloc : memref<!tpu.dma_semaphore, #tpu.memory_space<semaphore_mem>>
      %dma_start3A_182 = arith.constant 0 : i32
      %dma_start3A_183 = arith.constant 0 : i32
      %dma_start3A_184 = tpu.memref_slice %arg8[%dma_start3A_182, %dma_start3A_183] : memref<20x80xi32, #tpu.memory_space<vmem>> -> memref<5x80xi32, #tpu.memory_space<vmem>>
      %dma_start3A_185 = arith.constant 120 : i32
      %dma_start3A_186 = arith.constant 0 : i32
      %dma_start3A_187 = tpu.memref_slice %arg3[%run_scoped3A_21, %add3A, %dma_start3A_185, %dma_start3A_186] : memref<2x32x125x80xi32, #tpu.memory_space<hbm>> -> memref<1x1x5x80xi32, #tpu.memory_space<hbm>>
      %dma_start3A_188 = tpu.memref_squeeze %dma_start3A_187 : memref<1x1x5x80xi32, #tpu.memory_space<hbm>> -> memref<5x80xi32, #tpu.memory_space<hbm>>
      %dma_start3A_189 = arith.constant 0 : i32
      %dma_start3A_190 = arith.constant 0 : i32
      %dma_start3A_191 = tpu.memref_slice %arg8[%dma_start3A_189, %dma_start3A_190] : memref<20x80xi32, #tpu.memory_space<vmem>> -> memref<5x80xi32, #tpu.memory_space<vmem>>
      %dma_start3A_192 = arith.constant 120 : i32
      %dma_start3A_193 = arith.constant 0 : i32
      %dma_start3A_194 = tpu.memref_slice %arg3[%run_scoped3A_21, %add3A, %dma_start3A_192, %dma_start3A_193] : memref<2x32x125x80xi32, #tpu.memory_space<hbm>> -> memref<1x1x5x80xi32, #tpu.memory_space<hbm>>
      %dma_start3A_195 = tpu.memref_squeeze %dma_start3A_194 : memref<1x1x5x80xi32, #tpu.memory_space<hbm>> -> memref<5x80xi32, #tpu.memory_space<hbm>>
      tpu.enqueue_dma source(%dma_start3A_195 : memref<5x80xi32, #tpu.memory_space<hbm>>) target(%dma_start3A_191 : memref<5x80xi32, #tpu.memory_space<vmem>>) target_semaphore(%run_scoped3A_181 : memref<!tpu.dma_semaphore, #tpu.memory_space<semaphore_mem>>)
      %dma_wait3A_196 = arith.constant 0 : i32
      %dma_wait3A_197 = arith.constant 0 : i32
      %dma_wait3A_198 = tpu.memref_slice %arg8[%dma_wait3A_196, %dma_wait3A_197] : memref<20x80xi32, #tpu.memory_space<vmem>> -> memref<5x80xi32, #tpu.memory_space<vmem>>
      %dma_wait3A_199 = arith.constant 120 : i32
      %dma_wait3A_200 = arith.constant 0 : i32
      %dma_wait3A_201 = tpu.memref_slice %arg3[%run_scoped3A_21, %add3A, %dma_wait3A_199, %dma_wait3A_200] : memref<2x32x125x80xi32, #tpu.memory_space<hbm>> -> memref<1x1x5x80xi32, #tpu.memory_space<hbm>>
      %dma_wait3A_202 = tpu.memref_squeeze %dma_wait3A_201 : memref<1x1x5x80xi32, #tpu.memory_space<hbm>> -> memref<5x80xi32, #tpu.memory_space<hbm>>
      %dma_wait3A_203 = arith.constant 0 : i32
      %dma_wait3A_204 = arith.constant 0 : i32
      %dma_wait3A_205 = tpu.memref_slice %arg8[%dma_wait3A_203, %dma_wait3A_204] : memref<20x80xi32, #tpu.memory_space<vmem>> -> memref<5x80xi32, #tpu.memory_space<vmem>>
      %dma_wait3A_206 = arith.constant 120 : i32
      %dma_wait3A_207 = arith.constant 0 : i32
      %dma_wait3A_208 = tpu.memref_slice %arg3[%run_scoped3A_21, %add3A, %dma_wait3A_206, %dma_wait3A_207] : memref<2x32x125x80xi32, #tpu.memory_space<hbm>> -> memref<1x1x5x80xi32, #tpu.memory_space<hbm>>
      %dma_wait3A_209 = tpu.memref_squeeze %dma_wait3A_208 : memref<1x1x5x80xi32, #tpu.memory_space<hbm>> -> memref<5x80xi32, #tpu.memory_space<hbm>>
      tpu.wait_dma2 semaphore(%run_scoped3A_181 : memref<!tpu.dma_semaphore, #tpu.memory_space<semaphore_mem>>) src(%dma_wait3A_209 : memref<5x80xi32, #tpu.memory_space<hbm>>) dst(%dma_wait3A_205 : memref<5x80xi32, #tpu.memory_space<vmem>>)
      tpu.yield
    }) : () -> ()
    "tpu.region"() ({
      %run_scoped3A_181 = tpu.sem_alloc : memref<!tpu.dma_semaphore, #tpu.memory_space<semaphore_mem>>
      %dma_start3A_182 = arith.constant 0 : i32
      %dma_start3A_183 = tpu.memref_slice %arg9[%dma_start3A_182] : memref<1600xf32, #tpu.memory_space<vmem>> -> memref<400xf32, #tpu.memory_space<vmem>>
      %dma_start3A_184 = arith.constant 9600 : i32
      %dma_start3A_185 = tpu.memref_slice %arg4[%add3A, %dma_start3A_184] : memref<32x10000xf32, #tpu.memory_space<hbm>> -> memref<1x400xf32, #tpu.memory_space<hbm>>
      %dma_start3A_186 = tpu.memref_squeeze %dma_start3A_185 : memref<1x400xf32, #tpu.memory_space<hbm>> -> memref<400xf32, #tpu.memory_space<hbm>>
      %dma_start3A_187 = arith.constant 0 : i32
      %dma_start3A_188 = tpu.memref_slice %arg9[%dma_start3A_187] : memref<1600xf32, #tpu.memory_space<vmem>> -> memref<400xf32, #tpu.memory_space<vmem>>
      %dma_start3A_189 = arith.constant 9600 : i32
      %dma_start3A_190 = tpu.memref_slice %arg4[%add3A, %dma_start3A_189] : memref<32x10000xf32, #tpu.memory_space<hbm>> -> memref<1x400xf32, #tpu.memory_space<hbm>>
      %dma_start3A_191 = tpu.memref_squeeze %dma_start3A_190 : memref<1x400xf32, #tpu.memory_space<hbm>> -> memref<400xf32, #tpu.memory_space<hbm>>
      tpu.enqueue_dma source(%dma_start3A_191 : memref<400xf32, #tpu.memory_space<hbm>>) target(%dma_start3A_188 : memref<400xf32, #tpu.memory_space<vmem>>) target_semaphore(%run_scoped3A_181 : memref<!tpu.dma_semaphore, #tpu.memory_space<semaphore_mem>>)
      %dma_wait3A_192 = arith.constant 0 : i32
      %dma_wait3A_193 = tpu.memref_slice %arg9[%dma_wait3A_192] : memref<1600xf32, #tpu.memory_space<vmem>> -> memref<400xf32, #tpu.memory_space<vmem>>
      %dma_wait3A_194 = arith.constant 9600 : i32
      %dma_wait3A_195 = tpu.memref_slice %arg4[%add3A, %dma_wait3A_194] : memref<32x10000xf32, #tpu.memory_space<hbm>> -> memref<1x400xf32, #tpu.memory_space<hbm>>
      %dma_wait3A_196 = tpu.memref_squeeze %dma_wait3A_195 : memref<1x400xf32, #tpu.memory_space<hbm>> -> memref<400xf32, #tpu.memory_space<hbm>>
      %dma_wait3A_197 = arith.constant 0 : i32
      %dma_wait3A_198 = tpu.memref_slice %arg9[%dma_wait3A_197] : memref<1600xf32, #tpu.memory_space<vmem>> -> memref<400xf32, #tpu.memory_space<vmem>>
      %dma_wait3A_199 = arith.constant 9600 : i32
      %dma_wait3A_200 = tpu.memref_slice %arg4[%add3A, %dma_wait3A_199] : memref<32x10000xf32, #tpu.memory_space<hbm>> -> memref<1x400xf32, #tpu.memory_space<hbm>>
      %dma_wait3A_201 = tpu.memref_squeeze %dma_wait3A_200 : memref<1x400xf32, #tpu.memory_space<hbm>> -> memref<400xf32, #tpu.memory_space<hbm>>
      tpu.wait_dma2 semaphore(%run_scoped3A_181 : memref<!tpu.dma_semaphore, #tpu.memory_space<semaphore_mem>>) src(%dma_wait3A_201 : memref<400xf32, #tpu.memory_space<hbm>>) dst(%dma_wait3A_198 : memref<400xf32, #tpu.memory_space<vmem>>)
      tpu.yield
    }) : () -> ()
    %dma_start3A = arith.constant 0 : i32
    %dma_start3A_22 = arith.constant 0 : i32
    %dma_start3A_23 = tpu.memref_slice %arg7[%dma_start3A, %dma_start3A_22] : memref<20x80xi32, #tpu.memory_space<vmem>> -> memref<1x80xi32, #tpu.memory_space<vmem>>
    %dma_start3A_24 = tpu.memref_squeeze %dma_start3A_23 : memref<1x80xi32, #tpu.memory_space<vmem>> -> memref<80xi32, #tpu.memory_space<vmem>>
    %dma_start3A_25 = arith.constant 0 : i32
    %dma_start3A_26 = arith.constant 0 : i32
    %dma_start3A_27 = tpu.memref_slice %arg2[%dma_start3A_25, %dma_start3A_26] : memref<10000x128xbf16, #tpu.memory_space<hbm>> -> memref<10000x128xbf16, #tpu.memory_space<hbm>>
    tpu.enqueue_indirect_dma source(%dma_start3A_27 : memref<10000x128xbf16, #tpu.memory_space<hbm>>) target(%arg10 : memref<80x128xbf16, #tpu.memory_space<vmem>>) offsets(%dma_start3A_24 : memref<80xi32, #tpu.memory_space<vmem>>) semaphore(%arg17 : memref<!tpu.dma_semaphore, #tpu.memory_space<semaphore_mem>>)
    %dma_start3A_28 = arith.constant 1 : i32
    %dma_start3A_29 = arith.constant 0 : i32
    %dma_start3A_30 = tpu.memref_slice %arg7[%dma_start3A_28, %dma_start3A_29] : memref<20x80xi32, #tpu.memory_space<vmem>> -> memref<1x80xi32, #tpu.memory_space<vmem>>
    %dma_start3A_31 = tpu.memref_squeeze %dma_start3A_30 : memref<1x80xi32, #tpu.memory_space<vmem>> -> memref<80xi32, #tpu.memory_space<vmem>>
    %dma_start3A_32 = arith.constant 0 : i32
    %dma_start3A_33 = arith.constant 0 : i32
    %dma_start3A_34 = tpu.memref_slice %arg2[%dma_start3A_32, %dma_start3A_33] : memref<10000x128xbf16, #tpu.memory_space<hbm>> -> memref<10000x128xbf16, #tpu.memory_space<hbm>>
    tpu.enqueue_indirect_dma source(%dma_start3A_34 : memref<10000x128xbf16, #tpu.memory_space<hbm>>) target(%arg11 : memref<80x128xbf16, #tpu.memory_space<vmem>>) offsets(%dma_start3A_31 : memref<80xi32, #tpu.memory_space<vmem>>) semaphore(%arg18 : memref<!tpu.dma_semaphore, #tpu.memory_space<semaphore_mem>>)
    %dma_start3A_35 = arith.constant 2 : i32
    %dma_start3A_36 = arith.constant 0 : i32
    %dma_start3A_37 = tpu.memref_slice %arg7[%dma_start3A_35, %dma_start3A_36] : memref<20x80xi32, #tpu.memory_space<vmem>> -> memref<1x80xi32, #tpu.memory_space<vmem>>
    %dma_start3A_38 = tpu.memref_squeeze %dma_start3A_37 : memref<1x80xi32, #tpu.memory_space<vmem>> -> memref<80xi32, #tpu.memory_space<vmem>>
    %dma_start3A_39 = arith.constant 0 : i32
    %dma_start3A_40 = arith.constant 0 : i32
    %dma_start3A_41 = tpu.memref_slice %arg2[%dma_start3A_39, %dma_start3A_40] : memref<10000x128xbf16, #tpu.memory_space<hbm>> -> memref<10000x128xbf16, #tpu.memory_space<hbm>>
    tpu.enqueue_indirect_dma source(%dma_start3A_41 : memref<10000x128xbf16, #tpu.memory_space<hbm>>) target(%arg12 : memref<80x128xbf16, #tpu.memory_space<vmem>>) offsets(%dma_start3A_38 : memref<80xi32, #tpu.memory_space<vmem>>) semaphore(%arg19 : memref<!tpu.dma_semaphore, #tpu.memory_space<semaphore_mem>>)
    %dma_start3A_42 = arith.constant 3 : i32
    %dma_start3A_43 = arith.constant 0 : i32
    %dma_start3A_44 = tpu.memref_slice %arg7[%dma_start3A_42, %dma_start3A_43] : memref<20x80xi32, #tpu.memory_space<vmem>> -> memref<1x80xi32, #tpu.memory_space<vmem>>
    %dma_start3A_45 = tpu.memref_squeeze %dma_start3A_44 : memref<1x80xi32, #tpu.memory_space<vmem>> -> memref<80xi32, #tpu.memory_space<vmem>>
    %dma_start3A_46 = arith.constant 0 : i32
    %dma_start3A_47 = arith.constant 0 : i32
    %dma_start3A_48 = tpu.memref_slice %arg2[%dma_start3A_46, %dma_start3A_47] : memref<10000x128xbf16, #tpu.memory_space<hbm>> -> memref<10000x128xbf16, #tpu.memory_space<hbm>>
    tpu.enqueue_indirect_dma source(%dma_start3A_48 : memref<10000x128xbf16, #tpu.memory_space<hbm>>) target(%arg13 : memref<80x128xbf16, #tpu.memory_space<vmem>>) offsets(%dma_start3A_45 : memref<80xi32, #tpu.memory_space<vmem>>) semaphore(%arg20 : memref<!tpu.dma_semaphore, #tpu.memory_space<semaphore_mem>>)
    %dma_wait3A_49 = arith.constant 0 : i32
    %dma_wait3A_50 = arith.constant 0 : i32
    %dma_wait3A_51 = tpu.memref_slice %arg7[%dma_wait3A_49, %dma_wait3A_50] : memref<20x80xi32, #tpu.memory_space<vmem>> -> memref<1x80xi32, #tpu.memory_space<vmem>>
    %dma_wait3A_52 = tpu.memref_squeeze %dma_wait3A_51 : memref<1x80xi32, #tpu.memory_space<vmem>> -> memref<80xi32, #tpu.memory_space<vmem>>
    %dma_wait3A_53 = arith.constant 0 : i32
    %dma_wait3A_54 = arith.constant 0 : i32
    %dma_wait3A_55 = tpu.memref_slice %arg2[%dma_wait3A_53, %dma_wait3A_54] : memref<10000x128xbf16, #tpu.memory_space<hbm>> -> memref<10000x128xbf16, #tpu.memory_space<hbm>>
    tpu.wait_indirect_dma semaphore(%arg17 : memref<!tpu.dma_semaphore, #tpu.memory_space<semaphore_mem>>) src(%dma_wait3A_55 : memref<10000x128xbf16, #tpu.memory_space<hbm>>) dst(%arg10 : memref<80x128xbf16, #tpu.memory_space<vmem>>)
    %parallel_loop3A = arith.constant 0 : i32
    %parallel_loop3A_56 = arith.constant 80 : i32
    %parallel_loop3A_57 = arith.constant 1 : i32
    scf.for %parallel_loop3A_181 = %parallel_loop3A to %parallel_loop3A_56 step %parallel_loop3A_57  : i32 {
      %parallel_loop3A_182 = arith.constant 0 : i32
      %parallel_loop3A_183 = arith.addi %parallel_loop3A_182, %parallel_loop3A_181 : i32
      %parallel_loop3A_184 = vector.broadcast %parallel_loop3A_183 : i32 to vector<16xi32>
      %parallel_loop3A_185 = tpu.vector_load_idx %arg9[%parallel_loop3A_184] : memref<1600xf32, #tpu.memory_space<vmem>>[vector<16xi32>], vector<16xf32>,
      %parallel_loop3A_186 = vector.broadcast %parallel_loop3A_181 : i32 to vector<16xi32>
      %parallel_loop3A_187 = arith.index_cast %parallel_loop3A_181 : i32 to index
      %parallel_loop3A_188 = arith.constant 0 : index
      %parallel_loop3A_189 = tpu.vector_load %arg10[%parallel_loop3A_187, %parallel_loop3A_188] {strides = array<i32>} : memref<80x128xbf16, #tpu.memory_space<vmem>>, vector<32xbf16>,
      %parallel_loop3A_190 = tpu.unpack_subelements %parallel_loop3A_189, 0 {pack_format = #tpu.pack_format<interleaved>} : vector<32xbf16> -> vector<16xf32>
      %parallel_loop3A_191 = tpu.unpack_subelements %parallel_loop3A_189, 1 {pack_format = #tpu.pack_format<interleaved>} : vector<32xbf16> -> vector<16xf32>
      %parallel_loop3A_192 = arith.constant 2 : i32
      %parallel_loop3A_193 = vector.broadcast %parallel_loop3A_192 : i32 to vector<16xi32>
      %parallel_loop3A_194 = arith.muli %parallel_loop3A_193, %iota3A : vector<16xi32>
      %parallel_loop3A_195 = arith.constant 0 : i32
      %parallel_loop3A_196 = vector.broadcast %parallel_loop3A_195 : i32 to vector<16xi32>
      %parallel_loop3A_197 = arith.addi %parallel_loop3A_196, %parallel_loop3A_194 : vector<16xi32>
      %parallel_loop3A_198 = arith.mulf %parallel_loop3A_190, %parallel_loop3A_185 : vector<16xf32>
      tpu.vector_store_idx %arg14[%parallel_loop3A_186, %parallel_loop3A_197], %parallel_loop3A_198 : memref<80x128xf32, #tpu.memory_space<vmem>>[vector<16xi32>, vector<16xi32>], vector<16xf32>,
      %parallel_loop3A_199 = arith.constant 2 : i32
      %parallel_loop3A_200 = vector.broadcast %parallel_loop3A_199 : i32 to vector<16xi32>
      %parallel_loop3A_201 = arith.muli %parallel_loop3A_200, %iota3A : vector<16xi32>
      %parallel_loop3A_202 = arith.constant 1 : i32
      %parallel_loop3A_203 = vector.broadcast %parallel_loop3A_202 : i32 to vector<16xi32>
      %parallel_loop3A_204 = arith.addi %parallel_loop3A_203, %parallel_loop3A_201 : vector<16xi32>
      %parallel_loop3A_205 = arith.mulf %parallel_loop3A_191, %parallel_loop3A_185 : vector<16xf32>
      tpu.vector_store_idx %arg14[%parallel_loop3A_186, %parallel_loop3A_204], %parallel_loop3A_205 : memref<80x128xf32, #tpu.memory_space<vmem>>[vector<16xi32>, vector<16xi32>], vector<16xf32>,
      %parallel_loop3A_206 = arith.index_cast %parallel_loop3A_181 : i32 to index
      %parallel_loop3A_207 = arith.constant 32 : index
      %parallel_loop3A_208 = tpu.vector_load %arg10[%parallel_loop3A_206, %parallel_loop3A_207] {strides = array<i32>} : memref<80x128xbf16, #tpu.memory_space<vmem>>, vector<32xbf16>,
      %parallel_loop3A_209 = tpu.unpack_subelements %parallel_loop3A_208, 0 {pack_format = #tpu.pack_format<interleaved>} : vector<32xbf16> -> vector<16xf32>
      %parallel_loop3A_210 = tpu.unpack_subelements %parallel_loop3A_208, 1 {pack_format = #tpu.pack_format<interleaved>} : vector<32xbf16> -> vector<16xf32>
      %parallel_loop3A_211 = arith.constant 2 : i32
      %parallel_loop3A_212 = vector.broadcast %parallel_loop3A_211 : i32 to vector<16xi32>
      %parallel_loop3A_213 = arith.muli %parallel_loop3A_212, %iota3A : vector<16xi32>
      %parallel_loop3A_214 = arith.constant 32 : i32
      %parallel_loop3A_215 = vector.broadcast %parallel_loop3A_214 : i32 to vector<16xi32>
      %parallel_loop3A_216 = arith.addi %parallel_loop3A_215, %parallel_loop3A_213 : vector<16xi32>
      %parallel_loop3A_217 = arith.mulf %parallel_loop3A_209, %parallel_loop3A_185 : vector<16xf32>
      tpu.vector_store_idx %arg14[%parallel_loop3A_186, %parallel_loop3A_216], %parallel_loop3A_217 : memref<80x128xf32, #tpu.memory_space<vmem>>[vector<16xi32>, vector<16xi32>], vector<16xf32>,
      %parallel_loop3A_218 = arith.constant 2 : i32
      %parallel_loop3A_219 = vector.broadcast %parallel_loop3A_218 : i32 to vector<16xi32>
      %parallel_loop3A_220 = arith.muli %parallel_loop3A_219, %iota3A : vector<16xi32>
      %parallel_loop3A_221 = arith.constant 33 : i32
      %parallel_loop3A_222 = vector.broadcast %parallel_loop3A_221 : i32 to vector<16xi32>
      %parallel_loop3A_223 = arith.addi %parallel_loop3A_222, %parallel_loop3A_220 : vector<16xi32>
      %parallel_loop3A_224 = arith.mulf %parallel_loop3A_210, %parallel_loop3A_185 : vector<16xf32>
      tpu.vector_store_idx %arg14[%parallel_loop3A_186, %parallel_loop3A_223], %parallel_loop3A_224 : memref<80x128xf32, #tpu.memory_space<vmem>>[vector<16xi32>, vector<16xi32>], vector<16xf32>,
      %parallel_loop3A_225 = arith.index_cast %parallel_loop3A_181 : i32 to index
      %parallel_loop3A_226 = arith.constant 64 : index
      %parallel_loop3A_227 = tpu.vector_load %arg10[%parallel_loop3A_225, %parallel_loop3A_226] {strides = array<i32>} : memref<80x128xbf16, #tpu.memory_space<vmem>>, vector<32xbf16>,
      %parallel_loop3A_228 = tpu.unpack_subelements %parallel_loop3A_227, 0 {pack_format = #tpu.pack_format<interleaved>} : vector<32xbf16> -> vector<16xf32>
      %parallel_loop3A_229 = tpu.unpack_subelements %parallel_loop3A_227, 1 {pack_format = #tpu.pack_format<interleaved>} : vector<32xbf16> -> vector<16xf32>
      %parallel_loop3A_230 = arith.constant 2 : i32
      %parallel_loop3A_231 = vector.broadcast %parallel_loop3A_230 : i32 to vector<16xi32>
      %parallel_loop3A_232 = arith.muli %parallel_loop3A_231, %iota3A : vector<16xi32>
      %parallel_loop3A_233 = arith.constant 64 : i32
      %parallel_loop3A_234 = vector.broadcast %parallel_loop3A_233 : i32 to vector<16xi32>
      %parallel_loop3A_235 = arith.addi %parallel_loop3A_234, %parallel_loop3A_232 : vector<16xi32>
      %parallel_loop3A_236 = arith.mulf %parallel_loop3A_228, %parallel_loop3A_185 : vector<16xf32>
      tpu.vector_store_idx %arg14[%parallel_loop3A_186, %parallel_loop3A_235], %parallel_loop3A_236 : memref<80x128xf32, #tpu.memory_space<vmem>>[vector<16xi32>, vector<16xi32>], vector<16xf32>,
      %parallel_loop3A_237 = arith.constant 2 : i32
      %parallel_loop3A_238 = vector.broadcast %parallel_loop3A_237 : i32 to vector<16xi32>
      %parallel_loop3A_239 = arith.muli %parallel_loop3A_238, %iota3A : vector<16xi32>
      %parallel_loop3A_240 = arith.constant 65 : i32
      %parallel_loop3A_241 = vector.broadcast %parallel_loop3A_240 : i32 to vector<16xi32>
      %parallel_loop3A_242 = arith.addi %parallel_loop3A_241, %parallel_loop3A_239 : vector<16xi32>
      %parallel_loop3A_243 = arith.mulf %parallel_loop3A_229, %parallel_loop3A_185 : vector<16xf32>
      tpu.vector_store_idx %arg14[%parallel_loop3A_186, %parallel_loop3A_242], %parallel_loop3A_243 : memref<80x128xf32, #tpu.memory_space<vmem>>[vector<16xi32>, vector<16xi32>], vector<16xf32>,
      %parallel_loop3A_244 = arith.index_cast %parallel_loop3A_181 : i32 to index
      %parallel_loop3A_245 = arith.constant 96 : index
      %parallel_loop3A_246 = tpu.vector_load %arg10[%parallel_loop3A_244, %parallel_loop3A_245] {strides = array<i32>} : memref<80x128xbf16, #tpu.memory_space<vmem>>, vector<32xbf16>,
      %parallel_loop3A_247 = tpu.unpack_subelements %parallel_loop3A_246, 0 {pack_format = #tpu.pack_format<interleaved>} : vector<32xbf16> -> vector<16xf32>
      %parallel_loop3A_248 = tpu.unpack_subelements %parallel_loop3A_246, 1 {pack_format = #tpu.pack_format<interleaved>} : vector<32xbf16> -> vector<16xf32>
      %parallel_loop3A_249 = arith.constant 2 : i32
      %parallel_loop3A_250 = vector.broadcast %parallel_loop3A_249 : i32 to vector<16xi32>
      %parallel_loop3A_251 = arith.muli %parallel_loop3A_250, %iota3A : vector<16xi32>
      %parallel_loop3A_252 = arith.constant 96 : i32
      %parallel_loop3A_253 = vector.broadcast %parallel_loop3A_252 : i32 to vector<16xi32>
      %parallel_loop3A_254 = arith.addi %parallel_loop3A_253, %parallel_loop3A_251 : vector<16xi32>
      %parallel_loop3A_255 = arith.mulf %parallel_loop3A_247, %parallel_loop3A_185 : vector<16xf32>
      tpu.vector_store_idx %arg14[%parallel_loop3A_186, %parallel_loop3A_254], %parallel_loop3A_255 : memref<80x128xf32, #tpu.memory_space<vmem>>[vector<16xi32>, vector<16xi32>], vector<16xf32>,
      %parallel_loop3A_256 = arith.constant 2 : i32
      %parallel_loop3A_257 = vector.broadcast %parallel_loop3A_256 : i32 to vector<16xi32>
      %parallel_loop3A_258 = arith.muli %parallel_loop3A_257, %iota3A : vector<16xi32>
      %parallel_loop3A_259 = arith.constant 97 : i32
      %parallel_loop3A_260 = vector.broadcast %parallel_loop3A_259 : i32 to vector<16xi32>
      %parallel_loop3A_261 = arith.addi %parallel_loop3A_260, %parallel_loop3A_258 : vector<16xi32>
      %parallel_loop3A_262 = arith.mulf %parallel_loop3A_248, %parallel_loop3A_185 : vector<16xf32>
      tpu.vector_store_idx %arg14[%parallel_loop3A_186, %parallel_loop3A_261], %parallel_loop3A_262 : memref<80x128xf32, #tpu.memory_space<vmem>>[vector<16xi32>, vector<16xi32>], vector<16xf32>,
    } {sc.loop_unroll_factor = 2 : i64, sc.parallel_access}
    %dma_start3A_58 = arith.constant 0 : i32
    %dma_start3A_59 = arith.constant 0 : i32
    %dma_start3A_60 = tpu.memref_slice %arg8[%dma_start3A_58, %dma_start3A_59] : memref<20x80xi32, #tpu.memory_space<vmem>> -> memref<1x80xi32, #tpu.memory_space<vmem>>
    %dma_start3A_61 = tpu.memref_squeeze %dma_start3A_60 : memref<1x80xi32, #tpu.memory_space<vmem>> -> memref<80xi32, #tpu.memory_space<vmem>>
    %dma_start3A_62 = arith.constant 0 : i32
    %dma_start3A_63 = arith.constant 0 : i32
    %dma_start3A_64 = tpu.memref_slice %arg16[%dma_start3A_62, %dma_start3A_63] : memref<10000x128xf32, #tpu.memory_space<vmem_shared>> -> memref<10000x128xf32, #tpu.memory_space<vmem_shared>>
    tpu.enqueue_indirect_dma source(%arg14 : memref<80x128xf32, #tpu.memory_space<vmem>>) target(%dma_start3A_64 : memref<10000x128xf32, #tpu.memory_space<vmem_shared>>) offsets(%dma_start3A_61 : memref<80xi32, #tpu.memory_space<vmem>>) semaphore(%arg21 : memref<!tpu.dma_semaphore, #tpu.memory_space<semaphore_mem>>) {add = true}
    %dma_start3A_65 = arith.constant 4 : i32
    %dma_start3A_66 = arith.constant 0 : i32
    %dma_start3A_67 = tpu.memref_slice %arg7[%dma_start3A_65, %dma_start3A_66] : memref<20x80xi32, #tpu.memory_space<vmem>> -> memref<1x80xi32, #tpu.memory_space<vmem>>
    %dma_start3A_68 = tpu.memref_squeeze %dma_start3A_67 : memref<1x80xi32, #tpu.memory_space<vmem>> -> memref<80xi32, #tpu.memory_space<vmem>>
    %dma_start3A_69 = arith.constant 0 : i32
    %dma_start3A_70 = arith.constant 0 : i32
    %dma_start3A_71 = tpu.memref_slice %arg2[%dma_start3A_69, %dma_start3A_70] : memref<10000x128xbf16, #tpu.memory_space<hbm>> -> memref<10000x128xbf16, #tpu.memory_space<hbm>>
    tpu.enqueue_indirect_dma source(%dma_start3A_71 : memref<10000x128xbf16, #tpu.memory_space<hbm>>) target(%arg10 : memref<80x128xbf16, #tpu.memory_space<vmem>>) offsets(%dma_start3A_68 : memref<80xi32, #tpu.memory_space<vmem>>) semaphore(%arg17 : memref<!tpu.dma_semaphore, #tpu.memory_space<semaphore_mem>>)
    %dma_wait3A_72 = arith.constant 0 : i32
    %dma_wait3A_73 = arith.constant 0 : i32
    %dma_wait3A_74 = tpu.memref_slice %arg7[%dma_wait3A_72, %dma_wait3A_73] : memref<20x80xi32, #tpu.memory_space<vmem>> -> memref<1x80xi32, #tpu.memory_space<vmem>>
    %dma_wait3A_75 = tpu.memref_squeeze %dma_wait3A_74 : memref<1x80xi32, #tpu.memory_space<vmem>> -> memref<80xi32, #tpu.memory_space<vmem>>
    %dma_wait3A_76 = arith.constant 0 : i32
    %dma_wait3A_77 = arith.constant 0 : i32
    %dma_wait3A_78 = tpu.memref_slice %arg2[%dma_wait3A_76, %dma_wait3A_77] : memref<10000x128xbf16, #tpu.memory_space<hbm>> -> memref<10000x128xbf16, #tpu.memory_space<hbm>>
    tpu.wait_indirect_dma semaphore(%arg18 : memref<!tpu.dma_semaphore, #tpu.memory_space<semaphore_mem>>) src(%dma_wait3A_78 : memref<10000x128xbf16, #tpu.memory_space<hbm>>) dst(%arg11 : memref<80x128xbf16, #tpu.memory_space<vmem>>)
    %parallel_loop3A_79 = arith.constant 0 : i32
    %parallel_loop3A_80 = arith.constant 80 : i32
    %parallel_loop3A_81 = arith.constant 1 : i32
    scf.for %parallel_loop3A_181 = %parallel_loop3A_79 to %parallel_loop3A_80 step %parallel_loop3A_81  : i32 {
      %parallel_loop3A_182 = arith.constant 80 : i32
      %parallel_loop3A_183 = arith.addi %parallel_loop3A_182, %parallel_loop3A_181 : i32
      %parallel_loop3A_184 = vector.broadcast %parallel_loop3A_183 : i32 to vector<16xi32>
      %parallel_loop3A_185 = tpu.vector_load_idx %arg9[%parallel_loop3A_184] : memref<1600xf32, #tpu.memory_space<vmem>>[vector<16xi32>], vector<16xf32>,
      %parallel_loop3A_186 = vector.broadcast %parallel_loop3A_181 : i32 to vector<16xi32>
      %parallel_loop3A_187 = arith.index_cast %parallel_loop3A_181 : i32 to index
      %parallel_loop3A_188 = arith.constant 0 : index
      %parallel_loop3A_189 = tpu.vector_load %arg11[%parallel_loop3A_187, %parallel_loop3A_188] {strides = array<i32>} : memref<80x128xbf16, #tpu.memory_space<vmem>>, vector<32xbf16>,
      %parallel_loop3A_190 = tpu.unpack_subelements %parallel_loop3A_189, 0 {pack_format = #tpu.pack_format<interleaved>} : vector<32xbf16> -> vector<16xf32>
      %parallel_loop3A_191 = tpu.unpack_subelements %parallel_loop3A_189, 1 {pack_format = #tpu.pack_format<interleaved>} : vector<32xbf16> -> vector<16xf32>
      %parallel_loop3A_192 = arith.constant 2 : i32
      %parallel_loop3A_193 = vector.broadcast %parallel_loop3A_192 : i32 to vector<16xi32>
      %parallel_loop3A_194 = arith.muli %parallel_loop3A_193, %iota3A : vector<16xi32>
      %parallel_loop3A_195 = arith.constant 0 : i32
      %parallel_loop3A_196 = vector.broadcast %parallel_loop3A_195 : i32 to vector<16xi32>
      %parallel_loop3A_197 = arith.addi %parallel_loop3A_196, %parallel_loop3A_194 : vector<16xi32>
      %parallel_loop3A_198 = arith.mulf %parallel_loop3A_190, %parallel_loop3A_185 : vector<16xf32>
      tpu.vector_store_idx %arg15[%parallel_loop3A_186, %parallel_loop3A_197], %parallel_loop3A_198 : memref<80x128xf32, #tpu.memory_space<vmem>>[vector<16xi32>, vector<16xi32>], vector<16xf32>,
      %parallel_loop3A_199 = arith.constant 2 : i32
      %parallel_loop3A_200 = vector.broadcast %parallel_loop3A_199 : i32 to vector<16xi32>
      %parallel_loop3A_201 = arith.muli %parallel_loop3A_200, %iota3A : vector<16xi32>
      %parallel_loop3A_202 = arith.constant 1 : i32
      %parallel_loop3A_203 = vector.broadcast %parallel_loop3A_202 : i32 to vector<16xi32>
      %parallel_loop3A_204 = arith.addi %parallel_loop3A_203, %parallel_loop3A_201 : vector<16xi32>
      %parallel_loop3A_205 = arith.mulf %parallel_loop3A_191, %parallel_loop3A_185 : vector<16xf32>
      tpu.vector_store_idx %arg15[%parallel_loop3A_186, %parallel_loop3A_204], %parallel_loop3A_205 : memref<80x128xf32, #tpu.memory_space<vmem>>[vector<16xi32>, vector<16xi32>], vector<16xf32>,
      %parallel_loop3A_206 = arith.index_cast %parallel_loop3A_181 : i32 to index
      %parallel_loop3A_207 = arith.constant 32 : index
      %parallel_loop3A_208 = tpu.vector_load %arg11[%parallel_loop3A_206, %parallel_loop3A_207] {strides = array<i32>} : memref<80x128xbf16, #tpu.memory_space<vmem>>, vector<32xbf16>,
      %parallel_loop3A_209 = tpu.unpack_subelements %parallel_loop3A_208, 0 {pack_format = #tpu.pack_format<interleaved>} : vector<32xbf16> -> vector<16xf32>
      %parallel_loop3A_210 = tpu.unpack_subelements %parallel_loop3A_208, 1 {pack_format = #tpu.pack_format<interleaved>} : vector<32xbf16> -> vector<16xf32>
      %parallel_loop3A_211 = arith.constant 2 : i32
      %parallel_loop3A_212 = vector.broadcast %parallel_loop3A_211 : i32 to vector<16xi32>
      %parallel_loop3A_213 = arith.muli %parallel_loop3A_212, %iota3A : vector<16xi32>
      %parallel_loop3A_214 = arith.constant 32 : i32
      %parallel_loop3A_215 = vector.broadcast %parallel_loop3A_214 : i32 to vector<16xi32>
      %parallel_loop3A_216 = arith.addi %parallel_loop3A_215, %parallel_loop3A_213 : vector<16xi32>
      %parallel_loop3A_217 = arith.mulf %parallel_loop3A_209, %parallel_loop3A_185 : vector<16xf32>
      tpu.vector_store_idx %arg15[%parallel_loop3A_186, %parallel_loop3A_216], %parallel_loop3A_217 : memref<80x128xf32, #tpu.memory_space<vmem>>[vector<16xi32>, vector<16xi32>], vector<16xf32>,
      %parallel_loop3A_218 = arith.constant 2 : i32
      %parallel_loop3A_219 = vector.broadcast %parallel_loop3A_218 : i32 to vector<16xi32>
      %parallel_loop3A_220 = arith.muli %parallel_loop3A_219, %iota3A : vector<16xi32>
      %parallel_loop3A_221 = arith.constant 33 : i32
      %parallel_loop3A_222 = vector.broadcast %parallel_loop3A_221 : i32 to vector<16xi32>
      %parallel_loop3A_223 = arith.addi %parallel_loop3A_222, %parallel_loop3A_220 : vector<16xi32>
      %parallel_loop3A_224 = arith.mulf %parallel_loop3A_210, %parallel_loop3A_185 : vector<16xf32>
      tpu.vector_store_idx %arg15[%parallel_loop3A_186, %parallel_loop3A_223], %parallel_loop3A_224 : memref<80x128xf32, #tpu.memory_space<vmem>>[vector<16xi32>, vector<16xi32>], vector<16xf32>,
      %parallel_loop3A_225 = arith.index_cast %parallel_loop3A_181 : i32 to index
      %parallel_loop3A_226 = arith.constant 64 : index
      %parallel_loop3A_227 = tpu.vector_load %arg11[%parallel_loop3A_225, %parallel_loop3A_226] {strides = array<i32>} : memref<80x128xbf16, #tpu.memory_space<vmem>>, vector<32xbf16>,
      %parallel_loop3A_228 = tpu.unpack_subelements %parallel_loop3A_227, 0 {pack_format = #tpu.pack_format<interleaved>} : vector<32xbf16> -> vector<16xf32>
      %parallel_loop3A_229 = tpu.unpack_subelements %parallel_loop3A_227, 1 {pack_format = #tpu.pack_format<interleaved>} : vector<32xbf16> -> vector<16xf32>
      %parallel_loop3A_230 = arith.constant 2 : i32
      %parallel_loop3A_231 = vector.broadcast %parallel_loop3A_230 : i32 to vector<16xi32>
      %parallel_loop3A_232 = arith.muli %parallel_loop3A_231, %iota3A : vector<16xi32>
      %parallel_loop3A_233 = arith.constant 64 : i32
      %parallel_loop3A_234 = vector.broadcast %parallel_loop3A_233 : i32 to vector<16xi32>
      %parallel_loop3A_235 = arith.addi %parallel_loop3A_234, %parallel_loop3A_232 : vector<16xi32>
      %parallel_loop3A_236 = arith.mulf %parallel_loop3A_228, %parallel_loop3A_185 : vector<16xf32>
      tpu.vector_store_idx %arg15[%parallel_loop3A_186, %parallel_loop3A_235], %parallel_loop3A_236 : memref<80x128xf32, #tpu.memory_space<vmem>>[vector<16xi32>, vector<16xi32>], vector<16xf32>,
      %parallel_loop3A_237 = arith.constant 2 : i32
      %parallel_loop3A_238 = vector.broadcast %parallel_loop3A_237 : i32 to vector<16xi32>
      %parallel_loop3A_239 = arith.muli %parallel_loop3A_238, %iota3A : vector<16xi32>
      %parallel_loop3A_240 = arith.constant 65 : i32
      %parallel_loop3A_241 = vector.broadcast %parallel_loop3A_240 : i32 to vector<16xi32>
      %parallel_loop3A_242 = arith.addi %parallel_loop3A_241, %parallel_loop3A_239 : vector<16xi32>
      %parallel_loop3A_243 = arith.mulf %parallel_loop3A_229, %parallel_loop3A_185 : vector<16xf32>
      tpu.vector_store_idx %arg15[%parallel_loop3A_186, %parallel_loop3A_242], %parallel_loop3A_243 : memref<80x128xf32, #tpu.memory_space<vmem>>[vector<16xi32>, vector<16xi32>], vector<16xf32>,
      %parallel_loop3A_244 = arith.index_cast %parallel_loop3A_181 : i32 to index
      %parallel_loop3A_245 = arith.constant 96 : index
      %parallel_loop3A_246 = tpu.vector_load %arg11[%parallel_loop3A_244, %parallel_loop3A_245] {strides = array<i32>} : memref<80x128xbf16, #tpu.memory_space<vmem>>, vector<32xbf16>,
      %parallel_loop3A_247 = tpu.unpack_subelements %parallel_loop3A_246, 0 {pack_format = #tpu.pack_format<interleaved>} : vector<32xbf16> -> vector<16xf32>
      %parallel_loop3A_248 = tpu.unpack_subelements %parallel_loop3A_246, 1 {pack_format = #tpu.pack_format<interleaved>} : vector<32xbf16> -> vector<16xf32>
      %parallel_loop3A_249 = arith.constant 2 : i32
      %parallel_loop3A_250 = vector.broadcast %parallel_loop3A_249 : i32 to vector<16xi32>
      %parallel_loop3A_251 = arith.muli %parallel_loop3A_250, %iota3A : vector<16xi32>
      %parallel_loop3A_252 = arith.constant 96 : i32
      %parallel_loop3A_253 = vector.broadcast %parallel_loop3A_252 : i32 to vector<16xi32>
      %parallel_loop3A_254 = arith.addi %parallel_loop3A_253, %parallel_loop3A_251 : vector<16xi32>
      %parallel_loop3A_255 = arith.mulf %parallel_loop3A_247, %parallel_loop3A_185 : vector<16xf32>
      tpu.vector_store_idx %arg15[%parallel_loop3A_186, %parallel_loop3A_254], %parallel_loop3A_255 : memref<80x128xf32, #tpu.memory_space<vmem>>[vector<16xi32>, vector<16xi32>], vector<16xf32>,
      %parallel_loop3A_256 = arith.constant 2 : i32
      %parallel_loop3A_257 = vector.broadcast %parallel_loop3A_256 : i32 to vector<16xi32>
      %parallel_loop3A_258 = arith.muli %parallel_loop3A_257, %iota3A : vector<16xi32>
      %parallel_loop3A_259 = arith.constant 97 : i32
      %parallel_loop3A_260 = vector.broadcast %parallel_loop3A_259 : i32 to vector<16xi32>
      %parallel_loop3A_261 = arith.addi %parallel_loop3A_260, %parallel_loop3A_258 : vector<16xi32>
      %parallel_loop3A_262 = arith.mulf %parallel_loop3A_248, %parallel_loop3A_185 : vector<16xf32>
      tpu.vector_store_idx %arg15[%parallel_loop3A_186, %parallel_loop3A_261], %parallel_loop3A_262 : memref<80x128xf32, #tpu.memory_space<vmem>>[vector<16xi32>, vector<16xi32>], vector<16xf32>,
    } {sc.loop_unroll_factor = 2 : i64, sc.parallel_access}
    %dma_start3A_82 = arith.constant 1 : i32
    %dma_start3A_83 = arith.constant 0 : i32
    %dma_start3A_84 = tpu.memref_slice %arg8[%dma_start3A_82, %dma_start3A_83] : memref<20x80xi32, #tpu.memory_space<vmem>> -> memref<1x80xi32, #tpu.memory_space<vmem>>
    %dma_start3A_85 = tpu.memref_squeeze %dma_start3A_84 : memref<1x80xi32, #tpu.memory_space<vmem>> -> memref<80xi32, #tpu.memory_space<vmem>>
    %dma_start3A_86 = arith.constant 0 : i32
    %dma_start3A_87 = arith.constant 0 : i32
    %dma_start3A_88 = tpu.memref_slice %arg16[%dma_start3A_86, %dma_start3A_87] : memref<10000x128xf32, #tpu.memory_space<vmem_shared>> -> memref<10000x128xf32, #tpu.memory_space<vmem_shared>>
    tpu.enqueue_indirect_dma source(%arg15 : memref<80x128xf32, #tpu.memory_space<vmem>>) target(%dma_start3A_88 : memref<10000x128xf32, #tpu.memory_space<vmem_shared>>) offsets(%dma_start3A_85 : memref<80xi32, #tpu.memory_space<vmem>>) semaphore(%arg22 : memref<!tpu.dma_semaphore, #tpu.memory_space<semaphore_mem>>) {add = true}
    %dma_wait3A_89 = arith.constant 0 : i32
    %dma_wait3A_90 = arith.constant 0 : i32
    %dma_wait3A_91 = tpu.memref_slice %arg7[%dma_wait3A_89, %dma_wait3A_90] : memref<20x80xi32, #tpu.memory_space<vmem>> -> memref<1x80xi32, #tpu.memory_space<vmem>>
    %dma_wait3A_92 = tpu.memref_squeeze %dma_wait3A_91 : memref<1x80xi32, #tpu.memory_space<vmem>> -> memref<80xi32, #tpu.memory_space<vmem>>
    %dma_wait3A_93 = arith.constant 0 : i32
    %dma_wait3A_94 = arith.constant 0 : i32
    %dma_wait3A_95 = tpu.memref_slice %arg2[%dma_wait3A_93, %dma_wait3A_94] : memref<10000x128xbf16, #tpu.memory_space<hbm>> -> memref<10000x128xbf16, #tpu.memory_space<hbm>>
    tpu.wait_indirect_dma semaphore(%arg19 : memref<!tpu.dma_semaphore, #tpu.memory_space<semaphore_mem>>) src(%dma_wait3A_95 : memref<10000x128xbf16, #tpu.memory_space<hbm>>) dst(%arg12 : memref<80x128xbf16, #tpu.memory_space<vmem>>)
    %dma_wait3A_96 = arith.constant 0 : i32
    %dma_wait3A_97 = arith.constant 0 : i32
    %dma_wait3A_98 = tpu.memref_slice %arg8[%dma_wait3A_96, %dma_wait3A_97] : memref<20x80xi32, #tpu.memory_space<vmem>> -> memref<1x80xi32, #tpu.memory_space<vmem>>
    %dma_wait3A_99 = tpu.memref_squeeze %dma_wait3A_98 : memref<1x80xi32, #tpu.memory_space<vmem>> -> memref<80xi32, #tpu.memory_space<vmem>>
    %dma_wait3A_100 = arith.constant 0 : i32
    %dma_wait3A_101 = arith.constant 0 : i32
    %dma_wait3A_102 = tpu.memref_slice %arg16[%dma_wait3A_100, %dma_wait3A_101] : memref<10000x128xf32, #tpu.memory_space<vmem_shared>> -> memref<10000x128xf32, #tpu.memory_space<vmem_shared>>
    tpu.wait_indirect_dma semaphore(%arg21 : memref<!tpu.dma_semaphore, #tpu.memory_space<semaphore_mem>>) src(%arg14 : memref<80x128xf32, #tpu.memory_space<vmem>>) dst(%dma_wait3A_102 : memref<10000x128xf32, #tpu.memory_space<vmem_shared>>)
    %parallel_loop3A_103 = arith.constant 0 : i32
    %parallel_loop3A_104 = arith.constant 80 : i32
    %parallel_loop3A_105 = arith.constant 1 : i32
    scf.for %parallel_loop3A_181 = %parallel_loop3A_103 to %parallel_loop3A_104 step %parallel_loop3A_105  : i32 {
      %parallel_loop3A_182 = arith.constant 160 : i32
      %parallel_loop3A_183 = arith.addi %parallel_loop3A_182, %parallel_loop3A_181 : i32
      %parallel_loop3A_184 = vector.broadcast %parallel_loop3A_183 : i32 to vector<16xi32>
      %parallel_loop3A_185 = tpu.vector_load_idx %arg9[%parallel_loop3A_184] : memref<1600xf32, #tpu.memory_space<vmem>>[vector<16xi32>], vector<16xf32>,
      %parallel_loop3A_186 = vector.broadcast %parallel_loop3A_181 : i32 to vector<16xi32>
      %parallel_loop3A_187 = arith.index_cast %parallel_loop3A_181 : i32 to index
      %parallel_loop3A_188 = arith.constant 0 : index
      %parallel_loop3A_189 = tpu.vector_load %arg12[%parallel_loop3A_187, %parallel_loop3A_188] {strides = array<i32>} : memref<80x128xbf16, #tpu.memory_space<vmem>>, vector<32xbf16>,
      %parallel_loop3A_190 = tpu.unpack_subelements %parallel_loop3A_189, 0 {pack_format = #tpu.pack_format<interleaved>} : vector<32xbf16> -> vector<16xf32>
      %parallel_loop3A_191 = tpu.unpack_subelements %parallel_loop3A_189, 1 {pack_format = #tpu.pack_format<interleaved>} : vector<32xbf16> -> vector<16xf32>
      %parallel_loop3A_192 = arith.constant 2 : i32
      %parallel_loop3A_193 = vector.broadcast %parallel_loop3A_192 : i32 to vector<16xi32>
      %parallel_loop3A_194 = arith.muli %parallel_loop3A_193, %iota3A : vector<16xi32>
      %parallel_loop3A_195 = arith.constant 0 : i32
      %parallel_loop3A_196 = vector.broadcast %parallel_loop3A_195 : i32 to vector<16xi32>
      %parallel_loop3A_197 = arith.addi %parallel_loop3A_196, %parallel_loop3A_194 : vector<16xi32>
      %parallel_loop3A_198 = arith.mulf %parallel_loop3A_190, %parallel_loop3A_185 : vector<16xf32>
      tpu.vector_store_idx %arg14[%parallel_loop3A_186, %parallel_loop3A_197], %parallel_loop3A_198 : memref<80x128xf32, #tpu.memory_space<vmem>>[vector<16xi32>, vector<16xi32>], vector<16xf32>,
      %parallel_loop3A_199 = arith.constant 2 : i32
      %parallel_loop3A_200 = vector.broadcast %parallel_loop3A_199 : i32 to vector<16xi32>
      %parallel_loop3A_201 = arith.muli %parallel_loop3A_200, %iota3A : vector<16xi32>
      %parallel_loop3A_202 = arith.constant 1 : i32
      %parallel_loop3A_203 = vector.broadcast %parallel_loop3A_202 : i32 to vector<16xi32>
      %parallel_loop3A_204 = arith.addi %parallel_loop3A_203, %parallel_loop3A_201 : vector<16xi32>
      %parallel_loop3A_205 = arith.mulf %parallel_loop3A_191, %parallel_loop3A_185 : vector<16xf32>
      tpu.vector_store_idx %arg14[%parallel_loop3A_186, %parallel_loop3A_204], %parallel_loop3A_205 : memref<80x128xf32, #tpu.memory_space<vmem>>[vector<16xi32>, vector<16xi32>], vector<16xf32>,
      %parallel_loop3A_206 = arith.index_cast %parallel_loop3A_181 : i32 to index
      %parallel_loop3A_207 = arith.constant 32 : index
      %parallel_loop3A_208 = tpu.vector_load %arg12[%parallel_loop3A_206, %parallel_loop3A_207] {strides = array<i32>} : memref<80x128xbf16, #tpu.memory_space<vmem>>, vector<32xbf16>,
      %parallel_loop3A_209 = tpu.unpack_subelements %parallel_loop3A_208, 0 {pack_format = #tpu.pack_format<interleaved>} : vector<32xbf16> -> vector<16xf32>
      %parallel_loop3A_210 = tpu.unpack_subelements %parallel_loop3A_208, 1 {pack_format = #tpu.pack_format<interleaved>} : vector<32xbf16> -> vector<16xf32>
      %parallel_loop3A_211 = arith.constant 2 : i32
      %parallel_loop3A_212 = vector.broadcast %parallel_loop3A_211 : i32 to vector<16xi32>
      %parallel_loop3A_213 = arith.muli %parallel_loop3A_212, %iota3A : vector<16xi32>
      %parallel_loop3A_214 = arith.constant 32 : i32
      %parallel_loop3A_215 = vector.broadcast %parallel_loop3A_214 : i32 to vector<16xi32>
      %parallel_loop3A_216 = arith.addi %parallel_loop3A_215, %parallel_loop3A_213 : vector<16xi32>
      %parallel_loop3A_217 = arith.mulf %parallel_loop3A_209, %parallel_loop3A_185 : vector<16xf32>
      tpu.vector_store_idx %arg14[%parallel_loop3A_186, %parallel_loop3A_216], %parallel_loop3A_217 : memref<80x128xf32, #tpu.memory_space<vmem>>[vector<16xi32>, vector<16xi32>], vector<16xf32>,
      %parallel_loop3A_218 = arith.constant 2 : i32
      %parallel_loop3A_219 = vector.broadcast %parallel_loop3A_218 : i32 to vector<16xi32>
      %parallel_loop3A_220 = arith.muli %parallel_loop3A_219, %iota3A : vector<16xi32>
      %parallel_loop3A_221 = arith.constant 33 : i32
      %parallel_loop3A_222 = vector.broadcast %parallel_loop3A_221 : i32 to vector<16xi32>
      %parallel_loop3A_223 = arith.addi %parallel_loop3A_222, %parallel_loop3A_220 : vector<16xi32>
      %parallel_loop3A_224 = arith.mulf %parallel_loop3A_210, %parallel_loop3A_185 : vector<16xf32>
      tpu.vector_store_idx %arg14[%parallel_loop3A_186, %parallel_loop3A_223], %parallel_loop3A_224 : memref<80x128xf32, #tpu.memory_space<vmem>>[vector<16xi32>, vector<16xi32>], vector<16xf32>,
      %parallel_loop3A_225 = arith.index_cast %parallel_loop3A_181 : i32 to index
      %parallel_loop3A_226 = arith.constant 64 : index
      %parallel_loop3A_227 = tpu.vector_load %arg12[%parallel_loop3A_225, %parallel_loop3A_226] {strides = array<i32>} : memref<80x128xbf16, #tpu.memory_space<vmem>>, vector<32xbf16>,
      %parallel_loop3A_228 = tpu.unpack_subelements %parallel_loop3A_227, 0 {pack_format = #tpu.pack_format<interleaved>} : vector<32xbf16> -> vector<16xf32>
      %parallel_loop3A_229 = tpu.unpack_subelements %parallel_loop3A_227, 1 {pack_format = #tpu.pack_format<interleaved>} : vector<32xbf16> -> vector<16xf32>
      %parallel_loop3A_230 = arith.constant 2 : i32
      %parallel_loop3A_231 = vector.broadcast %parallel_loop3A_230 : i32 to vector<16xi32>
      %parallel_loop3A_232 = arith.muli %parallel_loop3A_231, %iota3A : vector<16xi32>
      %parallel_loop3A_233 = arith.constant 64 : i32
      %parallel_loop3A_234 = vector.broadcast %parallel_loop3A_233 : i32 to vector<16xi32>
      %parallel_loop3A_235 = arith.addi %parallel_loop3A_234, %parallel_loop3A_232 : vector<16xi32>
      %parallel_loop3A_236 = arith.mulf %parallel_loop3A_228, %parallel_loop3A_185 : vector<16xf32>
      tpu.vector_store_idx %arg14[%parallel_loop3A_186, %parallel_loop3A_235], %parallel_loop3A_236 : memref<80x128xf32, #tpu.memory_space<vmem>>[vector<16xi32>, vector<16xi32>], vector<16xf32>,
      %parallel_loop3A_237 = arith.constant 2 : i32
      %parallel_loop3A_238 = vector.broadcast %parallel_loop3A_237 : i32 to vector<16xi32>
      %parallel_loop3A_239 = arith.muli %parallel_loop3A_238, %iota3A : vector<16xi32>
      %parallel_loop3A_240 = arith.constant 65 : i32
      %parallel_loop3A_241 = vector.broadcast %parallel_loop3A_240 : i32 to vector<16xi32>
      %parallel_loop3A_242 = arith.addi %parallel_loop3A_241, %parallel_loop3A_239 : vector<16xi32>
      %parallel_loop3A_243 = arith.mulf %parallel_loop3A_229, %parallel_loop3A_185 : vector<16xf32>
      tpu.vector_store_idx %arg14[%parallel_loop3A_186, %parallel_loop3A_242], %parallel_loop3A_243 : memref<80x128xf32, #tpu.memory_space<vmem>>[vector<16xi32>, vector<16xi32>], vector<16xf32>,
      %parallel_loop3A_244 = arith.index_cast %parallel_loop3A_181 : i32 to index
      %parallel_loop3A_245 = arith.constant 96 : index
      %parallel_loop3A_246 = tpu.vector_load %arg12[%parallel_loop3A_244, %parallel_loop3A_245] {strides = array<i32>} : memref<80x128xbf16, #tpu.memory_space<vmem>>, vector<32xbf16>,
      %parallel_loop3A_247 = tpu.unpack_subelements %parallel_loop3A_246, 0 {pack_format = #tpu.pack_format<interleaved>} : vector<32xbf16> -> vector<16xf32>
      %parallel_loop3A_248 = tpu.unpack_subelements %parallel_loop3A_246, 1 {pack_format = #tpu.pack_format<interleaved>} : vector<32xbf16> -> vector<16xf32>
      %parallel_loop3A_249 = arith.constant 2 : i32
      %parallel_loop3A_250 = vector.broadcast %parallel_loop3A_249 : i32 to vector<16xi32>
      %parallel_loop3A_251 = arith.muli %parallel_loop3A_250, %iota3A : vector<16xi32>
      %parallel_loop3A_252 = arith.constant 96 : i32
      %parallel_loop3A_253 = vector.broadcast %parallel_loop3A_252 : i32 to vector<16xi32>
      %parallel_loop3A_254 = arith.addi %parallel_loop3A_253, %parallel_loop3A_251 : vector<16xi32>
      %parallel_loop3A_255 = arith.mulf %parallel_loop3A_247, %parallel_loop3A_185 : vector<16xf32>
      tpu.vector_store_idx %arg14[%parallel_loop3A_186, %parallel_loop3A_254], %parallel_loop3A_255 : memref<80x128xf32, #tpu.memory_space<vmem>>[vector<16xi32>, vector<16xi32>], vector<16xf32>,
      %parallel_loop3A_256 = arith.constant 2 : i32
      %parallel_loop3A_257 = vector.broadcast %parallel_loop3A_256 : i32 to vector<16xi32>
      %parallel_loop3A_258 = arith.muli %parallel_loop3A_257, %iota3A : vector<16xi32>
      %parallel_loop3A_259 = arith.constant 97 : i32
      %parallel_loop3A_260 = vector.broadcast %parallel_loop3A_259 : i32 to vector<16xi32>
      %parallel_loop3A_261 = arith.addi %parallel_loop3A_260, %parallel_loop3A_258 : vector<16xi32>
      %parallel_loop3A_262 = arith.mulf %parallel_loop3A_248, %parallel_loop3A_185 : vector<16xf32>
      tpu.vector_store_idx %arg14[%parallel_loop3A_186, %parallel_loop3A_261], %parallel_loop3A_262 : memref<80x128xf32, #tpu.memory_space<vmem>>[vector<16xi32>, vector<16xi32>], vector<16xf32>,
    } {sc.loop_unroll_factor = 2 : i64, sc.parallel_access}
    %dma_start3A_106 = arith.constant 2 : i32
    %dma_start3A_107 = arith.constant 0 : i32
    %dma_start3A_108 = tpu.memref_slice %arg8[%dma_start3A_106, %dma_start3A_107] : memref<20x80xi32, #tpu.memory_space<vmem>> -> memref<1x80xi32, #tpu.memory_space<vmem>>
    %dma_start3A_109 = tpu.memref_squeeze %dma_start3A_108 : memref<1x80xi32, #tpu.memory_space<vmem>> -> memref<80xi32, #tpu.memory_space<vmem>>
    %dma_start3A_110 = arith.constant 0 : i32
    %dma_start3A_111 = arith.constant 0 : i32
    %dma_start3A_112 = tpu.memref_slice %arg16[%dma_start3A_110, %dma_start3A_111] : memref<10000x128xf32, #tpu.memory_space<vmem_shared>> -> memref<10000x128xf32, #tpu.memory_space<vmem_shared>>
    tpu.enqueue_indirect_dma source(%arg14 : memref<80x128xf32, #tpu.memory_space<vmem>>) target(%dma_start3A_112 : memref<10000x128xf32, #tpu.memory_space<vmem_shared>>) offsets(%dma_start3A_109 : memref<80xi32, #tpu.memory_space<vmem>>) semaphore(%arg21 : memref<!tpu.dma_semaphore, #tpu.memory_space<semaphore_mem>>) {add = true}
    %dma_wait3A_113 = arith.constant 0 : i32
    %dma_wait3A_114 = arith.constant 0 : i32
    %dma_wait3A_115 = tpu.memref_slice %arg7[%dma_wait3A_113, %dma_wait3A_114] : memref<20x80xi32, #tpu.memory_space<vmem>> -> memref<1x80xi32, #tpu.memory_space<vmem>>
    %dma_wait3A_116 = tpu.memref_squeeze %dma_wait3A_115 : memref<1x80xi32, #tpu.memory_space<vmem>> -> memref<80xi32, #tpu.memory_space<vmem>>
    %dma_wait3A_117 = arith.constant 0 : i32
    %dma_wait3A_118 = arith.constant 0 : i32
    %dma_wait3A_119 = tpu.memref_slice %arg2[%dma_wait3A_117, %dma_wait3A_118] : memref<10000x128xbf16, #tpu.memory_space<hbm>> -> memref<10000x128xbf16, #tpu.memory_space<hbm>>
    tpu.wait_indirect_dma semaphore(%arg20 : memref<!tpu.dma_semaphore, #tpu.memory_space<semaphore_mem>>) src(%dma_wait3A_119 : memref<10000x128xbf16, #tpu.memory_space<hbm>>) dst(%arg13 : memref<80x128xbf16, #tpu.memory_space<vmem>>)
    %dma_wait3A_120 = arith.constant 0 : i32
    %dma_wait3A_121 = arith.constant 0 : i32
    %dma_wait3A_122 = tpu.memref_slice %arg8[%dma_wait3A_120, %dma_wait3A_121] : memref<20x80xi32, #tpu.memory_space<vmem>> -> memref<1x80xi32, #tpu.memory_space<vmem>>
    %dma_wait3A_123 = tpu.memref_squeeze %dma_wait3A_122 : memref<1x80xi32, #tpu.memory_space<vmem>> -> memref<80xi32, #tpu.memory_space<vmem>>
    %dma_wait3A_124 = arith.constant 0 : i32
    %dma_wait3A_125 = arith.constant 0 : i32
    %dma_wait3A_126 = tpu.memref_slice %arg16[%dma_wait3A_124, %dma_wait3A_125] : memref<10000x128xf32, #tpu.memory_space<vmem_shared>> -> memref<10000x128xf32, #tpu.memory_space<vmem_shared>>
    tpu.wait_indirect_dma semaphore(%arg22 : memref<!tpu.dma_semaphore, #tpu.memory_space<semaphore_mem>>) src(%arg15 : memref<80x128xf32, #tpu.memory_space<vmem>>) dst(%dma_wait3A_126 : memref<10000x128xf32, #tpu.memory_space<vmem_shared>>)
    %parallel_loop3A_127 = arith.constant 0 : i32
    %parallel_loop3A_128 = arith.constant 80 : i32
    %parallel_loop3A_129 = arith.constant 1 : i32
    scf.for %parallel_loop3A_181 = %parallel_loop3A_127 to %parallel_loop3A_128 step %parallel_loop3A_129  : i32 {
      %parallel_loop3A_182 = arith.constant 240 : i32
      %parallel_loop3A_183 = arith.addi %parallel_loop3A_182, %parallel_loop3A_181 : i32
      %parallel_loop3A_184 = vector.broadcast %parallel_loop3A_183 : i32 to vector<16xi32>
      %parallel_loop3A_185 = tpu.vector_load_idx %arg9[%parallel_loop3A_184] : memref<1600xf32, #tpu.memory_space<vmem>>[vector<16xi32>], vector<16xf32>,
      %parallel_loop3A_186 = vector.broadcast %parallel_loop3A_181 : i32 to vector<16xi32>
      %parallel_loop3A_187 = arith.index_cast %parallel_loop3A_181 : i32 to index
      %parallel_loop3A_188 = arith.constant 0 : index
      %parallel_loop3A_189 = tpu.vector_load %arg13[%parallel_loop3A_187, %parallel_loop3A_188] {strides = array<i32>} : memref<80x128xbf16, #tpu.memory_space<vmem>>, vector<32xbf16>,
      %parallel_loop3A_190 = tpu.unpack_subelements %parallel_loop3A_189, 0 {pack_format = #tpu.pack_format<interleaved>} : vector<32xbf16> -> vector<16xf32>
      %parallel_loop3A_191 = tpu.unpack_subelements %parallel_loop3A_189, 1 {pack_format = #tpu.pack_format<interleaved>} : vector<32xbf16> -> vector<16xf32>
      %parallel_loop3A_192 = arith.constant 2 : i32
      %parallel_loop3A_193 = vector.broadcast %parallel_loop3A_192 : i32 to vector<16xi32>
      %parallel_loop3A_194 = arith.muli %parallel_loop3A_193, %iota3A : vector<16xi32>
      %parallel_loop3A_195 = arith.constant 0 : i32
      %parallel_loop3A_196 = vector.broadcast %parallel_loop3A_195 : i32 to vector<16xi32>
      %parallel_loop3A_197 = arith.addi %parallel_loop3A_196, %parallel_loop3A_194 : vector<16xi32>
      %parallel_loop3A_198 = arith.mulf %parallel_loop3A_190, %parallel_loop3A_185 : vector<16xf32>
      tpu.vector_store_idx %arg15[%parallel_loop3A_186, %parallel_loop3A_197], %parallel_loop3A_198 : memref<80x128xf32, #tpu.memory_space<vmem>>[vector<16xi32>, vector<16xi32>], vector<16xf32>,
      %parallel_loop3A_199 = arith.constant 2 : i32
      %parallel_loop3A_200 = vector.broadcast %parallel_loop3A_199 : i32 to vector<16xi32>
      %parallel_loop3A_201 = arith.muli %parallel_loop3A_200, %iota3A : vector<16xi32>
      %parallel_loop3A_202 = arith.constant 1 : i32
      %parallel_loop3A_203 = vector.broadcast %parallel_loop3A_202 : i32 to vector<16xi32>
      %parallel_loop3A_204 = arith.addi %parallel_loop3A_203, %parallel_loop3A_201 : vector<16xi32>
      %parallel_loop3A_205 = arith.mulf %parallel_loop3A_191, %parallel_loop3A_185 : vector<16xf32>
      tpu.vector_store_idx %arg15[%parallel_loop3A_186, %parallel_loop3A_204], %parallel_loop3A_205 : memref<80x128xf32, #tpu.memory_space<vmem>>[vector<16xi32>, vector<16xi32>], vector<16xf32>,
      %parallel_loop3A_206 = arith.index_cast %parallel_loop3A_181 : i32 to index
      %parallel_loop3A_207 = arith.constant 32 : index
      %parallel_loop3A_208 = tpu.vector_load %arg13[%parallel_loop3A_206, %parallel_loop3A_207] {strides = array<i32>} : memref<80x128xbf16, #tpu.memory_space<vmem>>, vector<32xbf16>,
      %parallel_loop3A_209 = tpu.unpack_subelements %parallel_loop3A_208, 0 {pack_format = #tpu.pack_format<interleaved>} : vector<32xbf16> -> vector<16xf32>
      %parallel_loop3A_210 = tpu.unpack_subelements %parallel_loop3A_208, 1 {pack_format = #tpu.pack_format<interleaved>} : vector<32xbf16> -> vector<16xf32>
      %parallel_loop3A_211 = arith.constant 2 : i32
      %parallel_loop3A_212 = vector.broadcast %parallel_loop3A_211 : i32 to vector<16xi32>
      %parallel_loop3A_213 = arith.muli %parallel_loop3A_212, %iota3A : vector<16xi32>
      %parallel_loop3A_214 = arith.constant 32 : i32
      %parallel_loop3A_215 = vector.broadcast %parallel_loop3A_214 : i32 to vector<16xi32>
      %parallel_loop3A_216 = arith.addi %parallel_loop3A_215, %parallel_loop3A_213 : vector<16xi32>
      %parallel_loop3A_217 = arith.mulf %parallel_loop3A_209, %parallel_loop3A_185 : vector<16xf32>
      tpu.vector_store_idx %arg15[%parallel_loop3A_186, %parallel_loop3A_216], %parallel_loop3A_217 : memref<80x128xf32, #tpu.memory_space<vmem>>[vector<16xi32>, vector<16xi32>], vector<16xf32>,
      %parallel_loop3A_218 = arith.constant 2 : i32
      %parallel_loop3A_219 = vector.broadcast %parallel_loop3A_218 : i32 to vector<16xi32>
      %parallel_loop3A_220 = arith.muli %parallel_loop3A_219, %iota3A : vector<16xi32>
      %parallel_loop3A_221 = arith.constant 33 : i32
      %parallel_loop3A_222 = vector.broadcast %parallel_loop3A_221 : i32 to vector<16xi32>
      %parallel_loop3A_223 = arith.addi %parallel_loop3A_222, %parallel_loop3A_220 : vector<16xi32>
      %parallel_loop3A_224 = arith.mulf %parallel_loop3A_210, %parallel_loop3A_185 : vector<16xf32>
      tpu.vector_store_idx %arg15[%parallel_loop3A_186, %parallel_loop3A_223], %parallel_loop3A_224 : memref<80x128xf32, #tpu.memory_space<vmem>>[vector<16xi32>, vector<16xi32>], vector<16xf32>,
      %parallel_loop3A_225 = arith.index_cast %parallel_loop3A_181 : i32 to index
      %parallel_loop3A_226 = arith.constant 64 : index
      %parallel_loop3A_227 = tpu.vector_load %arg13[%parallel_loop3A_225, %parallel_loop3A_226] {strides = array<i32>} : memref<80x128xbf16, #tpu.memory_space<vmem>>, vector<32xbf16>,
      %parallel_loop3A_228 = tpu.unpack_subelements %parallel_loop3A_227, 0 {pack_format = #tpu.pack_format<interleaved>} : vector<32xbf16> -> vector<16xf32>
      %parallel_loop3A_229 = tpu.unpack_subelements %parallel_loop3A_227, 1 {pack_format = #tpu.pack_format<interleaved>} : vector<32xbf16> -> vector<16xf32>
      %parallel_loop3A_230 = arith.constant 2 : i32
      %parallel_loop3A_231 = vector.broadcast %parallel_loop3A_230 : i32 to vector<16xi32>
      %parallel_loop3A_232 = arith.muli %parallel_loop3A_231, %iota3A : vector<16xi32>
      %parallel_loop3A_233 = arith.constant 64 : i32
      %parallel_loop3A_234 = vector.broadcast %parallel_loop3A_233 : i32 to vector<16xi32>
      %parallel_loop3A_235 = arith.addi %parallel_loop3A_234, %parallel_loop3A_232 : vector<16xi32>
      %parallel_loop3A_236 = arith.mulf %parallel_loop3A_228, %parallel_loop3A_185 : vector<16xf32>
      tpu.vector_store_idx %arg15[%parallel_loop3A_186, %parallel_loop3A_235], %parallel_loop3A_236 : memref<80x128xf32, #tpu.memory_space<vmem>>[vector<16xi32>, vector<16xi32>], vector<16xf32>,
      %parallel_loop3A_237 = arith.constant 2 : i32
      %parallel_loop3A_238 = vector.broadcast %parallel_loop3A_237 : i32 to vector<16xi32>
      %parallel_loop3A_239 = arith.muli %parallel_loop3A_238, %iota3A : vector<16xi32>
      %parallel_loop3A_240 = arith.constant 65 : i32
      %parallel_loop3A_241 = vector.broadcast %parallel_loop3A_240 : i32 to vector<16xi32>
      %parallel_loop3A_242 = arith.addi %parallel_loop3A_241, %parallel_loop3A_239 : vector<16xi32>
      %parallel_loop3A_243 = arith.mulf %parallel_loop3A_229, %parallel_loop3A_185 : vector<16xf32>
      tpu.vector_store_idx %arg15[%parallel_loop3A_186, %parallel_loop3A_242], %parallel_loop3A_243 : memref<80x128xf32, #tpu.memory_space<vmem>>[vector<16xi32>, vector<16xi32>], vector<16xf32>,
      %parallel_loop3A_244 = arith.index_cast %parallel_loop3A_181 : i32 to index
      %parallel_loop3A_245 = arith.constant 96 : index
      %parallel_loop3A_246 = tpu.vector_load %arg13[%parallel_loop3A_244, %parallel_loop3A_245] {strides = array<i32>} : memref<80x128xbf16, #tpu.memory_space<vmem>>, vector<32xbf16>,
      %parallel_loop3A_247 = tpu.unpack_subelements %parallel_loop3A_246, 0 {pack_format = #tpu.pack_format<interleaved>} : vector<32xbf16> -> vector<16xf32>
      %parallel_loop3A_248 = tpu.unpack_subelements %parallel_loop3A_246, 1 {pack_format = #tpu.pack_format<interleaved>} : vector<32xbf16> -> vector<16xf32>
      %parallel_loop3A_249 = arith.constant 2 : i32
      %parallel_loop3A_250 = vector.broadcast %parallel_loop3A_249 : i32 to vector<16xi32>
      %parallel_loop3A_251 = arith.muli %parallel_loop3A_250, %iota3A : vector<16xi32>
      %parallel_loop3A_252 = arith.constant 96 : i32
      %parallel_loop3A_253 = vector.broadcast %parallel_loop3A_252 : i32 to vector<16xi32>
      %parallel_loop3A_254 = arith.addi %parallel_loop3A_253, %parallel_loop3A_251 : vector<16xi32>
      %parallel_loop3A_255 = arith.mulf %parallel_loop3A_247, %parallel_loop3A_185 : vector<16xf32>
      tpu.vector_store_idx %arg15[%parallel_loop3A_186, %parallel_loop3A_254], %parallel_loop3A_255 : memref<80x128xf32, #tpu.memory_space<vmem>>[vector<16xi32>, vector<16xi32>], vector<16xf32>,
      %parallel_loop3A_256 = arith.constant 2 : i32
      %parallel_loop3A_257 = vector.broadcast %parallel_loop3A_256 : i32 to vector<16xi32>
      %parallel_loop3A_258 = arith.muli %parallel_loop3A_257, %iota3A : vector<16xi32>
      %parallel_loop3A_259 = arith.constant 97 : i32
      %parallel_loop3A_260 = vector.broadcast %parallel_loop3A_259 : i32 to vector<16xi32>
      %parallel_loop3A_261 = arith.addi %parallel_loop3A_260, %parallel_loop3A_258 : vector<16xi32>
      %parallel_loop3A_262 = arith.mulf %parallel_loop3A_248, %parallel_loop3A_185 : vector<16xf32>
      tpu.vector_store_idx %arg15[%parallel_loop3A_186, %parallel_loop3A_261], %parallel_loop3A_262 : memref<80x128xf32, #tpu.memory_space<vmem>>[vector<16xi32>, vector<16xi32>], vector<16xf32>,
    } {sc.loop_unroll_factor = 2 : i64, sc.parallel_access}
    %dma_start3A_130 = arith.constant 3 : i32
    %dma_start3A_131 = arith.constant 0 : i32
    %dma_start3A_132 = tpu.memref_slice %arg8[%dma_start3A_130, %dma_start3A_131] : memref<20x80xi32, #tpu.memory_space<vmem>> -> memref<1x80xi32, #tpu.memory_space<vmem>>
    %dma_start3A_133 = tpu.memref_squeeze %dma_start3A_132 : memref<1x80xi32, #tpu.memory_space<vmem>> -> memref<80xi32, #tpu.memory_space<vmem>>
    %dma_start3A_134 = arith.constant 0 : i32
    %dma_start3A_135 = arith.constant 0 : i32
    %dma_start3A_136 = tpu.memref_slice %arg16[%dma_start3A_134, %dma_start3A_135] : memref<10000x128xf32, #tpu.memory_space<vmem_shared>> -> memref<10000x128xf32, #tpu.memory_space<vmem_shared>>
    tpu.enqueue_indirect_dma source(%arg15 : memref<80x128xf32, #tpu.memory_space<vmem>>) target(%dma_start3A_136 : memref<10000x128xf32, #tpu.memory_space<vmem_shared>>) offsets(%dma_start3A_133 : memref<80xi32, #tpu.memory_space<vmem>>) semaphore(%arg22 : memref<!tpu.dma_semaphore, #tpu.memory_space<semaphore_mem>>) {add = true}
    %dma_wait3A_137 = arith.constant 0 : i32
    %dma_wait3A_138 = arith.constant 0 : i32
    %dma_wait3A_139 = tpu.memref_slice %arg7[%dma_wait3A_137, %dma_wait3A_138] : memref<20x80xi32, #tpu.memory_space<vmem>> -> memref<1x80xi32, #tpu.memory_space<vmem>>
    %dma_wait3A_140 = tpu.memref_squeeze %dma_wait3A_139 : memref<1x80xi32, #tpu.memory_space<vmem>> -> memref<80xi32, #tpu.memory_space<vmem>>
    %dma_wait3A_141 = arith.constant 0 : i32
    %dma_wait3A_142 = arith.constant 0 : i32
    %dma_wait3A_143 = tpu.memref_slice %arg2[%dma_wait3A_141, %dma_wait3A_142] : memref<10000x128xbf16, #tpu.memory_space<hbm>> -> memref<10000x128xbf16, #tpu.memory_space<hbm>>
    tpu.wait_indirect_dma semaphore(%arg17 : memref<!tpu.dma_semaphore, #tpu.memory_space<semaphore_mem>>) src(%dma_wait3A_143 : memref<10000x128xbf16, #tpu.memory_space<hbm>>) dst(%arg10 : memref<80x128xbf16, #tpu.memory_space<vmem>>)
    %dma_wait3A_144 = arith.constant 0 : i32
    %dma_wait3A_145 = arith.constant 0 : i32
    %dma_wait3A_146 = tpu.memref_slice %arg8[%dma_wait3A_144, %dma_wait3A_145] : memref<20x80xi32, #tpu.memory_space<vmem>> -> memref<1x80xi32, #tpu.memory_space<vmem>>
    %dma_wait3A_147 = tpu.memref_squeeze %dma_wait3A_146 : memref<1x80xi32, #tpu.memory_space<vmem>> -> memref<80xi32, #tpu.memory_space<vmem>>
    %dma_wait3A_148 = arith.constant 0 : i32
    %dma_wait3A_149 = arith.constant 0 : i32
    %dma_wait3A_150 = tpu.memref_slice %arg16[%dma_wait3A_148, %dma_wait3A_149] : memref<10000x128xf32, #tpu.memory_space<vmem_shared>> -> memref<10000x128xf32, #tpu.memory_space<vmem_shared>>
    tpu.wait_indirect_dma semaphore(%arg21 : memref<!tpu.dma_semaphore, #tpu.memory_space<semaphore_mem>>) src(%arg14 : memref<80x128xf32, #tpu.memory_space<vmem>>) dst(%dma_wait3A_150 : memref<10000x128xf32, #tpu.memory_space<vmem_shared>>)
    %parallel_loop3A_151 = arith.constant 0 : i32
    %parallel_loop3A_152 = arith.constant 80 : i32
    %parallel_loop3A_153 = arith.constant 1 : i32
    scf.for %parallel_loop3A_181 = %parallel_loop3A_151 to %parallel_loop3A_152 step %parallel_loop3A_153  : i32 {
      %parallel_loop3A_182 = arith.constant 320 : i32
      %parallel_loop3A_183 = arith.addi %parallel_loop3A_182, %parallel_loop3A_181 : i32
      %parallel_loop3A_184 = vector.broadcast %parallel_loop3A_183 : i32 to vector<16xi32>
      %parallel_loop3A_185 = tpu.vector_load_idx %arg9[%parallel_loop3A_184] : memref<1600xf32, #tpu.memory_space<vmem>>[vector<16xi32>], vector<16xf32>,
      %parallel_loop3A_186 = vector.broadcast %parallel_loop3A_181 : i32 to vector<16xi32>
      %parallel_loop3A_187 = arith.index_cast %parallel_loop3A_181 : i32 to index
      %parallel_loop3A_188 = arith.constant 0 : index
      %parallel_loop3A_189 = tpu.vector_load %arg10[%parallel_loop3A_187, %parallel_loop3A_188] {strides = array<i32>} : memref<80x128xbf16, #tpu.memory_space<vmem>>, vector<32xbf16>,
      %parallel_loop3A_190 = tpu.unpack_subelements %parallel_loop3A_189, 0 {pack_format = #tpu.pack_format<interleaved>} : vector<32xbf16> -> vector<16xf32>
      %parallel_loop3A_191 = tpu.unpack_subelements %parallel_loop3A_189, 1 {pack_format = #tpu.pack_format<interleaved>} : vector<32xbf16> -> vector<16xf32>
      %parallel_loop3A_192 = arith.constant 2 : i32
      %parallel_loop3A_193 = vector.broadcast %parallel_loop3A_192 : i32 to vector<16xi32>
      %parallel_loop3A_194 = arith.muli %parallel_loop3A_193, %iota3A : vector<16xi32>
      %parallel_loop3A_195 = arith.constant 0 : i32
      %parallel_loop3A_196 = vector.broadcast %parallel_loop3A_195 : i32 to vector<16xi32>
      %parallel_loop3A_197 = arith.addi %parallel_loop3A_196, %parallel_loop3A_194 : vector<16xi32>
      %parallel_loop3A_198 = arith.mulf %parallel_loop3A_190, %parallel_loop3A_185 : vector<16xf32>
      tpu.vector_store_idx %arg14[%parallel_loop3A_186, %parallel_loop3A_197], %parallel_loop3A_198 : memref<80x128xf32, #tpu.memory_space<vmem>>[vector<16xi32>, vector<16xi32>], vector<16xf32>,
      %parallel_loop3A_199 = arith.constant 2 : i32
      %parallel_loop3A_200 = vector.broadcast %parallel_loop3A_199 : i32 to vector<16xi32>
      %parallel_loop3A_201 = arith.muli %parallel_loop3A_200, %iota3A : vector<16xi32>
      %parallel_loop3A_202 = arith.constant 1 : i32
      %parallel_loop3A_203 = vector.broadcast %parallel_loop3A_202 : i32 to vector<16xi32>
      %parallel_loop3A_204 = arith.addi %parallel_loop3A_203, %parallel_loop3A_201 : vector<16xi32>
      %parallel_loop3A_205 = arith.mulf %parallel_loop3A_191, %parallel_loop3A_185 : vector<16xf32>
      tpu.vector_store_idx %arg14[%parallel_loop3A_186, %parallel_loop3A_204], %parallel_loop3A_205 : memref<80x128xf32, #tpu.memory_space<vmem>>[vector<16xi32>, vector<16xi32>], vector<16xf32>,
      %parallel_loop3A_206 = arith.index_cast %parallel_loop3A_181 : i32 to index
      %parallel_loop3A_207 = arith.constant 32 : index
      %parallel_loop3A_208 = tpu.vector_load %arg10[%parallel_loop3A_206, %parallel_loop3A_207] {strides = array<i32>} : memref<80x128xbf16, #tpu.memory_space<vmem>>, vector<32xbf16>,
      %parallel_loop3A_209 = tpu.unpack_subelements %parallel_loop3A_208, 0 {pack_format = #tpu.pack_format<interleaved>} : vector<32xbf16> -> vector<16xf32>
      %parallel_loop3A_210 = tpu.unpack_subelements %parallel_loop3A_208, 1 {pack_format = #tpu.pack_format<interleaved>} : vector<32xbf16> -> vector<16xf32>
      %parallel_loop3A_211 = arith.constant 2 : i32
      %parallel_loop3A_212 = vector.broadcast %parallel_loop3A_211 : i32 to vector<16xi32>
      %parallel_loop3A_213 = arith.muli %parallel_loop3A_212, %iota3A : vector<16xi32>
      %parallel_loop3A_214 = arith.constant 32 : i32
      %parallel_loop3A_215 = vector.broadcast %parallel_loop3A_214 : i32 to vector<16xi32>
      %parallel_loop3A_216 = arith.addi %parallel_loop3A_215, %parallel_loop3A_213 : vector<16xi32>
      %parallel_loop3A_217 = arith.mulf %parallel_loop3A_209, %parallel_loop3A_185 : vector<16xf32>
      tpu.vector_store_idx %arg14[%parallel_loop3A_186, %parallel_loop3A_216], %parallel_loop3A_217 : memref<80x128xf32, #tpu.memory_space<vmem>>[vector<16xi32>, vector<16xi32>], vector<16xf32>,
      %parallel_loop3A_218 = arith.constant 2 : i32
      %parallel_loop3A_219 = vector.broadcast %parallel_loop3A_218 : i32 to vector<16xi32>
      %parallel_loop3A_220 = arith.muli %parallel_loop3A_219, %iota3A : vector<16xi32>
      %parallel_loop3A_221 = arith.constant 33 : i32
      %parallel_loop3A_222 = vector.broadcast %parallel_loop3A_221 : i32 to vector<16xi32>
      %parallel_loop3A_223 = arith.addi %parallel_loop3A_222, %parallel_loop3A_220 : vector<16xi32>
      %parallel_loop3A_224 = arith.mulf %parallel_loop3A_210, %parallel_loop3A_185 : vector<16xf32>
      tpu.vector_store_idx %arg14[%parallel_loop3A_186, %parallel_loop3A_223], %parallel_loop3A_224 : memref<80x128xf32, #tpu.memory_space<vmem>>[vector<16xi32>, vector<16xi32>], vector<16xf32>,
      %parallel_loop3A_225 = arith.index_cast %parallel_loop3A_181 : i32 to index
      %parallel_loop3A_226 = arith.constant 64 : index
      %parallel_loop3A_227 = tpu.vector_load %arg10[%parallel_loop3A_225, %parallel_loop3A_226] {strides = array<i32>} : memref<80x128xbf16, #tpu.memory_space<vmem>>, vector<32xbf16>,
      %parallel_loop3A_228 = tpu.unpack_subelements %parallel_loop3A_227, 0 {pack_format = #tpu.pack_format<interleaved>} : vector<32xbf16> -> vector<16xf32>
      %parallel_loop3A_229 = tpu.unpack_subelements %parallel_loop3A_227, 1 {pack_format = #tpu.pack_format<interleaved>} : vector<32xbf16> -> vector<16xf32>
      %parallel_loop3A_230 = arith.constant 2 : i32
      %parallel_loop3A_231 = vector.broadcast %parallel_loop3A_230 : i32 to vector<16xi32>
      %parallel_loop3A_232 = arith.muli %parallel_loop3A_231, %iota3A : vector<16xi32>
      %parallel_loop3A_233 = arith.constant 64 : i32
      %parallel_loop3A_234 = vector.broadcast %parallel_loop3A_233 : i32 to vector<16xi32>
      %parallel_loop3A_235 = arith.addi %parallel_loop3A_234, %parallel_loop3A_232 : vector<16xi32>
      %parallel_loop3A_236 = arith.mulf %parallel_loop3A_228, %parallel_loop3A_185 : vector<16xf32>
      tpu.vector_store_idx %arg14[%parallel_loop3A_186, %parallel_loop3A_235], %parallel_loop3A_236 : memref<80x128xf32, #tpu.memory_space<vmem>>[vector<16xi32>, vector<16xi32>], vector<16xf32>,
      %parallel_loop3A_237 = arith.constant 2 : i32
      %parallel_loop3A_238 = vector.broadcast %parallel_loop3A_237 : i32 to vector<16xi32>
      %parallel_loop3A_239 = arith.muli %parallel_loop3A_238, %iota3A : vector<16xi32>
      %parallel_loop3A_240 = arith.constant 65 : i32
      %parallel_loop3A_241 = vector.broadcast %parallel_loop3A_240 : i32 to vector<16xi32>
      %parallel_loop3A_242 = arith.addi %parallel_loop3A_241, %parallel_loop3A_239 : vector<16xi32>
      %parallel_loop3A_243 = arith.mulf %parallel_loop3A_229, %parallel_loop3A_185 : vector<16xf32>
      tpu.vector_store_idx %arg14[%parallel_loop3A_186, %parallel_loop3A_242], %parallel_loop3A_243 : memref<80x128xf32, #tpu.memory_space<vmem>>[vector<16xi32>, vector<16xi32>], vector<16xf32>,
      %parallel_loop3A_244 = arith.index_cast %parallel_loop3A_181 : i32 to index
      %parallel_loop3A_245 = arith.constant 96 : index
      %parallel_loop3A_246 = tpu.vector_load %arg10[%parallel_loop3A_244, %parallel_loop3A_245] {strides = array<i32>} : memref<80x128xbf16, #tpu.memory_space<vmem>>, vector<32xbf16>,
      %parallel_loop3A_247 = tpu.unpack_subelements %parallel_loop3A_246, 0 {pack_format = #tpu.pack_format<interleaved>} : vector<32xbf16> -> vector<16xf32>
      %parallel_loop3A_248 = tpu.unpack_subelements %parallel_loop3A_246, 1 {pack_format = #tpu.pack_format<interleaved>} : vector<32xbf16> -> vector<16xf32>
      %parallel_loop3A_249 = arith.constant 2 : i32
      %parallel_loop3A_250 = vector.broadcast %parallel_loop3A_249 : i32 to vector<16xi32>
      %parallel_loop3A_251 = arith.muli %parallel_loop3A_250, %iota3A : vector<16xi32>
      %parallel_loop3A_252 = arith.constant 96 : i32
      %parallel_loop3A_253 = vector.broadcast %parallel_loop3A_252 : i32 to vector<16xi32>
      %parallel_loop3A_254 = arith.addi %parallel_loop3A_253, %parallel_loop3A_251 : vector<16xi32>
      %parallel_loop3A_255 = arith.mulf %parallel_loop3A_247, %parallel_loop3A_185 : vector<16xf32>
      tpu.vector_store_idx %arg14[%parallel_loop3A_186, %parallel_loop3A_254], %parallel_loop3A_255 : memref<80x128xf32, #tpu.memory_space<vmem>>[vector<16xi32>, vector<16xi32>], vector<16xf32>,
      %parallel_loop3A_256 = arith.constant 2 : i32
      %parallel_loop3A_257 = vector.broadcast %parallel_loop3A_256 : i32 to vector<16xi32>
      %parallel_loop3A_258 = arith.muli %parallel_loop3A_257, %iota3A : vector<16xi32>
      %parallel_loop3A_259 = arith.constant 97 : i32
      %parallel_loop3A_260 = vector.broadcast %parallel_loop3A_259 : i32 to vector<16xi32>
      %parallel_loop3A_261 = arith.addi %parallel_loop3A_260, %parallel_loop3A_258 : vector<16xi32>
      %parallel_loop3A_262 = arith.mulf %parallel_loop3A_248, %parallel_loop3A_185 : vector<16xf32>
      tpu.vector_store_idx %arg14[%parallel_loop3A_186, %parallel_loop3A_261], %parallel_loop3A_262 : memref<80x128xf32, #tpu.memory_space<vmem>>[vector<16xi32>, vector<16xi32>], vector<16xf32>,
    } {sc.loop_unroll_factor = 2 : i64, sc.parallel_access}
    %dma_start3A_154 = arith.constant 4 : i32
    %dma_start3A_155 = arith.constant 0 : i32
    %dma_start3A_156 = tpu.memref_slice %arg8[%dma_start3A_154, %dma_start3A_155] : memref<20x80xi32, #tpu.memory_space<vmem>> -> memref<1x80xi32, #tpu.memory_space<vmem>>
    %dma_start3A_157 = tpu.memref_squeeze %dma_start3A_156 : memref<1x80xi32, #tpu.memory_space<vmem>> -> memref<80xi32, #tpu.memory_space<vmem>>
    %dma_start3A_158 = arith.constant 0 : i32
    %dma_start3A_159 = arith.constant 0 : i32
    %dma_start3A_160 = tpu.memref_slice %arg16[%dma_start3A_158, %dma_start3A_159] : memref<10000x128xf32, #tpu.memory_space<vmem_shared>> -> memref<10000x128xf32, #tpu.memory_space<vmem_shared>>
    tpu.enqueue_indirect_dma source(%arg14 : memref<80x128xf32, #tpu.memory_space<vmem>>) target(%dma_start3A_160 : memref<10000x128xf32, #tpu.memory_space<vmem_shared>>) offsets(%dma_start3A_157 : memref<80xi32, #tpu.memory_space<vmem>>) semaphore(%arg21 : memref<!tpu.dma_semaphore, #tpu.memory_space<semaphore_mem>>) {add = true}
    %dma_wait3A_161 = arith.constant 0 : i32
    %dma_wait3A_162 = arith.constant 0 : i32
    %dma_wait3A_163 = tpu.memref_slice %arg8[%dma_wait3A_161, %dma_wait3A_162] : memref<20x80xi32, #tpu.memory_space<vmem>> -> memref<1x80xi32, #tpu.memory_space<vmem>>
    %dma_wait3A_164 = tpu.memref_squeeze %dma_wait3A_163 : memref<1x80xi32, #tpu.memory_space<vmem>> -> memref<80xi32, #tpu.memory_space<vmem>>
    %dma_wait3A_165 = arith.constant 0 : i32
    %dma_wait3A_166 = arith.constant 0 : i32
    %dma_wait3A_167 = tpu.memref_slice %arg16[%dma_wait3A_165, %dma_wait3A_166] : memref<10000x128xf32, #tpu.memory_space<vmem_shared>> -> memref<10000x128xf32, #tpu.memory_space<vmem_shared>>
    tpu.wait_indirect_dma semaphore(%arg22 : memref<!tpu.dma_semaphore, #tpu.memory_space<semaphore_mem>>) src(%arg15 : memref<80x128xf32, #tpu.memory_space<vmem>>) dst(%dma_wait3A_167 : memref<10000x128xf32, #tpu.memory_space<vmem_shared>>)
    %dma_wait3A_168 = arith.constant 0 : i32
    %dma_wait3A_169 = arith.constant 0 : i32
    %dma_wait3A_170 = tpu.memref_slice %arg8[%dma_wait3A_168, %dma_wait3A_169] : memref<20x80xi32, #tpu.memory_space<vmem>> -> memref<1x80xi32, #tpu.memory_space<vmem>>
    %dma_wait3A_171 = tpu.memref_squeeze %dma_wait3A_170 : memref<1x80xi32, #tpu.memory_space<vmem>> -> memref<80xi32, #tpu.memory_space<vmem>>
    %dma_wait3A_172 = arith.constant 0 : i32
    %dma_wait3A_173 = arith.constant 0 : i32
    %dma_wait3A_174 = tpu.memref_slice %arg16[%dma_wait3A_172, %dma_wait3A_173] : memref<10000x128xf32, #tpu.memory_space<vmem_shared>> -> memref<10000x128xf32, #tpu.memory_space<vmem_shared>>
    tpu.wait_indirect_dma semaphore(%arg21 : memref<!tpu.dma_semaphore, #tpu.memory_space<semaphore_mem>>) src(%arg14 : memref<80x128xf32, #tpu.memory_space<vmem>>) dst(%dma_wait3A_174 : memref<10000x128xf32, #tpu.memory_space<vmem_shared>>)
    %barrier3A_175 = arith.constant 0 : index
    tpu.barrier barrier_id(%barrier3A_175)
    %lt3A_176 = arith.constant 10 : i32
    %lt3A_177 = arith.cmpi slt, %arg1, %lt3A_176 : i32
    %convert_element_type3A_178 = arith.extui %lt3A_177 : i1 to i32
    %cond3A_179 = arith.constant 0 : i32
    %cond3A_180 = arith.cmpi ne, %convert_element_type3A_178, %cond3A_179 : i32
    scf.if %cond3A_180 {
      %mul3A_181 = arith.constant 1000 : i32
      %mul3A_182 = arith.muli %mul3A_181, %arg1 : i32
      %mul3A_183 = arith.constant 1000 : i32
      %mul3A_184 = arith.muli %mul3A_183, %arg1 : i32
      "tpu.region"() ({
        %run_scoped3A_185 = tpu.sem_alloc : memref<!tpu.dma_semaphore, #tpu.memory_space<semaphore_mem>>
        %dma_start3A_186 = arith.constant 0 : i32
        %dma_start3A_187 = tpu.memref_slice %arg6[%arg0, %mul3A_184, %dma_start3A_186] : memref<2x10000x128xf32, #tpu.memory_space<hbm>> -> memref<1x1000x128xf32, #tpu.memory_space<hbm>>
        %dma_start3A_188 = tpu.memref_squeeze %dma_start3A_187 : memref<1x1000x128xf32, #tpu.memory_space<hbm>> -> memref<1000x128xf32, #tpu.memory_space<hbm>>
        %dma_start3A_189 = arith.constant 0 : i32
        %dma_start3A_190 = tpu.memref_slice %arg16[%mul3A_182, %dma_start3A_189] : memref<10000x128xf32, #tpu.memory_space<vmem_shared>> -> memref<1000x128xf32, #tpu.memory_space<vmem_shared>>
        tpu.enqueue_dma source(%dma_start3A_190 : memref<1000x128xf32, #tpu.memory_space<vmem_shared>>) target(%dma_start3A_188 : memref<1000x128xf32, #tpu.memory_space<hbm>>) target_semaphore(%run_scoped3A_185 : memref<!tpu.dma_semaphore, #tpu.memory_space<semaphore_mem>>)
        %dma_wait3A_191 = arith.constant 0 : i32
        %dma_wait3A_192 = tpu.memref_slice %arg6[%arg0, %mul3A_184, %dma_wait3A_191] : memref<2x10000x128xf32, #tpu.memory_space<hbm>> -> memref<1x1000x128xf32, #tpu.memory_space<hbm>>
        %dma_wait3A_193 = tpu.memref_squeeze %dma_wait3A_192 : memref<1x1000x128xf32, #tpu.memory_space<hbm>> -> memref<1000x128xf32, #tpu.memory_space<hbm>>
        %dma_wait3A_194 = arith.constant 0 : i32
        %dma_wait3A_195 = tpu.memref_slice %arg16[%mul3A_182, %dma_wait3A_194] : memref<10000x128xf32, #tpu.memory_space<vmem_shared>> -> memref<1000x128xf32, #tpu.memory_space<vmem_shared>>
        tpu.wait_dma2 semaphore(%run_scoped3A_185 : memref<!tpu.dma_semaphore, #tpu.memory_space<semaphore_mem>>) src(%dma_wait3A_195 : memref<1000x128xf32, #tpu.memory_space<vmem_shared>>) dst(%dma_wait3A_193 : memref<1000x128xf32, #tpu.memory_space<hbm>>)
        tpu.yield
      }) : () -> ()
    } else {
    }
    return
  }
}

#map = affine_map<(d0, d1) -> (0, 0)>
#map1 = affine_map<(d0, d1) -> (0, 0, 0, 0)>
#map2 = affine_map<(d0, d1) -> (0, 0, 0)>
module attributes {stable_mosaic.version = 14 : i64} {
  func.func @_pass1_body(%arg0: i32, %arg1: i32, %arg2: memref<2x10000xf32, #tpu.memory_space<hbm>>, %arg3: memref<2x32x125x80xi32, #tpu.memory_space<hbm>>, %arg4: memref<10000x128xf32, #tpu.memory_space<hbm>>, %arg5: memref<2x10000x8xf32, #tpu.memory_space<hbm>>, %arg6: memref<32x10000xf32, #tpu.memory_space<hbm>>, %arg7: memref<25x80xi32, #tpu.memory_space<vmem>>, %arg8: memref<25x80xi32, #tpu.memory_space<vmem>>, %arg9: memref<10000xf32, #tpu.memory_space<vmem>>, %arg10: memref<10000xf32, #tpu.memory_space<vmem>>, %arg11: memref<80x8xf32, #tpu.memory_space<vmem>>, %arg12: memref<80x8xf32, #tpu.memory_space<vmem>>, %arg13: memref<80x8xf32, #tpu.memory_space<vmem>>, %arg14: memref<80x8xf32, #tpu.memory_space<vmem>>, %arg15: memref<2000xf32, #tpu.memory_space<vmem>>, %arg16: memref<10000x8xf32, #tpu.memory_space<vmem_shared>>, %arg17: memref<!tpu.dma_semaphore, #tpu.memory_space<semaphore_mem>>, %arg18: memref<!tpu.dma_semaphore, #tpu.memory_space<semaphore_mem>>, %arg19: memref<!tpu.dma_semaphore, #tpu.memory_space<semaphore_mem>>, %arg20: memref<!tpu.dma_semaphore, #tpu.memory_space<semaphore_mem>>) attributes {dimension_semantics = [#tpu.dimension_semantics<core_parallel>, #tpu.dimension_semantics<subcore_parallel>], iteration_bounds = array<i64: 2, 16>, scalar_prefetch = 0 : i64, scratch_operands = 14 : i64, tpu.core_type = #tpu.core_type<sc_vector_subcore>, window_params = [{transform_indices = #map}, {transform_indices = #map1}, {transform_indices = #map}, {transform_indices = #map2}, {transform_indices = #map}]} {
    %mul3A = arith.constant 16 : i32
    %mul3A_0 = arith.muli %arg0, %mul3A : i32
    %add3A = arith.addi %mul3A_0, %arg1 : i32
    %run_scoped3A = arith.constant 0 : i32
    "tpu.region"() ({
      %run_scoped3A_16 = tpu.sem_alloc : memref<!tpu.dma_semaphore, #tpu.memory_space<semaphore_mem>>
      %dma_start3A = arith.constant 0 : i32
      %dma_start3A_17 = tpu.memref_slice %arg2[%run_scoped3A, %dma_start3A] : memref<2x10000xf32, #tpu.memory_space<hbm>> -> memref<1x10000xf32, #tpu.memory_space<hbm>>
      %dma_start3A_18 = tpu.memref_squeeze %dma_start3A_17 : memref<1x10000xf32, #tpu.memory_space<hbm>> -> memref<10000xf32, #tpu.memory_space<hbm>>
      %dma_start3A_19 = arith.constant 0 : i32
      %dma_start3A_20 = tpu.memref_slice %arg2[%run_scoped3A, %dma_start3A_19] : memref<2x10000xf32, #tpu.memory_space<hbm>> -> memref<1x10000xf32, #tpu.memory_space<hbm>>
      %dma_start3A_21 = tpu.memref_squeeze %dma_start3A_20 : memref<1x10000xf32, #tpu.memory_space<hbm>> -> memref<10000xf32, #tpu.memory_space<hbm>>
      tpu.enqueue_dma source(%dma_start3A_21 : memref<10000xf32, #tpu.memory_space<hbm>>) target(%arg9 : memref<10000xf32, #tpu.memory_space<vmem>>) target_semaphore(%run_scoped3A_16 : memref<!tpu.dma_semaphore, #tpu.memory_space<semaphore_mem>>)
      %dma_wait3A = arith.constant 0 : i32
      %dma_wait3A_22 = tpu.memref_slice %arg2[%run_scoped3A, %dma_wait3A] : memref<2x10000xf32, #tpu.memory_space<hbm>> -> memref<1x10000xf32, #tpu.memory_space<hbm>>
      %dma_wait3A_23 = tpu.memref_squeeze %dma_wait3A_22 : memref<1x10000xf32, #tpu.memory_space<hbm>> -> memref<10000xf32, #tpu.memory_space<hbm>>
      %dma_wait3A_24 = arith.constant 0 : i32
      %dma_wait3A_25 = tpu.memref_slice %arg2[%run_scoped3A, %dma_wait3A_24] : memref<2x10000xf32, #tpu.memory_space<hbm>> -> memref<1x10000xf32, #tpu.memory_space<hbm>>
      %dma_wait3A_26 = tpu.memref_squeeze %dma_wait3A_25 : memref<1x10000xf32, #tpu.memory_space<hbm>> -> memref<10000xf32, #tpu.memory_space<hbm>>
      tpu.wait_dma2 semaphore(%run_scoped3A_16 : memref<!tpu.dma_semaphore, #tpu.memory_space<semaphore_mem>>) src(%dma_wait3A_26 : memref<10000xf32, #tpu.memory_space<hbm>>) dst(%arg9 : memref<10000xf32, #tpu.memory_space<vmem>>)
      tpu.yield
    }) : () -> ()
    %run_scoped3A_1 = arith.constant 1 : i32
    "tpu.region"() ({
      %run_scoped3A_16 = tpu.sem_alloc : memref<!tpu.dma_semaphore, #tpu.memory_space<semaphore_mem>>
      %dma_start3A = arith.constant 0 : i32
      %dma_start3A_17 = tpu.memref_slice %arg2[%run_scoped3A_1, %dma_start3A] : memref<2x10000xf32, #tpu.memory_space<hbm>> -> memref<1x10000xf32, #tpu.memory_space<hbm>>
      %dma_start3A_18 = tpu.memref_squeeze %dma_start3A_17 : memref<1x10000xf32, #tpu.memory_space<hbm>> -> memref<10000xf32, #tpu.memory_space<hbm>>
      %dma_start3A_19 = arith.constant 0 : i32
      %dma_start3A_20 = tpu.memref_slice %arg2[%run_scoped3A_1, %dma_start3A_19] : memref<2x10000xf32, #tpu.memory_space<hbm>> -> memref<1x10000xf32, #tpu.memory_space<hbm>>
      %dma_start3A_21 = tpu.memref_squeeze %dma_start3A_20 : memref<1x10000xf32, #tpu.memory_space<hbm>> -> memref<10000xf32, #tpu.memory_space<hbm>>
      tpu.enqueue_dma source(%dma_start3A_21 : memref<10000xf32, #tpu.memory_space<hbm>>) target(%arg10 : memref<10000xf32, #tpu.memory_space<vmem>>) target_semaphore(%run_scoped3A_16 : memref<!tpu.dma_semaphore, #tpu.memory_space<semaphore_mem>>)
      %dma_wait3A = arith.constant 0 : i32
      %dma_wait3A_22 = tpu.memref_slice %arg2[%run_scoped3A_1, %dma_wait3A] : memref<2x10000xf32, #tpu.memory_space<hbm>> -> memref<1x10000xf32, #tpu.memory_space<hbm>>
      %dma_wait3A_23 = tpu.memref_squeeze %dma_wait3A_22 : memref<1x10000xf32, #tpu.memory_space<hbm>> -> memref<10000xf32, #tpu.memory_space<hbm>>
      %dma_wait3A_24 = arith.constant 0 : i32
      %dma_wait3A_25 = tpu.memref_slice %arg2[%run_scoped3A_1, %dma_wait3A_24] : memref<2x10000xf32, #tpu.memory_space<hbm>> -> memref<1x10000xf32, #tpu.memory_space<hbm>>
      %dma_wait3A_26 = tpu.memref_squeeze %dma_wait3A_25 : memref<1x10000xf32, #tpu.memory_space<hbm>> -> memref<10000xf32, #tpu.memory_space<hbm>>
      tpu.wait_dma2 semaphore(%run_scoped3A_16 : memref<!tpu.dma_semaphore, #tpu.memory_space<semaphore_mem>>) src(%dma_wait3A_26 : memref<10000xf32, #tpu.memory_space<hbm>>) dst(%arg10 : memref<10000xf32, #tpu.memory_space<vmem>>)
      tpu.yield
    }) : () -> ()
    "tpu.region"() ({
      %run_scoped3A_16 = tpu.sem_alloc : memref<!tpu.dma_semaphore, #tpu.memory_space<semaphore_mem>>
      %dma_start3A = arith.constant 0 : i32
      %dma_start3A_17 = arith.constant 0 : i32
      %dma_start3A_18 = tpu.memref_slice %arg4[%dma_start3A, %dma_start3A_17] : memref<10000x128xf32, #tpu.memory_space<hbm>> -> memref<80x8xf32, #tpu.memory_space<hbm>>
      %dma_start3A_19 = arith.constant 0 : i32
      %dma_start3A_20 = arith.constant 0 : i32
      %dma_start3A_21 = tpu.memref_slice %arg4[%dma_start3A_19, %dma_start3A_20] : memref<10000x128xf32, #tpu.memory_space<hbm>> -> memref<80x8xf32, #tpu.memory_space<hbm>>
      tpu.enqueue_dma source(%dma_start3A_21 : memref<80x8xf32, #tpu.memory_space<hbm>>) target(%arg11 : memref<80x8xf32, #tpu.memory_space<vmem>>) target_semaphore(%run_scoped3A_16 : memref<!tpu.dma_semaphore, #tpu.memory_space<semaphore_mem>>)
      %dma_wait3A = arith.constant 0 : i32
      %dma_wait3A_22 = arith.constant 0 : i32
      %dma_wait3A_23 = tpu.memref_slice %arg4[%dma_wait3A, %dma_wait3A_22] : memref<10000x128xf32, #tpu.memory_space<hbm>> -> memref<80x8xf32, #tpu.memory_space<hbm>>
      %dma_wait3A_24 = arith.constant 0 : i32
      %dma_wait3A_25 = arith.constant 0 : i32
      %dma_wait3A_26 = tpu.memref_slice %arg4[%dma_wait3A_24, %dma_wait3A_25] : memref<10000x128xf32, #tpu.memory_space<hbm>> -> memref<80x8xf32, #tpu.memory_space<hbm>>
      tpu.wait_dma2 semaphore(%run_scoped3A_16 : memref<!tpu.dma_semaphore, #tpu.memory_space<semaphore_mem>>) src(%dma_wait3A_26 : memref<80x8xf32, #tpu.memory_space<hbm>>) dst(%arg11 : memref<80x8xf32, #tpu.memory_space<vmem>>)
      tpu.yield
    }) : () -> ()
    "tpu.region"() ({
      %run_scoped3A_16 = tpu.sem_alloc : memref<!tpu.dma_semaphore, #tpu.memory_space<semaphore_mem>>
      %dma_start3A = arith.constant 0 : i32
      %dma_start3A_17 = arith.constant 0 : i32
      %dma_start3A_18 = tpu.memref_slice %arg4[%dma_start3A, %dma_start3A_17] : memref<10000x128xf32, #tpu.memory_space<hbm>> -> memref<80x8xf32, #tpu.memory_space<hbm>>
      %dma_start3A_19 = arith.constant 0 : i32
      %dma_start3A_20 = arith.constant 0 : i32
      %dma_start3A_21 = tpu.memref_slice %arg4[%dma_start3A_19, %dma_start3A_20] : memref<10000x128xf32, #tpu.memory_space<hbm>> -> memref<80x8xf32, #tpu.memory_space<hbm>>
      tpu.enqueue_dma source(%dma_start3A_21 : memref<80x8xf32, #tpu.memory_space<hbm>>) target(%arg12 : memref<80x8xf32, #tpu.memory_space<vmem>>) target_semaphore(%run_scoped3A_16 : memref<!tpu.dma_semaphore, #tpu.memory_space<semaphore_mem>>)
      %dma_wait3A = arith.constant 0 : i32
      %dma_wait3A_22 = arith.constant 0 : i32
      %dma_wait3A_23 = tpu.memref_slice %arg4[%dma_wait3A, %dma_wait3A_22] : memref<10000x128xf32, #tpu.memory_space<hbm>> -> memref<80x8xf32, #tpu.memory_space<hbm>>
      %dma_wait3A_24 = arith.constant 0 : i32
      %dma_wait3A_25 = arith.constant 0 : i32
      %dma_wait3A_26 = tpu.memref_slice %arg4[%dma_wait3A_24, %dma_wait3A_25] : memref<10000x128xf32, #tpu.memory_space<hbm>> -> memref<80x8xf32, #tpu.memory_space<hbm>>
      tpu.wait_dma2 semaphore(%run_scoped3A_16 : memref<!tpu.dma_semaphore, #tpu.memory_space<semaphore_mem>>) src(%dma_wait3A_26 : memref<80x8xf32, #tpu.memory_space<hbm>>) dst(%arg12 : memref<80x8xf32, #tpu.memory_space<vmem>>)
      tpu.yield
    }) : () -> ()
    "tpu.region"() ({
      %run_scoped3A_16 = tpu.sem_alloc : memref<!tpu.dma_semaphore, #tpu.memory_space<semaphore_mem>>
      %dma_start3A = arith.constant 0 : i32
      %dma_start3A_17 = arith.constant 0 : i32
      %dma_start3A_18 = tpu.memref_slice %arg4[%dma_start3A, %dma_start3A_17] : memref<10000x128xf32, #tpu.memory_space<hbm>> -> memref<80x8xf32, #tpu.memory_space<hbm>>
      %dma_start3A_19 = arith.constant 0 : i32
      %dma_start3A_20 = arith.constant 0 : i32
      %dma_start3A_21 = tpu.memref_slice %arg4[%dma_start3A_19, %dma_start3A_20] : memref<10000x128xf32, #tpu.memory_space<hbm>> -> memref<80x8xf32, #tpu.memory_space<hbm>>
      tpu.enqueue_dma source(%dma_start3A_21 : memref<80x8xf32, #tpu.memory_space<hbm>>) target(%arg13 : memref<80x8xf32, #tpu.memory_space<vmem>>) target_semaphore(%run_scoped3A_16 : memref<!tpu.dma_semaphore, #tpu.memory_space<semaphore_mem>>)
      %dma_wait3A = arith.constant 0 : i32
      %dma_wait3A_22 = arith.constant 0 : i32
      %dma_wait3A_23 = tpu.memref_slice %arg4[%dma_wait3A, %dma_wait3A_22] : memref<10000x128xf32, #tpu.memory_space<hbm>> -> memref<80x8xf32, #tpu.memory_space<hbm>>
      %dma_wait3A_24 = arith.constant 0 : i32
      %dma_wait3A_25 = arith.constant 0 : i32
      %dma_wait3A_26 = tpu.memref_slice %arg4[%dma_wait3A_24, %dma_wait3A_25] : memref<10000x128xf32, #tpu.memory_space<hbm>> -> memref<80x8xf32, #tpu.memory_space<hbm>>
      tpu.wait_dma2 semaphore(%run_scoped3A_16 : memref<!tpu.dma_semaphore, #tpu.memory_space<semaphore_mem>>) src(%dma_wait3A_26 : memref<80x8xf32, #tpu.memory_space<hbm>>) dst(%arg13 : memref<80x8xf32, #tpu.memory_space<vmem>>)
      tpu.yield
    }) : () -> ()
    "tpu.region"() ({
      %run_scoped3A_16 = tpu.sem_alloc : memref<!tpu.dma_semaphore, #tpu.memory_space<semaphore_mem>>
      %dma_start3A = arith.constant 0 : i32
      %dma_start3A_17 = arith.constant 0 : i32
      %dma_start3A_18 = tpu.memref_slice %arg4[%dma_start3A, %dma_start3A_17] : memref<10000x128xf32, #tpu.memory_space<hbm>> -> memref<80x8xf32, #tpu.memory_space<hbm>>
      %dma_start3A_19 = arith.constant 0 : i32
      %dma_start3A_20 = arith.constant 0 : i32
      %dma_start3A_21 = tpu.memref_slice %arg4[%dma_start3A_19, %dma_start3A_20] : memref<10000x128xf32, #tpu.memory_space<hbm>> -> memref<80x8xf32, #tpu.memory_space<hbm>>
      tpu.enqueue_dma source(%dma_start3A_21 : memref<80x8xf32, #tpu.memory_space<hbm>>) target(%arg14 : memref<80x8xf32, #tpu.memory_space<vmem>>) target_semaphore(%run_scoped3A_16 : memref<!tpu.dma_semaphore, #tpu.memory_space<semaphore_mem>>)
      %dma_wait3A = arith.constant 0 : i32
      %dma_wait3A_22 = arith.constant 0 : i32
      %dma_wait3A_23 = tpu.memref_slice %arg4[%dma_wait3A, %dma_wait3A_22] : memref<10000x128xf32, #tpu.memory_space<hbm>> -> memref<80x8xf32, #tpu.memory_space<hbm>>
      %dma_wait3A_24 = arith.constant 0 : i32
      %dma_wait3A_25 = arith.constant 0 : i32
      %dma_wait3A_26 = tpu.memref_slice %arg4[%dma_wait3A_24, %dma_wait3A_25] : memref<10000x128xf32, #tpu.memory_space<hbm>> -> memref<80x8xf32, #tpu.memory_space<hbm>>
      tpu.wait_dma2 semaphore(%run_scoped3A_16 : memref<!tpu.dma_semaphore, #tpu.memory_space<semaphore_mem>>) src(%dma_wait3A_26 : memref<80x8xf32, #tpu.memory_space<hbm>>) dst(%arg14 : memref<80x8xf32, #tpu.memory_space<vmem>>)
      tpu.yield
    }) : () -> ()
    %lt3A = arith.constant 10 : i32
    %lt3A_2 = arith.cmpi slt, %arg1, %lt3A : i32
    %convert_element_type3A = arith.extui %lt3A_2 : i1 to i32
    %cond3A = arith.constant 0 : i32
    %cond3A_3 = arith.cmpi ne, %convert_element_type3A, %cond3A : i32
    scf.if %cond3A_3 {
      %mul3A_16 = arith.constant 1000 : i32
      %mul3A_17 = arith.muli %mul3A_16, %arg1 : i32
      %mul3A_18 = arith.constant 1000 : i32
      %mul3A_19 = arith.muli %mul3A_18, %arg1 : i32
      "tpu.region"() ({
        %run_scoped3A_20 = tpu.sem_alloc : memref<!tpu.dma_semaphore, #tpu.memory_space<semaphore_mem>>
        %dma_start3A = arith.constant 0 : i32
        %dma_start3A_21 = tpu.memref_slice %arg16[%mul3A_19, %dma_start3A] : memref<10000x8xf32, #tpu.memory_space<vmem_shared>> -> memref<1000x8xf32, #tpu.memory_space<vmem_shared>>
        %dma_start3A_22 = arith.constant 0 : i32
        %dma_start3A_23 = tpu.memref_slice %arg4[%mul3A_17, %dma_start3A_22] : memref<10000x128xf32, #tpu.memory_space<hbm>> -> memref<1000x8xf32, #tpu.memory_space<hbm>>
        tpu.enqueue_dma source(%dma_start3A_23 : memref<1000x8xf32, #tpu.memory_space<hbm>>) target(%dma_start3A_21 : memref<1000x8xf32, #tpu.memory_space<vmem_shared>>) target_semaphore(%run_scoped3A_20 : memref<!tpu.dma_semaphore, #tpu.memory_space<semaphore_mem>>)
        %dma_wait3A = arith.constant 0 : i32
        %dma_wait3A_24 = tpu.memref_slice %arg16[%mul3A_19, %dma_wait3A] : memref<10000x8xf32, #tpu.memory_space<vmem_shared>> -> memref<1000x8xf32, #tpu.memory_space<vmem_shared>>
        %dma_wait3A_25 = arith.constant 0 : i32
        %dma_wait3A_26 = tpu.memref_slice %arg4[%mul3A_17, %dma_wait3A_25] : memref<10000x128xf32, #tpu.memory_space<hbm>> -> memref<1000x8xf32, #tpu.memory_space<hbm>>
        tpu.wait_dma2 semaphore(%run_scoped3A_20 : memref<!tpu.dma_semaphore, #tpu.memory_space<semaphore_mem>>) src(%dma_wait3A_26 : memref<1000x8xf32, #tpu.memory_space<hbm>>) dst(%dma_wait3A_24 : memref<1000x8xf32, #tpu.memory_space<vmem_shared>>)
        tpu.yield
      }) : () -> ()
    } else {
    }
    %barrier3A = arith.constant 0 : index
    tpu.barrier barrier_id(%barrier3A)
    %broadcast_in_dim3A = arith.constant 0 : i32
    %broadcast_in_dim3A_4 = vector.broadcast %broadcast_in_dim3A : i32 to vector<16xi32>
    %iota3A = tpu.iota {dimensions = array<i32: 0>} : vector<16xi32>
    %scan3A = arith.constant 0 : i32
    %scan3A_5 = arith.constant 0 : i32
    %scan3A_6 = arith.constant 5 : i32
    %scan3A_7 = arith.addi %scan3A_5, %scan3A_6 : i32
    %scan3A_8 = arith.constant 1 : i32
    scf.for %scan3A_16 = %scan3A_5 to %scan3A_7 step %scan3A_8  : i32 {
      %mul3A_17 = arith.constant 25 : i32
      %mul3A_18 = arith.muli %mul3A_17, %scan3A_16 : i32
      %run_scoped3A_19 = arith.constant 0 : i32
      "tpu.region"() ({
        %run_scoped3A_143 = tpu.sem_alloc : memref<!tpu.dma_semaphore, #tpu.memory_space<semaphore_mem>>
        %dma_start3A_144 = arith.constant 0 : i32
        %dma_start3A_145 = tpu.memref_slice %arg3[%run_scoped3A_19, %add3A, %mul3A_18, %dma_start3A_144] : memref<2x32x125x80xi32, #tpu.memory_space<hbm>> -> memref<1x1x25x80xi32, #tpu.memory_space<hbm>>
        %dma_start3A_146 = tpu.memref_squeeze %dma_start3A_145 : memref<1x1x25x80xi32, #tpu.memory_space<hbm>> -> memref<25x80xi32, #tpu.memory_space<hbm>>
        %dma_start3A_147 = arith.constant 0 : i32
        %dma_start3A_148 = tpu.memref_slice %arg3[%run_scoped3A_19, %add3A, %mul3A_18, %dma_start3A_147] : memref<2x32x125x80xi32, #tpu.memory_space<hbm>> -> memref<1x1x25x80xi32, #tpu.memory_space<hbm>>
        %dma_start3A_149 = tpu.memref_squeeze %dma_start3A_148 : memref<1x1x25x80xi32, #tpu.memory_space<hbm>> -> memref<25x80xi32, #tpu.memory_space<hbm>>
        tpu.enqueue_dma source(%dma_start3A_149 : memref<25x80xi32, #tpu.memory_space<hbm>>) target(%arg7 : memref<25x80xi32, #tpu.memory_space<vmem>>) target_semaphore(%run_scoped3A_143 : memref<!tpu.dma_semaphore, #tpu.memory_space<semaphore_mem>>)
        %dma_wait3A_150 = arith.constant 0 : i32
        %dma_wait3A_151 = tpu.memref_slice %arg3[%run_scoped3A_19, %add3A, %mul3A_18, %dma_wait3A_150] : memref<2x32x125x80xi32, #tpu.memory_space<hbm>> -> memref<1x1x25x80xi32, #tpu.memory_space<hbm>>
        %dma_wait3A_152 = tpu.memref_squeeze %dma_wait3A_151 : memref<1x1x25x80xi32, #tpu.memory_space<hbm>> -> memref<25x80xi32, #tpu.memory_space<hbm>>
        %dma_wait3A_153 = arith.constant 0 : i32
        %dma_wait3A_154 = tpu.memref_slice %arg3[%run_scoped3A_19, %add3A, %mul3A_18, %dma_wait3A_153] : memref<2x32x125x80xi32, #tpu.memory_space<hbm>> -> memref<1x1x25x80xi32, #tpu.memory_space<hbm>>
        %dma_wait3A_155 = tpu.memref_squeeze %dma_wait3A_154 : memref<1x1x25x80xi32, #tpu.memory_space<hbm>> -> memref<25x80xi32, #tpu.memory_space<hbm>>
        tpu.wait_dma2 semaphore(%run_scoped3A_143 : memref<!tpu.dma_semaphore, #tpu.memory_space<semaphore_mem>>) src(%dma_wait3A_155 : memref<25x80xi32, #tpu.memory_space<hbm>>) dst(%arg7 : memref<25x80xi32, #tpu.memory_space<vmem>>)
        tpu.yield
      }) : () -> ()
      %mul3A_20 = arith.constant 25 : i32
      %mul3A_21 = arith.muli %mul3A_20, %scan3A_16 : i32
      %run_scoped3A_22 = arith.constant 1 : i32
      "tpu.region"() ({
        %run_scoped3A_143 = tpu.sem_alloc : memref<!tpu.dma_semaphore, #tpu.memory_space<semaphore_mem>>
        %dma_start3A_144 = arith.constant 0 : i32
        %dma_start3A_145 = tpu.memref_slice %arg3[%run_scoped3A_22, %add3A, %mul3A_21, %dma_start3A_144] : memref<2x32x125x80xi32, #tpu.memory_space<hbm>> -> memref<1x1x25x80xi32, #tpu.memory_space<hbm>>
        %dma_start3A_146 = tpu.memref_squeeze %dma_start3A_145 : memref<1x1x25x80xi32, #tpu.memory_space<hbm>> -> memref<25x80xi32, #tpu.memory_space<hbm>>
        %dma_start3A_147 = arith.constant 0 : i32
        %dma_start3A_148 = tpu.memref_slice %arg3[%run_scoped3A_22, %add3A, %mul3A_21, %dma_start3A_147] : memref<2x32x125x80xi32, #tpu.memory_space<hbm>> -> memref<1x1x25x80xi32, #tpu.memory_space<hbm>>
        %dma_start3A_149 = tpu.memref_squeeze %dma_start3A_148 : memref<1x1x25x80xi32, #tpu.memory_space<hbm>> -> memref<25x80xi32, #tpu.memory_space<hbm>>
        tpu.enqueue_dma source(%dma_start3A_149 : memref<25x80xi32, #tpu.memory_space<hbm>>) target(%arg8 : memref<25x80xi32, #tpu.memory_space<vmem>>) target_semaphore(%run_scoped3A_143 : memref<!tpu.dma_semaphore, #tpu.memory_space<semaphore_mem>>)
        %dma_wait3A_150 = arith.constant 0 : i32
        %dma_wait3A_151 = tpu.memref_slice %arg3[%run_scoped3A_22, %add3A, %mul3A_21, %dma_wait3A_150] : memref<2x32x125x80xi32, #tpu.memory_space<hbm>> -> memref<1x1x25x80xi32, #tpu.memory_space<hbm>>
        %dma_wait3A_152 = tpu.memref_squeeze %dma_wait3A_151 : memref<1x1x25x80xi32, #tpu.memory_space<hbm>> -> memref<25x80xi32, #tpu.memory_space<hbm>>
        %dma_wait3A_153 = arith.constant 0 : i32
        %dma_wait3A_154 = tpu.memref_slice %arg3[%run_scoped3A_22, %add3A, %mul3A_21, %dma_wait3A_153] : memref<2x32x125x80xi32, #tpu.memory_space<hbm>> -> memref<1x1x25x80xi32, #tpu.memory_space<hbm>>
        %dma_wait3A_155 = tpu.memref_squeeze %dma_wait3A_154 : memref<1x1x25x80xi32, #tpu.memory_space<hbm>> -> memref<25x80xi32, #tpu.memory_space<hbm>>
        tpu.wait_dma2 semaphore(%run_scoped3A_143 : memref<!tpu.dma_semaphore, #tpu.memory_space<semaphore_mem>>) src(%dma_wait3A_155 : memref<25x80xi32, #tpu.memory_space<hbm>>) dst(%arg8 : memref<25x80xi32, #tpu.memory_space<vmem>>)
        tpu.yield
      }) : () -> ()
      %scan3A_23 = arith.constant 0 : i32
      %scan3A_24 = arith.constant 0 : i32
      %scan3A_25 = arith.constant 6 : i32
      %scan3A_26 = arith.addi %scan3A_24, %scan3A_25 : i32
      %scan3A_27 = arith.constant 1 : i32
      scf.for %scan3A_143 = %scan3A_24 to %scan3A_26 step %scan3A_27  : i32 {
        %mul3A_144 = arith.constant 4 : i32
        %mul3A_145 = arith.muli %mul3A_144, %scan3A_143 : i32
        %add3A_146 = arith.constant 0 : i32
        %add3A_147 = arith.addi %mul3A_145, %add3A_146 : i32
        %get3A_148 = arith.index_cast %add3A_147 : i32 to index
        %get3A_149 = arith.constant 0 : index
        %get3A_150 = tpu.vector_load %arg8[%get3A_148, %get3A_149] {strides = array<i32>} : memref<25x80xi32, #tpu.memory_space<vmem>>, vector<16xi32>,
        %get3A_151 = arith.index_cast %add3A_147 : i32 to index
        %get3A_152 = arith.constant 0 : index
        %get3A_153 = tpu.vector_load %arg7[%get3A_151, %get3A_152] {strides = array<i32>} : memref<25x80xi32, #tpu.memory_space<vmem>>, vector<16xi32>,
        %gather3A_154 = tpu.vector_load_idx %arg9[%get3A_150] : memref<10000xf32, #tpu.memory_space<vmem>>[vector<16xi32>], vector<16xf32>,
        %gather3A_155 = tpu.vector_load_idx %arg10[%get3A_153] : memref<10000xf32, #tpu.memory_space<vmem>>[vector<16xi32>], vector<16xf32>,
        %add3A_156 = arith.addf %gather3A_154, %gather3A_155 : vector<16xf32>
        %mul3A_157 = arith.constant 2.000000e-01 : f32
        %mul3A_158 = vector.broadcast %mul3A_157 : f32 to vector<16xf32>
        %mul3A_159 = arith.mulf %mul3A_158, %add3A_156 : vector<16xf32>
        %max3A_160 = arith.maximumf %add3A_156, %mul3A_159 : vector<16xf32>
        %exp3A_161 = math.exp %max3A_160 : vector<16xf32>
        %add3A_162 = arith.constant 0 : i32
        %add3A_163 = vector.broadcast %add3A_162 : i32 to vector<16xi32>
        %add3A_164 = arith.addi %iota3A, %add3A_163 : vector<16xi32>
        tpu.vector_store_idx %arg11[%add3A_164, %broadcast_in_dim3A_4], %exp3A_161 : memref<80x8xf32, #tpu.memory_space<vmem>>[vector<16xi32>, vector<16xi32>], vector<16xf32>,
        %mul3A_165 = arith.constant 80 : i32
        %mul3A_166 = arith.muli %mul3A_165, %add3A_147 : i32
        %add3A_167 = arith.constant 0 : i32
        %add3A_168 = arith.addi %mul3A_166, %add3A_167 : i32
        %swap3A_169 = arith.index_cast %add3A_168 : i32 to index
        %swap3A_170 = tpu.vector_load %arg15[%swap3A_169] {strides = array<i32>} : memref<2000xf32, #tpu.memory_space<vmem>>, vector<16xf32>,
        tpu.vector_store %arg15[%swap3A_169], %exp3A_161 {strides = array<i32>} : memref<2000xf32, #tpu.memory_space<vmem>>, vector<16xf32>,
        %get3A_171 = arith.index_cast %add3A_147 : i32 to index
        %get3A_172 = arith.constant 16 : index
        %get3A_173 = tpu.vector_load %arg8[%get3A_171, %get3A_172] {strides = array<i32>} : memref<25x80xi32, #tpu.memory_space<vmem>>, vector<16xi32>,
        %get3A_174 = arith.index_cast %add3A_147 : i32 to index
        %get3A_175 = arith.constant 16 : index
        %get3A_176 = tpu.vector_load %arg7[%get3A_174, %get3A_175] {strides = array<i32>} : memref<25x80xi32, #tpu.memory_space<vmem>>, vector<16xi32>,
        %gather3A_177 = tpu.vector_load_idx %arg9[%get3A_173] : memref<10000xf32, #tpu.memory_space<vmem>>[vector<16xi32>], vector<16xf32>,
        %gather3A_178 = tpu.vector_load_idx %arg10[%get3A_176] : memref<10000xf32, #tpu.memory_space<vmem>>[vector<16xi32>], vector<16xf32>,
        %add3A_179 = arith.addf %gather3A_177, %gather3A_178 : vector<16xf32>
        %mul3A_180 = arith.constant 2.000000e-01 : f32
        %mul3A_181 = vector.broadcast %mul3A_180 : f32 to vector<16xf32>
        %mul3A_182 = arith.mulf %mul3A_181, %add3A_179 : vector<16xf32>
        %max3A_183 = arith.maximumf %add3A_179, %mul3A_182 : vector<16xf32>
        %exp3A_184 = math.exp %max3A_183 : vector<16xf32>
        %add3A_185 = arith.constant 16 : i32
        %add3A_186 = vector.broadcast %add3A_185 : i32 to vector<16xi32>
        %add3A_187 = arith.addi %iota3A, %add3A_186 : vector<16xi32>
        tpu.vector_store_idx %arg11[%add3A_187, %broadcast_in_dim3A_4], %exp3A_184 : memref<80x8xf32, #tpu.memory_space<vmem>>[vector<16xi32>, vector<16xi32>], vector<16xf32>,
        %mul3A_188 = arith.constant 80 : i32
        %mul3A_189 = arith.muli %mul3A_188, %add3A_147 : i32
        %add3A_190 = arith.constant 16 : i32
        %add3A_191 = arith.addi %mul3A_189, %add3A_190 : i32
        %swap3A_192 = arith.index_cast %add3A_191 : i32 to index
        %swap3A_193 = tpu.vector_load %arg15[%swap3A_192] {strides = array<i32>} : memref<2000xf32, #tpu.memory_space<vmem>>, vector<16xf32>,
        tpu.vector_store %arg15[%swap3A_192], %exp3A_184 {strides = array<i32>} : memref<2000xf32, #tpu.memory_space<vmem>>, vector<16xf32>,
        %get3A_194 = arith.index_cast %add3A_147 : i32 to index
        %get3A_195 = arith.constant 32 : index
        %get3A_196 = tpu.vector_load %arg8[%get3A_194, %get3A_195] {strides = array<i32>} : memref<25x80xi32, #tpu.memory_space<vmem>>, vector<16xi32>,
        %get3A_197 = arith.index_cast %add3A_147 : i32 to index
        %get3A_198 = arith.constant 32 : index
        %get3A_199 = tpu.vector_load %arg7[%get3A_197, %get3A_198] {strides = array<i32>} : memref<25x80xi32, #tpu.memory_space<vmem>>, vector<16xi32>,
        %gather3A_200 = tpu.vector_load_idx %arg9[%get3A_196] : memref<10000xf32, #tpu.memory_space<vmem>>[vector<16xi32>], vector<16xf32>,
        %gather3A_201 = tpu.vector_load_idx %arg10[%get3A_199] : memref<10000xf32, #tpu.memory_space<vmem>>[vector<16xi32>], vector<16xf32>,
        %add3A_202 = arith.addf %gather3A_200, %gather3A_201 : vector<16xf32>
        %mul3A_203 = arith.constant 2.000000e-01 : f32
        %mul3A_204 = vector.broadcast %mul3A_203 : f32 to vector<16xf32>
        %mul3A_205 = arith.mulf %mul3A_204, %add3A_202 : vector<16xf32>
        %max3A_206 = arith.maximumf %add3A_202, %mul3A_205 : vector<16xf32>
        %exp3A_207 = math.exp %max3A_206 : vector<16xf32>
        %add3A_208 = arith.constant 32 : i32
        %add3A_209 = vector.broadcast %add3A_208 : i32 to vector<16xi32>
        %add3A_210 = arith.addi %iota3A, %add3A_209 : vector<16xi32>
        tpu.vector_store_idx %arg11[%add3A_210, %broadcast_in_dim3A_4], %exp3A_207 : memref<80x8xf32, #tpu.memory_space<vmem>>[vector<16xi32>, vector<16xi32>], vector<16xf32>,
        %mul3A_211 = arith.constant 80 : i32
        %mul3A_212 = arith.muli %mul3A_211, %add3A_147 : i32
        %add3A_213 = arith.constant 32 : i32
        %add3A_214 = arith.addi %mul3A_212, %add3A_213 : i32
        %swap3A_215 = arith.index_cast %add3A_214 : i32 to index
        %swap3A_216 = tpu.vector_load %arg15[%swap3A_215] {strides = array<i32>} : memref<2000xf32, #tpu.memory_space<vmem>>, vector<16xf32>,
        tpu.vector_store %arg15[%swap3A_215], %exp3A_207 {strides = array<i32>} : memref<2000xf32, #tpu.memory_space<vmem>>, vector<16xf32>,
        %get3A_217 = arith.index_cast %add3A_147 : i32 to index
        %get3A_218 = arith.constant 48 : index
        %get3A_219 = tpu.vector_load %arg8[%get3A_217, %get3A_218] {strides = array<i32>} : memref<25x80xi32, #tpu.memory_space<vmem>>, vector<16xi32>,
        %get3A_220 = arith.index_cast %add3A_147 : i32 to index
        %get3A_221 = arith.constant 48 : index
        %get3A_222 = tpu.vector_load %arg7[%get3A_220, %get3A_221] {strides = array<i32>} : memref<25x80xi32, #tpu.memory_space<vmem>>, vector<16xi32>,
        %gather3A_223 = tpu.vector_load_idx %arg9[%get3A_219] : memref<10000xf32, #tpu.memory_space<vmem>>[vector<16xi32>], vector<16xf32>,
        %gather3A_224 = tpu.vector_load_idx %arg10[%get3A_222] : memref<10000xf32, #tpu.memory_space<vmem>>[vector<16xi32>], vector<16xf32>,
        %add3A_225 = arith.addf %gather3A_223, %gather3A_224 : vector<16xf32>
        %mul3A_226 = arith.constant 2.000000e-01 : f32
        %mul3A_227 = vector.broadcast %mul3A_226 : f32 to vector<16xf32>
        %mul3A_228 = arith.mulf %mul3A_227, %add3A_225 : vector<16xf32>
        %max3A_229 = arith.maximumf %add3A_225, %mul3A_228 : vector<16xf32>
        %exp3A_230 = math.exp %max3A_229 : vector<16xf32>
        %add3A_231 = arith.constant 48 : i32
        %add3A_232 = vector.broadcast %add3A_231 : i32 to vector<16xi32>
        %add3A_233 = arith.addi %iota3A, %add3A_232 : vector<16xi32>
        tpu.vector_store_idx %arg11[%add3A_233, %broadcast_in_dim3A_4], %exp3A_230 : memref<80x8xf32, #tpu.memory_space<vmem>>[vector<16xi32>, vector<16xi32>], vector<16xf32>,
        %mul3A_234 = arith.constant 80 : i32
        %mul3A_235 = arith.muli %mul3A_234, %add3A_147 : i32
        %add3A_236 = arith.constant 48 : i32
        %add3A_237 = arith.addi %mul3A_235, %add3A_236 : i32
        %swap3A_238 = arith.index_cast %add3A_237 : i32 to index
        %swap3A_239 = tpu.vector_load %arg15[%swap3A_238] {strides = array<i32>} : memref<2000xf32, #tpu.memory_space<vmem>>, vector<16xf32>,
        tpu.vector_store %arg15[%swap3A_238], %exp3A_230 {strides = array<i32>} : memref<2000xf32, #tpu.memory_space<vmem>>, vector<16xf32>,
        %get3A_240 = arith.index_cast %add3A_147 : i32 to index
        %get3A_241 = arith.constant 64 : index
        %get3A_242 = tpu.vector_load %arg8[%get3A_240, %get3A_241] {strides = array<i32>} : memref<25x80xi32, #tpu.memory_space<vmem>>, vector<16xi32>,
        %get3A_243 = arith.index_cast %add3A_147 : i32 to index
        %get3A_244 = arith.constant 64 : index
        %get3A_245 = tpu.vector_load %arg7[%get3A_243, %get3A_244] {strides = array<i32>} : memref<25x80xi32, #tpu.memory_space<vmem>>, vector<16xi32>,
        %gather3A_246 = tpu.vector_load_idx %arg9[%get3A_242] : memref<10000xf32, #tpu.memory_space<vmem>>[vector<16xi32>], vector<16xf32>,
        %gather3A_247 = tpu.vector_load_idx %arg10[%get3A_245] : memref<10000xf32, #tpu.memory_space<vmem>>[vector<16xi32>], vector<16xf32>,
        %add3A_248 = arith.addf %gather3A_246, %gather3A_247 : vector<16xf32>
        %mul3A_249 = arith.constant 2.000000e-01 : f32
        %mul3A_250 = vector.broadcast %mul3A_249 : f32 to vector<16xf32>
        %mul3A_251 = arith.mulf %mul3A_250, %add3A_248 : vector<16xf32>
        %max3A_252 = arith.maximumf %add3A_248, %mul3A_251 : vector<16xf32>
        %exp3A_253 = math.exp %max3A_252 : vector<16xf32>
        %add3A_254 = arith.constant 64 : i32
        %add3A_255 = vector.broadcast %add3A_254 : i32 to vector<16xi32>
        %add3A_256 = arith.addi %iota3A, %add3A_255 : vector<16xi32>
        tpu.vector_store_idx %arg11[%add3A_256, %broadcast_in_dim3A_4], %exp3A_253 : memref<80x8xf32, #tpu.memory_space<vmem>>[vector<16xi32>, vector<16xi32>], vector<16xf32>,
        %mul3A_257 = arith.constant 80 : i32
        %mul3A_258 = arith.muli %mul3A_257, %add3A_147 : i32
        %add3A_259 = arith.constant 64 : i32
        %add3A_260 = arith.addi %mul3A_258, %add3A_259 : i32
        %swap3A_261 = arith.index_cast %add3A_260 : i32 to index
        %swap3A_262 = tpu.vector_load %arg15[%swap3A_261] {strides = array<i32>} : memref<2000xf32, #tpu.memory_space<vmem>>, vector<16xf32>,
        tpu.vector_store %arg15[%swap3A_261], %exp3A_253 {strides = array<i32>} : memref<2000xf32, #tpu.memory_space<vmem>>, vector<16xf32>,
        %dma_start3A_263 = arith.constant 0 : i32
        %dma_start3A_264 = tpu.memref_slice %arg8[%add3A_147, %dma_start3A_263] : memref<25x80xi32, #tpu.memory_space<vmem>> -> memref<1x80xi32, #tpu.memory_space<vmem>>
        %dma_start3A_265 = tpu.memref_squeeze %dma_start3A_264 : memref<1x80xi32, #tpu.memory_space<vmem>> -> memref<80xi32, #tpu.memory_space<vmem>>
        %dma_start3A_266 = arith.constant 0 : i32
        %dma_start3A_267 = arith.constant 0 : i32
        %dma_start3A_268 = tpu.memref_slice %arg16[%dma_start3A_266, %dma_start3A_267] : memref<10000x8xf32, #tpu.memory_space<vmem_shared>> -> memref<10000x8xf32, #tpu.memory_space<vmem_shared>>
        tpu.enqueue_indirect_dma source(%arg11 : memref<80x8xf32, #tpu.memory_space<vmem>>) target(%dma_start3A_268 : memref<10000x8xf32, #tpu.memory_space<vmem_shared>>) offsets(%dma_start3A_265 : memref<80xi32, #tpu.memory_space<vmem>>) semaphore(%arg17 : memref<!tpu.dma_semaphore, #tpu.memory_space<semaphore_mem>>) {add = true}
        %mul3A_269 = arith.constant 4 : i32
        %mul3A_270 = arith.muli %mul3A_269, %scan3A_143 : i32
        %add3A_271 = arith.constant 1 : i32
        %add3A_272 = arith.addi %mul3A_270, %add3A_271 : i32
        %get3A_273 = arith.index_cast %add3A_272 : i32 to index
        %get3A_274 = arith.constant 0 : index
        %get3A_275 = tpu.vector_load %arg8[%get3A_273, %get3A_274] {strides = array<i32>} : memref<25x80xi32, #tpu.memory_space<vmem>>, vector<16xi32>,
        %get3A_276 = arith.index_cast %add3A_272 : i32 to index
        %get3A_277 = arith.constant 0 : index
        %get3A_278 = tpu.vector_load %arg7[%get3A_276, %get3A_277] {strides = array<i32>} : memref<25x80xi32, #tpu.memory_space<vmem>>, vector<16xi32>,
        %gather3A_279 = tpu.vector_load_idx %arg9[%get3A_275] : memref<10000xf32, #tpu.memory_space<vmem>>[vector<16xi32>], vector<16xf32>,
        %gather3A_280 = tpu.vector_load_idx %arg10[%get3A_278] : memref<10000xf32, #tpu.memory_space<vmem>>[vector<16xi32>], vector<16xf32>,
        %add3A_281 = arith.addf %gather3A_279, %gather3A_280 : vector<16xf32>
        %mul3A_282 = arith.constant 2.000000e-01 : f32
        %mul3A_283 = vector.broadcast %mul3A_282 : f32 to vector<16xf32>
        %mul3A_284 = arith.mulf %mul3A_283, %add3A_281 : vector<16xf32>
        %max3A_285 = arith.maximumf %add3A_281, %mul3A_284 : vector<16xf32>
        %exp3A_286 = math.exp %max3A_285 : vector<16xf32>
        %add3A_287 = arith.constant 0 : i32
        %add3A_288 = vector.broadcast %add3A_287 : i32 to vector<16xi32>
        %add3A_289 = arith.addi %iota3A, %add3A_288 : vector<16xi32>
        tpu.vector_store_idx %arg12[%add3A_289, %broadcast_in_dim3A_4], %exp3A_286 : memref<80x8xf32, #tpu.memory_space<vmem>>[vector<16xi32>, vector<16xi32>], vector<16xf32>,
        %mul3A_290 = arith.constant 80 : i32
        %mul3A_291 = arith.muli %mul3A_290, %add3A_272 : i32
        %add3A_292 = arith.constant 0 : i32
        %add3A_293 = arith.addi %mul3A_291, %add3A_292 : i32
        %swap3A_294 = arith.index_cast %add3A_293 : i32 to index
        %swap3A_295 = tpu.vector_load %arg15[%swap3A_294] {strides = array<i32>} : memref<2000xf32, #tpu.memory_space<vmem>>, vector<16xf32>,
        tpu.vector_store %arg15[%swap3A_294], %exp3A_286 {strides = array<i32>} : memref<2000xf32, #tpu.memory_space<vmem>>, vector<16xf32>,
        %get3A_296 = arith.index_cast %add3A_272 : i32 to index
        %get3A_297 = arith.constant 16 : index
        %get3A_298 = tpu.vector_load %arg8[%get3A_296, %get3A_297] {strides = array<i32>} : memref<25x80xi32, #tpu.memory_space<vmem>>, vector<16xi32>,
        %get3A_299 = arith.index_cast %add3A_272 : i32 to index
        %get3A_300 = arith.constant 16 : index
        %get3A_301 = tpu.vector_load %arg7[%get3A_299, %get3A_300] {strides = array<i32>} : memref<25x80xi32, #tpu.memory_space<vmem>>, vector<16xi32>,
        %gather3A_302 = tpu.vector_load_idx %arg9[%get3A_298] : memref<10000xf32, #tpu.memory_space<vmem>>[vector<16xi32>], vector<16xf32>,
        %gather3A_303 = tpu.vector_load_idx %arg10[%get3A_301] : memref<10000xf32, #tpu.memory_space<vmem>>[vector<16xi32>], vector<16xf32>,
        %add3A_304 = arith.addf %gather3A_302, %gather3A_303 : vector<16xf32>
        %mul3A_305 = arith.constant 2.000000e-01 : f32
        %mul3A_306 = vector.broadcast %mul3A_305 : f32 to vector<16xf32>
        %mul3A_307 = arith.mulf %mul3A_306, %add3A_304 : vector<16xf32>
        %max3A_308 = arith.maximumf %add3A_304, %mul3A_307 : vector<16xf32>
        %exp3A_309 = math.exp %max3A_308 : vector<16xf32>
        %add3A_310 = arith.constant 16 : i32
        %add3A_311 = vector.broadcast %add3A_310 : i32 to vector<16xi32>
        %add3A_312 = arith.addi %iota3A, %add3A_311 : vector<16xi32>
        tpu.vector_store_idx %arg12[%add3A_312, %broadcast_in_dim3A_4], %exp3A_309 : memref<80x8xf32, #tpu.memory_space<vmem>>[vector<16xi32>, vector<16xi32>], vector<16xf32>,
        %mul3A_313 = arith.constant 80 : i32
        %mul3A_314 = arith.muli %mul3A_313, %add3A_272 : i32
        %add3A_315 = arith.constant 16 : i32
        %add3A_316 = arith.addi %mul3A_314, %add3A_315 : i32
        %swap3A_317 = arith.index_cast %add3A_316 : i32 to index
        %swap3A_318 = tpu.vector_load %arg15[%swap3A_317] {strides = array<i32>} : memref<2000xf32, #tpu.memory_space<vmem>>, vector<16xf32>,
        tpu.vector_store %arg15[%swap3A_317], %exp3A_309 {strides = array<i32>} : memref<2000xf32, #tpu.memory_space<vmem>>, vector<16xf32>,
        %get3A_319 = arith.index_cast %add3A_272 : i32 to index
        %get3A_320 = arith.constant 32 : index
        %get3A_321 = tpu.vector_load %arg8[%get3A_319, %get3A_320] {strides = array<i32>} : memref<25x80xi32, #tpu.memory_space<vmem>>, vector<16xi32>,
        %get3A_322 = arith.index_cast %add3A_272 : i32 to index
        %get3A_323 = arith.constant 32 : index
        %get3A_324 = tpu.vector_load %arg7[%get3A_322, %get3A_323] {strides = array<i32>} : memref<25x80xi32, #tpu.memory_space<vmem>>, vector<16xi32>,
        %gather3A_325 = tpu.vector_load_idx %arg9[%get3A_321] : memref<10000xf32, #tpu.memory_space<vmem>>[vector<16xi32>], vector<16xf32>,
        %gather3A_326 = tpu.vector_load_idx %arg10[%get3A_324] : memref<10000xf32, #tpu.memory_space<vmem>>[vector<16xi32>], vector<16xf32>,
        %add3A_327 = arith.addf %gather3A_325, %gather3A_326 : vector<16xf32>
        %mul3A_328 = arith.constant 2.000000e-01 : f32
        %mul3A_329 = vector.broadcast %mul3A_328 : f32 to vector<16xf32>
        %mul3A_330 = arith.mulf %mul3A_329, %add3A_327 : vector<16xf32>
        %max3A_331 = arith.maximumf %add3A_327, %mul3A_330 : vector<16xf32>
        %exp3A_332 = math.exp %max3A_331 : vector<16xf32>
        %add3A_333 = arith.constant 32 : i32
        %add3A_334 = vector.broadcast %add3A_333 : i32 to vector<16xi32>
        %add3A_335 = arith.addi %iota3A, %add3A_334 : vector<16xi32>
        tpu.vector_store_idx %arg12[%add3A_335, %broadcast_in_dim3A_4], %exp3A_332 : memref<80x8xf32, #tpu.memory_space<vmem>>[vector<16xi32>, vector<16xi32>], vector<16xf32>,
        %mul3A_336 = arith.constant 80 : i32
        %mul3A_337 = arith.muli %mul3A_336, %add3A_272 : i32
        %add3A_338 = arith.constant 32 : i32
        %add3A_339 = arith.addi %mul3A_337, %add3A_338 : i32
        %swap3A_340 = arith.index_cast %add3A_339 : i32 to index
        %swap3A_341 = tpu.vector_load %arg15[%swap3A_340] {strides = array<i32>} : memref<2000xf32, #tpu.memory_space<vmem>>, vector<16xf32>,
        tpu.vector_store %arg15[%swap3A_340], %exp3A_332 {strides = array<i32>} : memref<2000xf32, #tpu.memory_space<vmem>>, vector<16xf32>,
        %get3A_342 = arith.index_cast %add3A_272 : i32 to index
        %get3A_343 = arith.constant 48 : index
        %get3A_344 = tpu.vector_load %arg8[%get3A_342, %get3A_343] {strides = array<i32>} : memref<25x80xi32, #tpu.memory_space<vmem>>, vector<16xi32>,
        %get3A_345 = arith.index_cast %add3A_272 : i32 to index
        %get3A_346 = arith.constant 48 : index
        %get3A_347 = tpu.vector_load %arg7[%get3A_345, %get3A_346] {strides = array<i32>} : memref<25x80xi32, #tpu.memory_space<vmem>>, vector<16xi32>,
        %gather3A_348 = tpu.vector_load_idx %arg9[%get3A_344] : memref<10000xf32, #tpu.memory_space<vmem>>[vector<16xi32>], vector<16xf32>,
        %gather3A_349 = tpu.vector_load_idx %arg10[%get3A_347] : memref<10000xf32, #tpu.memory_space<vmem>>[vector<16xi32>], vector<16xf32>,
        %add3A_350 = arith.addf %gather3A_348, %gather3A_349 : vector<16xf32>
        %mul3A_351 = arith.constant 2.000000e-01 : f32
        %mul3A_352 = vector.broadcast %mul3A_351 : f32 to vector<16xf32>
        %mul3A_353 = arith.mulf %mul3A_352, %add3A_350 : vector<16xf32>
        %max3A_354 = arith.maximumf %add3A_350, %mul3A_353 : vector<16xf32>
        %exp3A_355 = math.exp %max3A_354 : vector<16xf32>
        %add3A_356 = arith.constant 48 : i32
        %add3A_357 = vector.broadcast %add3A_356 : i32 to vector<16xi32>
        %add3A_358 = arith.addi %iota3A, %add3A_357 : vector<16xi32>
        tpu.vector_store_idx %arg12[%add3A_358, %broadcast_in_dim3A_4], %exp3A_355 : memref<80x8xf32, #tpu.memory_space<vmem>>[vector<16xi32>, vector<16xi32>], vector<16xf32>,
        %mul3A_359 = arith.constant 80 : i32
        %mul3A_360 = arith.muli %mul3A_359, %add3A_272 : i32
        %add3A_361 = arith.constant 48 : i32
        %add3A_362 = arith.addi %mul3A_360, %add3A_361 : i32
        %swap3A_363 = arith.index_cast %add3A_362 : i32 to index
        %swap3A_364 = tpu.vector_load %arg15[%swap3A_363] {strides = array<i32>} : memref<2000xf32, #tpu.memory_space<vmem>>, vector<16xf32>,
        tpu.vector_store %arg15[%swap3A_363], %exp3A_355 {strides = array<i32>} : memref<2000xf32, #tpu.memory_space<vmem>>, vector<16xf32>,
        %get3A_365 = arith.index_cast %add3A_272 : i32 to index
        %get3A_366 = arith.constant 64 : index
        %get3A_367 = tpu.vector_load %arg8[%get3A_365, %get3A_366] {strides = array<i32>} : memref<25x80xi32, #tpu.memory_space<vmem>>, vector<16xi32>,
        %get3A_368 = arith.index_cast %add3A_272 : i32 to index
        %get3A_369 = arith.constant 64 : index
        %get3A_370 = tpu.vector_load %arg7[%get3A_368, %get3A_369] {strides = array<i32>} : memref<25x80xi32, #tpu.memory_space<vmem>>, vector<16xi32>,
        %gather3A_371 = tpu.vector_load_idx %arg9[%get3A_367] : memref<10000xf32, #tpu.memory_space<vmem>>[vector<16xi32>], vector<16xf32>,
        %gather3A_372 = tpu.vector_load_idx %arg10[%get3A_370] : memref<10000xf32, #tpu.memory_space<vmem>>[vector<16xi32>], vector<16xf32>,
        %add3A_373 = arith.addf %gather3A_371, %gather3A_372 : vector<16xf32>
        %mul3A_374 = arith.constant 2.000000e-01 : f32
        %mul3A_375 = vector.broadcast %mul3A_374 : f32 to vector<16xf32>
        %mul3A_376 = arith.mulf %mul3A_375, %add3A_373 : vector<16xf32>
        %max3A_377 = arith.maximumf %add3A_373, %mul3A_376 : vector<16xf32>
        %exp3A_378 = math.exp %max3A_377 : vector<16xf32>
        %add3A_379 = arith.constant 64 : i32
        %add3A_380 = vector.broadcast %add3A_379 : i32 to vector<16xi32>
        %add3A_381 = arith.addi %iota3A, %add3A_380 : vector<16xi32>
        tpu.vector_store_idx %arg12[%add3A_381, %broadcast_in_dim3A_4], %exp3A_378 : memref<80x8xf32, #tpu.memory_space<vmem>>[vector<16xi32>, vector<16xi32>], vector<16xf32>,
        %mul3A_382 = arith.constant 80 : i32
        %mul3A_383 = arith.muli %mul3A_382, %add3A_272 : i32
        %add3A_384 = arith.constant 64 : i32
        %add3A_385 = arith.addi %mul3A_383, %add3A_384 : i32
        %swap3A_386 = arith.index_cast %add3A_385 : i32 to index
        %swap3A_387 = tpu.vector_load %arg15[%swap3A_386] {strides = array<i32>} : memref<2000xf32, #tpu.memory_space<vmem>>, vector<16xf32>,
        tpu.vector_store %arg15[%swap3A_386], %exp3A_378 {strides = array<i32>} : memref<2000xf32, #tpu.memory_space<vmem>>, vector<16xf32>,
        %dma_start3A_388 = arith.constant 0 : i32
        %dma_start3A_389 = tpu.memref_slice %arg8[%add3A_272, %dma_start3A_388] : memref<25x80xi32, #tpu.memory_space<vmem>> -> memref<1x80xi32, #tpu.memory_space<vmem>>
        %dma_start3A_390 = tpu.memref_squeeze %dma_start3A_389 : memref<1x80xi32, #tpu.memory_space<vmem>> -> memref<80xi32, #tpu.memory_space<vmem>>
        %dma_start3A_391 = arith.constant 0 : i32
        %dma_start3A_392 = arith.constant 0 : i32
        %dma_start3A_393 = tpu.memref_slice %arg16[%dma_start3A_391, %dma_start3A_392] : memref<10000x8xf32, #tpu.memory_space<vmem_shared>> -> memref<10000x8xf32, #tpu.memory_space<vmem_shared>>
        tpu.enqueue_indirect_dma source(%arg12 : memref<80x8xf32, #tpu.memory_space<vmem>>) target(%dma_start3A_393 : memref<10000x8xf32, #tpu.memory_space<vmem_shared>>) offsets(%dma_start3A_390 : memref<80xi32, #tpu.memory_space<vmem>>) semaphore(%arg18 : memref<!tpu.dma_semaphore, #tpu.memory_space<semaphore_mem>>) {add = true}
        %mul3A_394 = arith.constant 4 : i32
        %mul3A_395 = arith.muli %mul3A_394, %scan3A_143 : i32
        %add3A_396 = arith.constant 2 : i32
        %add3A_397 = arith.addi %mul3A_395, %add3A_396 : i32
        %get3A_398 = arith.index_cast %add3A_397 : i32 to index
        %get3A_399 = arith.constant 0 : index
        %get3A_400 = tpu.vector_load %arg8[%get3A_398, %get3A_399] {strides = array<i32>} : memref<25x80xi32, #tpu.memory_space<vmem>>, vector<16xi32>,
        %get3A_401 = arith.index_cast %add3A_397 : i32 to index
        %get3A_402 = arith.constant 0 : index
        %get3A_403 = tpu.vector_load %arg7[%get3A_401, %get3A_402] {strides = array<i32>} : memref<25x80xi32, #tpu.memory_space<vmem>>, vector<16xi32>,
        %gather3A_404 = tpu.vector_load_idx %arg9[%get3A_400] : memref<10000xf32, #tpu.memory_space<vmem>>[vector<16xi32>], vector<16xf32>,
        %gather3A_405 = tpu.vector_load_idx %arg10[%get3A_403] : memref<10000xf32, #tpu.memory_space<vmem>>[vector<16xi32>], vector<16xf32>,
        %add3A_406 = arith.addf %gather3A_404, %gather3A_405 : vector<16xf32>
        %mul3A_407 = arith.constant 2.000000e-01 : f32
        %mul3A_408 = vector.broadcast %mul3A_407 : f32 to vector<16xf32>
        %mul3A_409 = arith.mulf %mul3A_408, %add3A_406 : vector<16xf32>
        %max3A_410 = arith.maximumf %add3A_406, %mul3A_409 : vector<16xf32>
        %exp3A_411 = math.exp %max3A_410 : vector<16xf32>
        %add3A_412 = arith.constant 0 : i32
        %add3A_413 = vector.broadcast %add3A_412 : i32 to vector<16xi32>
        %add3A_414 = arith.addi %iota3A, %add3A_413 : vector<16xi32>
        tpu.vector_store_idx %arg13[%add3A_414, %broadcast_in_dim3A_4], %exp3A_411 : memref<80x8xf32, #tpu.memory_space<vmem>>[vector<16xi32>, vector<16xi32>], vector<16xf32>,
        %mul3A_415 = arith.constant 80 : i32
        %mul3A_416 = arith.muli %mul3A_415, %add3A_397 : i32
        %add3A_417 = arith.constant 0 : i32
        %add3A_418 = arith.addi %mul3A_416, %add3A_417 : i32
        %swap3A_419 = arith.index_cast %add3A_418 : i32 to index
        %swap3A_420 = tpu.vector_load %arg15[%swap3A_419] {strides = array<i32>} : memref<2000xf32, #tpu.memory_space<vmem>>, vector<16xf32>,
        tpu.vector_store %arg15[%swap3A_419], %exp3A_411 {strides = array<i32>} : memref<2000xf32, #tpu.memory_space<vmem>>, vector<16xf32>,
        %get3A_421 = arith.index_cast %add3A_397 : i32 to index
        %get3A_422 = arith.constant 16 : index
        %get3A_423 = tpu.vector_load %arg8[%get3A_421, %get3A_422] {strides = array<i32>} : memref<25x80xi32, #tpu.memory_space<vmem>>, vector<16xi32>,
        %get3A_424 = arith.index_cast %add3A_397 : i32 to index
        %get3A_425 = arith.constant 16 : index
        %get3A_426 = tpu.vector_load %arg7[%get3A_424, %get3A_425] {strides = array<i32>} : memref<25x80xi32, #tpu.memory_space<vmem>>, vector<16xi32>,
        %gather3A_427 = tpu.vector_load_idx %arg9[%get3A_423] : memref<10000xf32, #tpu.memory_space<vmem>>[vector<16xi32>], vector<16xf32>,
        %gather3A_428 = tpu.vector_load_idx %arg10[%get3A_426] : memref<10000xf32, #tpu.memory_space<vmem>>[vector<16xi32>], vector<16xf32>,
        %add3A_429 = arith.addf %gather3A_427, %gather3A_428 : vector<16xf32>
        %mul3A_430 = arith.constant 2.000000e-01 : f32
        %mul3A_431 = vector.broadcast %mul3A_430 : f32 to vector<16xf32>
        %mul3A_432 = arith.mulf %mul3A_431, %add3A_429 : vector<16xf32>
        %max3A_433 = arith.maximumf %add3A_429, %mul3A_432 : vector<16xf32>
        %exp3A_434 = math.exp %max3A_433 : vector<16xf32>
        %add3A_435 = arith.constant 16 : i32
        %add3A_436 = vector.broadcast %add3A_435 : i32 to vector<16xi32>
        %add3A_437 = arith.addi %iota3A, %add3A_436 : vector<16xi32>
        tpu.vector_store_idx %arg13[%add3A_437, %broadcast_in_dim3A_4], %exp3A_434 : memref<80x8xf32, #tpu.memory_space<vmem>>[vector<16xi32>, vector<16xi32>], vector<16xf32>,
        %mul3A_438 = arith.constant 80 : i32
        %mul3A_439 = arith.muli %mul3A_438, %add3A_397 : i32
        %add3A_440 = arith.constant 16 : i32
        %add3A_441 = arith.addi %mul3A_439, %add3A_440 : i32
        %swap3A_442 = arith.index_cast %add3A_441 : i32 to index
        %swap3A_443 = tpu.vector_load %arg15[%swap3A_442] {strides = array<i32>} : memref<2000xf32, #tpu.memory_space<vmem>>, vector<16xf32>,
        tpu.vector_store %arg15[%swap3A_442], %exp3A_434 {strides = array<i32>} : memref<2000xf32, #tpu.memory_space<vmem>>, vector<16xf32>,
        %get3A_444 = arith.index_cast %add3A_397 : i32 to index
        %get3A_445 = arith.constant 32 : index
        %get3A_446 = tpu.vector_load %arg8[%get3A_444, %get3A_445] {strides = array<i32>} : memref<25x80xi32, #tpu.memory_space<vmem>>, vector<16xi32>,
        %get3A_447 = arith.index_cast %add3A_397 : i32 to index
        %get3A_448 = arith.constant 32 : index
        %get3A_449 = tpu.vector_load %arg7[%get3A_447, %get3A_448] {strides = array<i32>} : memref<25x80xi32, #tpu.memory_space<vmem>>, vector<16xi32>,
        %gather3A_450 = tpu.vector_load_idx %arg9[%get3A_446] : memref<10000xf32, #tpu.memory_space<vmem>>[vector<16xi32>], vector<16xf32>,
        %gather3A_451 = tpu.vector_load_idx %arg10[%get3A_449] : memref<10000xf32, #tpu.memory_space<vmem>>[vector<16xi32>], vector<16xf32>,
        %add3A_452 = arith.addf %gather3A_450, %gather3A_451 : vector<16xf32>
        %mul3A_453 = arith.constant 2.000000e-01 : f32
        %mul3A_454 = vector.broadcast %mul3A_453 : f32 to vector<16xf32>
        %mul3A_455 = arith.mulf %mul3A_454, %add3A_452 : vector<16xf32>
        %max3A_456 = arith.maximumf %add3A_452, %mul3A_455 : vector<16xf32>
        %exp3A_457 = math.exp %max3A_456 : vector<16xf32>
        %add3A_458 = arith.constant 32 : i32
        %add3A_459 = vector.broadcast %add3A_458 : i32 to vector<16xi32>
        %add3A_460 = arith.addi %iota3A, %add3A_459 : vector<16xi32>
        tpu.vector_store_idx %arg13[%add3A_460, %broadcast_in_dim3A_4], %exp3A_457 : memref<80x8xf32, #tpu.memory_space<vmem>>[vector<16xi32>, vector<16xi32>], vector<16xf32>,
        %mul3A_461 = arith.constant 80 : i32
        %mul3A_462 = arith.muli %mul3A_461, %add3A_397 : i32
        %add3A_463 = arith.constant 32 : i32
        %add3A_464 = arith.addi %mul3A_462, %add3A_463 : i32
        %swap3A_465 = arith.index_cast %add3A_464 : i32 to index
        %swap3A_466 = tpu.vector_load %arg15[%swap3A_465] {strides = array<i32>} : memref<2000xf32, #tpu.memory_space<vmem>>, vector<16xf32>,
        tpu.vector_store %arg15[%swap3A_465], %exp3A_457 {strides = array<i32>} : memref<2000xf32, #tpu.memory_space<vmem>>, vector<16xf32>,
        %get3A_467 = arith.index_cast %add3A_397 : i32 to index
        %get3A_468 = arith.constant 48 : index
        %get3A_469 = tpu.vector_load %arg8[%get3A_467, %get3A_468] {strides = array<i32>} : memref<25x80xi32, #tpu.memory_space<vmem>>, vector<16xi32>,
        %get3A_470 = arith.index_cast %add3A_397 : i32 to index
        %get3A_471 = arith.constant 48 : index
        %get3A_472 = tpu.vector_load %arg7[%get3A_470, %get3A_471] {strides = array<i32>} : memref<25x80xi32, #tpu.memory_space<vmem>>, vector<16xi32>,
        %gather3A_473 = tpu.vector_load_idx %arg9[%get3A_469] : memref<10000xf32, #tpu.memory_space<vmem>>[vector<16xi32>], vector<16xf32>,
        %gather3A_474 = tpu.vector_load_idx %arg10[%get3A_472] : memref<10000xf32, #tpu.memory_space<vmem>>[vector<16xi32>], vector<16xf32>,
        %add3A_475 = arith.addf %gather3A_473, %gather3A_474 : vector<16xf32>
        %mul3A_476 = arith.constant 2.000000e-01 : f32
        %mul3A_477 = vector.broadcast %mul3A_476 : f32 to vector<16xf32>
        %mul3A_478 = arith.mulf %mul3A_477, %add3A_475 : vector<16xf32>
        %max3A_479 = arith.maximumf %add3A_475, %mul3A_478 : vector<16xf32>
        %exp3A_480 = math.exp %max3A_479 : vector<16xf32>
        %add3A_481 = arith.constant 48 : i32
        %add3A_482 = vector.broadcast %add3A_481 : i32 to vector<16xi32>
        %add3A_483 = arith.addi %iota3A, %add3A_482 : vector<16xi32>
        tpu.vector_store_idx %arg13[%add3A_483, %broadcast_in_dim3A_4], %exp3A_480 : memref<80x8xf32, #tpu.memory_space<vmem>>[vector<16xi32>, vector<16xi32>], vector<16xf32>,
        %mul3A_484 = arith.constant 80 : i32
        %mul3A_485 = arith.muli %mul3A_484, %add3A_397 : i32
        %add3A_486 = arith.constant 48 : i32
        %add3A_487 = arith.addi %mul3A_485, %add3A_486 : i32
        %swap3A_488 = arith.index_cast %add3A_487 : i32 to index
        %swap3A_489 = tpu.vector_load %arg15[%swap3A_488] {strides = array<i32>} : memref<2000xf32, #tpu.memory_space<vmem>>, vector<16xf32>,
        tpu.vector_store %arg15[%swap3A_488], %exp3A_480 {strides = array<i32>} : memref<2000xf32, #tpu.memory_space<vmem>>, vector<16xf32>,
        %get3A_490 = arith.index_cast %add3A_397 : i32 to index
        %get3A_491 = arith.constant 64 : index
        %get3A_492 = tpu.vector_load %arg8[%get3A_490, %get3A_491] {strides = array<i32>} : memref<25x80xi32, #tpu.memory_space<vmem>>, vector<16xi32>,
        %get3A_493 = arith.index_cast %add3A_397 : i32 to index
        %get3A_494 = arith.constant 64 : index
        %get3A_495 = tpu.vector_load %arg7[%get3A_493, %get3A_494] {strides = array<i32>} : memref<25x80xi32, #tpu.memory_space<vmem>>, vector<16xi32>,
        %gather3A_496 = tpu.vector_load_idx %arg9[%get3A_492] : memref<10000xf32, #tpu.memory_space<vmem>>[vector<16xi32>], vector<16xf32>,
        %gather3A_497 = tpu.vector_load_idx %arg10[%get3A_495] : memref<10000xf32, #tpu.memory_space<vmem>>[vector<16xi32>], vector<16xf32>,
        %add3A_498 = arith.addf %gather3A_496, %gather3A_497 : vector<16xf32>
        %mul3A_499 = arith.constant 2.000000e-01 : f32
        %mul3A_500 = vector.broadcast %mul3A_499 : f32 to vector<16xf32>
        %mul3A_501 = arith.mulf %mul3A_500, %add3A_498 : vector<16xf32>
        %max3A_502 = arith.maximumf %add3A_498, %mul3A_501 : vector<16xf32>
        %exp3A_503 = math.exp %max3A_502 : vector<16xf32>
        %add3A_504 = arith.constant 64 : i32
        %add3A_505 = vector.broadcast %add3A_504 : i32 to vector<16xi32>
        %add3A_506 = arith.addi %iota3A, %add3A_505 : vector<16xi32>
        tpu.vector_store_idx %arg13[%add3A_506, %broadcast_in_dim3A_4], %exp3A_503 : memref<80x8xf32, #tpu.memory_space<vmem>>[vector<16xi32>, vector<16xi32>], vector<16xf32>,
        %mul3A_507 = arith.constant 80 : i32
        %mul3A_508 = arith.muli %mul3A_507, %add3A_397 : i32
        %add3A_509 = arith.constant 64 : i32
        %add3A_510 = arith.addi %mul3A_508, %add3A_509 : i32
        %swap3A_511 = arith.index_cast %add3A_510 : i32 to index
        %swap3A_512 = tpu.vector_load %arg15[%swap3A_511] {strides = array<i32>} : memref<2000xf32, #tpu.memory_space<vmem>>, vector<16xf32>,
        tpu.vector_store %arg15[%swap3A_511], %exp3A_503 {strides = array<i32>} : memref<2000xf32, #tpu.memory_space<vmem>>, vector<16xf32>,
        %dma_start3A_513 = arith.constant 0 : i32
        %dma_start3A_514 = tpu.memref_slice %arg8[%add3A_397, %dma_start3A_513] : memref<25x80xi32, #tpu.memory_space<vmem>> -> memref<1x80xi32, #tpu.memory_space<vmem>>
        %dma_start3A_515 = tpu.memref_squeeze %dma_start3A_514 : memref<1x80xi32, #tpu.memory_space<vmem>> -> memref<80xi32, #tpu.memory_space<vmem>>
        %dma_start3A_516 = arith.constant 0 : i32
        %dma_start3A_517 = arith.constant 0 : i32
        %dma_start3A_518 = tpu.memref_slice %arg16[%dma_start3A_516, %dma_start3A_517] : memref<10000x8xf32, #tpu.memory_space<vmem_shared>> -> memref<10000x8xf32, #tpu.memory_space<vmem_shared>>
        tpu.enqueue_indirect_dma source(%arg13 : memref<80x8xf32, #tpu.memory_space<vmem>>) target(%dma_start3A_518 : memref<10000x8xf32, #tpu.memory_space<vmem_shared>>) offsets(%dma_start3A_515 : memref<80xi32, #tpu.memory_space<vmem>>) semaphore(%arg19 : memref<!tpu.dma_semaphore, #tpu.memory_space<semaphore_mem>>) {add = true}
        %mul3A_519 = arith.constant 4 : i32
        %mul3A_520 = arith.muli %mul3A_519, %scan3A_143 : i32
        %add3A_521 = arith.constant 3 : i32
        %add3A_522 = arith.addi %mul3A_520, %add3A_521 : i32
        %get3A_523 = arith.index_cast %add3A_522 : i32 to index
        %get3A_524 = arith.constant 0 : index
        %get3A_525 = tpu.vector_load %arg8[%get3A_523, %get3A_524] {strides = array<i32>} : memref<25x80xi32, #tpu.memory_space<vmem>>, vector<16xi32>,
        %get3A_526 = arith.index_cast %add3A_522 : i32 to index
        %get3A_527 = arith.constant 0 : index
        %get3A_528 = tpu.vector_load %arg7[%get3A_526, %get3A_527] {strides = array<i32>} : memref<25x80xi32, #tpu.memory_space<vmem>>, vector<16xi32>,
        %gather3A_529 = tpu.vector_load_idx %arg9[%get3A_525] : memref<10000xf32, #tpu.memory_space<vmem>>[vector<16xi32>], vector<16xf32>,
        %gather3A_530 = tpu.vector_load_idx %arg10[%get3A_528] : memref<10000xf32, #tpu.memory_space<vmem>>[vector<16xi32>], vector<16xf32>,
        %add3A_531 = arith.addf %gather3A_529, %gather3A_530 : vector<16xf32>
        %mul3A_532 = arith.constant 2.000000e-01 : f32
        %mul3A_533 = vector.broadcast %mul3A_532 : f32 to vector<16xf32>
        %mul3A_534 = arith.mulf %mul3A_533, %add3A_531 : vector<16xf32>
        %max3A_535 = arith.maximumf %add3A_531, %mul3A_534 : vector<16xf32>
        %exp3A_536 = math.exp %max3A_535 : vector<16xf32>
        %add3A_537 = arith.constant 0 : i32
        %add3A_538 = vector.broadcast %add3A_537 : i32 to vector<16xi32>
        %add3A_539 = arith.addi %iota3A, %add3A_538 : vector<16xi32>
        tpu.vector_store_idx %arg14[%add3A_539, %broadcast_in_dim3A_4], %exp3A_536 : memref<80x8xf32, #tpu.memory_space<vmem>>[vector<16xi32>, vector<16xi32>], vector<16xf32>,
        %mul3A_540 = arith.constant 80 : i32
        %mul3A_541 = arith.muli %mul3A_540, %add3A_522 : i32
        %add3A_542 = arith.constant 0 : i32
        %add3A_543 = arith.addi %mul3A_541, %add3A_542 : i32
        %swap3A_544 = arith.index_cast %add3A_543 : i32 to index
        %swap3A_545 = tpu.vector_load %arg15[%swap3A_544] {strides = array<i32>} : memref<2000xf32, #tpu.memory_space<vmem>>, vector<16xf32>,
        tpu.vector_store %arg15[%swap3A_544], %exp3A_536 {strides = array<i32>} : memref<2000xf32, #tpu.memory_space<vmem>>, vector<16xf32>,
        %get3A_546 = arith.index_cast %add3A_522 : i32 to index
        %get3A_547 = arith.constant 16 : index
        %get3A_548 = tpu.vector_load %arg8[%get3A_546, %get3A_547] {strides = array<i32>} : memref<25x80xi32, #tpu.memory_space<vmem>>, vector<16xi32>,
        %get3A_549 = arith.index_cast %add3A_522 : i32 to index
        %get3A_550 = arith.constant 16 : index
        %get3A_551 = tpu.vector_load %arg7[%get3A_549, %get3A_550] {strides = array<i32>} : memref<25x80xi32, #tpu.memory_space<vmem>>, vector<16xi32>,
        %gather3A_552 = tpu.vector_load_idx %arg9[%get3A_548] : memref<10000xf32, #tpu.memory_space<vmem>>[vector<16xi32>], vector<16xf32>,
        %gather3A_553 = tpu.vector_load_idx %arg10[%get3A_551] : memref<10000xf32, #tpu.memory_space<vmem>>[vector<16xi32>], vector<16xf32>,
        %add3A_554 = arith.addf %gather3A_552, %gather3A_553 : vector<16xf32>
        %mul3A_555 = arith.constant 2.000000e-01 : f32
        %mul3A_556 = vector.broadcast %mul3A_555 : f32 to vector<16xf32>
        %mul3A_557 = arith.mulf %mul3A_556, %add3A_554 : vector<16xf32>
        %max3A_558 = arith.maximumf %add3A_554, %mul3A_557 : vector<16xf32>
        %exp3A_559 = math.exp %max3A_558 : vector<16xf32>
        %add3A_560 = arith.constant 16 : i32
        %add3A_561 = vector.broadcast %add3A_560 : i32 to vector<16xi32>
        %add3A_562 = arith.addi %iota3A, %add3A_561 : vector<16xi32>
        tpu.vector_store_idx %arg14[%add3A_562, %broadcast_in_dim3A_4], %exp3A_559 : memref<80x8xf32, #tpu.memory_space<vmem>>[vector<16xi32>, vector<16xi32>], vector<16xf32>,
        %mul3A_563 = arith.constant 80 : i32
        %mul3A_564 = arith.muli %mul3A_563, %add3A_522 : i32
        %add3A_565 = arith.constant 16 : i32
        %add3A_566 = arith.addi %mul3A_564, %add3A_565 : i32
        %swap3A_567 = arith.index_cast %add3A_566 : i32 to index
        %swap3A_568 = tpu.vector_load %arg15[%swap3A_567] {strides = array<i32>} : memref<2000xf32, #tpu.memory_space<vmem>>, vector<16xf32>,
        tpu.vector_store %arg15[%swap3A_567], %exp3A_559 {strides = array<i32>} : memref<2000xf32, #tpu.memory_space<vmem>>, vector<16xf32>,
        %get3A_569 = arith.index_cast %add3A_522 : i32 to index
        %get3A_570 = arith.constant 32 : index
        %get3A_571 = tpu.vector_load %arg8[%get3A_569, %get3A_570] {strides = array<i32>} : memref<25x80xi32, #tpu.memory_space<vmem>>, vector<16xi32>,
        %get3A_572 = arith.index_cast %add3A_522 : i32 to index
        %get3A_573 = arith.constant 32 : index
        %get3A_574 = tpu.vector_load %arg7[%get3A_572, %get3A_573] {strides = array<i32>} : memref<25x80xi32, #tpu.memory_space<vmem>>, vector<16xi32>,
        %gather3A_575 = tpu.vector_load_idx %arg9[%get3A_571] : memref<10000xf32, #tpu.memory_space<vmem>>[vector<16xi32>], vector<16xf32>,
        %gather3A_576 = tpu.vector_load_idx %arg10[%get3A_574] : memref<10000xf32, #tpu.memory_space<vmem>>[vector<16xi32>], vector<16xf32>,
        %add3A_577 = arith.addf %gather3A_575, %gather3A_576 : vector<16xf32>
        %mul3A_578 = arith.constant 2.000000e-01 : f32
        %mul3A_579 = vector.broadcast %mul3A_578 : f32 to vector<16xf32>
        %mul3A_580 = arith.mulf %mul3A_579, %add3A_577 : vector<16xf32>
        %max3A_581 = arith.maximumf %add3A_577, %mul3A_580 : vector<16xf32>
        %exp3A_582 = math.exp %max3A_581 : vector<16xf32>
        %add3A_583 = arith.constant 32 : i32
        %add3A_584 = vector.broadcast %add3A_583 : i32 to vector<16xi32>
        %add3A_585 = arith.addi %iota3A, %add3A_584 : vector<16xi32>
        tpu.vector_store_idx %arg14[%add3A_585, %broadcast_in_dim3A_4], %exp3A_582 : memref<80x8xf32, #tpu.memory_space<vmem>>[vector<16xi32>, vector<16xi32>], vector<16xf32>,
        %mul3A_586 = arith.constant 80 : i32
        %mul3A_587 = arith.muli %mul3A_586, %add3A_522 : i32
        %add3A_588 = arith.constant 32 : i32
        %add3A_589 = arith.addi %mul3A_587, %add3A_588 : i32
        %swap3A_590 = arith.index_cast %add3A_589 : i32 to index
        %swap3A_591 = tpu.vector_load %arg15[%swap3A_590] {strides = array<i32>} : memref<2000xf32, #tpu.memory_space<vmem>>, vector<16xf32>,
        tpu.vector_store %arg15[%swap3A_590], %exp3A_582 {strides = array<i32>} : memref<2000xf32, #tpu.memory_space<vmem>>, vector<16xf32>,
        %get3A_592 = arith.index_cast %add3A_522 : i32 to index
        %get3A_593 = arith.constant 48 : index
        %get3A_594 = tpu.vector_load %arg8[%get3A_592, %get3A_593] {strides = array<i32>} : memref<25x80xi32, #tpu.memory_space<vmem>>, vector<16xi32>,
        %get3A_595 = arith.index_cast %add3A_522 : i32 to index
        %get3A_596 = arith.constant 48 : index
        %get3A_597 = tpu.vector_load %arg7[%get3A_595, %get3A_596] {strides = array<i32>} : memref<25x80xi32, #tpu.memory_space<vmem>>, vector<16xi32>,
        %gather3A_598 = tpu.vector_load_idx %arg9[%get3A_594] : memref<10000xf32, #tpu.memory_space<vmem>>[vector<16xi32>], vector<16xf32>,
        %gather3A_599 = tpu.vector_load_idx %arg10[%get3A_597] : memref<10000xf32, #tpu.memory_space<vmem>>[vector<16xi32>], vector<16xf32>,
        %add3A_600 = arith.addf %gather3A_598, %gather3A_599 : vector<16xf32>
        %mul3A_601 = arith.constant 2.000000e-01 : f32
        %mul3A_602 = vector.broadcast %mul3A_601 : f32 to vector<16xf32>
        %mul3A_603 = arith.mulf %mul3A_602, %add3A_600 : vector<16xf32>
        %max3A_604 = arith.maximumf %add3A_600, %mul3A_603 : vector<16xf32>
        %exp3A_605 = math.exp %max3A_604 : vector<16xf32>
        %add3A_606 = arith.constant 48 : i32
        %add3A_607 = vector.broadcast %add3A_606 : i32 to vector<16xi32>
        %add3A_608 = arith.addi %iota3A, %add3A_607 : vector<16xi32>
        tpu.vector_store_idx %arg14[%add3A_608, %broadcast_in_dim3A_4], %exp3A_605 : memref<80x8xf32, #tpu.memory_space<vmem>>[vector<16xi32>, vector<16xi32>], vector<16xf32>,
        %mul3A_609 = arith.constant 80 : i32
        %mul3A_610 = arith.muli %mul3A_609, %add3A_522 : i32
        %add3A_611 = arith.constant 48 : i32
        %add3A_612 = arith.addi %mul3A_610, %add3A_611 : i32
        %swap3A_613 = arith.index_cast %add3A_612 : i32 to index
        %swap3A_614 = tpu.vector_load %arg15[%swap3A_613] {strides = array<i32>} : memref<2000xf32, #tpu.memory_space<vmem>>, vector<16xf32>,
        tpu.vector_store %arg15[%swap3A_613], %exp3A_605 {strides = array<i32>} : memref<2000xf32, #tpu.memory_space<vmem>>, vector<16xf32>,
        %get3A_615 = arith.index_cast %add3A_522 : i32 to index
        %get3A_616 = arith.constant 64 : index
        %get3A_617 = tpu.vector_load %arg8[%get3A_615, %get3A_616] {strides = array<i32>} : memref<25x80xi32, #tpu.memory_space<vmem>>, vector<16xi32>,
        %get3A_618 = arith.index_cast %add3A_522 : i32 to index
        %get3A_619 = arith.constant 64 : index
        %get3A_620 = tpu.vector_load %arg7[%get3A_618, %get3A_619] {strides = array<i32>} : memref<25x80xi32, #tpu.memory_space<vmem>>, vector<16xi32>,
        %gather3A_621 = tpu.vector_load_idx %arg9[%get3A_617] : memref<10000xf32, #tpu.memory_space<vmem>>[vector<16xi32>], vector<16xf32>,
        %gather3A_622 = tpu.vector_load_idx %arg10[%get3A_620] : memref<10000xf32, #tpu.memory_space<vmem>>[vector<16xi32>], vector<16xf32>,
        %add3A_623 = arith.addf %gather3A_621, %gather3A_622 : vector<16xf32>
        %mul3A_624 = arith.constant 2.000000e-01 : f32
        %mul3A_625 = vector.broadcast %mul3A_624 : f32 to vector<16xf32>
        %mul3A_626 = arith.mulf %mul3A_625, %add3A_623 : vector<16xf32>
        %max3A_627 = arith.maximumf %add3A_623, %mul3A_626 : vector<16xf32>
        %exp3A_628 = math.exp %max3A_627 : vector<16xf32>
        %add3A_629 = arith.constant 64 : i32
        %add3A_630 = vector.broadcast %add3A_629 : i32 to vector<16xi32>
        %add3A_631 = arith.addi %iota3A, %add3A_630 : vector<16xi32>
        tpu.vector_store_idx %arg14[%add3A_631, %broadcast_in_dim3A_4], %exp3A_628 : memref<80x8xf32, #tpu.memory_space<vmem>>[vector<16xi32>, vector<16xi32>], vector<16xf32>,
        %mul3A_632 = arith.constant 80 : i32
        %mul3A_633 = arith.muli %mul3A_632, %add3A_522 : i32
        %add3A_634 = arith.constant 64 : i32
        %add3A_635 = arith.addi %mul3A_633, %add3A_634 : i32
        %swap3A_636 = arith.index_cast %add3A_635 : i32 to index
        %swap3A_637 = tpu.vector_load %arg15[%swap3A_636] {strides = array<i32>} : memref<2000xf32, #tpu.memory_space<vmem>>, vector<16xf32>,
        tpu.vector_store %arg15[%swap3A_636], %exp3A_628 {strides = array<i32>} : memref<2000xf32, #tpu.memory_space<vmem>>, vector<16xf32>,
        %dma_start3A_638 = arith.constant 0 : i32
        %dma_start3A_639 = tpu.memref_slice %arg8[%add3A_522, %dma_start3A_638] : memref<25x80xi32, #tpu.memory_space<vmem>> -> memref<1x80xi32, #tpu.memory_space<vmem>>
        %dma_start3A_640 = tpu.memref_squeeze %dma_start3A_639 : memref<1x80xi32, #tpu.memory_space<vmem>> -> memref<80xi32, #tpu.memory_space<vmem>>
        %dma_start3A_641 = arith.constant 0 : i32
        %dma_start3A_642 = arith.constant 0 : i32
        %dma_start3A_643 = tpu.memref_slice %arg16[%dma_start3A_641, %dma_start3A_642] : memref<10000x8xf32, #tpu.memory_space<vmem_shared>> -> memref<10000x8xf32, #tpu.memory_space<vmem_shared>>
        tpu.enqueue_indirect_dma source(%arg14 : memref<80x8xf32, #tpu.memory_space<vmem>>) target(%dma_start3A_643 : memref<10000x8xf32, #tpu.memory_space<vmem_shared>>) offsets(%dma_start3A_640 : memref<80xi32, #tpu.memory_space<vmem>>) semaphore(%arg20 : memref<!tpu.dma_semaphore, #tpu.memory_space<semaphore_mem>>) {add = true}
        %dma_wait3A_644 = arith.constant 0 : i32
        %dma_wait3A_645 = tpu.memref_slice %arg8[%add3A_147, %dma_wait3A_644] : memref<25x80xi32, #tpu.memory_space<vmem>> -> memref<1x80xi32, #tpu.memory_space<vmem>>
        %dma_wait3A_646 = tpu.memref_squeeze %dma_wait3A_645 : memref<1x80xi32, #tpu.memory_space<vmem>> -> memref<80xi32, #tpu.memory_space<vmem>>
        %dma_wait3A_647 = arith.constant 0 : i32
        %dma_wait3A_648 = arith.constant 0 : i32
        %dma_wait3A_649 = tpu.memref_slice %arg16[%dma_wait3A_647, %dma_wait3A_648] : memref<10000x8xf32, #tpu.memory_space<vmem_shared>> -> memref<10000x8xf32, #tpu.memory_space<vmem_shared>>
        tpu.wait_indirect_dma semaphore(%arg17 : memref<!tpu.dma_semaphore, #tpu.memory_space<semaphore_mem>>) src(%arg11 : memref<80x8xf32, #tpu.memory_space<vmem>>) dst(%dma_wait3A_649 : memref<10000x8xf32, #tpu.memory_space<vmem_shared>>)
        %dma_wait3A_650 = arith.constant 0 : i32
        %dma_wait3A_651 = tpu.memref_slice %arg8[%add3A_272, %dma_wait3A_650] : memref<25x80xi32, #tpu.memory_space<vmem>> -> memref<1x80xi32, #tpu.memory_space<vmem>>
        %dma_wait3A_652 = tpu.memref_squeeze %dma_wait3A_651 : memref<1x80xi32, #tpu.memory_space<vmem>> -> memref<80xi32, #tpu.memory_space<vmem>>
        %dma_wait3A_653 = arith.constant 0 : i32
        %dma_wait3A_654 = arith.constant 0 : i32
        %dma_wait3A_655 = tpu.memref_slice %arg16[%dma_wait3A_653, %dma_wait3A_654] : memref<10000x8xf32, #tpu.memory_space<vmem_shared>> -> memref<10000x8xf32, #tpu.memory_space<vmem_shared>>
        tpu.wait_indirect_dma semaphore(%arg18 : memref<!tpu.dma_semaphore, #tpu.memory_space<semaphore_mem>>) src(%arg12 : memref<80x8xf32, #tpu.memory_space<vmem>>) dst(%dma_wait3A_655 : memref<10000x8xf32, #tpu.memory_space<vmem_shared>>)
        %dma_wait3A_656 = arith.constant 0 : i32
        %dma_wait3A_657 = tpu.memref_slice %arg8[%add3A_397, %dma_wait3A_656] : memref<25x80xi32, #tpu.memory_space<vmem>> -> memref<1x80xi32, #tpu.memory_space<vmem>>
        %dma_wait3A_658 = tpu.memref_squeeze %dma_wait3A_657 : memref<1x80xi32, #tpu.memory_space<vmem>> -> memref<80xi32, #tpu.memory_space<vmem>>
        %dma_wait3A_659 = arith.constant 0 : i32
        %dma_wait3A_660 = arith.constant 0 : i32
        %dma_wait3A_661 = tpu.memref_slice %arg16[%dma_wait3A_659, %dma_wait3A_660] : memref<10000x8xf32, #tpu.memory_space<vmem_shared>> -> memref<10000x8xf32, #tpu.memory_space<vmem_shared>>
        tpu.wait_indirect_dma semaphore(%arg19 : memref<!tpu.dma_semaphore, #tpu.memory_space<semaphore_mem>>) src(%arg13 : memref<80x8xf32, #tpu.memory_space<vmem>>) dst(%dma_wait3A_661 : memref<10000x8xf32, #tpu.memory_space<vmem_shared>>)
        %dma_wait3A_662 = arith.constant 0 : i32
        %dma_wait3A_663 = tpu.memref_slice %arg8[%add3A_522, %dma_wait3A_662] : memref<25x80xi32, #tpu.memory_space<vmem>> -> memref<1x80xi32, #tpu.memory_space<vmem>>
        %dma_wait3A_664 = tpu.memref_squeeze %dma_wait3A_663 : memref<1x80xi32, #tpu.memory_space<vmem>> -> memref<80xi32, #tpu.memory_space<vmem>>
        %dma_wait3A_665 = arith.constant 0 : i32
        %dma_wait3A_666 = arith.constant 0 : i32
        %dma_wait3A_667 = tpu.memref_slice %arg16[%dma_wait3A_665, %dma_wait3A_666] : memref<10000x8xf32, #tpu.memory_space<vmem_shared>> -> memref<10000x8xf32, #tpu.memory_space<vmem_shared>>
        tpu.wait_indirect_dma semaphore(%arg20 : memref<!tpu.dma_semaphore, #tpu.memory_space<semaphore_mem>>) src(%arg14 : memref<80x8xf32, #tpu.memory_space<vmem>>) dst(%dma_wait3A_667 : memref<10000x8xf32, #tpu.memory_space<vmem_shared>>)
      }
      %scan3A_28 = arith.constant 6 : i32
      %get3A = arith.constant 24 : i32
      %get3A_29 = arith.index_cast %get3A : i32 to index
      %get3A_30 = arith.constant 0 : index
      %get3A_31 = tpu.vector_load %arg8[%get3A_29, %get3A_30] {strides = array<i32>} : memref<25x80xi32, #tpu.memory_space<vmem>>, vector<16xi32>,
      %get3A_32 = arith.constant 24 : i32
      %get3A_33 = arith.index_cast %get3A_32 : i32 to index
      %get3A_34 = arith.constant 0 : index
      %get3A_35 = tpu.vector_load %arg7[%get3A_33, %get3A_34] {strides = array<i32>} : memref<25x80xi32, #tpu.memory_space<vmem>>, vector<16xi32>,
      %gather3A = tpu.vector_load_idx %arg9[%get3A_31] : memref<10000xf32, #tpu.memory_space<vmem>>[vector<16xi32>], vector<16xf32>,
      %gather3A_36 = tpu.vector_load_idx %arg10[%get3A_35] : memref<10000xf32, #tpu.memory_space<vmem>>[vector<16xi32>], vector<16xf32>,
      %add3A_37 = arith.addf %gather3A, %gather3A_36 : vector<16xf32>
      %mul3A_38 = arith.constant 2.000000e-01 : f32
      %mul3A_39 = vector.broadcast %mul3A_38 : f32 to vector<16xf32>
      %mul3A_40 = arith.mulf %mul3A_39, %add3A_37 : vector<16xf32>
      %max3A = arith.maximumf %add3A_37, %mul3A_40 : vector<16xf32>
      %exp3A = math.exp %max3A : vector<16xf32>
      %add3A_41 = arith.constant 0 : i32
      %add3A_42 = vector.broadcast %add3A_41 : i32 to vector<16xi32>
      %add3A_43 = arith.addi %iota3A, %add3A_42 : vector<16xi32>
      tpu.vector_store_idx %arg11[%add3A_43, %broadcast_in_dim3A_4], %exp3A : memref<80x8xf32, #tpu.memory_space<vmem>>[vector<16xi32>, vector<16xi32>], vector<16xf32>,
      %swap3A = arith.constant 1920 : index
      %swap3A_44 = tpu.vector_load %arg15[%swap3A] {strides = array<i32>} : memref<2000xf32, #tpu.memory_space<vmem>>, vector<16xf32>,
      tpu.vector_store %arg15[%swap3A], %exp3A {strides = array<i32>} : memref<2000xf32, #tpu.memory_space<vmem>>, vector<16xf32>,
      %get3A_45 = arith.constant 24 : i32
      %get3A_46 = arith.index_cast %get3A_45 : i32 to index
      %get3A_47 = arith.constant 16 : index
      %get3A_48 = tpu.vector_load %arg8[%get3A_46, %get3A_47] {strides = array<i32>} : memref<25x80xi32, #tpu.memory_space<vmem>>, vector<16xi32>,
      %get3A_49 = arith.constant 24 : i32
      %get3A_50 = arith.index_cast %get3A_49 : i32 to index
      %get3A_51 = arith.constant 16 : index
      %get3A_52 = tpu.vector_load %arg7[%get3A_50, %get3A_51] {strides = array<i32>} : memref<25x80xi32, #tpu.memory_space<vmem>>, vector<16xi32>,
      %gather3A_53 = tpu.vector_load_idx %arg9[%get3A_48] : memref<10000xf32, #tpu.memory_space<vmem>>[vector<16xi32>], vector<16xf32>,
      %gather3A_54 = tpu.vector_load_idx %arg10[%get3A_52] : memref<10000xf32, #tpu.memory_space<vmem>>[vector<16xi32>], vector<16xf32>,
      %add3A_55 = arith.addf %gather3A_53, %gather3A_54 : vector<16xf32>
      %mul3A_56 = arith.constant 2.000000e-01 : f32
      %mul3A_57 = vector.broadcast %mul3A_56 : f32 to vector<16xf32>
      %mul3A_58 = arith.mulf %mul3A_57, %add3A_55 : vector<16xf32>
      %max3A_59 = arith.maximumf %add3A_55, %mul3A_58 : vector<16xf32>
      %exp3A_60 = math.exp %max3A_59 : vector<16xf32>
      %add3A_61 = arith.constant 16 : i32
      %add3A_62 = vector.broadcast %add3A_61 : i32 to vector<16xi32>
      %add3A_63 = arith.addi %iota3A, %add3A_62 : vector<16xi32>
      tpu.vector_store_idx %arg11[%add3A_63, %broadcast_in_dim3A_4], %exp3A_60 : memref<80x8xf32, #tpu.memory_space<vmem>>[vector<16xi32>, vector<16xi32>], vector<16xf32>,
      %swap3A_64 = arith.constant 1936 : index
      %swap3A_65 = tpu.vector_load %arg15[%swap3A_64] {strides = array<i32>} : memref<2000xf32, #tpu.memory_space<vmem>>, vector<16xf32>,
      tpu.vector_store %arg15[%swap3A_64], %exp3A_60 {strides = array<i32>} : memref<2000xf32, #tpu.memory_space<vmem>>, vector<16xf32>,
      %get3A_66 = arith.constant 24 : i32
      %get3A_67 = arith.index_cast %get3A_66 : i32 to index
      %get3A_68 = arith.constant 32 : index
      %get3A_69 = tpu.vector_load %arg8[%get3A_67, %get3A_68] {strides = array<i32>} : memref<25x80xi32, #tpu.memory_space<vmem>>, vector<16xi32>,
      %get3A_70 = arith.constant 24 : i32
      %get3A_71 = arith.index_cast %get3A_70 : i32 to index
      %get3A_72 = arith.constant 32 : index
      %get3A_73 = tpu.vector_load %arg7[%get3A_71, %get3A_72] {strides = array<i32>} : memref<25x80xi32, #tpu.memory_space<vmem>>, vector<16xi32>,
      %gather3A_74 = tpu.vector_load_idx %arg9[%get3A_69] : memref<10000xf32, #tpu.memory_space<vmem>>[vector<16xi32>], vector<16xf32>,
      %gather3A_75 = tpu.vector_load_idx %arg10[%get3A_73] : memref<10000xf32, #tpu.memory_space<vmem>>[vector<16xi32>], vector<16xf32>,
      %add3A_76 = arith.addf %gather3A_74, %gather3A_75 : vector<16xf32>
      %mul3A_77 = arith.constant 2.000000e-01 : f32
      %mul3A_78 = vector.broadcast %mul3A_77 : f32 to vector<16xf32>
      %mul3A_79 = arith.mulf %mul3A_78, %add3A_76 : vector<16xf32>
      %max3A_80 = arith.maximumf %add3A_76, %mul3A_79 : vector<16xf32>
      %exp3A_81 = math.exp %max3A_80 : vector<16xf32>
      %add3A_82 = arith.constant 32 : i32
      %add3A_83 = vector.broadcast %add3A_82 : i32 to vector<16xi32>
      %add3A_84 = arith.addi %iota3A, %add3A_83 : vector<16xi32>
      tpu.vector_store_idx %arg11[%add3A_84, %broadcast_in_dim3A_4], %exp3A_81 : memref<80x8xf32, #tpu.memory_space<vmem>>[vector<16xi32>, vector<16xi32>], vector<16xf32>,
      %swap3A_85 = arith.constant 1952 : index
      %swap3A_86 = tpu.vector_load %arg15[%swap3A_85] {strides = array<i32>} : memref<2000xf32, #tpu.memory_space<vmem>>, vector<16xf32>,
      tpu.vector_store %arg15[%swap3A_85], %exp3A_81 {strides = array<i32>} : memref<2000xf32, #tpu.memory_space<vmem>>, vector<16xf32>,
      %get3A_87 = arith.constant 24 : i32
      %get3A_88 = arith.index_cast %get3A_87 : i32 to index
      %get3A_89 = arith.constant 48 : index
      %get3A_90 = tpu.vector_load %arg8[%get3A_88, %get3A_89] {strides = array<i32>} : memref<25x80xi32, #tpu.memory_space<vmem>>, vector<16xi32>,
      %get3A_91 = arith.constant 24 : i32
      %get3A_92 = arith.index_cast %get3A_91 : i32 to index
      %get3A_93 = arith.constant 48 : index
      %get3A_94 = tpu.vector_load %arg7[%get3A_92, %get3A_93] {strides = array<i32>} : memref<25x80xi32, #tpu.memory_space<vmem>>, vector<16xi32>,
      %gather3A_95 = tpu.vector_load_idx %arg9[%get3A_90] : memref<10000xf32, #tpu.memory_space<vmem>>[vector<16xi32>], vector<16xf32>,
      %gather3A_96 = tpu.vector_load_idx %arg10[%get3A_94] : memref<10000xf32, #tpu.memory_space<vmem>>[vector<16xi32>], vector<16xf32>,
      %add3A_97 = arith.addf %gather3A_95, %gather3A_96 : vector<16xf32>
      %mul3A_98 = arith.constant 2.000000e-01 : f32
      %mul3A_99 = vector.broadcast %mul3A_98 : f32 to vector<16xf32>
      %mul3A_100 = arith.mulf %mul3A_99, %add3A_97 : vector<16xf32>
      %max3A_101 = arith.maximumf %add3A_97, %mul3A_100 : vector<16xf32>
      %exp3A_102 = math.exp %max3A_101 : vector<16xf32>
      %add3A_103 = arith.constant 48 : i32
      %add3A_104 = vector.broadcast %add3A_103 : i32 to vector<16xi32>
      %add3A_105 = arith.addi %iota3A, %add3A_104 : vector<16xi32>
      tpu.vector_store_idx %arg11[%add3A_105, %broadcast_in_dim3A_4], %exp3A_102 : memref<80x8xf32, #tpu.memory_space<vmem>>[vector<16xi32>, vector<16xi32>], vector<16xf32>,
      %swap3A_106 = arith.constant 1968 : index
      %swap3A_107 = tpu.vector_load %arg15[%swap3A_106] {strides = array<i32>} : memref<2000xf32, #tpu.memory_space<vmem>>, vector<16xf32>,
      tpu.vector_store %arg15[%swap3A_106], %exp3A_102 {strides = array<i32>} : memref<2000xf32, #tpu.memory_space<vmem>>, vector<16xf32>,
      %get3A_108 = arith.constant 24 : i32
      %get3A_109 = arith.index_cast %get3A_108 : i32 to index
      %get3A_110 = arith.constant 64 : index
      %get3A_111 = tpu.vector_load %arg8[%get3A_109, %get3A_110] {strides = array<i32>} : memref<25x80xi32, #tpu.memory_space<vmem>>, vector<16xi32>,
      %get3A_112 = arith.constant 24 : i32
      %get3A_113 = arith.index_cast %get3A_112 : i32 to index
      %get3A_114 = arith.constant 64 : index
      %get3A_115 = tpu.vector_load %arg7[%get3A_113, %get3A_114] {strides = array<i32>} : memref<25x80xi32, #tpu.memory_space<vmem>>, vector<16xi32>,
      %gather3A_116 = tpu.vector_load_idx %arg9[%get3A_111] : memref<10000xf32, #tpu.memory_space<vmem>>[vector<16xi32>], vector<16xf32>,
      %gather3A_117 = tpu.vector_load_idx %arg10[%get3A_115] : memref<10000xf32, #tpu.memory_space<vmem>>[vector<16xi32>], vector<16xf32>,
      %add3A_118 = arith.addf %gather3A_116, %gather3A_117 : vector<16xf32>
      %mul3A_119 = arith.constant 2.000000e-01 : f32
      %mul3A_120 = vector.broadcast %mul3A_119 : f32 to vector<16xf32>
      %mul3A_121 = arith.mulf %mul3A_120, %add3A_118 : vector<16xf32>
      %max3A_122 = arith.maximumf %add3A_118, %mul3A_121 : vector<16xf32>
      %exp3A_123 = math.exp %max3A_122 : vector<16xf32>
      %add3A_124 = arith.constant 64 : i32
      %add3A_125 = vector.broadcast %add3A_124 : i32 to vector<16xi32>
      %add3A_126 = arith.addi %iota3A, %add3A_125 : vector<16xi32>
      tpu.vector_store_idx %arg11[%add3A_126, %broadcast_in_dim3A_4], %exp3A_123 : memref<80x8xf32, #tpu.memory_space<vmem>>[vector<16xi32>, vector<16xi32>], vector<16xf32>,
      %swap3A_127 = arith.constant 1984 : index
      %swap3A_128 = tpu.vector_load %arg15[%swap3A_127] {strides = array<i32>} : memref<2000xf32, #tpu.memory_space<vmem>>, vector<16xf32>,
      tpu.vector_store %arg15[%swap3A_127], %exp3A_123 {strides = array<i32>} : memref<2000xf32, #tpu.memory_space<vmem>>, vector<16xf32>,
      %dma_start3A = arith.constant 24 : i32
      %dma_start3A_129 = arith.constant 0 : i32
      %dma_start3A_130 = tpu.memref_slice %arg8[%dma_start3A, %dma_start3A_129] : memref<25x80xi32, #tpu.memory_space<vmem>> -> memref<1x80xi32, #tpu.memory_space<vmem>>
      %dma_start3A_131 = tpu.memref_squeeze %dma_start3A_130 : memref<1x80xi32, #tpu.memory_space<vmem>> -> memref<80xi32, #tpu.memory_space<vmem>>
      %dma_start3A_132 = arith.constant 0 : i32
      %dma_start3A_133 = arith.constant 0 : i32
      %dma_start3A_134 = tpu.memref_slice %arg16[%dma_start3A_132, %dma_start3A_133] : memref<10000x8xf32, #tpu.memory_space<vmem_shared>> -> memref<10000x8xf32, #tpu.memory_space<vmem_shared>>
      tpu.enqueue_indirect_dma source(%arg11 : memref<80x8xf32, #tpu.memory_space<vmem>>) target(%dma_start3A_134 : memref<10000x8xf32, #tpu.memory_space<vmem_shared>>) offsets(%dma_start3A_131 : memref<80xi32, #tpu.memory_space<vmem>>) semaphore(%arg17 : memref<!tpu.dma_semaphore, #tpu.memory_space<semaphore_mem>>) {add = true}
      %dma_wait3A = arith.constant 24 : i32
      %dma_wait3A_135 = arith.constant 0 : i32
      %dma_wait3A_136 = tpu.memref_slice %arg8[%dma_wait3A, %dma_wait3A_135] : memref<25x80xi32, #tpu.memory_space<vmem>> -> memref<1x80xi32, #tpu.memory_space<vmem>>
      %dma_wait3A_137 = tpu.memref_squeeze %dma_wait3A_136 : memref<1x80xi32, #tpu.memory_space<vmem>> -> memref<80xi32, #tpu.memory_space<vmem>>
      %dma_wait3A_138 = arith.constant 0 : i32
      %dma_wait3A_139 = arith.constant 0 : i32
      %dma_wait3A_140 = tpu.memref_slice %arg16[%dma_wait3A_138, %dma_wait3A_139] : memref<10000x8xf32, #tpu.memory_space<vmem_shared>> -> memref<10000x8xf32, #tpu.memory_space<vmem_shared>>
      tpu.wait_indirect_dma semaphore(%arg17 : memref<!tpu.dma_semaphore, #tpu.memory_space<semaphore_mem>>) src(%arg11 : memref<80x8xf32, #tpu.memory_space<vmem>>) dst(%dma_wait3A_140 : memref<10000x8xf32, #tpu.memory_space<vmem_shared>>)
      %mul3A_141 = arith.constant 2000 : i32
      %mul3A_142 = arith.muli %mul3A_141, %scan3A_16 : i32
      "tpu.region"() ({
        %run_scoped3A_143 = tpu.sem_alloc : memref<!tpu.dma_semaphore, #tpu.memory_space<semaphore_mem>>
        %dma_start3A_144 = tpu.memref_slice %arg6[%add3A, %mul3A_142] : memref<32x10000xf32, #tpu.memory_space<hbm>> -> memref<1x2000xf32, #tpu.memory_space<hbm>>
        %dma_start3A_145 = tpu.memref_squeeze %dma_start3A_144 : memref<1x2000xf32, #tpu.memory_space<hbm>> -> memref<2000xf32, #tpu.memory_space<hbm>>
        %dma_start3A_146 = tpu.memref_slice %arg6[%add3A, %mul3A_142] : memref<32x10000xf32, #tpu.memory_space<hbm>> -> memref<1x2000xf32, #tpu.memory_space<hbm>>
        %dma_start3A_147 = tpu.memref_squeeze %dma_start3A_146 : memref<1x2000xf32, #tpu.memory_space<hbm>> -> memref<2000xf32, #tpu.memory_space<hbm>>
        tpu.enqueue_dma source(%arg15 : memref<2000xf32, #tpu.memory_space<vmem>>) target(%dma_start3A_147 : memref<2000xf32, #tpu.memory_space<hbm>>) target_semaphore(%run_scoped3A_143 : memref<!tpu.dma_semaphore, #tpu.memory_space<semaphore_mem>>)
        %dma_wait3A_148 = tpu.memref_slice %arg6[%add3A, %mul3A_142] : memref<32x10000xf32, #tpu.memory_space<hbm>> -> memref<1x2000xf32, #tpu.memory_space<hbm>>
        %dma_wait3A_149 = tpu.memref_squeeze %dma_wait3A_148 : memref<1x2000xf32, #tpu.memory_space<hbm>> -> memref<2000xf32, #tpu.memory_space<hbm>>
        %dma_wait3A_150 = tpu.memref_slice %arg6[%add3A, %mul3A_142] : memref<32x10000xf32, #tpu.memory_space<hbm>> -> memref<1x2000xf32, #tpu.memory_space<hbm>>
        %dma_wait3A_151 = tpu.memref_squeeze %dma_wait3A_150 : memref<1x2000xf32, #tpu.memory_space<hbm>> -> memref<2000xf32, #tpu.memory_space<hbm>>
        tpu.wait_dma2 semaphore(%run_scoped3A_143 : memref<!tpu.dma_semaphore, #tpu.memory_space<semaphore_mem>>) src(%arg15 : memref<2000xf32, #tpu.memory_space<vmem>>) dst(%dma_wait3A_151 : memref<2000xf32, #tpu.memory_space<hbm>>)
        tpu.yield
      }) : () -> ()
    }
    %scan3A_9 = arith.constant 5 : i32
    %barrier3A_10 = arith.constant 0 : index
    tpu.barrier barrier_id(%barrier3A_10)
    %lt3A_11 = arith.constant 10 : i32
    %lt3A_12 = arith.cmpi slt, %arg1, %lt3A_11 : i32
    %convert_element_type3A_13 = arith.extui %lt3A_12 : i1 to i32
    %cond3A_14 = arith.constant 0 : i32
    %cond3A_15 = arith.cmpi ne, %convert_element_type3A_13, %cond3A_14 : i32
    scf.if %cond3A_15 {
      %mul3A_16 = arith.constant 1000 : i32
      %mul3A_17 = arith.muli %mul3A_16, %arg1 : i32
      %mul3A_18 = arith.constant 1000 : i32
      %mul3A_19 = arith.muli %mul3A_18, %arg1 : i32
      "tpu.region"() ({
        %run_scoped3A_20 = tpu.sem_alloc : memref<!tpu.dma_semaphore, #tpu.memory_space<semaphore_mem>>
        %dma_start3A = arith.constant 0 : i32
        %dma_start3A_21 = tpu.memref_slice %arg5[%arg0, %mul3A_19, %dma_start3A] : memref<2x10000x8xf32, #tpu.memory_space<hbm>> -> memref<1x1000x8xf32, #tpu.memory_space<hbm>>
        %dma_start3A_22 = tpu.memref_squeeze %dma_start3A_21 : memref<1x1000x8xf32, #tpu.memory_space<hbm>> -> memref<1000x8xf32, #tpu.memory_space<hbm>>
        %dma_start3A_23 = arith.constant 0 : i32
        %dma_start3A_24 = tpu.memref_slice %arg16[%mul3A_17, %dma_start3A_23] : memref<10000x8xf32, #tpu.memory_space<vmem_shared>> -> memref<1000x8xf32, #tpu.memory_space<vmem_shared>>
        tpu.enqueue_dma source(%dma_start3A_24 : memref<1000x8xf32, #tpu.memory_space<vmem_shared>>) target(%dma_start3A_22 : memref<1000x8xf32, #tpu.memory_space<hbm>>) target_semaphore(%run_scoped3A_20 : memref<!tpu.dma_semaphore, #tpu.memory_space<semaphore_mem>>)
        %dma_wait3A = arith.constant 0 : i32
        %dma_wait3A_25 = tpu.memref_slice %arg5[%arg0, %mul3A_19, %dma_wait3A] : memref<2x10000x8xf32, #tpu.memory_space<hbm>> -> memref<1x1000x8xf32, #tpu.memory_space<hbm>>
        %dma_wait3A_26 = tpu.memref_squeeze %dma_wait3A_25 : memref<1x1000x8xf32, #tpu.memory_space<hbm>> -> memref<1000x8xf32, #tpu.memory_space<hbm>>
        %dma_wait3A_27 = arith.constant 0 : i32
        %dma_wait3A_28 = tpu.memref_slice %arg16[%mul3A_17, %dma_wait3A_27] : memref<10000x8xf32, #tpu.memory_space<vmem_shared>> -> memref<1000x8xf32, #tpu.memory_space<vmem_shared>>
        tpu.wait_dma2 semaphore(%run_scoped3A_20 : memref<!tpu.dma_semaphore, #tpu.memory_space<semaphore_mem>>) src(%dma_wait3A_28 : memref<1000x8xf32, #tpu.memory_space<vmem_shared>>) dst(%dma_wait3A_26 : memref<1000x8xf32, #tpu.memory_space<hbm>>)
        tpu.yield
      }) : () -> ()
    } else {
    }
    return
  }
}

module attributes {stable_mosaic.version = 14 : i64} {
  func.func @_stage_a_body(%arg0: memref<10000x128xf32, #tpu.memory_space<vmem>>, %arg1: memref<128x128xf32, #tpu.memory_space<vmem>>, %arg2: memref<2x128xf32, #tpu.memory_space<vmem>>, %arg3: memref<10000x128xbf16, #tpu.memory_space<vmem>>, %arg4: memref<2x10000xf32, #tpu.memory_space<vmem>>) attributes {dimension_semantics = [], scalar_prefetch = 0 : i64, scratch_operands = 0 : i64, tpu.core_type = #tpu.core_type<tc>} {
    %get3A = arith.constant 0 : index
    %get3A_0 = arith.constant 0 : index
    %get3A_1 = vector.load %arg0[%get3A, %get3A_0] : memref<10000x128xf32, #tpu.memory_space<vmem>>, vector<10000x128xf32>
    %get3A_2 = arith.constant 0 : index
    %get3A_3 = arith.constant 0 : index
    %get3A_4 = vector.load %arg1[%get3A_2, %get3A_3] : memref<128x128xf32, #tpu.memory_space<vmem>>, vector<128x128xf32>
    %dot_general3A = arith.constant dense<0.000000e+00> : vector<10000x128xf32>
    %dot_general3A_5 = tpu.matmul %get3A_1, %get3A_4, %dot_general3A {dimension_numbers = #tpu.dot_dimension_numbers<[1], [0], [0], [1], [0, 0, 1, 1], [], []>, transpose_lhs_hint = false} : vector<10000x128xf32>, vector<128x128xf32>, vector<10000x128xf32> -> vector<10000x128xf32>
    %convert_element_type3A = arith.truncf %dot_general3A_5 : vector<10000x128xf32> to vector<10000x128xbf16>
    %swap3A = arith.constant 0 : index
    %swap3A_6 = arith.constant 0 : index
    %swap3A_7 = vector.load %arg3[%swap3A, %swap3A_6] : memref<10000x128xbf16, #tpu.memory_space<vmem>>, vector<10000x128xbf16>
    tpu.vector_store %arg3[%swap3A, %swap3A_6], %convert_element_type3A {strides = array<i32>} : memref<10000x128xbf16, #tpu.memory_space<vmem>>, vector<10000x128xbf16>,
    %get3A_8 = arith.constant 0 : index
    %get3A_9 = arith.constant 0 : index
    %get3A_10 = vector.load %arg2[%get3A_8, %get3A_9] : memref<2x128xf32, #tpu.memory_space<vmem>>, vector<2x128xf32>
    %dot_general3A_11 = arith.constant dense<0.000000e+00> : vector<2x10000xf32>
    %dot_general3A_12 = tpu.matmul %get3A_10, %dot_general3A_5, %dot_general3A_11 {dimension_numbers = #tpu.dot_dimension_numbers<[1], [1], [0], [0], [0, 0, 1, 0], [], []>, transpose_lhs_hint = false} : vector<2x128xf32>, vector<10000x128xf32>, vector<2x10000xf32> -> vector<2x10000xf32>
    %swap3A_13 = arith.constant 0 : index
    %swap3A_14 = arith.constant 0 : index
    %swap3A_15 = vector.load %arg4[%swap3A_13, %swap3A_14] : memref<2x10000xf32, #tpu.memory_space<vmem>>, vector<2x10000xf32>
    tpu.vector_store %arg4[%swap3A_13, %swap3A_14], %dot_general3A_12 {strides = array<i32>} : memref<2x10000xf32, #tpu.memory_space<vmem>>, vector<2x10000xf32>,
    return
  }
}

module attributes {stable_mosaic.version = 14 : i64} {
  func.func @_stage_c_body(%arg0: i32, %arg1: memref<2x1000x128xf32, #tpu.memory_space<vmem>>, %arg2: memref<2x1000x8xf32, #tpu.memory_space<vmem>>, %arg3: memref<128xf32, #tpu.memory_space<vmem>>, %arg4: memref<1000x128xf32, #tpu.memory_space<vmem>>) attributes {dimension_semantics = [#tpu.dimension_semantics<arbitrary>], iteration_bounds = array<i64: 10>, scalar_prefetch = 0 : i64, scratch_operands = 0 : i64, tpu.core_type = #tpu.core_type<tc>, window_params = [{transform_indices = @transform_0, window_bounds = array<i64: 2, 1000, 128>}, {transform_indices = @transform_1, window_bounds = array<i64: 2, 1000, 8>}, {pipeline_mode = #tpu.pipeline_mode<synchronous>, transform_indices = @transform_2, window_bounds = array<i64: 128>}, {transform_indices = @transform_3, window_bounds = array<i64: 1000, 128>}]} {
    %get3A = arith.constant 0 : index
    %get3A_0 = arith.constant 0 : index
    %get3A_1 = arith.constant 0 : index
    %get3A_2 = vector.load %arg1[%get3A, %get3A_0, %get3A_1] : memref<2x1000x128xf32, #tpu.memory_space<vmem>>, vector<1x1000x128xf32>
    %get3A_3 = vector.shape_cast %get3A_2 : vector<1x1000x128xf32> to vector<1000x128xf32>
    %get3A_4 = arith.constant 1 : index
    %get3A_5 = arith.constant 0 : index
    %get3A_6 = arith.constant 0 : index
    %get3A_7 = vector.load %arg1[%get3A_4, %get3A_5, %get3A_6] : memref<2x1000x128xf32, #tpu.memory_space<vmem>>, vector<1x1000x128xf32>
    %get3A_8 = vector.shape_cast %get3A_7 : vector<1x1000x128xf32> to vector<1000x128xf32>
    %add3A = arith.addf %get3A_3, %get3A_8 : vector<1000x128xf32>
    %get3A_9 = arith.constant 0 : index
    %get3A_10 = arith.constant 0 : index
    %get3A_11 = arith.constant 0 : index
    %get3A_12 = vector.load %arg2[%get3A_9, %get3A_10, %get3A_11] : memref<2x1000x8xf32, #tpu.memory_space<vmem>>, vector<1x1000x1xf32>
    %get3A_13 = vector.shape_cast %get3A_12 : vector<1x1000x1xf32> to vector<1000xf32>
    %get3A_14 = arith.constant 1 : index
    %get3A_15 = arith.constant 0 : index
    %get3A_16 = arith.constant 0 : index
    %get3A_17 = vector.load %arg2[%get3A_14, %get3A_15, %get3A_16] : memref<2x1000x8xf32, #tpu.memory_space<vmem>>, vector<1x1000x1xf32>
    %get3A_18 = vector.shape_cast %get3A_17 : vector<1x1000x1xf32> to vector<1000xf32>
    %add3A_19 = arith.addf %get3A_13, %get3A_18 : vector<1000xf32>
    %broadcast_in_dim3A = vector.shape_cast %add3A_19 : vector<1000xf32> to vector<1000x1xf32>
    %add3A_20 = arith.constant 1.000000e-16 : f32
    %add3A_21 = vector.broadcast %add3A_20 : f32 to vector<1000x1xf32>
    %add3A_22 = arith.addf %broadcast_in_dim3A, %add3A_21 : vector<1000x1xf32>
    %div3A = vector.broadcast %add3A_22 : vector<1000x1xf32> to vector<1000x128xf32>
    %div3A_23 = arith.divf %add3A, %div3A : vector<1000x128xf32>
    %get3A_24 = arith.constant 0 : index
    %get3A_25 = vector.load %arg3[%get3A_24] : memref<128xf32, #tpu.memory_space<vmem>>, vector<128xf32>
    %broadcast_in_dim3A_26 = vector.shape_cast %get3A_25 : vector<128xf32> to vector<1x128xf32>
    %add3A_27 = vector.broadcast %broadcast_in_dim3A_26 : vector<1x128xf32> to vector<1000x128xf32>
    %add3A_28 = arith.addf %div3A_23, %add3A_27 : vector<1000x128xf32>
    %swap3A = arith.constant 0 : index
    %swap3A_29 = arith.constant 0 : index
    %swap3A_30 = vector.load %arg4[%swap3A, %swap3A_29] : memref<1000x128xf32, #tpu.memory_space<vmem>>, vector<1000x128xf32>
    tpu.vector_store %arg4[%swap3A, %swap3A_29], %add3A_28 {strides = array<i32>} : memref<1000x128xf32, #tpu.memory_space<vmem>>, vector<1000x128xf32>,
    return
  }
  func.func @transform_0(%arg0: i32) -> (i32, i32, i32) {
    %c0_i32 = arith.constant 0 : i32
    %c0_i32_0 = arith.constant 0 : i32
    %c0_i32_1 = arith.constant 0 : i32
    return %c0_i32, %arg0, %c0_i32_0 : i32, i32, i32
  }
  func.func @transform_1(%arg0: i32) -> (i32, i32, i32) {
    %c0_i32 = arith.constant 0 : i32
    %c0_i32_0 = arith.constant 0 : i32
    %c0_i32_1 = arith.constant 0 : i32
    return %c0_i32, %arg0, %c0_i32_0 : i32, i32, i32
  }
  func.func @transform_2(%arg0: i32) -> i32 {
    %c0_i32 = arith.constant 0 : i32
    %c0_i32_0 = arith.constant 0 : i32
    return %c0_i32 : i32
  }
  func.func @transform_3(%arg0: i32) -> (i32, i32) {
    %c0_i32 = arith.constant 0 : i32
    %c0_i32_0 = arith.constant 0 : i32
    return %arg0, %c0_i32 : i32, i32
  }
}

</mosaic_0001>

<sc_bundles>
// kernel: kernel.6.cloned.1.call-start
scs
__scs_entry_jumppad:
0x0: {  	(pc) =	sbr.rel $0x88, $3  }
0x1: {  	(tag) =	ssettag $0x0;
	lr =	simm.s32 $0x1  }
0x2: {  	[smem:$0x3F9C] =	sst lr;
	_ =	strace $0xD0000000  }
0x3: {  	_ = 	snop  }
0x4: {  	_ = 	snop  }
0x5: {  	_ = 	snop  }
0x6: {  	_ = 	snop  }
0x7: {  	_ = 	snop  }
__scs_overlays_trampoline_lowered:
0x8: {  	[smem:$0x3FAB] =	sst s0  }
0x9: {  	[smem:$0x3FAC] =	sst s1  }
0xa: {  	[smem:$0x3FAD] =	sst s2  }
0xb: {  	[smem:$0x3FAE] =	sst s3  }
0xc: {  	[smem:$0x3FAF] =	sst s4  }
0xd: {  	[smem:$0x3FB0] =	sst s5  }
0xe: {  	[smem:$0x3FB1] =	sst s6  }
0xf: {  	[smem:$0x3FB2] =	sst s7  }
0x10: {  	[smem:$0x3FB3] =	sst s8  }
0x11: {  	[smem:$0x3FB4] =	sst s9;
	s0 =	simm.s32 @!p0 $0x0  }
0x12: {  	s1 =	sld [smem:$0x3F9A];
	s0 =	simm.s32 @p0 $0x1  }
0x13: {  	[smem:$0x3FB5] =	sst s0;
	s0 =	simm.s32 @!p1 $0x0  }
0x14: {  	s2 =	sld [smem:$0x3F99];
	s0 =	simm.s32 @p1 $0x1  }
0x15: {  	[smem:$0x3FB6] =	sst s0;
	s0 =	simm.s32 @!p2 $0x0  }
0x16: {  	s3 =	sld [smem:$0x3FDB];
	s0 =	simm.s32 @p2 $0x1  }
0x17: {  	s4 =	simm.s32 $0x1BF5;
	[smem:$0x3FB8] =	sst s0  }
0x18: {  	s0 =	sld [smem:$0x3F9B];
	_ =	swait.ge [sflag:s4], $0x0  }
0x19: {  	s7 =	sld [smem:$0x3F9C]  }
0x1a: {  	s8 =	sadd.s32 $0xFFFFE003, lr  }
0x1b: {  	s9 =	sadd.s32 $0xFFFFFEF7, lr;
	s5 =	simm.s32 $0xFFFFFFFF;
	p2 =	slt.u32 s8, $0xFFFFF086  }
0x1c: {  	p1 =	slt.u32 s9, $0xF7A;
	s5 =	simm.s32 @!p2 $0x0  }
0x1d: {  	s5 =	simm.s32 @p1 $0x1;
	p0 =	seq.s32 s7, s2  }
0x1e: {  	s7 =	smul.u32 @!p0 $0xF7A, s2;
	p2 =	seq.s32 @!p0 s5, $0x0  }
0x1f: {  	s9 =	smul.u32 $0xF7A, s1;
	s8 =	simm.s32 @!p0 $0x1BF5;
	p2 =	por !p2, p0  }
0x20: {  	[sflag:s8] =	ssyncset.s32 @!p0 $0xFFFFF086;
	s6 =	sadd.s32 @!p0 s3, s7;
	s7 =	simm.s32 @!p0 $0x108  }
0x21: {  	s3 =	sadd.s32 s3, s9;
	s6 =	sadd.s32 @!p0 $0x88, s6;
	s7 =	simm.s32 @p2 $0x1082  }
0x22: {  	[simem:s7], [sflag:s8] =	dma.local @!p0 [hbm:s6], $0xF7A  }
0x23: {  	s9 =	sor.u32 $0xD0000000, s2;
	s6 =	simm.s32 $0x108;
	_ =	swait.ge @!p0 [sflag:s8], $0x0  }
0x24: {  	s3 =	sadd.s32 $0x88, s3;
	s6 =	simm.s32 @!p1 $0x1082;
	[sflag:s4] =	ssyncset.s32 $0xFFFFF086  }
0x25: {  	[simem:s6], [sflag:s4] =	dma.local [hbm:s3], $0xF7A  }
0x26: {  	[smem:$0x3F9C] =	sst s1;
	(tag) =	ssettag s2;
	_ =	strace s9  }
0x27: {  	s1 =	sld [smem:$0x3FAC]  }
0x28: {  	s2 =	sld [smem:$0x3FAD]  }
0x29: {  	s4 =	sld [smem:$0x3FAF]  }
0x2a: {  	p0 =	seq.s32 s5, $0x0;
	s5 =	sld [smem:$0x3FB0]  }
0x2b: {  	s6 =	sld [smem:$0x3FB1]  }
0x2c: {  	s7 =	sld [smem:$0x3FB2]  }
0x2d: {  	s3 =	simm.s32 $0x108;
	s8 =	sld [smem:$0x3FB3]  }
0x2e: {  	s3 =	simm.s32 @!p0 $0x1082;
	s9 =	sld [smem:$0x3FB4]  }
0x2f: {  	lr =	sadd.s32 s0, s3;
	s0 =	sld [smem:$0x3FAB]  }
0x30: {  	s3 =	sld [smem:$0x3FAE]  }
0x31: {  	[smem:$0x3FB7] =	sst s10  }
0x32: {  	s10 =	sld [smem:$0x3FB5];
	_ =	sdelay $0x3  }
0x33: {  	p0 =	seq.s32 s10, $0x1;
	s10 =	sld [smem:$0x3FB7];
	_ =	sdelay $0x3  }
0x34: {  	[smem:$0x3FB7] =	sst s10  }
0x35: {  	s10 =	sld [smem:$0x3FB6];
	_ =	sdelay $0x3  }
0x36: {  	p1 =	seq.s32 s10, $0x1;
	s10 =	sld [smem:$0x3FB7];
	_ =	sdelay $0x3  }
0x37: {  	[smem:$0x3FB7] =	sst s10  }
0x38: {  	s10 =	sld [smem:$0x3FB8]  }
0x39: {  	_ = 	snop;
	(pc) =	sbr.ind lr, $3  }
0x3a: {  	_ = 	snop  }
0x3b: {  	_ = 	snop  }
0x3c: {  	p2 =	seq.s32 s10, $0x1;
	s10 =	sld [smem:$0x3FB7]  }
0x3d: {  	_ =	shalt  }
0x3e: {  	_ =	shalt  }
0x3f: {  	_ =	shalt  }
0x40: {  	_ =	shalt  }
0x41: {  	_ =	shalt  }
0x42: {  	_ =	shalt  }
0x43: {  	_ =	shalt  }
0x44: {  	_ =	shalt  }
0x45: {  	_ =	shalt  }
0x46: {  	_ =	shalt  }
0x47: {  	_ =	shalt  }
0x48: {  	_ =	shalt  }
0x49: {  	_ =	shalt  }
0x4a: {  	_ =	shalt  }
0x4b: {  	_ =	shalt  }
0x4c: {  	_ =	shalt  }
0x4d: {  	_ =	shalt  }
0x4e: {  	_ =	shalt  }
0x4f: {  	_ =	shalt  }
0x50: {  	_ =	shalt  }
0x51: {  	_ =	shalt  }
0x52: {  	_ =	shalt  }
0x53: {  	_ =	shalt  }
0x54: {  	_ =	shalt  }
0x55: {  	_ =	shalt  }
0x56: {  	_ =	shalt  }
0x57: {  	_ =	shalt  }
0x58: {  	_ =	shalt  }
0x59: {  	_ =	shalt  }
0x5a: {  	_ =	shalt  }
0x5b: {  	_ =	shalt  }
0x5c: {  	_ =	shalt  }
0x5d: {  	_ =	shalt  }
0x5e: {  	_ =	shalt  }
0x5f: {  	_ =	shalt  }
0x60: {  	_ =	shalt  }
0x61: {  	_ =	shalt  }
0x62: {  	_ =	shalt  }
0x63: {  	_ =	shalt  }
0x64: {  	_ =	shalt  }
0x65: {  	_ =	shalt  }
0x66: {  	_ =	shalt  }
0x67: {  	_ =	shalt  }
0x68: {  	_ =	shalt  }
0x69: {  	_ =	shalt  }
0x6a: {  	_ =	shalt  }
0x6b: {  	_ =	shalt  }
0x6c: {  	_ =	shalt  }
0x6d: {  	_ =	shalt  }
0x6e: {  	_ =	shalt  }
0x6f: {  	_ =	shalt  }
0x70: {  	_ =	shalt  }
0x71: {  	_ =	shalt  }
0x72: {  	_ =	shalt  }
0x73: {  	_ =	shalt  }
0x74: {  	_ =	shalt  }
0x75: {  	_ =	shalt  }
0x76: {  	_ =	shalt  }
0x77: {  	_ =	shalt  }
0x78: {  	_ =	shalt  }
0x79: {  	_ =	shalt  }
0x7a: {  	_ =	shalt  }
0x7b: {  	_ =	shalt  }
0x7c: {  	_ =	shalt  }
0x7d: {  	_ =	shalt  }
0x7e: {  	_ =	shalt  }
0x7f: {  	_ =	shalt  }
0x80: {  	_ =	shalt  }
0x81: {  	_ =	shalt  }
0x82: {  	_ =	shalt  }
0x83: {  	_ =	shalt  }
0x84: {  	_ =	shalt  }
0x85: {  	_ =	shalt  }
0x86: {  	_ =	shalt  }
0x87: {  	_ =	shalt  }
.Lfunc_end0:
.L_simem_size_0:
called_computation_lowered:
.L_overlay_start_0:
0x88: {  	s2 =	sld [smem:$0x3FD9]  }
0x89: {  	s3 =	sld [smem:$0x3FFE];
	_ =	sdelay $0x1  }
0x8a: {  	s1 =	srdreg.scid  }
0x8b: {  	s0 =	sand.u32 $0x1, s1  }
0x8c: {  	s17 =	sshll.u32 s0, $0xA;
	s2 =	sadd.s32 s3, s2  }
0x8d: {  	s2 =	sadd.s32 s2, s17  }
0x8e: {  	[smem:$0x3FC3] =	sst s2  }
0x8f: {  	_ = 	snop  }
0x90: {  	s2 =	sld [smem:$0x3FD0];
	(tm) =	ssettm $0x1  }
0x91: {  	s18 =	sld [smem:$0x3FFB];
	_ =	sdelay $0x3  }
0x92: {  	_ =	strace s18  }
0x93: {  	s3 =	sld [smem:$0x3FFC];
	_ =	sdelay $0x3  }
0x94: {  	_ =	strace s3  }
0x95: {  	s3 =	sld [smem:$0x3FFD];
	_ =	sdelay $0x3  }
0x96: {  	_ =	strace s3  }
0x97: {  	_ =	strace $0x8FFFFFFF  }
0x98: {  	s19 =	sld [smem:$0x3FDB];
	_ =	sdelay $0x1  }
0x99: {  	s4 =	simm.s32 $_scs_section_size  }
0x9a: {  	s5 =	simm.s32 $_size__tile_overlayer_lowered;
	s6 =	simm.s32 $_tile_overlayer_lowered  }
0x9b: {  	s22 =	simm.s32 $0x1BFF;
	s21 =	sshll.u32 s6, $0x1;
	s3 =	sadd.s32 s4, s19  }
0x9c: {  	s7 =	simm.s32 $0x0;
	s20 =	sshll.u32 s5, $0x1;
	s5 =	sadd.s32 s21, s3  }
0x9d: {  	[timem:s7], [sflag:s22] =	dma.local [hbm:s5], s20  }
0x9e: {  	_ =	swait.ge [sflag:s22], s20  }
0x9f: {  	s4 =	ssub.s32 $0x0, s20;
	[sflag:s22] =	ssyncset.done $0x0  }
0xa0: {  	[sflag:s22] =	ssyncadd.s32 s4;
	_ =	sdelay $0x1  }
0xa1: {  	s23 =	simm.s32 $0x1B8B  }
0xa2: {  	_ =	swait.ge [sflag:s23], $0x1  }
0xa3: {  	[sflag:s23] =	ssyncset.done $0x0  }
0xa4: {  	s25 =	simm.s32 $0x1B8E;
	s24 =	sld [smem:$0x3FFE];
	[sflag:s23] =	ssyncadd.s32 $0xFFFFFFFF  }
0xa5: {  	s26 =	simm.s32 $execute0_lowered;
	[smem:$0x3FD2] =	sst s25  }
0xa6: {  	s5 =	sshll.u32 s26, $0x1;
	_ =	strace $0x80000046;
	[dreg:$0x1] =	wrdreg $0xFFFFFFFF  }
0xa7: {  	s28 =	simm.s32 $_size_execute0_lowered;
	s3 =	sadd.s32 s3, s5;
	[dreg:$0x0] =	wrdreg $0x0  }
0xa8: {  	s5 =	sshll.u32 s28, $0x1;
	[dreg:$0x2] =	wrdreg s3  }
0xa9: {  	[dreg:$0x3] =	wrdreg s5  }
0xaa: {  	[dreg:$0x4] =	wrdreg $0xC0  }
0xab: {  	_ =	task [dreg:s7], $0x5FFFF  }
0xac: {  	[dreg:$0x1] =	wrdreg $0xFFFFFFFF  }
0xad: {  	[dreg:$0x0] =	wrdreg $0x60  }
0xae: {  	[dreg:$0x2] =	wrdreg s24  }
0xaf: {  	[dreg:$0x3] =	wrdreg s2  }
0xb0: {  	[dreg:$0x4] =	wrdreg $0x6F900  }
0xb1: {  	[dreg:$0x5] =	wrdreg $0x9  }
0xb2: {  	_ =	task.clear_ibuf [dreg:s7], $0x6FFFF;
	_ =	strace $0x90000046  }
0xb3: {  	s29 =	simm.s32 $0x9;
	_ =	strace $0x80000048  }
0xb4: {  	_ =	swait.ge [sflag:s29], $0x1  }
0xb5: {  	[sflag:s29] =	ssyncadd.s32 $0xFFFFFFFF  }
0xb6: {  	_ =	strace $0x90000048  }
0xb7: {  	_ =	sfence  }
0xb8: {  	s30 =	sld [smem:$0x0];
	_ =	sdelay $0x2  }
0xb9: {  	s31 =	sshll.u32 s1, $0xD;
	s1 =	sshrl.u32 s1, $0x2  }
0xba: {  	s3 =	sand.u32 $0x4000, s31;
	s1 =	sadd.s32 s1, s30  }
0xbb: {  	s0 =	sor.u32 s3, s0;
	s1 =	sshll.u32 s1, $0x11  }
0xbc: {  	s0 =	sor.u32 s1, s0  }
0xbd: {  	s0 =	sadd.s32 $0x8F2B, s0  }
0xbe: {  	[sflag:s0] =	ssyncadd.remote.s32 $0x1  }
0xbf: {  	_ =	sfence.sel $0xFFFF  }
0xc0: {  	[dreg:$0x0] =	wrdreg $0xFFFFFFFF;
	(pc) =	sbr.abs _section_cstart, $3  }
0xc1: {  	[dreg:$0x1] =	wrdreg $0xFFFFFFFF  }
0xc2: {  	_ =	task.clear_ibuf [dreg:s7], $0x2FFFF;
	_ =	strace $0x9FFFFFFF  }
0xc3: {  	(tm) =	ssettm $0x7FFFFFFF  }
tec
execute0_lowered:
.L_overlay_start_1:
0x0: {  	(tag) =	ssettag $0x1  }
0x1: {  	s0 =	rddreg [dreg:$0x0];
	s1 =	srdreg.scid  }
0x2: {  	s2 =	rddreg [dreg:$0x1];
	s22 =	stileid.u32  }
0x3: {  	s3 =	rddreg [dreg:$0x2];
	s4 =	simm.s32 $0x0;
	s13 =	simm.s32 $0xFA0  }
0x4: {  	s14 =	simm.s32 $0x5;
	s15 =	simm.s32 $0x36B0;
	s16 =	simm.s32 $0x8  }
0x5: {  	s17 =	simm.s32 $0x80;
	s18 =	simm.s32 $0x5DC0;
	s19 =	simm.s32 $0x6040  }
0x6: {  	s20 =	simm.s32 $0x62C0;
	s21 =	simm.s32 $0x6540;
	s28 =	simm.s32 $0x1  }
0x7: {  	s29 =	simm.s32 $0x2;
	s30 =	simm.s32 $0x3;
	s8 =	smul.u32 $0x1F40, s22  }
0x8: {  	s31 =	simm.s32 $0x4;
	s1 =	sand.u32 $0x1, s1;
	s10 =	smul.u32 $0x7D00, s22  }
0x9: {  	[smem:$0x7FF] =	sst s4;
	s6 =	sadd.s32 $0x1C00, s0;
	s12 =	smul.u32 $0x3E80, s22  }
0xa: {  	s7 =	sadd.s32 $0x1B000, s0;
	p0 =	sgt.u32 s22, $0x9;
	s5 =	smul.u32 $0x13880, s1  }
0xb: {  	_ =	strace $0x80000047;
	[dreg:$0x4] =	wrdreg s6;
	s9 =	ssub.s32 $0x2, s1  }
0xc: {  	s6 =	sadd.s32 $0x2600, s0;
	s1 =	sshll.u32 s1, $0x4;
	s11 =	sshrl.u32 s9, $0x1  }
0xd: {  	s1 =	sor.u32 s22, s1;
	s10 =	sshrl.u32 s10, $0x2;
	s24 =	sadd.s32 s2, s12  }
0xe: {  	s5 =	sadd.s32 s8, s5;
	s9 =	ssub.s32 s9, s11;
	[dreg:$0x6] =	wrdreg s24  }
0xf: {  	s24 =	simm.s32 $0x7D0;
	s5 =	sshrl.u32 s5, $0x3;
	s26 =	smax.u32 s9, $0x1  }
0x10: {  	s5 =	sadd.s32 s5, s0;
	s0 =	sadd.s32 $0x20E2, s0;
	[dreg:$0x8] =	wrdreg s26  }
0x11: {  	v0 =	vlaneseq.u32;
	s26 =	simm.s32 $0x50;
	[dreg:$0x5] =	wrdreg s0;
	s0 =	sadd.s32 s10, s3  }
0x12: {  	v0 =	vmul.u32 $0x8, v0;
	s10 =	smul.u32 $0x2710, s1;
	s25 =	sadd.s32 $0x16000, s5;
	s5 =	sshll.u32 @!p0 s22, $0x6  }
0x13: {  	s1 =	sadd.s32 s8, s3;
	[dreg:$0x7] =	wrdreg s25;
	s22 =	sor.u32 @!p0 $0x1C05, s5  }
0x14: {  	v1 =	vor.u32 $0x80, v0;
	s0 =	sshrl.u32 @!p0 s0, $0x3;
	s25 =	sshrl.u32 @!p0 s1, $0x3;
	s1 =	simm.s32 $0xF50  }
0x15: {  	v2 =	vor.u32 $0x100, v0;
	v3 =	vor.u32 $0x180, v0;
	v4 =	vor.u32 $0x200, v0;
	s5 =	simm.s32 $0x0;
	[dreg:$0x9] =	wrdreg s0;
	s0 =	simm.s32 $0x67C0  }
.LBB2_1:
0x16: {  	s8 =	rddreg [dreg:$0x4]  }
0x17: {  	[tilespmem:s13], [sflag:$0x5] =	stream.linear.gather [hbm4b:s8+s4], $0x2710, $0x38;
	[tilespmem:$0x8318] =	vst v63  }
0x18: {  	_ =	swait.ge [sflag:s14], $0x2710  }
0x19: {  	[sflag:s14] =	ssyncset.done $0x0  }
0x1a: {  	s23 =	rddreg [dreg:$0x5];
	[sflag:s14] =	ssyncadd.s32 $0xFFFFD8F0  }
0x1b: {  	[tilespmem:s15], [sflag:$0x5] =	stream.linear.gather [hbm4b:s23+s4], $0x2710, $0x38;
	[tilespmem:$0x8318] =	vst v63  }
0x1c: {  	_ =	swait.ge [sflag:s14], $0x2710  }
0x1d: {  	[sflag:s14] =	ssyncset.done $0x0  }
0x1e: {  	[sflag:s14] =	ssyncadd.s32 $0xFFFFD8F0  }
0x1f: {  	[tilespmem:s18], [sflag:$0x5] =	stream.strided.gather [hbm4b:s2+s16], $0x280, s17, s16, $0x38;
	[tilespmem:$0x8318] =	vst v63  }
0x20: {  	_ =	swait.ge [sflag:s14], $0x280  }
0x21: {  	[sflag:s14] =	ssyncset.done $0x0  }
0x22: {  	[sflag:s14] =	ssyncadd.s32 $0xFFFFFD80  }
0x23: {  	[tilespmem:s19], [sflag:$0x5] =	stream.strided.gather [hbm4b:s2+s16], $0x280, s17, s16, $0x38;
	[tilespmem:$0x8318] =	vst v63  }
0x24: {  	_ =	swait.ge [sflag:s14], $0x280  }
0x25: {  	[sflag:s14] =	ssyncset.done $0x0  }
0x26: {  	[sflag:s14] =	ssyncadd.s32 $0xFFFFFD80  }
0x27: {  	[tilespmem:s20], [sflag:$0x5] =	stream.strided.gather [hbm4b:s2+s16], $0x280, s17, s16, $0x38;
	[tilespmem:$0x8318] =	vst v63  }
0x28: {  	_ =	swait.ge [sflag:s14], $0x280  }
0x29: {  	[sflag:s14] =	ssyncset.done $0x0  }
0x2a: {  	[sflag:s14] =	ssyncadd.s32 $0xFFFFFD80  }
0x2b: {  	[tilespmem:s21], [sflag:$0x5] =	stream.strided.gather [hbm4b:s2+s16], $0x280, s17, s16, $0x38;
	[tilespmem:$0x8318] =	vst v63  }
0x2c: {  	_ =	swait.ge [sflag:s14], $0x280  }
0x2d: {  	s9 =	simm.s32 @!p0 $0x10;
	[sflag:s14] =	ssyncset.done $0x0;
	s11 =	rddreg [dreg:$0x6]  }
0x2e: {  	s8 =	simm.s32 @!p0 $0x1;
	s12 =	rddreg [dreg:$0x9];
	[sflag:s14] =	ssyncadd.s32 $0xFFFFFD80  }
0x2f: {  	[spmem:s12@s8], [sflag:s22] =	dma.strided @!p0 [hbm:s11@s9], $0x3E8, s8, $0x1   }
0x30: {  	s8 =	simm.s32 @!p0 $0x5  }
0x31: {  	_ =	swait.ge @!p0 [sflag:s8], $0x3E8  }
0x32: {  	[sflag:s8] =	ssyncset.done @!p0 $0x0  }
0x33: {  	[sflag:s8] =	ssyncadd.s32 @!p0 $0xFFFFFC18  }
0x34: {  	s8 =	simm.s32 $0x0;
	[bflag:$0x0] =	sbarrier.arrive $0xFFFF  }
.LBB2_2:
0x35: {  	s9 =	smul.u32 $0x7D0, s8;
	_ =	sdelay $0x1  }
0x36: {  	s9 =	sadd.s32 s10, s9  }
0x37: {  	s9 =	sshrl.u32 s9, $0x3  }
0x38: {  	s11 =	simm.s32 $0x0;
	s12 =	sadd.s32 s6, s9  }
0x39: {  	[tilespmem:s11], [sflag:$0x5] =	stream.linear.gather [hbm4b:s12+s11], $0x7D0, $0x38;
	[tilespmem:$0x8318] =	vst v63  }
0x3a: {  	_ =	swait.ge [sflag:s14], $0x7D0  }
0x3b: {  	[sflag:s14] =	ssyncset.done $0x0  }
0x3c: {  	s12 =	sadd.s32 $0x9C40, s12;
	[sflag:s14] =	ssyncadd.s32 $0xFFFFF830  }
0x3d: {  	[tilespmem:s24], [sflag:$0x5] =	stream.linear.gather [hbm4b:s12+s11], $0x7D0, $0x38;
	[tilespmem:$0x8318] =	vst v63  }
0x3e: {  	_ =	swait.ge [sflag:s14], $0x7D0  }
0x3f: {  	[sflag:s14] =	ssyncset.done $0x0  }
0x40: {  	[sflag:s14] =	ssyncadd.s32 $0xFFFFF830  }
.LBB2_3:
0x41: {  	s12 =	sshra.s32 s11, $0x2  }
0x42: {  	v5 =	vld [tilespmem:s12+$0x7D0]  }
0x43: {  	v6 =	vld [tilespmem:s12+$0x0];
	_ =	sdelay $0x6  }
0x44: {  	v5 =	vld.idx.msk [tilespmem:v5+s13+$0x0], $0xffff  }
0x45: {  	v6 =	vld.idx.msk [tilespmem:v6+s15+$0x0], $0xffff;
	_ =	sdelay $0x4  }
0x46: {  	v5 =	vadd.f32 v6, v5;
	_ =	sdelay $0x1  }
0x47: {  	v6 =	vmul.f32 $2.000000030e-01, v5;
	_ =	sdelay $0x1  }
0x48: {  	v5 =	vmax.f32 v5, v6  }
0x49: {  	v5 =	vmul.f32 $1.442695020e+00, v5;
	_ =	sdelay $0x1  }
0x4a: {  	(erf) = vpow2.f32 v5;
	_ =	sdelay $0x8  }
0x4b: {  	v5 =	vpop (erf)  }
0x4c: {  	[tilespmem:v0+s18+$0x0] =	vst.idx.msk $0xffff, v5  }
0x4d: {  	v6 =	vld [tilespmem:s12+$0x7E0]  }
0x4e: {  	v7 =	vld [tilespmem:s12+$0x10];
	_ =	sdelay $0x5  }
0x4f: {  	[tilespmem:s12+$0x67C0] =	vst v5  }
0x50: {  	v5 =	vld.idx.msk [tilespmem:v6+s13+$0x0], $0xffff  }
0x51: {  	v6 =	vld.idx.msk [tilespmem:v7+s15+$0x0], $0xffff;
	_ =	sdelay $0x4  }
0x52: {  	v5 =	vadd.f32 v6, v5;
	_ =	sdelay $0x1  }
0x53: {  	v6 =	vmul.f32 $2.000000030e-01, v5;
	_ =	sdelay $0x1  }
0x54: {  	v5 =	vmax.f32 v5, v6  }
0x55: {  	v5 =	vmul.f32 $1.442695020e+00, v5;
	_ =	sdelay $0x1  }
0x56: {  	(erf) = vpow2.f32 v5;
	_ =	sdelay $0x8  }
0x57: {  	v5 =	vpop (erf)  }
0x58: {  	[tilespmem:v1+s18+$0x0] =	vst.idx.msk $0xffff, v5  }
0x59: {  	v6 =	vld [tilespmem:s12+$0x7F0]  }
0x5a: {  	v7 =	vld [tilespmem:s12+$0x20];
	_ =	sdelay $0x5  }
0x5b: {  	[tilespmem:s12+$0x67D0] =	vst v5  }
0x5c: {  	v5 =	vld.idx.msk [tilespmem:v6+s13+$0x0], $0xffff  }
0x5d: {  	v6 =	vld.idx.msk [tilespmem:v7+s15+$0x0], $0xffff;
	_ =	sdelay $0x4  }
0x5e: {  	v5 =	vadd.f32 v6, v5;
	_ =	sdelay $0x1  }
0x5f: {  	v6 =	vmul.f32 $2.000000030e-01, v5;
	_ =	sdelay $0x1  }
0x60: {  	v5 =	vmax.f32 v5, v6  }
0x61: {  	v5 =	vmul.f32 $1.442695020e+00, v5;
	_ =	sdelay $0x1  }
0x62: {  	(erf) = vpow2.f32 v5;
	_ =	sdelay $0x8  }
0x63: {  	v5 =	vpop (erf)  }
0x64: {  	[tilespmem:v2+s18+$0x0] =	vst.idx.msk $0xffff, v5  }
0x65: {  	v6 =	vld [tilespmem:s12+$0x800]  }
0x66: {  	v7 =	vld [tilespmem:s12+$0x30];
	_ =	sdelay $0x5  }
0x67: {  	[tilespmem:s12+$0x67E0] =	vst v5  }
0x68: {  	v5 =	vld.idx.msk [tilespmem:v6+s13+$0x0], $0xffff  }
0x69: {  	v6 =	vld.idx.msk [tilespmem:v7+s15+$0x0], $0xffff;
	_ =	sdelay $0x4  }
0x6a: {  	v5 =	vadd.f32 v6, v5;
	_ =	sdelay $0x1  }
0x6b: {  	v6 =	vmul.f32 $2.000000030e-01, v5;
	_ =	sdelay $0x1  }
0x6c: {  	v5 =	vmax.f32 v5, v6  }
0x6d: {  	v5 =	vmul.f32 $1.442695020e+00, v5;
	_ =	sdelay $0x1  }
0x6e: {  	(erf) = vpow2.f32 v5;
	_ =	sdelay $0x8  }
0x6f: {  	v5 =	vpop (erf)  }
0x70: {  	[tilespmem:v3+s18+$0x0] =	vst.idx.msk $0xffff, v5  }
0x71: {  	v6 =	vld [tilespmem:s12+$0x810]  }
0x72: {  	v7 =	vld [tilespmem:s12+$0x40];
	_ =	sdelay $0x5  }
0x73: {  	[tilespmem:s12+$0x67F0] =	vst v5  }
0x74: {  	v5 =	vld.idx.msk [tilespmem:v6+s13+$0x0], $0xffff  }
0x75: {  	v6 =	vld.idx.msk [tilespmem:v7+s15+$0x0], $0xffff;
	_ =	sdelay $0x4  }
0x76: {  	v5 =	vadd.f32 v6, v5;
	_ =	sdelay $0x1  }
0x77: {  	v6 =	vmul.f32 $2.000000030e-01, v5;
	_ =	sdelay $0x1  }
0x78: {  	v5 =	vmax.f32 v5, v6  }
0x79: {  	v5 =	vmul.f32 $1.442695020e+00, v5;
	_ =	sdelay $0x1  }
0x7a: {  	(erf) = vpow2.f32 v5;
	_ =	sdelay $0x8  }
0x7b: {  	v5 =	vpop (erf)  }
0x7c: {  	[tilespmem:v4+s18+$0x0] =	vst.idx.msk $0xffff, v5  }
0x7d: {  	s23 =	sadd.s32 $0x7D0, s12;
	[tilespmem:s12+$0x6800] =	vst v5  }
0x7e: {  	[spmem:s3] =	stream.indirect.scatter.add.f32 [tilespmem:s18], [sflag:$0x1], $0x8, s23, s26, $0xb8;
	[tilespmem:$0x8318] =	vst v63  }
0x7f: {  	v5 =	vld [tilespmem:s12+$0x820]  }
0x80: {  	v6 =	vld [tilespmem:s12+$0x50];
	_ =	sdelay $0x6  }
0x81: {  	v5 =	vld.idx.msk [tilespmem:v5+s13+$0x0], $0xffff  }
0x82: {  	v6 =	vld.idx.msk [tilespmem:v6+s15+$0x0], $0xffff;
	_ =	sdelay $0x4  }
0x83: {  	v5 =	vadd.f32 v6, v5;
	_ =	sdelay $0x1  }
0x84: {  	v6 =	vmul.f32 $2.000000030e-01, v5;
	_ =	sdelay $0x1  }
0x85: {  	v5 =	vmax.f32 v5, v6  }
0x86: {  	v5 =	vmul.f32 $1.442695020e+00, v5;
	_ =	sdelay $0x1  }
0x87: {  	(erf) = vpow2.f32 v5;
	_ =	sdelay $0x8  }
0x88: {  	v5 =	vpop (erf)  }
0x89: {  	[tilespmem:v0+s19+$0x0] =	vst.idx.msk $0xffff, v5  }
0x8a: {  	v6 =	vld [tilespmem:s12+$0x830]  }
0x8b: {  	v7 =	vld [tilespmem:s12+$0x60];
	_ =	sdelay $0x5  }
0x8c: {  	[tilespmem:s12+$0x6810] =	vst v5  }
0x8d: {  	v5 =	vld.idx.msk [tilespmem:v6+s13+$0x0], $0xffff  }
0x8e: {  	v6 =	vld.idx.msk [tilespmem:v7+s15+$0x0], $0xffff;
	_ =	sdelay $0x4  }
0x8f: {  	v5 =	vadd.f32 v6, v5;
	_ =	sdelay $0x1  }
0x90: {  	v6 =	vmul.f32 $2.000000030e-01, v5;
	_ =	sdelay $0x1  }
0x91: {  	v5 =	vmax.f32 v5, v6  }
0x92: {  	v5 =	vmul.f32 $1.442695020e+00, v5;
	_ =	sdelay $0x1  }
0x93: {  	(erf) = vpow2.f32 v5;
	_ =	sdelay $0x8  }
0x94: {  	v5 =	vpop (erf)  }
0x95: {  	[tilespmem:v1+s19+$0x0] =	vst.idx.msk $0xffff, v5  }
0x96: {  	v6 =	vld [tilespmem:s12+$0x840]  }
0x97: {  	v7 =	vld [tilespmem:s12+$0x70];
	_ =	sdelay $0x5  }
0x98: {  	[tilespmem:s12+$0x6820] =	vst v5  }
0x99: {  	v5 =	vld.idx.msk [tilespmem:v6+s13+$0x0], $0xffff  }
0x9a: {  	v6 =	vld.idx.msk [tilespmem:v7+s15+$0x0], $0xffff;
	_ =	sdelay $0x4  }
0x9b: {  	v5 =	vadd.f32 v6, v5;
	_ =	sdelay $0x1  }
0x9c: {  	v6 =	vmul.f32 $2.000000030e-01, v5;
	_ =	sdelay $0x1  }
0x9d: {  	v5 =	vmax.f32 v5, v6  }
0x9e: {  	v5 =	vmul.f32 $1.442695020e+00, v5;
	_ =	sdelay $0x1  }
0x9f: {  	(erf) = vpow2.f32 v5;
	_ =	sdelay $0x8  }
0xa0: {  	v5 =	vpop (erf)  }
0xa1: {  	[tilespmem:v2+s19+$0x0] =	vst.idx.msk $0xffff, v5  }
0xa2: {  	v6 =	vld [tilespmem:s12+$0x850]  }
0xa3: {  	v7 =	vld [tilespmem:s12+$0x80];
	_ =	sdelay $0x5  }
0xa4: {  	[tilespmem:s12+$0x6830] =	vst v5  }
0xa5: {  	v5 =	vld.idx.msk [tilespmem:v6+s13+$0x0], $0xffff  }
0xa6: {  	v6 =	vld.idx.msk [tilespmem:v7+s15+$0x0], $0xffff;
	_ =	sdelay $0x4  }
0xa7: {  	v5 =	vadd.f32 v6, v5;
	_ =	sdelay $0x1  }
0xa8: {  	v6 =	vmul.f32 $2.000000030e-01, v5;
	_ =	sdelay $0x1  }
0xa9: {  	v5 =	vmax.f32 v5, v6  }
0xaa: {  	v5 =	vmul.f32 $1.442695020e+00, v5;
	_ =	sdelay $0x1  }
0xab: {  	(erf) = vpow2.f32 v5;
	_ =	sdelay $0x8  }
0xac: {  	v5 =	vpop (erf)  }
0xad: {  	[tilespmem:v3+s19+$0x0] =	vst.idx.msk $0xffff, v5  }
0xae: {  	v6 =	vld [tilespmem:s12+$0x860]  }
0xaf: {  	v7 =	vld [tilespmem:s12+$0x90];
	_ =	sdelay $0x5  }
0xb0: {  	[tilespmem:s12+$0x6840] =	vst v5  }
0xb1: {  	v5 =	vld.idx.msk [tilespmem:v6+s13+$0x0], $0xffff  }
0xb2: {  	v6 =	vld.idx.msk [tilespmem:v7+s15+$0x0], $0xffff;
	_ =	sdelay $0x4  }
0xb3: {  	v5 =	vadd.f32 v6, v5;
	_ =	sdelay $0x1  }
0xb4: {  	v6 =	vmul.f32 $2.000000030e-01, v5;
	_ =	sdelay $0x1  }
0xb5: {  	v5 =	vmax.f32 v5, v6  }
0xb6: {  	v5 =	vmul.f32 $1.442695020e+00, v5;
	_ =	sdelay $0x1  }
0xb7: {  	(erf) = vpow2.f32 v5;
	_ =	sdelay $0x8  }
0xb8: {  	v5 =	vpop (erf)  }
0xb9: {  	[tilespmem:v4+s19+$0x0] =	vst.idx.msk $0xffff, v5  }
0xba: {  	s23 =	sadd.s32 $0x820, s12;
	[tilespmem:s12+$0x6850] =	vst v5  }
0xbb: {  	[spmem:s3] =	stream.indirect.scatter.add.f32 [tilespmem:s19], [sflag:$0x2], $0x8, s23, s26, $0xb8;
	[tilespmem:$0x8318] =	vst v63  }
0xbc: {  	v5 =	vld [tilespmem:s12+$0x870]  }
0xbd: {  	v6 =	vld [tilespmem:s12+$0xA0];
	_ =	sdelay $0x6  }
0xbe: {  	v5 =	vld.idx.msk [tilespmem:v5+s13+$0x0], $0xffff  }
0xbf: {  	v6 =	vld.idx.msk [tilespmem:v6+s15+$0x0], $0xffff;
	_ =	sdelay $0x4  }
0xc0: {  	v5 =	vadd.f32 v6, v5;
	_ =	sdelay $0x1  }
0xc1: {  	v6 =	vmul.f32 $2.000000030e-01, v5;
	_ =	sdelay $0x1  }
0xc2: {  	v5 =	vmax.f32 v5, v6  }
0xc3: {  	v5 =	vmul.f32 $1.442695020e+00, v5;
	_ =	sdelay $0x1  }
0xc4: {  	(erf) = vpow2.f32 v5;
	_ =	sdelay $0x8  }
0xc5: {  	v5 =	vpop (erf)  }
0xc6: {  	[tilespmem:v0+s20+$0x0] =	vst.idx.msk $0xffff, v5  }
0xc7: {  	v6 =	vld [tilespmem:s12+$0x880]  }
0xc8: {  	v7 =	vld [tilespmem:s12+$0xB0];
	_ =	sdelay $0x5  }
0xc9: {  	[tilespmem:s12+$0x6860] =	vst v5  }
0xca: {  	v5 =	vld.idx.msk [tilespmem:v6+s13+$0x0], $0xffff  }
0xcb: {  	v6 =	vld.idx.msk [tilespmem:v7+s15+$0x0], $0xffff;
	_ =	sdelay $0x4  }
0xcc: {  	v5 =	vadd.f32 v6, v5;
	_ =	sdelay $0x1  }
0xcd: {  	v6 =	vmul.f32 $2.000000030e-01, v5;
	_ =	sdelay $0x1  }
0xce: {  	v5 =	vmax.f32 v5, v6  }
0xcf: {  	v5 =	vmul.f32 $1.442695020e+00, v5;
	_ =	sdelay $0x1  }
0xd0: {  	(erf) = vpow2.f32 v5;
	_ =	sdelay $0x8  }
0xd1: {  	v5 =	vpop (erf)  }
0xd2: {  	[tilespmem:v1+s20+$0x0] =	vst.idx.msk $0xffff, v5  }
0xd3: {  	v6 =	vld [tilespmem:s12+$0x890]  }
0xd4: {  	v7 =	vld [tilespmem:s12+$0xC0];
	_ =	sdelay $0x5  }
0xd5: {  	[tilespmem:s12+$0x6870] =	vst v5  }
0xd6: {  	v5 =	vld.idx.msk [tilespmem:v6+s13+$0x0], $0xffff  }
0xd7: {  	v6 =	vld.idx.msk [tilespmem:v7+s15+$0x0], $0xffff;
	_ =	sdelay $0x4  }
0xd8: {  	v5 =	vadd.f32 v6, v5;
	_ =	sdelay $0x1  }
0xd9: {  	v6 =	vmul.f32 $2.000000030e-01, v5;
	_ =	sdelay $0x1  }
0xda: {  	v5 =	vmax.f32 v5, v6  }
0xdb: {  	v5 =	vmul.f32 $1.442695020e+00, v5;
	_ =	sdelay $0x1  }
0xdc: {  	(erf) = vpow2.f32 v5;
	_ =	sdelay $0x8  }
0xdd: {  	v5 =	vpop (erf)  }
0xde: {  	[tilespmem:v2+s20+$0x0] =	vst.idx.msk $0xffff, v5  }
0xdf: {  	v6 =	vld [tilespmem:s12+$0x8A0]  }
0xe0: {  	v7 =	vld [tilespmem:s12+$0xD0];
	_ =	sdelay $0x5  }
0xe1: {  	[tilespmem:s12+$0x6880] =	vst v5  }
0xe2: {  	v5 =	vld.idx.msk [tilespmem:v6+s13+$0x0], $0xffff  }
0xe3: {  	v6 =	vld.idx.msk [tilespmem:v7+s15+$0x0], $0xffff;
	_ =	sdelay $0x4  }
0xe4: {  	v5 =	vadd.f32 v6, v5;
	_ =	sdelay $0x1  }
0xe5: {  	v6 =	vmul.f32 $2.000000030e-01, v5;
	_ =	sdelay $0x1  }
0xe6: {  	v5 =	vmax.f32 v5, v6  }
0xe7: {  	v5 =	vmul.f32 $1.442695020e+00, v5;
	_ =	sdelay $0x1  }
0xe8: {  	(erf) = vpow2.f32 v5;
	_ =	sdelay $0x8  }
0xe9: {  	v5 =	vpop (erf)  }
0xea: {  	[tilespmem:v3+s20+$0x0] =	vst.idx.msk $0xffff, v5  }
0xeb: {  	v6 =	vld [tilespmem:s12+$0x8B0]  }
0xec: {  	v7 =	vld [tilespmem:s12+$0xE0];
	_ =	sdelay $0x5  }
0xed: {  	[tilespmem:s12+$0x6890] =	vst v5  }
0xee: {  	v5 =	vld.idx.msk [tilespmem:v6+s13+$0x0], $0xffff  }
0xef: {  	v6 =	vld.idx.msk [tilespmem:v7+s15+$0x0], $0xffff;
	_ =	sdelay $0x4  }
0xf0: {  	v5 =	vadd.f32 v6, v5;
	_ =	sdelay $0x1  }
0xf1: {  	v6 =	vmul.f32 $2.000000030e-01, v5;
	_ =	sdelay $0x1  }
0xf2: {  	v5 =	vmax.f32 v5, v6  }
0xf3: {  	v5 =	vmul.f32 $1.442695020e+00, v5;
	_ =	sdelay $0x1  }
0xf4: {  	(erf) = vpow2.f32 v5;
	_ =	sdelay $0x8  }
0xf5: {  	v5 =	vpop (erf)  }
0xf6: {  	[tilespmem:v4+s20+$0x0] =	vst.idx.msk $0xffff, v5  }
0xf7: {  	s23 =	sadd.s32 $0x870, s12;
	[tilespmem:s12+$0x68A0] =	vst v5  }
0xf8: {  	[spmem:s3] =	stream.indirect.scatter.add.f32 [tilespmem:s20], [sflag:$0x3], $0x8, s23, s26, $0xb8;
	[tilespmem:$0x8318] =	vst v63  }
0xf9: {  	v5 =	vld [tilespmem:s12+$0x8C0]  }
0xfa: {  	v6 =	vld [tilespmem:s12+$0xF0];
	_ =	sdelay $0x6  }
0xfb: {  	v5 =	vld.idx.msk [tilespmem:v5+s13+$0x0], $0xffff  }
0xfc: {  	v6 =	vld.idx.msk [tilespmem:v6+s15+$0x0], $0xffff;
	_ =	sdelay $0x4  }
0xfd: {  	v5 =	vadd.f32 v6, v5;
	_ =	sdelay $0x1  }
0xfe: {  	v6 =	vmul.f32 $2.000000030e-01, v5;
	_ =	sdelay $0x1  }
0xff: {  	v5 =	vmax.f32 v5, v6  }
0x100: {  	v5 =	vmul.f32 $1.442695020e+00, v5;
	_ =	sdelay $0x1  }
0x101: {  	(erf) = vpow2.f32 v5;
	_ =	sdelay $0x8  }
0x102: {  	v5 =	vpop (erf)  }
0x103: {  	[tilespmem:v0+s21+$0x0] =	vst.idx.msk $0xffff, v5  }
0x104: {  	v6 =	vld [tilespmem:s12+$0x8D0]  }
0x105: {  	v7 =	vld [tilespmem:s12+$0x100];
	_ =	sdelay $0x5  }
0x106: {  	[tilespmem:s12+$0x68B0] =	vst v5  }
0x107: {  	v5 =	vld.idx.msk [tilespmem:v6+s13+$0x0], $0xffff  }
0x108: {  	v6 =	vld.idx.msk [tilespmem:v7+s15+$0x0], $0xffff;
	_ =	sdelay $0x4  }
0x109: {  	v5 =	vadd.f32 v6, v5;
	_ =	sdelay $0x1  }
0x10a: {  	v6 =	vmul.f32 $2.000000030e-01, v5;
	_ =	sdelay $0x1  }
0x10b: {  	v5 =	vmax.f32 v5, v6  }
0x10c: {  	v5 =	vmul.f32 $1.442695020e+00, v5;
	_ =	sdelay $0x1  }
0x10d: {  	(erf) = vpow2.f32 v5;
	_ =	sdelay $0x8  }
0x10e: {  	v5 =	vpop (erf)  }
0x10f: {  	[tilespmem:v1+s21+$0x0] =	vst.idx.msk $0xffff, v5  }
0x110: {  	v6 =	vld [tilespmem:s12+$0x8E0]  }
0x111: {  	v7 =	vld [tilespmem:s12+$0x110];
	_ =	sdelay $0x5  }
0x112: {  	[tilespmem:s12+$0x68C0] =	vst v5  }
0x113: {  	v5 =	vld.idx.msk [tilespmem:v6+s13+$0x0], $0xffff  }
0x114: {  	v6 =	vld.idx.msk [tilespmem:v7+s15+$0x0], $0xffff;
	_ =	sdelay $0x4  }
0x115: {  	v5 =	vadd.f32 v6, v5;
	_ =	sdelay $0x1  }
0x116: {  	v6 =	vmul.f32 $2.000000030e-01, v5;
	_ =	sdelay $0x1  }
0x117: {  	v5 =	vmax.f32 v5, v6  }
0x118: {  	v5 =	vmul.f32 $1.442695020e+00, v5;
	_ =	sdelay $0x1  }
0x119: {  	(erf) = vpow2.f32 v5;
	_ =	sdelay $0x8  }
0x11a: {  	v5 =	vpop (erf)  }
0x11b: {  	[tilespmem:v2+s21+$0x0] =	vst.idx.msk $0xffff, v5  }
0x11c: {  	v6 =	vld [tilespmem:s12+$0x8F0]  }
0x11d: {  	v7 =	vld [tilespmem:s12+$0x120];
	_ =	sdelay $0x5  }
0x11e: {  	[tilespmem:s12+$0x68D0] =	vst v5  }
0x11f: {  	v5 =	vld.idx.msk [tilespmem:v6+s13+$0x0], $0xffff  }
0x120: {  	v6 =	vld.idx.msk [tilespmem:v7+s15+$0x0], $0xffff;
	_ =	sdelay $0x4  }
0x121: {  	v5 =	vadd.f32 v6, v5;
	_ =	sdelay $0x1  }
0x122: {  	v6 =	vmul.f32 $2.000000030e-01, v5;
	_ =	sdelay $0x1  }
0x123: {  	v5 =	vmax.f32 v5, v6  }
0x124: {  	v5 =	vmul.f32 $1.442695020e+00, v5;
	_ =	sdelay $0x1  }
0x125: {  	(erf) = vpow2.f32 v5;
	_ =	sdelay $0x8  }
0x126: {  	v5 =	vpop (erf)  }
0x127: {  	[tilespmem:v3+s21+$0x0] =	vst.idx.msk $0xffff, v5  }
0x128: {  	v6 =	vld [tilespmem:s12+$0x900]  }
0x129: {  	v7 =	vld [tilespmem:s12+$0x130];
	_ =	sdelay $0x5  }
0x12a: {  	[tilespmem:s12+$0x68E0] =	vst v5  }
0x12b: {  	v5 =	vld.idx.msk [tilespmem:v6+s13+$0x0], $0xffff  }
0x12c: {  	v6 =	vld.idx.msk [tilespmem:v7+s15+$0x0], $0xffff;
	_ =	sdelay $0x4  }
0x12d: {  	v5 =	vadd.f32 v6, v5;
	_ =	sdelay $0x1  }
0x12e: {  	v6 =	vmul.f32 $2.000000030e-01, v5;
	_ =	sdelay $0x1  }
0x12f: {  	v5 =	vmax.f32 v5, v6  }
0x130: {  	v5 =	vmul.f32 $1.442695020e+00, v5;
	_ =	sdelay $0x1  }
0x131: {  	(erf) = vpow2.f32 v5;
	_ =	sdelay $0x8  }
0x132: {  	v5 =	vpop (erf)  }
0x133: {  	[tilespmem:v4+s21+$0x0] =	vst.idx.msk $0xffff, v5  }
0x134: {  	s23 =	sadd.s32 $0x8C0, s12;
	[tilespmem:s12+$0x68F0] =	vst v5  }
0x135: {  	[spmem:s3] =	stream.indirect.scatter.add.f32 [tilespmem:s21], [sflag:$0x4], $0x8, s23, s26, $0xb8;
	[tilespmem:$0x8318] =	vst v63  }
0x136: {  	_ =	swait.ge [sflag:s28], $0x280  }
0x137: {  	[sflag:s28] =	ssyncset.done $0x0  }
0x138: {  	[sflag:s28] =	ssyncadd.s32 $0xFFFFFD80  }
0x139: {  	_ =	swait.ge [sflag:s29], $0x280  }
0x13a: {  	[sflag:s29] =	ssyncset.done $0x0  }
0x13b: {  	[sflag:s29] =	ssyncadd.s32 $0xFFFFFD80  }
0x13c: {  	p1 =	sne.s32 s11, $0x1900;
	_ =	swait.ge [sflag:s30], $0x280  }
.Ltmp0:
0x13d: {  	[sflag:s30] =	ssyncset.done $0x0;
	(pc) =	sbr.rel @p1 .LBB2_3-.Ltmp0, $4  }
0x13e: {  	[sflag:s30] =	ssyncadd.s32 $0xFFFFFD80  }
0x13f: {  	_ =	swait.ge [sflag:s31], $0x280  }
0x140: {  	[sflag:s31] =	ssyncset.done $0x0  }
0x141: {  	s11 =	sadd.s32 $0x500, s11;
	[sflag:s31] =	ssyncadd.s32 $0xFFFFFD80  }
0x142: {  	v5 =	vld [tilespmem:$0xF50]  }
0x143: {  	v6 =	vld [tilespmem:$0x780];
	_ =	sdelay $0x6  }
0x144: {  	v5 =	vld.idx.msk [tilespmem:v5+s13+$0x0], $0xffff  }
0x145: {  	v6 =	vld.idx.msk [tilespmem:v6+s15+$0x0], $0xffff;
	_ =	sdelay $0x4  }
0x146: {  	v5 =	vadd.f32 v6, v5;
	_ =	sdelay $0x1  }
0x147: {  	v6 =	vmul.f32 $2.000000030e-01, v5;
	_ =	sdelay $0x1  }
0x148: {  	v5 =	vmax.f32 v5, v6  }
0x149: {  	v5 =	vmul.f32 $1.442695020e+00, v5;
	_ =	sdelay $0x1  }
0x14a: {  	(erf) = vpow2.f32 v5;
	_ =	sdelay $0x8  }
0x14b: {  	v5 =	vpop (erf)  }
0x14c: {  	[tilespmem:v0+s18+$0x0] =	vst.idx.msk $0xffff, v5  }
0x14d: {  	v6 =	vld [tilespmem:$0xF60]  }
0x14e: {  	v7 =	vld [tilespmem:$0x790];
	_ =	sdelay $0x5  }
0x14f: {  	[tilespmem:$0x6F40] =	vst v5  }
0x150: {  	v5 =	vld.idx.msk [tilespmem:v6+s13+$0x0], $0xffff  }
0x151: {  	v6 =	vld.idx.msk [tilespmem:v7+s15+$0x0], $0xffff;
	_ =	sdelay $0x4  }
0x152: {  	v5 =	vadd.f32 v6, v5;
	_ =	sdelay $0x1  }
0x153: {  	v6 =	vmul.f32 $2.000000030e-01, v5;
	_ =	sdelay $0x1  }
0x154: {  	v5 =	vmax.f32 v5, v6  }
0x155: {  	v5 =	vmul.f32 $1.442695020e+00, v5;
	_ =	sdelay $0x1  }
0x156: {  	(erf) = vpow2.f32 v5;
	_ =	sdelay $0x8  }
0x157: {  	v5 =	vpop (erf)  }
0x158: {  	[tilespmem:v1+s18+$0x0] =	vst.idx.msk $0xffff, v5  }
0x159: {  	v6 =	vld [tilespmem:$0xF70]  }
0x15a: {  	v7 =	vld [tilespmem:$0x7A0];
	_ =	sdelay $0x5  }
0x15b: {  	[tilespmem:$0x6F50] =	vst v5  }
0x15c: {  	v5 =	vld.idx.msk [tilespmem:v6+s13+$0x0], $0xffff  }
0x15d: {  	v6 =	vld.idx.msk [tilespmem:v7+s15+$0x0], $0xffff;
	_ =	sdelay $0x4  }
0x15e: {  	v5 =	vadd.f32 v6, v5;
	_ =	sdelay $0x1  }
0x15f: {  	v6 =	vmul.f32 $2.000000030e-01, v5;
	_ =	sdelay $0x1  }
0x160: {  	v5 =	vmax.f32 v5, v6  }
0x161: {  	v5 =	vmul.f32 $1.442695020e+00, v5;
	_ =	sdelay $0x1  }
0x162: {  	(erf) = vpow2.f32 v5;
	_ =	sdelay $0x8  }
0x163: {  	v5 =	vpop (erf)  }
0x164: {  	[tilespmem:v2+s18+$0x0] =	vst.idx.msk $0xffff, v5  }
0x165: {  	v6 =	vld [tilespmem:$0xF80]  }
0x166: {  	v7 =	vld [tilespmem:$0x7B0];
	_ =	sdelay $0x5  }
0x167: {  	[tilespmem:$0x6F60] =	vst v5  }
0x168: {  	v5 =	vld.idx.msk [tilespmem:v6+s13+$0x0], $0xffff  }
0x169: {  	v6 =	vld.idx.msk [tilespmem:v7+s15+$0x0], $0xffff;
	_ =	sdelay $0x4  }
0x16a: {  	v5 =	vadd.f32 v6, v5;
	_ =	sdelay $0x1  }
0x16b: {  	v6 =	vmul.f32 $2.000000030e-01, v5;
	_ =	sdelay $0x1  }
0x16c: {  	v5 =	vmax.f32 v5, v6  }
0x16d: {  	v5 =	vmul.f32 $1.442695020e+00, v5;
	_ =	sdelay $0x1  }
0x16e: {  	(erf) = vpow2.f32 v5;
	_ =	sdelay $0x8  }
0x16f: {  	v5 =	vpop (erf)  }
0x170: {  	[tilespmem:v3+s18+$0x0] =	vst.idx.msk $0xffff, v5  }
0x171: {  	v6 =	vld [tilespmem:$0xF90]  }
0x172: {  	v7 =	vld [tilespmem:$0x7C0];
	_ =	sdelay $0x5  }
0x173: {  	[tilespmem:$0x6F70] =	vst v5  }
0x174: {  	v5 =	vld.idx.msk [tilespmem:v6+s13+$0x0], $0xffff  }
0x175: {  	v6 =	vld.idx.msk [tilespmem:v7+s15+$0x0], $0xffff;
	_ =	sdelay $0x4  }
0x176: {  	v5 =	vadd.f32 v6, v5;
	_ =	sdelay $0x1  }
0x177: {  	v6 =	vmul.f32 $2.000000030e-01, v5;
	_ =	sdelay $0x1  }
0x178: {  	v5 =	vmax.f32 v5, v6  }
0x179: {  	v5 =	vmul.f32 $1.442695020e+00, v5;
	_ =	sdelay $0x1  }
0x17a: {  	(erf) = vpow2.f32 v5;
	_ =	sdelay $0x8  }
0x17b: {  	v5 =	vpop (erf)  }
0x17c: {  	[tilespmem:v4+s18+$0x0] =	vst.idx.msk $0xffff, v5  }
0x17d: {  	[tilespmem:$0x6F80] =	vst v5  }
0x17e: {  	[spmem:s3] =	stream.indirect.scatter.add.f32 [tilespmem:s18], [sflag:$0x1], $0x8, s1, s26, $0xb8;
	[tilespmem:$0x8318] =	vst v63  }
0x17f: {  	s8 =	sadd.s32 $0x1, s8;
	_ =	swait.ge [sflag:s28], $0x280  }
0x180: {  	p1 =	sne.s32 s8, $0x5;
	[sflag:s28] =	ssyncset.done $0x0  }
.Ltmp1:
0x181: {  	s9 =	sadd.s32 s7, s9;
	[sflag:s28] =	ssyncadd.s32 $0xFFFFFD80;
	(pc) =	sbr.rel @p1 .LBB2_2-.Ltmp1, $4  }
0x182: {  	[hbm4b:s9+s4] =	stream.linear.scatter [tilespmem:s0], [sflag:$0x5], $0x7D0, $0x38;
	[tilespmem:$0x8318] =	vst v63  }
0x183: {  	_ =	swait.ge [sflag:s14], $0x7D0  }
0x184: {  	[sflag:s14] =	ssyncset.done $0x0  }
0x185: {  	[sflag:s14] =	ssyncadd.s32 $0xFFFFF830  }
0x186: {  	[bflag:$0x0] =	sbarrier.arrive $0xFFFF  }
0x187: {  	s8 =	rddreg [dreg:$0x7]  }
0x188: {  	[hbm:s8], [sflag:s22] =	dma.local @!p0 [spmem:s25], $0x3E8  }
0x189: {  	s8 =	simm.s32 @!p0 $0x5  }
0x18a: {  	_ =	swait.ge @!p0 [sflag:s8], $0x3E8  }
0x18b: {  	s5 =	sadd.s32 $0x1, s5;
	s9 =	rddreg [dreg:$0x8]  }
0x18c: {  	p1 =	sne.s32 s5, s9  }
.Ltmp2:
0x18d: {  	_ = 	snop;
	(pc) =	sbr.rel @p1 .LBB2_1-.Ltmp2, $3  }
0x18e: {  	_ =	sdelay $0x1  }
0x18f: {  	[sflag:s8] =	ssyncset.done @!p0 $0x0  }
0x190: {  	[sflag:s8] =	ssyncadd.s32 @!p0 $0xFFFFFC18  }
0x191: {  	_ =	sfence.sel $0x180000  }
0x192: {  	[bflag:$0x0] =	sbarrier.arrive $0xFFFF  }
0x193: {  	_ =	strace $0x90000047  }
0x194: {  	s0 =	stileid.u32;
	[bflag:$0x2] =	sbarrier.arrive $0xFFFF  }
0x195: {  	p0 =	sne.s32 s0, $0x0;
	s0 =	rddreg [dreg:$0x3]  }
0x196: {  	s0 =	sadd.s32 @!p0 $0x100000, s0  }
0x197: {  	[sflag:s0] =	ssyncadd.tile.s32 @!p0 $0x1;
	_ =	shalt  }
.Lfunc_end2:
_tile_overlayer_lowered:
.L_overlay_start_2:
0x198: {  	(tag) =	ssettag $0x2  }
0x199: {  	s0 =	rddreg [dreg:$0x0];
	s2 =	stileid.u32  }
0x19a: {  	s1 =	rddreg [dreg:$0x1];
	p0 =	sne.s32 s2, $0x0  }
0x19b: {  	s3 =	rddreg [dreg:$0x2];
	[bflag:$0x3] =	sbarrier.arrive $0xFFFF;
	s2 =	simm.s32 @!p0 $0x1C05  }
0x19c: {  	[timem:s3], [sflag:s2] =	dma.local @!p0 [hbm:s0], s1  }
0x19d: {  	s0 =	simm.s32 @!p0 $0x5  }
0x19e: {  	_ =	swait.ge @!p0 [sflag:s0], s1  }
0x19f: {  	s1 =	ssub.s32 @!p0 $0x0, s1;
	[sflag:s0] =	ssyncset.done @!p0 $0x0  }
0x1a0: {  	[sflag:s0] =	ssyncadd.s32 @!p0 s1  }
0x1a1: {  	[bflag:$0x3] =	sbarrier.arrive $0xFFFF  }
0x1a2: {  	_ =	shalt  }

// kernel: kernel.9.cloned.1.call-start
scs
__scs_entry_jumppad:
0x0: {  	(pc) =	sbr.rel $0x88, $3  }
0x1: {  	(tag) =	ssettag $0x0;
	lr =	simm.s32 $0x1  }
0x2: {  	[smem:$0x3F9C] =	sst lr;
	_ =	strace $0xD0000000  }
0x3: {  	_ = 	snop  }
0x4: {  	_ = 	snop  }
0x5: {  	_ = 	snop  }
0x6: {  	_ = 	snop  }
0x7: {  	_ = 	snop  }
__scs_overlays_trampoline_lowered:
0x8: {  	[smem:$0x3FAB] =	sst s0  }
0x9: {  	[smem:$0x3FAC] =	sst s1  }
0xa: {  	[smem:$0x3FAD] =	sst s2  }
0xb: {  	[smem:$0x3FAE] =	sst s3  }
0xc: {  	[smem:$0x3FAF] =	sst s4  }
0xd: {  	[smem:$0x3FB0] =	sst s5  }
0xe: {  	[smem:$0x3FB1] =	sst s6  }
0xf: {  	[smem:$0x3FB2] =	sst s7  }
0x10: {  	[smem:$0x3FB3] =	sst s8  }
0x11: {  	[smem:$0x3FB4] =	sst s9;
	s0 =	simm.s32 @!p0 $0x0  }
0x12: {  	s1 =	sld [smem:$0x3F9A];
	s0 =	simm.s32 @p0 $0x1  }
0x13: {  	[smem:$0x3FB5] =	sst s0;
	s0 =	simm.s32 @!p1 $0x0  }
0x14: {  	s2 =	sld [smem:$0x3F99];
	s0 =	simm.s32 @p1 $0x1  }
0x15: {  	[smem:$0x3FB6] =	sst s0;
	s0 =	simm.s32 @!p2 $0x0  }
0x16: {  	s3 =	sld [smem:$0x3FDB];
	s0 =	simm.s32 @p2 $0x1  }
0x17: {  	s4 =	simm.s32 $0x1BF5;
	[smem:$0x3FB8] =	sst s0  }
0x18: {  	s0 =	sld [smem:$0x3F9B];
	_ =	swait.ge [sflag:s4], $0x0  }
0x19: {  	s7 =	sld [smem:$0x3F9C]  }
0x1a: {  	s8 =	sadd.s32 $0xFFFFE003, lr  }
0x1b: {  	s9 =	sadd.s32 $0xFFFFFEF7, lr;
	s5 =	simm.s32 $0xFFFFFFFF;
	p2 =	slt.u32 s8, $0xFFFFF086  }
0x1c: {  	p1 =	slt.u32 s9, $0xF7A;
	s5 =	simm.s32 @!p2 $0x0  }
0x1d: {  	s5 =	simm.s32 @p1 $0x1;
	p0 =	seq.s32 s7, s2  }
0x1e: {  	s7 =	smul.u32 @!p0 $0xF7A, s2;
	p2 =	seq.s32 @!p0 s5, $0x0  }
0x1f: {  	s9 =	smul.u32 $0xF7A, s1;
	s8 =	simm.s32 @!p0 $0x1BF5;
	p2 =	por !p2, p0  }
0x20: {  	[sflag:s8] =	ssyncset.s32 @!p0 $0xFFFFF086;
	s6 =	sadd.s32 @!p0 s3, s7;
	s7 =	simm.s32 @!p0 $0x108  }
0x21: {  	s3 =	sadd.s32 s3, s9;
	s6 =	sadd.s32 @!p0 $0x88, s6;
	s7 =	simm.s32 @p2 $0x1082  }
0x22: {  	[simem:s7], [sflag:s8] =	dma.local @!p0 [hbm:s6], $0xF7A  }
0x23: {  	s9 =	sor.u32 $0xD0000000, s2;
	s6 =	simm.s32 $0x108;
	_ =	swait.ge @!p0 [sflag:s8], $0x0  }
0x24: {  	s3 =	sadd.s32 $0x88, s3;
	s6 =	simm.s32 @!p1 $0x1082;
	[sflag:s4] =	ssyncset.s32 $0xFFFFF086  }
0x25: {  	[simem:s6], [sflag:s4] =	dma.local [hbm:s3], $0xF7A  }
0x26: {  	[smem:$0x3F9C] =	sst s1;
	(tag) =	ssettag s2;
	_ =	strace s9  }
0x27: {  	s1 =	sld [smem:$0x3FAC]  }
0x28: {  	s2 =	sld [smem:$0x3FAD]  }
0x29: {  	s4 =	sld [smem:$0x3FAF]  }
0x2a: {  	p0 =	seq.s32 s5, $0x0;
	s5 =	sld [smem:$0x3FB0]  }
0x2b: {  	s6 =	sld [smem:$0x3FB1]  }
0x2c: {  	s7 =	sld [smem:$0x3FB2]  }
0x2d: {  	s3 =	simm.s32 $0x108;
	s8 =	sld [smem:$0x3FB3]  }
0x2e: {  	s3 =	simm.s32 @!p0 $0x1082;
	s9 =	sld [smem:$0x3FB4]  }
0x2f: {  	lr =	sadd.s32 s0, s3;
	s0 =	sld [smem:$0x3FAB]  }
0x30: {  	s3 =	sld [smem:$0x3FAE]  }
0x31: {  	[smem:$0x3FB7] =	sst s10  }
0x32: {  	s10 =	sld [smem:$0x3FB5];
	_ =	sdelay $0x3  }
0x33: {  	p0 =	seq.s32 s10, $0x1;
	s10 =	sld [smem:$0x3FB7];
	_ =	sdelay $0x3  }
0x34: {  	[smem:$0x3FB7] =	sst s10  }
0x35: {  	s10 =	sld [smem:$0x3FB6];
	_ =	sdelay $0x3  }
0x36: {  	p1 =	seq.s32 s10, $0x1;
	s10 =	sld [smem:$0x3FB7];
	_ =	sdelay $0x3  }
0x37: {  	[smem:$0x3FB7] =	sst s10  }
0x38: {  	s10 =	sld [smem:$0x3FB8]  }
0x39: {  	_ = 	snop;
	(pc) =	sbr.ind lr, $3  }
0x3a: {  	_ = 	snop  }
0x3b: {  	_ = 	snop  }
0x3c: {  	p2 =	seq.s32 s10, $0x1;
	s10 =	sld [smem:$0x3FB7]  }
0x3d: {  	_ =	shalt  }
0x3e: {  	_ =	shalt  }
0x3f: {  	_ =	shalt  }
0x40: {  	_ =	shalt  }
0x41: {  	_ =	shalt  }
0x42: {  	_ =	shalt  }
0x43: {  	_ =	shalt  }
0x44: {  	_ =	shalt  }
0x45: {  	_ =	shalt  }
0x46: {  	_ =	shalt  }
0x47: {  	_ =	shalt  }
0x48: {  	_ =	shalt  }
0x49: {  	_ =	shalt  }
0x4a: {  	_ =	shalt  }
0x4b: {  	_ =	shalt  }
0x4c: {  	_ =	shalt  }
0x4d: {  	_ =	shalt  }
0x4e: {  	_ =	shalt  }
0x4f: {  	_ =	shalt  }
0x50: {  	_ =	shalt  }
0x51: {  	_ =	shalt  }
0x52: {  	_ =	shalt  }
0x53: {  	_ =	shalt  }
0x54: {  	_ =	shalt  }
0x55: {  	_ =	shalt  }
0x56: {  	_ =	shalt  }
0x57: {  	_ =	shalt  }
0x58: {  	_ =	shalt  }
0x59: {  	_ =	shalt  }
0x5a: {  	_ =	shalt  }
0x5b: {  	_ =	shalt  }
0x5c: {  	_ =	shalt  }
0x5d: {  	_ =	shalt  }
0x5e: {  	_ =	shalt  }
0x5f: {  	_ =	shalt  }
0x60: {  	_ =	shalt  }
0x61: {  	_ =	shalt  }
0x62: {  	_ =	shalt  }
0x63: {  	_ =	shalt  }
0x64: {  	_ =	shalt  }
0x65: {  	_ =	shalt  }
0x66: {  	_ =	shalt  }
0x67: {  	_ =	shalt  }
0x68: {  	_ =	shalt  }
0x69: {  	_ =	shalt  }
0x6a: {  	_ =	shalt  }
0x6b: {  	_ =	shalt  }
0x6c: {  	_ =	shalt  }
0x6d: {  	_ =	shalt  }
0x6e: {  	_ =	shalt  }
0x6f: {  	_ =	shalt  }
0x70: {  	_ =	shalt  }
0x71: {  	_ =	shalt  }
0x72: {  	_ =	shalt  }
0x73: {  	_ =	shalt  }
0x74: {  	_ =	shalt  }
0x75: {  	_ =	shalt  }
0x76: {  	_ =	shalt  }
0x77: {  	_ =	shalt  }
0x78: {  	_ =	shalt  }
0x79: {  	_ =	shalt  }
0x7a: {  	_ =	shalt  }
0x7b: {  	_ =	shalt  }
0x7c: {  	_ =	shalt  }
0x7d: {  	_ =	shalt  }
0x7e: {  	_ =	shalt  }
0x7f: {  	_ =	shalt  }
0x80: {  	_ =	shalt  }
0x81: {  	_ =	shalt  }
0x82: {  	_ =	shalt  }
0x83: {  	_ =	shalt  }
0x84: {  	_ =	shalt  }
0x85: {  	_ =	shalt  }
0x86: {  	_ =	shalt  }
0x87: {  	_ =	shalt  }
.Lfunc_end0:
.L_simem_size_0:
called_computation.1_lowered:
.L_overlay_start_0:
0x88: {  	s2 =	sld [smem:$0x3FD9]  }
0x89: {  	s3 =	sld [smem:$0x3FFE];
	_ =	sdelay $0x1  }
0x8a: {  	s1 =	srdreg.scid  }
0x8b: {  	s0 =	sand.u32 $0x1, s1  }
0x8c: {  	s17 =	sshll.u32 s0, $0xA;
	s2 =	sadd.s32 s3, s2  }
0x8d: {  	s2 =	sadd.s32 s2, s17  }
0x8e: {  	[smem:$0x3FC3] =	sst s2  }
0x8f: {  	_ = 	snop  }
0x90: {  	s2 =	sld [smem:$0x3FD0];
	(tm) =	ssettm $0x1  }
0x91: {  	s18 =	sld [smem:$0x3FFB];
	_ =	sdelay $0x3  }
0x92: {  	_ =	strace s18  }
0x93: {  	s3 =	sld [smem:$0x3FFC];
	_ =	sdelay $0x3  }
0x94: {  	_ =	strace s3  }
0x95: {  	s3 =	sld [smem:$0x3FFD];
	_ =	sdelay $0x3  }
0x96: {  	_ =	strace s3  }
0x97: {  	_ =	strace $0x8FFFFFFF  }
0x98: {  	s19 =	sld [smem:$0x3FDB];
	_ =	sdelay $0x1  }
0x99: {  	s4 =	simm.s32 $_scs_section_size  }
0x9a: {  	s5 =	simm.s32 $_size__tile_overlayer_lowered;
	s6 =	simm.s32 $_tile_overlayer_lowered  }
0x9b: {  	s22 =	simm.s32 $0x1BFF;
	s21 =	sshll.u32 s6, $0x1;
	s3 =	sadd.s32 s4, s19  }
0x9c: {  	s7 =	simm.s32 $0x0;
	s20 =	sshll.u32 s5, $0x1;
	s5 =	sadd.s32 s21, s3  }
0x9d: {  	[timem:s7], [sflag:s22] =	dma.local [hbm:s5], s20  }
0x9e: {  	_ =	swait.ge [sflag:s22], s20  }
0x9f: {  	s4 =	ssub.s32 $0x0, s20;
	[sflag:s22] =	ssyncset.done $0x0  }
0xa0: {  	[sflag:s22] =	ssyncadd.s32 s4;
	_ =	sdelay $0x1  }
0xa1: {  	s23 =	simm.s32 $0x1B8B  }
0xa2: {  	_ =	swait.ge [sflag:s23], $0x1  }
0xa3: {  	[sflag:s23] =	ssyncset.done $0x0  }
0xa4: {  	s25 =	simm.s32 $0x1B8E;
	s24 =	sld [smem:$0x3FFE];
	[sflag:s23] =	ssyncadd.s32 $0xFFFFFFFF  }
0xa5: {  	s26 =	simm.s32 $execute0_lowered;
	[smem:$0x3FD2] =	sst s25  }
0xa6: {  	s5 =	sshll.u32 s26, $0x1;
	_ =	strace $0x80000049;
	[dreg:$0x1] =	wrdreg $0xFFFFFFFF  }
0xa7: {  	s28 =	simm.s32 $_size_execute0_lowered;
	s3 =	sadd.s32 s3, s5;
	[dreg:$0x0] =	wrdreg $0x0  }
0xa8: {  	s5 =	sshll.u32 s28, $0x1;
	[dreg:$0x2] =	wrdreg s3  }
0xa9: {  	[dreg:$0x3] =	wrdreg s5  }
0xaa: {  	[dreg:$0x4] =	wrdreg $0xC0  }
0xab: {  	_ =	task [dreg:s7], $0x5FFFF  }
0xac: {  	[dreg:$0x1] =	wrdreg $0xFFFFFFFF  }
0xad: {  	[dreg:$0x0] =	wrdreg $0x60  }
0xae: {  	[dreg:$0x2] =	wrdreg s24  }
0xaf: {  	[dreg:$0x3] =	wrdreg s2  }
0xb0: {  	[dreg:$0x4] =	wrdreg $0xB2C00  }
0xb1: {  	[dreg:$0x5] =	wrdreg $0x9  }
0xb2: {  	_ =	task.clear_ibuf [dreg:s7], $0x6FFFF;
	_ =	strace $0x90000049  }
0xb3: {  	s29 =	simm.s32 $0x9;
	_ =	strace $0x8000004B  }
0xb4: {  	_ =	swait.ge [sflag:s29], $0x1  }
0xb5: {  	[sflag:s29] =	ssyncadd.s32 $0xFFFFFFFF  }
0xb6: {  	_ =	strace $0x9000004B  }
0xb7: {  	_ =	sfence  }
0xb8: {  	s30 =	sld [smem:$0x0];
	_ =	sdelay $0x2  }
0xb9: {  	s31 =	sshll.u32 s1, $0xD;
	s1 =	sshrl.u32 s1, $0x2  }
0xba: {  	s3 =	sand.u32 $0x4000, s31;
	s1 =	sadd.s32 s1, s30  }
0xbb: {  	s0 =	sor.u32 s3, s0;
	s1 =	sshll.u32 s1, $0x11  }
0xbc: {  	s0 =	sor.u32 s1, s0  }
0xbd: {  	s0 =	sadd.s32 $0x8F2B, s0  }
0xbe: {  	[sflag:s0] =	ssyncadd.remote.s32 $0x1  }
0xbf: {  	_ =	sfence.sel $0xFFFF  }
0xc0: {  	[dreg:$0x0] =	wrdreg $0xFFFFFFFF;
	(pc) =	sbr.abs _section_cstart, $3  }
0xc1: {  	[dreg:$0x1] =	wrdreg $0xFFFFFFFF  }
0xc2: {  	_ =	task.clear_ibuf [dreg:s7], $0x2FFFF;
	_ =	strace $0x9FFFFFFF  }
0xc3: {  	(tm) =	ssettm $0x7FFFFFFF  }
tec
execute0_lowered:
.L_overlay_start_1:
0x0: {  	(tag) =	ssettag $0x1  }
0x1: {  	s0 =	rddreg [dreg:$0x0]  }
0x2: {  	s1 =	rddreg [dreg:$0x1]  }
0x3: {  	s2 =	rddreg [dreg:$0x2];
	s3 =	srdreg.scid  }
0x4: {  	s10 =	stileid.u32;
	s11 =	simm.s32 $0x0;
	s16 =	simm.s32 $0x7  }
0x5: {  	s18 =	simm.s32 $0xC80;
	s28 =	simm.s32 $0x2;
	s29 =	simm.s32 $0x8AC0  }
0x6: {  	s30 =	simm.s32 $0x3;
	s31 =	simm.s32 $0x5;
	s3 =	sand.u32 $0x1, s3  }
0x7: {  	s5 =	smul.u32 $0x1F400, s10;
	[smem:$0x7FF] =	sst s11;
	s4 =	sadd.s32 $0x24E00, s0  }
0x8: {  	s12 =	sadd.s32 $0x2600, s0;
	s13 =	sadd.s32 $0x1B000, s0;
	p0 =	sgt.u32 s10, $0x9  }
0x9: {  	s6 =	smul.u32 $0x138800, s3;
	s7 =	sshll.u32 s3, $0x4;
	s3 =	ssub.s32 $0x2, s3  }
0xa: {  	_ =	strace $0x8000004A;
	s7 =	sor.u32 s10, s7;
	s20 =	sshrl.u32 s3, $0x1  }
0xb: {  	s21 =	sshrl.u32 s5, $0x3;
	s6 =	sadd.s32 s5, s6;
	s19 =	smul.u32 $0x2710, s7  }
0xc: {  	s3 =	ssub.s32 s3, s20;
	s5 =	sadd.s32 s5, s2;
	s1 =	sadd.s32 s1, s21  }
0xd: {  	s7 =	smov.u32 s13;
	s8 =	sshrl.u32 s6, $0x3;
	[dreg:$0x6] =	wrdreg s1  }
0xe: {  	s6 =	smov.u32 s12;
	s26 =	smax.u32 s3, $0x1;
	[dreg:$0x5] =	wrdreg s19  }
0xf: {  	s0 =	sadd.s32 s8, s0;
	s9 =	sshrl.u32 s19, $0x3;
	[dreg:$0xb] =	wrdreg s26  }
0x10: {  	s19 =	simm.s32 $0x50;
	s22 =	sadd.s32 $0x4B0, s9;
	s0 =	sadd.s32 $0x38800, s0  }
0x11: {  	v0 =	vlaneseq.u32;
	s24 =	sadd.s32 s12, s9;
	s9 =	sshrl.u32 @!p0 s5, $0x3;
	[dreg:$0xa] =	wrdreg s0  }
0x12: {  	v0 =	vmul.u32 $0x2, v0;
	s26 =	simm.s32 $0x62C0;
	s23 =	sadd.s32 s12, s22;
	[dreg:$0xd] =	wrdreg s9  }
0x13: {  	s25 =	sadd.s32 $0xA0F0, s24;
	s1 =	sadd.s32 s13, s22;
	[dreg:$0x7] =	wrdreg s23  }
0x14: {  	v1 =	vor.u32 $0x1, v0;
	s24 =	simm.s32 $0x4EC0;
	[dreg:$0x9] =	wrdreg s1;
	s1 =	sshll.u32 @!p0 s10, $0x6  }
0x15: {  	v2 =	vor.u32 $0x20, v0;
	v3 =	vor.u32 $0x21, v0;
	v4 =	vor.u32 $0x40, v0;
	s0 =	simm.s32 $0x4;
	[dreg:$0x8] =	wrdreg s25;
	s8 =	sor.u32 @!p0 $0x1C07, s1  }
0x16: {  	v5 =	vor.u32 $0x41, v0;
	v6 =	vor.u32 $0x60, v0;
	v7 =	vor.u32 $0x61, v0;
	s25 =	simm.s32 $0x1;
	s1 =	simm.s32 $0x6;
	[dreg:$0xc] =	wrdreg s8  }
.LBB2_1:
0x17: {  	[dreg:$0x4] =	wrdreg s11  }
0x18: {  	s3 =	rddreg [dreg:$0x6]  }
0x19: {  	[spmem:s9], [sflag:s8] =	dma.local @!p0 [hbm:s3], $0x3E80  }
0x1a: {  	s3 =	simm.s32 @!p0 $0x7  }
0x1b: {  	_ =	swait.ge @!p0 [sflag:s3], $0x3E80  }
0x1c: {  	[sflag:s3] =	ssyncset.done @!p0 $0x0  }
0x1d: {  	[sflag:s3] =	ssyncadd.s32 @!p0 $0xFFFFC180  }
0x1e: {  	s8 =	simm.s32 $0x0;
	[bflag:$0x0] =	sbarrier.arrive $0xFFFF  }
.LBB2_2:
0x1f: {  	p1 =	seq.s32 s8, $0x0  }
0x20: {  	s3 =	simm.s32 @!p1 $0x5  }
0x21: {  	_ =	swait.ge @!p1 [sflag:s3], $0x2800  }
0x22: {  	[sflag:s3] =	ssyncset.done @!p1 $0x0  }
0x23: {  	[sflag:s3] =	ssyncadd.s32 @!p1 $0xFFFFD800;
	s3 =	simm.s32 @!p1 $0x6  }
0x24: {  	s5 =	smul.u32 $0x640, s8;
	_ =	swait.ge @!p1 [sflag:s3], $0x2800  }
0x25: {  	s9 =	rddreg [dreg:$0x5]  }
0x26: {  	s5 =	sadd.s32 s9, s5  }
0x27: {  	[sflag:s3] =	ssyncset.done @!p1 $0x0;
	s5 =	sshrl.u32 s5, $0x3  }
0x28: {  	[sflag:s3] =	ssyncadd.s32 @!p1 $0xFFFFD800;
	s9 =	simm.s32 $0x0;
	s15 =	sadd.s32 s6, s5  }
0x29: {  	[tilespmem:s9], [sflag:$0x7] =	stream.linear.gather [hbm4b:s15+s9], $0x640, $0x38;
	[tilespmem:$0x1EB40] =	vst v63  }
0x2a: {  	_ =	swait.ge [sflag:s16], $0x640  }
0x2b: {  	[sflag:s16] =	ssyncset.done $0x0  }
0x2c: {  	s10 =	simm.s32 $0x640;
	s3 =	sadd.s32 $0x9C40, s15;
	[sflag:s16] =	ssyncadd.s32 $0xFFFFF9C0  }
0x2d: {  	[tilespmem:s10], [sflag:$0x7] =	stream.linear.gather [hbm4b:s3+s9], $0x640, $0x38;
	[tilespmem:$0x1EB40] =	vst v63  }
0x2e: {  	_ =	swait.ge [sflag:s16], $0x640  }
0x2f: {  	[sflag:s16] =	ssyncset.done $0x0  }
0x30: {  	s17 =	sadd.s32 s7, s5;
	[sflag:s16] =	ssyncadd.s32 $0xFFFFF9C0  }
0x31: {  	[tilespmem:s18], [sflag:$0x7] =	stream.linear.gather [hbm4b:s17+s9], $0x640, $0x38;
	[tilespmem:$0x1EB40] =	vst v63  }
0x32: {  	_ =	swait.ge [sflag:s16], $0x640  }
0x33: {  	[sflag:s16] =	ssyncset.done $0x0  }
0x34: {  	s20 =	simm.s32 $0x12C0;
	[sflag:s16] =	ssyncadd.s32 $0xFFFFF9C0  }
0x35: {  	[tilespmem:s20], [sflag:$0x1] =	stream.indirect.gather [hbm4b:s4+s19], $0x40, s9, s19, $0xb8;
	[tilespmem:$0x1EB40] =	vst v63  }
0x36: {  	s21 =	simm.s32 $0x26C0  }
0x37: {  	[tilespmem:s21], [sflag:$0x2] =	stream.indirect.gather [hbm4b:s4+s19], $0x40, s19, s19, $0xb8;
	[tilespmem:$0x1EB40] =	vst v63  }
0x38: {  	s22 =	simm.s32 $0xA0;
	s23 =	simm.s32 $0x3AC0;
	s10 =	simm.s32 $0x0  }
0x39: {  	[tilespmem:s23], [sflag:$0x3] =	stream.indirect.gather [hbm4b:s4+s19], $0x40, s22, s19, $0xb8;
	[tilespmem:$0x1EB40] =	vst v63  }
.LBB2_3:
0x3a: {  	s3 =	smul.u32 $0x500, s10;
	_ =	sdelay $0x1  }
0x3b: {  	s11 =	sshra.s32 s3, $0x2  }
0x3c: {  	s5 =	sadd.s32 $0x0, s9;
	s3 =	sadd.s32 $0xF0, s11  }
0x3d: {  	v8 =	vmov s5;
	[tilespmem:s24], [sflag:$0x4] =	stream.indirect.gather [hbm4b:s4+s19], $0x40, s3, s19, $0xb8;
	[tilespmem:$0x1EB40] =	vst v63  }
0x3e: {  	v8 =	vand.u32 $0xFFFFFFFE, v8;
	_ =	swait.ge [sflag:s25], $0x1400  }
0x3f: {  	p1 =	seq.s32 s10, $0x0;
	v8 =	vbroadcast v8, $0x0;
	[sflag:s25] =	ssyncset.done $0x0  }
0x40: {  	s3 =	simm.s32 @!p1 $0x5;
	[sflag:s25] =	ssyncadd.s32 $0xFFFFEC00  }
0x41: {  	_ =	swait.ge @!p1 [sflag:s3], $0x2800  }
0x42: {  	[sflag:s3] =	ssyncset.done @!p1 $0x0  }
0x43: {  	s12 =	simm.s32 $0x1300;
	[sflag:s3] =	ssyncadd.s32 @!p1 $0xFFFFD800  }
0x44: {  	s17 =	sadd.s32 $0x1, s5;
	v9 =	vld [tilespmem:s12+$0xFFFFFFC0]  }
0x45: {  	v13 =	vld.idx.msk [tilespmem:v8+s18+$0x0], $0xffff;
	v8 =	vmov s17  }
0x46: {  	s20 =	simm.s32 $0x0  }
0x47: {  	v10 =	vor.u32 s20, v0  }
0x48: {  	v11 =	vor.u32 s20, v1  }
0x49: {  	v14 =	vld [tilespmem:s12+$0x0];
	v12 =	vunpack.i.l.bf16.f32 v9  }
0x4a: {  	v9 =	vunpack.i.u.bf16.f32 v9;
	v8 =	vld.idx.msk [tilespmem:v8+s18+$0x0], $0xffff;
	v12 =	vmul.f32 v12, v13  }
0x4b: {  	s21 =	simm.s32 $0x80;
	v9 =	vmul.f32 v9, v13  }
0x4c: {  	[tilespmem:v10+s26+$0x0] =	vst.idx.msk $0xffff, v12;
	v10 =	vor.u32 s21, v0  }
0x4d: {  	s13 =	sadd.s32 $0x2, s9;
	[tilespmem:v11+s26+$0x0] =	vst.idx.msk $0xffff, v9;
	v9 =	vor.u32 s21, v1  }
0x4e: {  	v15 =	vmov s13;
	v12 =	vunpack.i.l.bf16.f32 v14;
	v11 =	vld [tilespmem:s12+$0xFFFFFFD0]  }
0x4f: {  	v15 =	vand.u32 $0xFFFFFFFE, v15;
	v14 =	vunpack.i.u.bf16.f32 v14;
	v12 =	vmul.f32 v12, v8  }
0x50: {  	v15 =	vbroadcast v15, $0x0;
	v14 =	vmul.f32 v14, v8  }
0x51: {  	v16 =	vor.u32 s20, v2;
	[tilespmem:v10+s26+$0x0] =	vst.idx.msk $0xffff, v12  }
0x52: {  	v10 =	vor.u32 s20, v3;
	[tilespmem:v9+s26+$0x0] =	vst.idx.msk $0xffff, v14  }
0x53: {  	v9 =	vunpack.i.l.bf16.f32 v11;
	v12 =	vld [tilespmem:s12+$0x10]  }
0x54: {  	s14 =	sadd.s32 $0x1, s13;
	s13 =	simm.s32 $0x1380;
	v11 =	vunpack.i.u.bf16.f32 v11;
	v9 =	vmul.f32 v9, v13  }
0x55: {  	v17 =	vmov s14;
	v18 =	vld [tilespmem:s13+$0xFFFFFFC0];
	v14 =	vmul.f32 v11, v13  }
0x56: {  	v11 =	vld.idx.msk [tilespmem:v15+s18+$0x0], $0xffff;
	[tilespmem:v16+s26+$0x0] =	vst.idx.msk $0xffff, v9;
	v16 =	vor.u32 s21, v2  }
0x57: {  	s14 =	simm.s32 $0x100;
	[tilespmem:v10+s26+$0x0] =	vst.idx.msk $0xffff, v14;
	v10 =	vor.u32 s21, v3  }
0x58: {  	v15 =	vor.u32 s14, v0;
	v14 =	vld [tilespmem:s12+$0xFFFFFFE0];
	v9 =	vunpack.i.l.bf16.f32 v12  }
0x59: {  	v22 =	vor.u32 s14, v1;
	v20 =	vld [tilespmem:s13+$0x0];
	v12 =	vunpack.i.u.bf16.f32 v12;
	v21 =	vmul.f32 v9, v8  }
0x5a: {  	v9 =	vld.idx.msk [tilespmem:v17+s18+$0x0], $0xffff;
	v12 =	vmul.f32 v12, v8;
	v17 =	vunpack.i.l.bf16.f32 v18  }
0x5b: {  	s15 =	simm.s32 $0x180;
	v23 =	vor.u32 s20, v4;
	v17 =	vmul.f32 v17, v11;
	[tilespmem:v16+s26+$0x0] =	vst.idx.msk $0xffff, v21;
	v16 =	vunpack.i.u.bf16.f32 v18  }
0x5c: {  	v21 =	vor.u32 s15, v0;
	[tilespmem:v10+s26+$0x0] =	vst.idx.msk $0xffff, v12;
	v10 =	vmul.f32 v16, v11  }
0x5d: {  	v24 =	vor.u32 s15, v1;
	v18 =	vor.u32 s20, v5;
	[tilespmem:v15+s26+$0x0] =	vst.idx.msk $0xffff, v17;
	v12 =	vunpack.i.l.bf16.f32 v14;
	v15 =	vld [tilespmem:s12+$0x20]  }
0x5e: {  	v16 =	vunpack.i.l.bf16.f32 v20;
	v14 =	vunpack.i.u.bf16.f32 v14;
	v12 =	vmul.f32 v12, v13;
	[tilespmem:v22+s26+$0x0] =	vst.idx.msk $0xffff, v10  }
0x5f: {  	s17 =	sadd.s32 $0x4, s9;
	v10 =	vmul.f32 v14, v13;
	v14 =	vunpack.i.u.bf16.f32 v20;
	v17 =	vmul.f32 v16, v9;
	v22 =	vld [tilespmem:s13+$0xFFFFFFD0]  }
0x60: {  	v19 =	vor.u32 s21, v4;
	v20 =	vmov s17;
	[tilespmem:v23+s26+$0x0] =	vst.idx.msk $0xffff, v12;
	v12 =	vmul.f32 v14, v9  }
0x61: {  	v25 =	vor.u32 s21, v5;
	v26 =	vor.u32 s14, v2;
	v14 =	vand.u32 $0xFFFFFFFE, v20;
	[tilespmem:v21+s26+$0x0] =	vst.idx.msk $0xffff, v17  }
0x62: {  	v14 =	vbroadcast v14, $0x0;
	[tilespmem:v24+s26+$0x0] =	vst.idx.msk $0xffff, v12;
	v12 =	vunpack.i.u.bf16.f32 v15;
	v15 =	vunpack.i.l.bf16.f32 v15  }
0x63: {  	v31 =	vor.u32 s20, v6;
	v27 =	vor.u32 s14, v3;
	[tilespmem:v18+s26+$0x0] =	vst.idx.msk $0xffff, v10;
	v28 =	vld [tilespmem:s13+$0x10];
	v30 =	vmul.f32 v15, v8  }
0x64: {  	v33 =	vor.u32 s20, v7;
	v23 =	vld [tilespmem:s12+$0xFFFFFFF0];
	v29 =	vmul.f32 v12, v8;
	v12 =	vunpack.i.l.bf16.f32 v22  }
0x65: {  	s22 =	sadd.s32 $0x1, s17;
	v16 =	vor.u32 s21, v6;
	v22 =	vunpack.i.u.bf16.f32 v22;
	v12 =	vmul.f32 v12, v11;
	[tilespmem:v19+s26+$0x0] =	vst.idx.msk $0xffff, v30  }
0x66: {  	v18 =	vor.u32 s15, v2;
	v24 =	vmov s22;
	s22 =	simm.s32 $0x1400;
	v22 =	vmul.f32 v22, v11;
	[tilespmem:v25+s26+$0x0] =	vst.idx.msk $0xffff, v29  }
0x67: {  	s3 =	simm.s32 $0x200;
	v21 =	vor.u32 s15, v3;
	v17 =	vor.u32 s15, v4;
	v20 =	vor.u32 s15, v5;
	v32 =	vld [tilespmem:s22+$0xFFFFFFC0];
	[tilespmem:v26+s26+$0x0] =	vst.idx.msk $0xffff, v12  }
0x68: {  	v10 =	vor.u32 s21, v7;
	v25 =	vor.u32 s3, v0;
	v15 =	vld.idx.msk [tilespmem:v14+s18+$0x0], $0xffff;
	[tilespmem:v27+s26+$0x0] =	vst.idx.msk $0xffff, v22;
	v22 =	vunpack.i.l.bf16.f32 v28  }
0x69: {  	v34 =	vunpack.i.l.bf16.f32 v23;
	v19 =	vunpack.i.u.bf16.f32 v28;
	v28 =	vld [tilespmem:s13+$0xFFFFFFE0];
	v22 =	vmul.f32 v22, v9  }
0x6a: {  	v14 =	vunpack.i.u.bf16.f32 v23;
	v26 =	vld [tilespmem:s22+$0x0];
	v23 =	vmul.f32 v34, v13;
	v19 =	vmul.f32 v19, v9  }
0x6b: {  	v12 =	vor.u32 s15, v6;
	v27 =	vmul.f32 v14, v13;
	v14 =	vld.idx.msk [tilespmem:v24+s18+$0x0], $0xffff;
	v24 =	vor.u32 s3, v1;
	[tilespmem:v18+s26+$0x0] =	vst.idx.msk $0xffff, v22  }
0x6c: {  	v13 =	vor.u32 s15, v7;
	s15 =	simm.s32 $0x280;
	v22 =	vunpack.i.l.bf16.f32 v32;
	[tilespmem:v21+s26+$0x0] =	vst.idx.msk $0xffff, v19;
	v19 =	vor.u32 s14, v4  }
0x6d: {  	v29 =	vor.u32 s15, v0;
	[tilespmem:v31+s26+$0x0] =	vst.idx.msk $0xffff, v23;
	v21 =	vunpack.i.u.bf16.f32 v32;
	v22 =	vmul.f32 v22, v15  }
0x6e: {  	s23 =	sadd.s32 $0x6, s9;
	v31 =	vor.u32 s14, v5;
	[tilespmem:v33+s26+$0x0] =	vst.idx.msk $0xffff, v27;
	v62 =	vld [tilespmem:s13+$0x20];
	v21 =	vmul.f32 v21, v15;
	v27 =	vunpack.i.l.bf16.f32 v28  }
0x6f: {  	s5 =	sadd.s32 $0x1, s23;
	v23 =	vunpack.i.u.bf16.f32 v26;
	[tilespmem:v25+s26+$0x0] =	vst.idx.msk $0xffff, v22;
	v22 =	vunpack.i.l.bf16.f32 v26;
	v26 =	vmul.f32 v27, v11  }
0x70: {  	v30 =	vmov s5;
	v61 =	vor.u32 s15, v1;
	v25 =	vunpack.i.u.bf16.f32 v28;
	[tilespmem:v24+s26+$0x0] =	vst.idx.msk $0xffff, v21  }
0x71: {  	v18 =	vor.u32 s15, v2;
	v63 =	vmul.f32 v23, v14;
	v24 =	vmul.f32 v25, v11;
	[tilespmem:v19+s26+$0x0] =	vst.idx.msk $0xffff, v26;
	v19 =	vld [tilespmem:s12+$0x30]  }
0x72: {  	v23 =	vor.u32 s15, v4;
	v22 =	vmul.f32 v22, v14;
	v25 =	vmov s23;
	v27 =	vld [tilespmem:s22+$0xFFFFFFD0]  }
0x73: {  	v28 =	vor.u32 s3, v2;
	v25 =	vand.u32 $0xFFFFFFFE, v25;
	[tilespmem:v31+s26+$0x0] =	vst.idx.msk $0xffff, v24;
	v26 =	vunpack.i.u.bf16.f32 v62  }
0x74: {  	s17 =	simm.s32 $0x8;
	[tilespmem:v29+s26+$0x0] =	vst.idx.msk $0xffff, v22;
	v24 =	vbroadcast v25, $0x0;
	v25 =	vunpack.i.l.bf16.f32 v62;
	v29 =	vmul.f32 v26, v9;
	v26 =	vld [tilespmem:s13+$0xFFFFFFF0]  }
0x75: {  	s21 =	simm.s32 $0x1400;
	v21 =	vor.u32 s15, v3;
	s23 =	simm.s32 $0x6;
	s12 =	sshll.u32 s10, $0x2;
	v22 =	vor.u32 s15, v5;
	[tilespmem:v61+s26+$0x0] =	vst.idx.msk $0xffff, v63;
	v31 =	vmul.f32 v25, v9  }
.LBB2_4:
0x76: {  	p2 =	slt.u32 s17, $0x4E;
	v25 =	vor.u32 s3, v3;
	v32 =	vld [tilespmem:s22+$0x10];
	v33 =	vunpack.i.u.bf16.f32 v19;
	v19 =	vunpack.i.l.bf16.f32 v19  }
0x77: {  	v35 =	vor.u32 s14, v6;
	v34 =	vunpack.i.l.bf16.f32 v27;
	[tilespmem:v17+s26+$0x0] =	vst.idx.msk $0xffff, v31;
	v19 =	vmul.f32 v19, v8;
	v17 =	vmovc v23  }
0x78: {  	s22 =	sadd.s32 $0x80, s22;
	v27 =	vunpack.i.u.bf16.f32 v27;
	v31 =	vor.u32 s14, v7;
	s14 =	smov.u32 s3;
	v23 =	vld.idx.msk [tilespmem:v30+s18+$0x0], $0xffff;
	v30 =	vmul.f32 v34, v15;
	[tilespmem:v20+s26+$0x0] =	vst.idx.msk $0xffff, v29  }
0x79: {  	v33 =	vmul.f32 v33, v8;
	v20 =	vmul.f32 v27, v15;
	v29 =	vld [tilespmem:s22+$0xFFFFFFC0];
	v27 =	vunpack.i.l.bf16.f32 v26;
	[tilespmem:v16+s26+$0x0] =	vst.idx.msk $0xffff, v19  }
0x7a: {  	v24 =	vld.idx.msk [tilespmem:v24+s18+$0x0], $0xffff;
	[tilespmem:v28+s26+$0x0] =	vst.idx.msk $0xffff, v30;
	v28 =	vor.u32 s15, v6;
	v30 =	vunpack.i.u.bf16.f32 v26;
	v36 =	vmul.f32 v27, v11  }
0x7b: {  	v8 =	vmovc v9;
	v26 =	vld [tilespmem:s22+$0x0];
	[tilespmem:v25+s26+$0x0] =	vst.idx.msk $0xffff, v20;
	v19 =	vunpack.i.u.bf16.f32 v32;
	v20 =	vunpack.i.l.bf16.f32 v32;
	v34 =	vmul.f32 v30, v11  }
0x7c: {  	s3 =	sshll.u32 s23, $0x7;
	s23 =	smov.u32 s17;
	v30 =	vor.u32 s15, v7;
	v25 =	vld [tilespmem:s21+$0xFFFFFFE0];
	v37 =	vmul.f32 v20, v14;
	v27 =	vmul.f32 v19, v14;
	[tilespmem:v35+s26+$0x0] =	vst.idx.msk $0xffff, v36  }
0x7d: {  	v9 =	vmovc v14;
	v16 =	vmovc v12;
	v32 =	vor.u32 s3, v0;
	s15 =	sadd.s32 $0x80, s3;
	v11 =	vmov v15;
	v12 =	vmov v28;
	[tilespmem:v31+s26+$0x0] =	vst.idx.msk $0xffff, v34;
	v19 =	vld [tilespmem:s13+$0x30];
	s13 =	smov.u32 s21;
	s21 =	smov.u32 s22  }
0x7e: {  	v28 =	vor.u32 s3, v1;
	v31 =	vor.u32 s15, v0;
	v34 =	vor.u32 s15, v1;
	v14 =	vmovc v23;
	[tilespmem:v18+s26+$0x0] =	vst.idx.msk $0xffff, v37;
	v20 =	vmovc v22  }
0x7f: {  	v36 =	vunpack.i.l.bf16.f32 v29;
	v18 =	vor.u32 s15, v2;
	v22 =	vor.u32 s14, v4;
	[tilespmem:v21+s26+$0x0] =	vst.idx.msk $0xffff, v27  }
0x80: {  	v21 =	vunpack.i.u.bf16.f32 v29;
	v23 =	vmul.f32 v36, v24;
	v29 =	vor.u32 s14, v5;
	v15 =	vmovc v24;
	v35 =	vld [tilespmem:s13+$0x20];
	[tilespmem:v10+s26+$0x0] =	vst.idx.msk $0xffff, v33  }
0x81: {  	v21 =	vmul.f32 v21, v15;
	v24 =	vunpack.i.u.bf16.f32 v26;
	v10 =	vmovc v13;
	v13 =	vmovc v30;
	v27 =	vunpack.i.l.bf16.f32 v25  }
0x82: {  	v25 =	vunpack.i.u.bf16.f32 v25;
	[tilespmem:v32+s26+$0x0] =	vst.idx.msk $0xffff, v23;
	v23 =	vunpack.i.l.bf16.f32 v26;
	v26 =	vmul.f32 v27, v11  }
.Ltmp0:
0x83: {  	s5 =	sadd.s32 s17, s9;
	v25 =	vmul.f32 v25, v11;
	[tilespmem:v28+s26+$0x0] =	vst.idx.msk $0xffff, v21;
	v28 =	vmul.f32 v23, v14;
	v21 =	vor.u32 s15, v3;
	(pc) =	sbr.rel @p2 .LBB2_4-.Ltmp0, $4  }
0x84: {  	v30 =	vmov s5;
	s5 =	sadd.s32 $0x1, s5;
	v32 =	vmul.f32 v24, v14;
	v23 =	vor.u32 s15, v4;
	v27 =	vld [tilespmem:s22+$0xFFFFFFD0];
	[tilespmem:v22+s26+$0x0] =	vst.idx.msk $0xffff, v26  }
0x85: {  	v22 =	vand.u32 $0xFFFFFFFE, v30;
	v30 =	vmov s5;
	[tilespmem:v29+s26+$0x0] =	vst.idx.msk $0xffff, v25;
	v25 =	vunpack.i.u.bf16.f32 v35  }
0x86: {  	v24 =	vbroadcast v22, $0x0;
	[tilespmem:v31+s26+$0x0] =	vst.idx.msk $0xffff, v28;
	v26 =	vld [tilespmem:s13+$0xFFFFFFF0];
	v31 =	vunpack.i.l.bf16.f32 v35;
	v29 =	vmul.f32 v25, v9  }
0x87: {  	s17 =	sadd.s32 $0x2, s17;
	v22 =	vor.u32 s15, v5;
	v28 =	vor.u32 s3, v2;
	[tilespmem:v34+s26+$0x0] =	vst.idx.msk $0xffff, v32;
	v31 =	vmul.f32 v31, v9  }
0x88: {  	_ =	sdelay $0x1  }
0x89: {  	s5 =	sadd.s32 $0x80, s22  }
0x8a: {  	v32 =	vld [tilespmem:s5+$0xFFFFFFC0]  }
0x8b: {  	v25 =	vld.idx.msk [tilespmem:v24+s18+$0x0], $0xffff  }
0x8c: {  	s20 =	sshll.u32 s23, $0x7  }
0x8d: {  	v33 =	vld [tilespmem:s5+$0x0];
	v34 =	vor.u32 s20, v0  }
0x8e: {  	v24 =	vld.idx.msk [tilespmem:v30+s18+$0x0], $0xffff;
	v30 =	vor.u32 s20, v1  }
0x8f: {  	s17 =	sadd.s32 $0x80, s20;
	v35 =	vunpack.i.l.bf16.f32 v32  }
0x90: {  	v36 =	vor.u32 s17, v0;
	v32 =	vunpack.i.u.bf16.f32 v32;
	v35 =	vmul.f32 v35, v25  }
0x91: {  	[tilespmem:v17+s26+$0x0] =	vst.idx.msk $0xffff, v31;
	v17 =	vor.u32 s17, v1;
	v31 =	vmul.f32 v32, v25  }
0x92: {  	v52 =	vld [tilespmem:s22+$0x10];
	v53 =	vunpack.i.l.bf16.f32 v33;
	[tilespmem:v34+s26+$0x0] =	vst.idx.msk $0xffff, v35  }
0x93: {  	v33 =	vunpack.i.u.bf16.f32 v33;
	[tilespmem:v30+s26+$0x0] =	vst.idx.msk $0xffff, v31;
	v30 =	vmul.f32 v53, v24  }
0x94: {  	v54 =	vunpack.i.l.bf16.f32 v19;
	[tilespmem:v20+s26+$0x0] =	vst.idx.msk $0xffff, v29;
	v29 =	vmul.f32 v33, v24;
	v31 =	vor.u32 s3, v3;
	v20 =	vld [tilespmem:s5+$0xFFFFFFD0]  }
0x95: {  	v55 =	vunpack.i.l.bf16.f32 v27;
	v34 =	vmul.f32 v54, v8;
	[tilespmem:v36+s26+$0x0] =	vst.idx.msk $0xffff, v30  }
0x96: {  	v27 =	vunpack.i.u.bf16.f32 v27;
	v30 =	vmul.f32 v55, v15;
	[tilespmem:v17+s26+$0x0] =	vst.idx.msk $0xffff, v29  }
0x97: {  	[tilespmem:v16+s26+$0x0] =	vst.idx.msk $0xffff, v34;
	v16 =	vunpack.i.l.bf16.f32 v52;
	v17 =	vmul.f32 v27, v15;
	v27 =	vor.u32 s20, v2;
	v29 =	vld [tilespmem:s5+$0x10]  }
0x98: {  	v16 =	vmul.f32 v16, v14;
	[tilespmem:v28+s26+$0x0] =	vst.idx.msk $0xffff, v30;
	v28 =	vunpack.i.u.bf16.f32 v52;
	v30 =	vor.u32 s20, v3  }
0x99: {  	v56 =	vor.u32 s14, v6;
	[tilespmem:v31+s26+$0x0] =	vst.idx.msk $0xffff, v17;
	v17 =	vmul.f32 v28, v14;
	v28 =	vunpack.i.l.bf16.f32 v20  }
0x9a: {  	[tilespmem:v18+s26+$0x0] =	vst.idx.msk $0xffff, v16;
	v16 =	vor.u32 s17, v2;
	v31 =	vld [tilespmem:s21+$0xFFFFFFE0];
	v18 =	vunpack.i.u.bf16.f32 v20;
	v20 =	vmul.f32 v28, v25  }
0x9b: {  	v28 =	vunpack.i.l.bf16.f32 v26;
	[tilespmem:v21+s26+$0x0] =	vst.idx.msk $0xffff, v17;
	v17 =	vor.u32 s17, v3;
	v18 =	vmul.f32 v18, v25  }
0x9c: {  	v21 =	vor.u32 s14, v7;
	v28 =	vmul.f32 v28, v11;
	v57 =	vld [tilespmem:s21+$0x20];
	[tilespmem:v27+s26+$0x0] =	vst.idx.msk $0xffff, v20;
	v20 =	vunpack.i.l.bf16.f32 v29  }
0x9d: {  	v27 =	vor.u32 s3, v4;
	[tilespmem:v30+s26+$0x0] =	vst.idx.msk $0xffff, v18;
	v18 =	vunpack.i.u.bf16.f32 v29;
	v20 =	vmul.f32 v20, v24  }
0x9e: {  	v26 =	vunpack.i.u.bf16.f32 v26;
	[tilespmem:v56+s26+$0x0] =	vst.idx.msk $0xffff, v28;
	v28 =	vor.u32 s3, v5;
	v29 =	vld [tilespmem:s5+$0xFFFFFFE0];
	v18 =	vmul.f32 v18, v24  }
0x9f: {  	v11 =	vmul.f32 v26, v11;
	v26 =	vunpack.i.l.bf16.f32 v31;
	[tilespmem:v16+s26+$0x0] =	vst.idx.msk $0xffff, v20  }
0xa0: {  	v16 =	vunpack.i.u.bf16.f32 v31;
	v20 =	vmul.f32 v26, v15;
	[tilespmem:v17+s26+$0x0] =	vst.idx.msk $0xffff, v18  }
0xa1: {  	[tilespmem:v21+s26+$0x0] =	vst.idx.msk $0xffff, v11;
	v11 =	vmul.f32 v16, v15;
	v16 =	vunpack.i.l.bf16.f32 v57;
	v17 =	vor.u32 s20, v4;
	v18 =	vld [tilespmem:s5+$0x20]  }
0xa2: {  	v21 =	vor.u32 s20, v5;
	[tilespmem:v27+s26+$0x0] =	vst.idx.msk $0xffff, v20;
	v20 =	vunpack.i.u.bf16.f32 v57;
	v16 =	vmul.f32 v16, v14  }
0xa3: {  	v26 =	vld [tilespmem:s13+$0x30];
	[tilespmem:v28+s26+$0x0] =	vst.idx.msk $0xffff, v11;
	v11 =	vmul.f32 v20, v14;
	v20 =	vunpack.i.l.bf16.f32 v29  }
0xa4: {  	v27 =	vor.u32 s17, v4;
	v28 =	vld [tilespmem:s21+$0xFFFFFFF0];
	[tilespmem:v23+s26+$0x0] =	vst.idx.msk $0xffff, v16;
	v16 =	vunpack.i.u.bf16.f32 v29;
	v20 =	vmul.f32 v20, v25  }
0xa5: {  	v19 =	vunpack.i.u.bf16.f32 v19;
	v23 =	vor.u32 s17, v5;
	[tilespmem:v22+s26+$0x0] =	vst.idx.msk $0xffff, v11;
	v11 =	vmul.f32 v16, v25  }
0xa6: {  	v8 =	vmul.f32 v19, v8;
	[tilespmem:v17+s26+$0x0] =	vst.idx.msk $0xffff, v20;
	v16 =	vunpack.i.l.bf16.f32 v18  }
0xa7: {  	v19 =	vld [tilespmem:s21+$0x30];
	v17 =	vor.u32 s3, v6;
	[tilespmem:v21+s26+$0x0] =	vst.idx.msk $0xffff, v11;
	v11 =	vunpack.i.u.bf16.f32 v18;
	v16 =	vmul.f32 v16, v24  }
0xa8: {  	[tilespmem:v10+s26+$0x0] =	vst.idx.msk $0xffff, v8;
	v10 =	vor.u32 s3, v7;
	v8 =	vunpack.i.l.bf16.f32 v26;
	v18 =	vld [tilespmem:s5+$0xFFFFFFF0];
	v11 =	vmul.f32 v11, v24  }
0xa9: {  	v8 =	vmul.f32 v8, v9;
	v20 =	vunpack.i.l.bf16.f32 v28;
	[tilespmem:v27+s26+$0x0] =	vst.idx.msk $0xffff, v16  }
0xaa: {  	v21 =	vunpack.i.u.bf16.f32 v28;
	v16 =	vor.u32 s15, v6;
	v20 =	vmul.f32 v20, v15;
	[tilespmem:v23+s26+$0x0] =	vst.idx.msk $0xffff, v11  }
0xab: {  	[tilespmem:v12+s26+$0x0] =	vst.idx.msk $0xffff, v8;
	v12 =	vor.u32 s20, v6;
	v8 =	vmul.f32 v21, v15;
	v11 =	vunpack.i.u.bf16.f32 v26;
	v15 =	vld [tilespmem:s5+$0x30]  }
0xac: {  	v9 =	vmul.f32 v11, v9;
	[tilespmem:v17+s26+$0x0] =	vst.idx.msk $0xffff, v20;
	v11 =	vunpack.i.l.bf16.f32 v19;
	v17 =	vor.u32 s20, v7  }
0xad: {  	v20 =	vor.u32 s15, v7;
	[tilespmem:v10+s26+$0x0] =	vst.idx.msk $0xffff, v8;
	v8 =	vmul.f32 v11, v14;
	v10 =	vunpack.i.l.bf16.f32 v18  }
0xae: {  	v11 =	vor.u32 s17, v6;
	[tilespmem:v13+s26+$0x0] =	vst.idx.msk $0xffff, v9;
	v9 =	vunpack.i.u.bf16.f32 v18;
	v10 =	vmul.f32 v10, v25  }
0xaf: {  	v13 =	vor.u32 s17, v7;
	v18 =	vunpack.i.u.bf16.f32 v19;
	[tilespmem:v16+s26+$0x0] =	vst.idx.msk $0xffff, v8;
	v8 =	vmul.f32 v9, v25  }
0xb0: {  	v9 =	vmul.f32 v18, v14;
	[tilespmem:v12+s26+$0x0] =	vst.idx.msk $0xffff, v10;
	v10 =	vunpack.i.l.bf16.f32 v15  }
0xb1: {  	[tilespmem:v17+s26+$0x0] =	vst.idx.msk $0xffff, v8;
	v8 =	vunpack.i.u.bf16.f32 v15;
	v10 =	vmul.f32 v10, v24  }
0xb2: {  	s3 =	sor.u32 $0x1, s12;
	[tilespmem:v20+s26+$0x0] =	vst.idx.msk $0xffff, v9;
	v8 =	vmul.f32 v8, v24  }
0xb3: {  	p2 =	sgt.u32 s3, $0x10;
	[tilespmem:v11+s26+$0x0] =	vst.idx.msk $0xffff, v10  }
0xb4: {  	s14 =	simm.s32 @!p2 $0x50;
	s20 =	sadd.s32 $0x0, s9;
	s17 =	sadd.s32 $0x640, s11;
	[tilespmem:v13+s26+$0x0] =	vst.idx.msk $0xffff, v8  }
0xb5: {  	[spmem:s2] =	stream.indirect.scatter.add.f32 [tilespmem:s26], [sflag:$0x5], $0x80, s17, s19, $0xb8;
	[tilespmem:$0x1EB40] =	vst v63  }
0xb6: {  	s5 =	sadd.s32 @!p2 $0x140, s11;
	s15 =	simm.s32 @!p2 $0x12C0;
	s21 =	sadd.s32 $0x50, s20  }
0xb7: {  	v8 =	vmov s21;
	[tilespmem:s15], [sflag:$0x1] =	stream.indirect.gather @!p2 [hbm4b:s4+s14], $0x40, s5, s14, $0xb8;
	[tilespmem:$0x1EB40] =	vst v63  }
0xb8: {  	v8 =	vand.u32 $0xFFFFFFFE, v8;
	_ =	swait.ge [sflag:s28], $0x1400  }
0xb9: {  	v8 =	vbroadcast v8, $0x0;
	[sflag:s28] =	ssyncset.done $0x0  }
0xba: {  	s5 =	simm.s32 @!p1 $0x6;
	[sflag:s28] =	ssyncadd.s32 $0xFFFFEC00  }
0xbb: {  	_ =	swait.ge @!p1 [sflag:s5], $0x2800  }
0xbc: {  	[sflag:s5] =	ssyncset.done @!p1 $0x0  }
0xbd: {  	[sflag:s5] =	ssyncadd.s32 @!p1 $0xFFFFD800;
	s5 =	simm.s32 $0x2700  }
0xbe: {  	s13 =	sadd.s32 $0x51, s20;
	v10 =	vld [tilespmem:s5+$0xFFFFFFC0]  }
0xbf: {  	v9 =	vmov s13;
	v13 =	vld.idx.msk [tilespmem:v8+s18+$0x0], $0xffff  }
0xc0: {  	s17 =	simm.s32 $0x0  }
0xc1: {  	v8 =	vor.u32 s17, v0  }
0xc2: {  	v12 =	vor.u32 s17, v1  }
0xc3: {  	v11 =	vld [tilespmem:s5+$0x0];
	v14 =	vunpack.i.l.bf16.f32 v10  }
0xc4: {  	v9 =	vld.idx.msk [tilespmem:v9+s18+$0x0], $0xffff;
	v10 =	vunpack.i.u.bf16.f32 v10;
	v14 =	vmul.f32 v14, v13  }
0xc5: {  	s22 =	simm.s32 $0x80;
	v10 =	vmul.f32 v10, v13  }
0xc6: {  	v15 =	vor.u32 s22, v0;
	[tilespmem:v8+s29+$0x0] =	vst.idx.msk $0xffff, v14  }
0xc7: {  	s23 =	sadd.s32 $0x2, s9;
	v16 =	vor.u32 s22, v1;
	[tilespmem:v12+s29+$0x0] =	vst.idx.msk $0xffff, v10  }
0xc8: {  	s20 =	sadd.s32 $0x50, s23;
	v8 =	vunpack.i.l.bf16.f32 v11;
	v10 =	vunpack.i.u.bf16.f32 v11;
	v11 =	vld [tilespmem:s5+$0xFFFFFFD0]  }
0xc9: {  	v8 =	vmul.f32 v8, v9;
	v12 =	vmov s20  }
0xca: {  	v10 =	vmul.f32 v10, v9;
	v12 =	vand.u32 $0xFFFFFFFE, v12  }
0xcb: {  	[tilespmem:v15+s29+$0x0] =	vst.idx.msk $0xffff, v8;
	v8 =	vbroadcast v12, $0x0;
	v12 =	vor.u32 s17, v2  }
0xcc: {  	v14 =	vor.u32 s17, v3;
	[tilespmem:v16+s29+$0x0] =	vst.idx.msk $0xffff, v10  }
0xcd: {  	v15 =	vld [tilespmem:s5+$0x10];
	v10 =	vunpack.i.l.bf16.f32 v11  }
0xce: {  	v11 =	vunpack.i.u.bf16.f32 v11;
	v10 =	vmul.f32 v10, v13  }
0xcf: {  	s13 =	simm.s32 $0x2780;
	s21 =	sadd.s32 $0x51, s23;
	v11 =	vmul.f32 v11, v13  }
0xd0: {  	v18 =	vmov s21;
	v19 =	vld [tilespmem:s13+$0xFFFFFFC0];
	v16 =	vor.u32 s22, v2;
	[tilespmem:v12+s29+$0x0] =	vst.idx.msk $0xffff, v10  }
0xd1: {  	v17 =	vor.u32 s22, v3;
	v10 =	vld.idx.msk [tilespmem:v8+s18+$0x0], $0xffff;
	[tilespmem:v14+s29+$0x0] =	vst.idx.msk $0xffff, v11  }
0xd2: {  	v22 =	vor.u32 s22, v5;
	v24 =	vor.u32 s17, v4;
	s14 =	simm.s32 $0x100;
	v8 =	vunpack.i.l.bf16.f32 v15;
	v12 =	vld [tilespmem:s5+$0xFFFFFFE0]  }
0xd3: {  	v20 =	vor.u32 s14, v0;
	s20 =	simm.s32 $0x180;
	v11 =	vunpack.i.u.bf16.f32 v15;
	v8 =	vmul.f32 v8, v9  }
0xd4: {  	v23 =	vor.u32 s14, v1;
	v21 =	vld [tilespmem:s13+$0x0];
	v25 =	vor.u32 s20, v0;
	v11 =	vmul.f32 v11, v9  }
0xd5: {  	v27 =	vor.u32 s20, v1;
	v14 =	vor.u32 s22, v4;
	[tilespmem:v16+s29+$0x0] =	vst.idx.msk $0xffff, v8;
	v8 =	vld.idx.msk [tilespmem:v18+s18+$0x0], $0xffff;
	v18 =	vunpack.i.l.bf16.f32 v19  }
0xd6: {  	[tilespmem:v17+s29+$0x0] =	vst.idx.msk $0xffff, v11;
	v11 =	vunpack.i.u.bf16.f32 v19;
	v17 =	vmul.f32 v18, v10;
	v18 =	vor.u32 s17, v5  }
0xd7: {  	v15 =	vor.u32 s22, v6;
	v19 =	vld [tilespmem:s5+$0x20];
	v11 =	vmul.f32 v11, v10;
	v26 =	vunpack.i.l.bf16.f32 v12  }
0xd8: {  	v16 =	vor.u32 s22, v7;
	s22 =	sadd.s32 $0x4, s9;
	[tilespmem:v20+s29+$0x0] =	vst.idx.msk $0xffff, v17;
	v12 =	vunpack.i.u.bf16.f32 v12;
	v17 =	vmul.f32 v26, v13  }
0xd9: {  	s23 =	sadd.s32 $0x50, s22;
	v26 =	vunpack.i.l.bf16.f32 v21;
	[tilespmem:v23+s29+$0x0] =	vst.idx.msk $0xffff, v11;
	v11 =	vmul.f32 v12, v13  }
0xda: {  	v12 =	vunpack.i.u.bf16.f32 v21;
	v23 =	vmov s23;
	v21 =	vmul.f32 v26, v8;
	v26 =	vld [tilespmem:s13+$0xFFFFFFD0];
	[tilespmem:v24+s29+$0x0] =	vst.idx.msk $0xffff, v17  }
0xdb: {  	v29 =	vor.u32 s17, v6;
	v12 =	vmul.f32 v12, v8;
	v17 =	vand.u32 $0xFFFFFFFE, v23;
	[tilespmem:v18+s29+$0x0] =	vst.idx.msk $0xffff, v11  }
0xdc: {  	v11 =	vunpack.i.l.bf16.f32 v19;
	v18 =	vunpack.i.u.bf16.f32 v19;
	v19 =	vbroadcast v17, $0x0;
	[tilespmem:v25+s29+$0x0] =	vst.idx.msk $0xffff, v21  }
0xdd: {  	s21 =	simm.s32 $0x200;
	v58 =	vor.u32 s17, v7;
	v25 =	vor.u32 s14, v2;
	v23 =	vld [tilespmem:s5+$0xFFFFFFF0];
	v11 =	vmul.f32 v11, v9;
	[tilespmem:v27+s29+$0x0] =	vst.idx.msk $0xffff, v12  }
0xde: {  	v61 =	vor.u32 s21, v0;
	s15 =	sadd.s32 $0x51, s22;
	v12 =	vmul.f32 v18, v9;
	v27 =	vor.u32 s14, v3;
	v28 =	vld [tilespmem:s13+$0x10]  }
0xdf: {  	v63 =	vor.u32 s14, v5;
	s22 =	simm.s32 $0x280;
	v18 =	vmov s15;
	s15 =	simm.s32 $0x2800;
	[tilespmem:v14+s29+$0x0] =	vst.idx.msk $0xffff, v11;
	v14 =	vunpack.i.l.bf16.f32 v26  }
0xe0: {  	v62 =	vor.u32 s22, v0;
	v30 =	vld [tilespmem:s15+$0xFFFFFFC0];
	[tilespmem:v22+s29+$0x0] =	vst.idx.msk $0xffff, v12;
	v12 =	vunpack.i.u.bf16.f32 v26;
	v14 =	vmul.f32 v14, v10  }
0xe1: {  	v20 =	vor.u32 s20, v2;
	v24 =	vor.u32 s20, v3;
	v26 =	vld [tilespmem:s5+$0x30];
	v22 =	vmul.f32 v12, v10  }
0xe2: {  	v21 =	vor.u32 s20, v4;
	v17 =	vor.u32 s20, v5;
	v11 =	vor.u32 s20, v6;
	v12 =	vld.idx.msk [tilespmem:v19+s18+$0x0], $0xffff;
	[tilespmem:v25+s29+$0x0] =	vst.idx.msk $0xffff, v14  }
0xe3: {  	v31 =	vunpack.i.l.bf16.f32 v23;
	v14 =	vunpack.i.u.bf16.f32 v23;
	v25 =	vld [tilespmem:s15+$0x0];
	[tilespmem:v27+s29+$0x0] =	vst.idx.msk $0xffff, v22;
	v23 =	vunpack.i.l.bf16.f32 v28  }
0xe4: {  	v19 =	vmul.f32 v31, v13;
	v22 =	vunpack.i.u.bf16.f32 v28;
	v31 =	vld [tilespmem:s13+$0xFFFFFFE0];
	v59 =	vmul.f32 v23, v8  }
0xe5: {  	v28 =	vmul.f32 v14, v13;
	v13 =	vor.u32 s20, v7;
	v60 =	vmul.f32 v22, v8  }
0xe6: {  	v14 =	vld.idx.msk [tilespmem:v18+s18+$0x0], $0xffff;
	v22 =	vunpack.i.u.bf16.f32 v26;
	v23 =	vunpack.i.l.bf16.f32 v26;
	v26 =	vor.u32 s21, v1;
	[tilespmem:v20+s29+$0x0] =	vst.idx.msk $0xffff, v59  }
0xe7: {  	v27 =	vor.u32 s22, v1;
	v20 =	vunpack.i.l.bf16.f32 v30;
	[tilespmem:v24+s29+$0x0] =	vst.idx.msk $0xffff, v60;
	v24 =	vor.u32 s14, v4  }
0xe8: {  	v18 =	vor.u32 s22, v2;
	[tilespmem:v29+s29+$0x0] =	vst.idx.msk $0xffff, v19;
	v19 =	vunpack.i.u.bf16.f32 v30;
	v20 =	vmul.f32 v20, v12;
	v34 =	vld [tilespmem:s13+$0x20]  }
0xe9: {  	s20 =	sadd.s32 $0x6, s9;
	[tilespmem:v58+s29+$0x0] =	vst.idx.msk $0xffff, v28;
	v19 =	vmul.f32 v19, v12;
	v28 =	vunpack.i.u.bf16.f32 v25;
	v29 =	vunpack.i.l.bf16.f32 v31  }
0xea: {  	s5 =	sadd.s32 $0x51, s20;
	[tilespmem:v61+s29+$0x0] =	vst.idx.msk $0xffff, v20;
	v20 =	vunpack.i.l.bf16.f32 v25;
	v25 =	vunpack.i.u.bf16.f32 v31;
	v31 =	vmul.f32 v29, v10  }
0xeb: {  	s23 =	sadd.s32 $0x50, s20;
	v30 =	vmul.f32 v28, v14;
	v25 =	vmul.f32 v25, v10;
	v29 =	vmov s5;
	[tilespmem:v26+s29+$0x0] =	vst.idx.msk $0xffff, v19  }
0xec: {  	v19 =	vmul.f32 v20, v14;
	v20 =	vor.u32 s22, v3;
	v26 =	vmov s23;
	[tilespmem:v24+s29+$0x0] =	vst.idx.msk $0xffff, v31;
	v28 =	vld [tilespmem:s15+$0xFFFFFFD0]  }
0xed: {  	v24 =	vand.u32 $0xFFFFFFFE, v26;
	[tilespmem:v63+s29+$0x0] =	vst.idx.msk $0xffff, v25;
	v31 =	vunpack.i.u.bf16.f32 v34;
	v25 =	vunpack.i.l.bf16.f32 v34  }
0xee: {  	s3 =	smul.u32 $0x50, s3;
	s17 =	simm.s32 $0x8;
	s23 =	simm.s32 $0x6;
	v24 =	vbroadcast v24, $0x0;
	[tilespmem:v62+s29+$0x0] =	vst.idx.msk $0xffff, v19;
	v19 =	vor.u32 s22, v4;
	v26 =	vld [tilespmem:s13+$0xFFFFFFF0];
	v32 =	vmul.f32 v25, v8  }
.LBB2_6:
0xef: {  	p1 =	slt.u32 s17, $0x4E;
	v25 =	vor.u32 s21, v2;
	[tilespmem:v27+s29+$0x0] =	vst.idx.msk $0xffff, v30;
	v27 =	vor.u32 s22, v5;
	v30 =	vmul.f32 v31, v8  }
0xf0: {  	v31 =	vor.u32 s21, v3;
	v22 =	vmul.f32 v22, v9;
	v33 =	vld [tilespmem:s15+$0x10];
	[tilespmem:v21+s29+$0x0] =	vst.idx.msk $0xffff, v32;
	v21 =	vmul.f32 v23, v9  }
0xf1: {  	v23 =	vor.u32 s22, v6;
	v32 =	vor.u32 s14, v6;
	v29 =	vld.idx.msk [tilespmem:v29+s18+$0x0], $0xffff;
	v35 =	vunpack.i.l.bf16.f32 v28;
	[tilespmem:v17+s29+$0x0] =	vst.idx.msk $0xffff, v30;
	v17 =	vmovc v27  }
0xf2: {  	v9 =	vmovc v8;
	v27 =	vunpack.i.u.bf16.f32 v28;
	v30 =	vor.u32 s14, v7;
	s14 =	smov.u32 s21;
	v28 =	vmul.f32 v35, v12;
	v34 =	vld [tilespmem:s13+$0x30];
	[tilespmem:v15+s29+$0x0] =	vst.idx.msk $0xffff, v21;
	s13 =	smov.u32 s15;
	s15 =	sadd.s32 $0x80, s15  }
0xf3: {  	v8 =	vmovc v14;
	v21 =	vmul.f32 v27, v12;
	v27 =	vor.u32 s22, v7;
	v35 =	vld [tilespmem:s15+$0xFFFFFFC0];
	v36 =	vunpack.i.l.bf16.f32 v26;
	[tilespmem:v16+s29+$0x0] =	vst.idx.msk $0xffff, v22  }
0xf4: {  	v15 =	vmov v11;
	v14 =	vunpack.i.u.bf16.f32 v26;
	v24 =	vld.idx.msk [tilespmem:v24+s18+$0x0], $0xffff;
	[tilespmem:v25+s29+$0x0] =	vst.idx.msk $0xffff, v28;
	v36 =	vmul.f32 v36, v10  }
0xf5: {  	v11 =	vmovc v23;
	v37 =	vmul.f32 v14, v10;
	v25 =	vld [tilespmem:s15+$0x0];
	[tilespmem:v31+s29+$0x0] =	vst.idx.msk $0xffff, v21;
	v21 =	vunpack.i.u.bf16.f32 v33;
	v22 =	vunpack.i.l.bf16.f32 v33  }
0xf6: {  	s21 =	sshll.u32 s23, $0x7;
	s23 =	smov.u32 s17;
	v16 =	vmov v13;
	v26 =	vld [tilespmem:s13+$0xFFFFFFE0];
	v28 =	vmul.f32 v22, v8;
	v31 =	vmul.f32 v21, v8;
	[tilespmem:v32+s29+$0x0] =	vst.idx.msk $0xffff, v36  }
0xf7: {  	s22 =	sadd.s32 $0x80, s21;
	v13 =	vmovc v27;
	v32 =	vor.u32 s21, v0;
	v14 =	vmovc v29;
	[tilespmem:v30+s29+$0x0] =	vst.idx.msk $0xffff, v37;
	v22 =	vunpack.i.u.bf16.f32 v34;
	v23 =	vunpack.i.l.bf16.f32 v34  }
0xf8: {  	v27 =	vor.u32 s22, v1;
	v10 =	vmovc v12;
	v33 =	vor.u32 s22, v0;
	v29 =	vor.u32 s21, v1;
	[tilespmem:v18+s29+$0x0] =	vst.idx.msk $0xffff, v28;
	v21 =	vmovc v19  }
0xf9: {  	v30 =	vunpack.i.l.bf16.f32 v35;
	v18 =	vor.u32 s22, v2;
	v19 =	vor.u32 s14, v4;
	[tilespmem:v20+s29+$0x0] =	vst.idx.msk $0xffff, v31  }
0xfa: {  	v20 =	vunpack.i.u.bf16.f32 v35;
	v28 =	vmul.f32 v30, v24;
	v31 =	vor.u32 s14, v5;
	v12 =	vmovc v24;
	v34 =	vld [tilespmem:s13+$0x20]  }
0xfb: {  	v20 =	vmul.f32 v20, v12;
	v24 =	vunpack.i.u.bf16.f32 v25;
	v30 =	vunpack.i.l.bf16.f32 v26  }
.Ltmp1:
0xfc: {  	s5 =	sadd.s32 s17, s9;
	v25 =	vunpack.i.l.bf16.f32 v25;
	v26 =	vunpack.i.u.bf16.f32 v26;
	[tilespmem:v32+s29+$0x0] =	vst.idx.msk $0xffff, v28;
	v32 =	vmul.f32 v30, v10;
	(pc) =	sbr.rel @p1 .LBB2_6-.Ltmp1, $4  }
0xfd: {  	s20 =	sadd.s32 $0x50, s5;
	s5 =	sadd.s32 $0x51, s5;
	v25 =	vmul.f32 v25, v14;
	v26 =	vmul.f32 v26, v10;
	[tilespmem:v29+s29+$0x0] =	vst.idx.msk $0xffff, v20;
	v20 =	vor.u32 s22, v3  }
0xfe: {  	v35 =	vmov s20;
	v30 =	vmul.f32 v24, v14;
	v29 =	vmov s5;
	v28 =	vld [tilespmem:s15+$0xFFFFFFD0];
	[tilespmem:v19+s29+$0x0] =	vst.idx.msk $0xffff, v32  }
0xff: {  	v19 =	vand.u32 $0xFFFFFFFE, v35;
	[tilespmem:v31+s29+$0x0] =	vst.idx.msk $0xffff, v26;
	v31 =	vunpack.i.u.bf16.f32 v34;
	v32 =	vunpack.i.l.bf16.f32 v34  }
0x100: {  	s17 =	sadd.s32 $0x2, s17;
	v24 =	vbroadcast v19, $0x0;
	v19 =	vor.u32 s22, v4;
	[tilespmem:v33+s29+$0x0] =	vst.idx.msk $0xffff, v25;
	v26 =	vld [tilespmem:s13+$0xFFFFFFF0];
	v32 =	vmul.f32 v32, v8  }
0x101: {  	_ =	sdelay $0x2  }
0x102: {  	s20 =	sadd.s32 $0x80, s15  }
0x103: {  	v33 =	vld [tilespmem:s20+$0xFFFFFFC0]  }
0x104: {  	v25 =	vld.idx.msk [tilespmem:v24+s18+$0x0], $0xffff  }
0x105: {  	s17 =	sshll.u32 s23, $0x7;
	v34 =	vld [tilespmem:s20+$0x0]  }
0x106: {  	v24 =	vld.idx.msk [tilespmem:v29+s18+$0x0], $0xffff;
	v29 =	vor.u32 s17, v0  }
0x107: {  	s23 =	sadd.s32 $0x80, s17;
	v35 =	vor.u32 s17, v1  }
0x108: {  	[tilespmem:v27+s29+$0x0] =	vst.idx.msk $0xffff, v30;
	v27 =	vmul.f32 v31, v8;
	v30 =	vor.u32 s23, v0;
	v31 =	vunpack.i.l.bf16.f32 v33  }
0x109: {  	[tilespmem:v21+s29+$0x0] =	vst.idx.msk $0xffff, v32;
	v21 =	vor.u32 s23, v1;
	v55 =	vunpack.i.u.bf16.f32 v33;
	v31 =	vmul.f32 v31, v25  }
0x10a: {  	[tilespmem:v17+s29+$0x0] =	vst.idx.msk $0xffff, v27;
	v27 =	vunpack.i.l.bf16.f32 v34;
	v17 =	vmul.f32 v55, v25  }
0x10b: {  	v56 =	vld [tilespmem:s15+$0x10];
	v57 =	vunpack.i.u.bf16.f32 v34;
	v27 =	vmul.f32 v27, v24;
	[tilespmem:v29+s29+$0x0] =	vst.idx.msk $0xffff, v31  }
0x10c: {  	v29 =	vor.u32 s21, v2;
	[tilespmem:v35+s29+$0x0] =	vst.idx.msk $0xffff, v17;
	v17 =	vmul.f32 v57, v24  }
0x10d: {  	v23 =	vmul.f32 v23, v9;
	v31 =	vor.u32 s21, v3;
	[tilespmem:v30+s29+$0x0] =	vst.idx.msk $0xffff, v27;
	v58 =	vld [tilespmem:s20+$0xFFFFFFD0]  }
0x10e: {  	v9 =	vmul.f32 v22, v9;
	v22 =	vunpack.i.l.bf16.f32 v28;
	[tilespmem:v21+s29+$0x0] =	vst.idx.msk $0xffff, v17  }
0x10f: {  	[tilespmem:v15+s29+$0x0] =	vst.idx.msk $0xffff, v23;
	v17 =	vunpack.i.u.bf16.f32 v28;
	v21 =	vmul.f32 v22, v12;
	v15 =	vld [tilespmem:s20+$0x10]  }
0x110: {  	[tilespmem:v16+s29+$0x0] =	vst.idx.msk $0xffff, v9;
	v16 =	vor.u32 s17, v2;
	v9 =	vunpack.i.l.bf16.f32 v56;
	v17 =	vmul.f32 v17, v12  }
0x111: {  	v9 =	vmul.f32 v9, v14;
	v22 =	vor.u32 s17, v3;
	[tilespmem:v29+s29+$0x0] =	vst.idx.msk $0xffff, v21;
	v21 =	vunpack.i.u.bf16.f32 v56  }
0x112: {  	[tilespmem:v31+s29+$0x0] =	vst.idx.msk $0xffff, v17;
	v17 =	vmul.f32 v21, v14;
	v21 =	vor.u32 s23, v2;
	v23 =	vunpack.i.l.bf16.f32 v58  }
0x113: {  	[tilespmem:v18+s29+$0x0] =	vst.idx.msk $0xffff, v9;
	v9 =	vor.u32 s23, v3;
	v27 =	vld [tilespmem:s15+$0xFFFFFFE0];
	v18 =	vunpack.i.u.bf16.f32 v58;
	v23 =	vmul.f32 v23, v25  }
0x114: {  	v28 =	vor.u32 s14, v6;
	[tilespmem:v20+s29+$0x0] =	vst.idx.msk $0xffff, v17;
	v17 =	vmul.f32 v18, v25;
	v18 =	vunpack.i.l.bf16.f32 v15  }
0x115: {  	v20 =	vor.u32 s14, v7;
	v29 =	vld [tilespmem:s15+$0x20];
	v15 =	vunpack.i.u.bf16.f32 v15;
	[tilespmem:v16+s29+$0x0] =	vst.idx.msk $0xffff, v23;
	v16 =	vmul.f32 v18, v24  }
0x116: {  	v18 =	vunpack.i.l.bf16.f32 v26;
	v23 =	vor.u32 s21, v4;
	v15 =	vmul.f32 v15, v24;
	[tilespmem:v22+s29+$0x0] =	vst.idx.msk $0xffff, v17  }
0x117: {  	v17 =	vunpack.i.u.bf16.f32 v26;
	v18 =	vmul.f32 v18, v10;
	v22 =	vor.u32 s21, v5;
	v26 =	vld [tilespmem:s20+$0xFFFFFFE0];
	[tilespmem:v21+s29+$0x0] =	vst.idx.msk $0xffff, v16  }
0x118: {  	v10 =	vmul.f32 v17, v10;
	v16 =	vunpack.i.l.bf16.f32 v27;
	[tilespmem:v9+s29+$0x0] =	vst.idx.msk $0xffff, v15  }
0x119: {  	v9 =	vor.u32 s22, v5;
	[tilespmem:v28+s29+$0x0] =	vst.idx.msk $0xffff, v18;
	v15 =	vunpack.i.u.bf16.f32 v27;
	v16 =	vmul.f32 v16, v12;
	v17 =	vld [tilespmem:s20+$0x20]  }
0x11a: {  	v18 =	vor.u32 s17, v4;
	[tilespmem:v20+s29+$0x0] =	vst.idx.msk $0xffff, v10;
	v10 =	vmul.f32 v15, v12;
	v15 =	vunpack.i.l.bf16.f32 v29  }
0x11b: {  	v21 =	vor.u32 s17, v5;
	v20 =	vld [tilespmem:s13+$0x30];
	[tilespmem:v23+s29+$0x0] =	vst.idx.msk $0xffff, v16;
	v16 =	vunpack.i.u.bf16.f32 v29;
	v15 =	vmul.f32 v15, v14  }
0x11c: {  	[tilespmem:v22+s29+$0x0] =	vst.idx.msk $0xffff, v10;
	v10 =	vor.u32 s23, v4;
	v16 =	vmul.f32 v16, v14;
	v22 =	vunpack.i.l.bf16.f32 v26  }
0x11d: {  	v27 =	vor.u32 s23, v5;
	v23 =	vld [tilespmem:s15+$0xFFFFFFF0];
	[tilespmem:v19+s29+$0x0] =	vst.idx.msk $0xffff, v15;
	v15 =	vunpack.i.u.bf16.f32 v26;
	v19 =	vmul.f32 v22, v25  }
0x11e: {  	[tilespmem:v9+s29+$0x0] =	vst.idx.msk $0xffff, v16;
	v9 =	vmul.f32 v15, v25;
	v15 =	vunpack.i.l.bf16.f32 v17  }
0x11f: {  	v16 =	vld [tilespmem:s15+$0x30];
	v17 =	vunpack.i.u.bf16.f32 v17;
	[tilespmem:v18+s29+$0x0] =	vst.idx.msk $0xffff, v19;
	v15 =	vmul.f32 v15, v24  }
0x120: {  	v18 =	vunpack.i.l.bf16.f32 v20;
	v19 =	vor.u32 s21, v6;
	[tilespmem:v21+s29+$0x0] =	vst.idx.msk $0xffff, v9;
	v9 =	vmul.f32 v17, v24  }
0x121: {  	v17 =	vunpack.i.u.bf16.f32 v20;
	v18 =	vmul.f32 v18, v8;
	v20 =	vor.u32 s21, v7;
	v21 =	vld [tilespmem:s20+$0xFFFFFFF0];
	[tilespmem:v10+s29+$0x0] =	vst.idx.msk $0xffff, v15  }
0x122: {  	v10 =	vor.u32 s22, v6;
	v8 =	vmul.f32 v17, v8;
	v15 =	vunpack.i.l.bf16.f32 v23;
	[tilespmem:v27+s29+$0x0] =	vst.idx.msk $0xffff, v9  }
0x123: {  	v9 =	vor.u32 s22, v7;
	[tilespmem:v11+s29+$0x0] =	vst.idx.msk $0xffff, v18;
	v11 =	vunpack.i.u.bf16.f32 v23;
	v15 =	vmul.f32 v15, v12;
	v17 =	vld [tilespmem:s20+$0x30]  }
0x124: {  	[tilespmem:v13+s29+$0x0] =	vst.idx.msk $0xffff, v8;
	v8 =	vmul.f32 v11, v12;
	v11 =	vunpack.i.l.bf16.f32 v16;
	v12 =	vor.u32 s17, v6  }
0x125: {  	v13 =	vunpack.i.u.bf16.f32 v16;
	[tilespmem:v19+s29+$0x0] =	vst.idx.msk $0xffff, v15;
	v11 =	vmul.f32 v11, v14;
	v15 =	vor.u32 s17, v7  }
0x126: {  	v16 =	vor.u32 s23, v6;
	[tilespmem:v20+s29+$0x0] =	vst.idx.msk $0xffff, v8;
	v8 =	vmul.f32 v13, v14;
	v13 =	vunpack.i.l.bf16.f32 v21  }
0x127: {  	v14 =	vor.u32 s23, v7;
	[tilespmem:v10+s29+$0x0] =	vst.idx.msk $0xffff, v11;
	v10 =	vunpack.i.u.bf16.f32 v21;
	v11 =	vmul.f32 v13, v25  }
0x128: {  	[tilespmem:v9+s29+$0x0] =	vst.idx.msk $0xffff, v8;
	v8 =	vmul.f32 v10, v25;
	v9 =	vunpack.i.l.bf16.f32 v17  }
0x129: {  	v10 =	vunpack.i.u.bf16.f32 v17;
	[tilespmem:v12+s29+$0x0] =	vst.idx.msk $0xffff, v11;
	v9 =	vmul.f32 v9, v24  }
0x12a: {  	[tilespmem:v15+s29+$0x0] =	vst.idx.msk $0xffff, v8;
	v8 =	vmul.f32 v10, v24  }
0x12b: {  	[tilespmem:v16+s29+$0x0] =	vst.idx.msk $0xffff, v9  }
0x12c: {  	s3 =	sadd.s32 $0x640, s3;
	[tilespmem:v14+s29+$0x0] =	vst.idx.msk $0xffff, v8  }
0x12d: {  	[spmem:s2] =	stream.indirect.scatter.add.f32 [tilespmem:s29], [sflag:$0x6], $0x80, s3, s19, $0xb8;
	[tilespmem:$0x1EB40] =	vst v63  }
0x12e: {  	s20 =	sadd.s32 $0x0, s9;
	s3 =	sor.u32 $0x2, s12  }
0x12f: {  	s21 =	sadd.s32 $0xA0, s20;
	p1 =	sgt.u32 s3, $0x10  }
0x130: {  	s5 =	sadd.s32 @!p1 $0x190, s11;
	s14 =	simm.s32 @!p1 $0x50;
	s15 =	simm.s32 @!p1 $0x26C0  }
0x131: {  	v8 =	vmov s21;
	[tilespmem:s15], [sflag:$0x2] =	stream.indirect.gather @!p1 [hbm4b:s4+s14], $0x40, s5, s14, $0xb8;
	[tilespmem:$0x1EB40] =	vst v63  }
0x132: {  	v8 =	vand.u32 $0xFFFFFFFE, v8;
	_ =	swait.ge [sflag:s30], $0x1400  }
0x133: {  	v8 =	vbroadcast v8, $0x0;
	[sflag:s30] =	ssyncset.done $0x0  }
0x134: {  	[sflag:s30] =	ssyncadd.s32 $0xFFFFEC00  }
0x135: {  	_ =	swait.ge [sflag:s31], $0x2800  }
0x136: {  	[sflag:s31] =	ssyncset.done $0x0  }
0x137: {  	s5 =	simm.s32 $0x3B00;
	[sflag:s31] =	ssyncadd.s32 $0xFFFFD800  }
0x138: {  	s13 =	sadd.s32 $0xA1, s20;
	v10 =	vld [tilespmem:s5+$0xFFFFFFC0]  }
0x139: {  	v9 =	vmov s13;
	v13 =	vld.idx.msk [tilespmem:v8+s18+$0x0], $0xffff  }
0x13a: {  	s17 =	simm.s32 $0x0  }
0x13b: {  	v8 =	vor.u32 s17, v0  }
0x13c: {  	v12 =	vor.u32 s17, v1  }
0x13d: {  	v11 =	vld [tilespmem:s5+$0x0];
	v14 =	vunpack.i.l.bf16.f32 v10  }
0x13e: {  	v9 =	vld.idx.msk [tilespmem:v9+s18+$0x0], $0xffff;
	v10 =	vunpack.i.u.bf16.f32 v10;
	v14 =	vmul.f32 v14, v13  }
0x13f: {  	s22 =	simm.s32 $0x80;
	v10 =	vmul.f32 v10, v13  }
0x140: {  	v15 =	vor.u32 s22, v0;
	[tilespmem:v8+s26+$0x0] =	vst.idx.msk $0xffff, v14  }
0x141: {  	s23 =	sadd.s32 $0x2, s9;
	v16 =	vor.u32 s22, v1;
	[tilespmem:v12+s26+$0x0] =	vst.idx.msk $0xffff, v10  }
0x142: {  	s20 =	sadd.s32 $0xA0, s23;
	v8 =	vunpack.i.l.bf16.f32 v11;
	v10 =	vunpack.i.u.bf16.f32 v11;
	v11 =	vld [tilespmem:s5+$0xFFFFFFD0]  }
0x143: {  	v8 =	vmul.f32 v8, v9;
	v12 =	vmov s20  }
0x144: {  	v10 =	vmul.f32 v10, v9;
	v12 =	vand.u32 $0xFFFFFFFE, v12  }
0x145: {  	[tilespmem:v15+s26+$0x0] =	vst.idx.msk $0xffff, v8;
	v8 =	vbroadcast v12, $0x0;
	v12 =	vor.u32 s17, v2  }
0x146: {  	v14 =	vor.u32 s17, v3;
	[tilespmem:v16+s26+$0x0] =	vst.idx.msk $0xffff, v10  }
0x147: {  	v15 =	vld [tilespmem:s5+$0x10];
	v10 =	vunpack.i.l.bf16.f32 v11  }
0x148: {  	v11 =	vunpack.i.u.bf16.f32 v11;
	v10 =	vmul.f32 v10, v13  }
0x149: {  	s13 =	simm.s32 $0x3B80;
	s21 =	sadd.s32 $0xA1, s23;
	v11 =	vmul.f32 v11, v13  }
0x14a: {  	v18 =	vmov s21;
	v19 =	vld [tilespmem:s13+$0xFFFFFFC0];
	v16 =	vor.u32 s22, v2;
	[tilespmem:v12+s26+$0x0] =	vst.idx.msk $0xffff, v10  }
0x14b: {  	v17 =	vor.u32 s22, v3;
	v10 =	vld.idx.msk [tilespmem:v8+s18+$0x0], $0xffff;
	[tilespmem:v14+s26+$0x0] =	vst.idx.msk $0xffff, v11  }
0x14c: {  	v22 =	vor.u32 s22, v5;
	v24 =	vor.u32 s17, v4;
	s14 =	simm.s32 $0x100;
	v8 =	vunpack.i.l.bf16.f32 v15;
	v12 =	vld [tilespmem:s5+$0xFFFFFFE0]  }
0x14d: {  	v20 =	vor.u32 s14, v0;
	s20 =	simm.s32 $0x180;
	v11 =	vunpack.i.u.bf16.f32 v15;
	v8 =	vmul.f32 v8, v9  }
0x14e: {  	v23 =	vor.u32 s14, v1;
	v21 =	vld [tilespmem:s13+$0x0];
	v25 =	vor.u32 s20, v0;
	v11 =	vmul.f32 v11, v9  }
0x14f: {  	v27 =	vor.u32 s20, v1;
	v14 =	vor.u32 s22, v4;
	[tilespmem:v16+s26+$0x0] =	vst.idx.msk $0xffff, v8;
	v8 =	vld.idx.msk [tilespmem:v18+s18+$0x0], $0xffff;
	v18 =	vunpack.i.l.bf16.f32 v19  }
0x150: {  	[tilespmem:v17+s26+$0x0] =	vst.idx.msk $0xffff, v11;
	v11 =	vunpack.i.u.bf16.f32 v19;
	v17 =	vmul.f32 v18, v10;
	v18 =	vor.u32 s17, v5  }
0x151: {  	v15 =	vor.u32 s22, v6;
	v19 =	vld [tilespmem:s5+$0x20];
	v11 =	vmul.f32 v11, v10;
	v26 =	vunpack.i.l.bf16.f32 v12  }
0x152: {  	v16 =	vor.u32 s22, v7;
	s22 =	sadd.s32 $0x4, s9;
	[tilespmem:v20+s26+$0x0] =	vst.idx.msk $0xffff, v17;
	v12 =	vunpack.i.u.bf16.f32 v12;
	v17 =	vmul.f32 v26, v13  }
0x153: {  	s23 =	sadd.s32 $0xA0, s22;
	v26 =	vunpack.i.l.bf16.f32 v21;
	[tilespmem:v23+s26+$0x0] =	vst.idx.msk $0xffff, v11;
	v11 =	vmul.f32 v12, v13  }
0x154: {  	v12 =	vunpack.i.u.bf16.f32 v21;
	v23 =	vmov s23;
	v21 =	vmul.f32 v26, v8;
	v26 =	vld [tilespmem:s13+$0xFFFFFFD0];
	[tilespmem:v24+s26+$0x0] =	vst.idx.msk $0xffff, v17  }
0x155: {  	v29 =	vor.u32 s17, v6;
	v12 =	vmul.f32 v12, v8;
	v17 =	vand.u32 $0xFFFFFFFE, v23;
	[tilespmem:v18+s26+$0x0] =	vst.idx.msk $0xffff, v11  }
0x156: {  	v11 =	vunpack.i.l.bf16.f32 v19;
	v18 =	vunpack.i.u.bf16.f32 v19;
	v19 =	vbroadcast v17, $0x0;
	[tilespmem:v25+s26+$0x0] =	vst.idx.msk $0xffff, v21  }
0x157: {  	v59 =	vor.u32 s17, v7;
	s21 =	simm.s32 $0x200;
	v25 =	vor.u32 s14, v2;
	v23 =	vld [tilespmem:s5+$0xFFFFFFF0];
	v11 =	vmul.f32 v11, v9;
	[tilespmem:v27+s26+$0x0] =	vst.idx.msk $0xffff, v12  }
0x158: {  	v61 =	vor.u32 s21, v0;
	s15 =	sadd.s32 $0xA1, s22;
	v12 =	vmul.f32 v18, v9;
	v27 =	vor.u32 s14, v3;
	v28 =	vld [tilespmem:s13+$0x10]  }
0x159: {  	v63 =	vor.u32 s14, v5;
	s22 =	simm.s32 $0x280;
	v18 =	vmov s15;
	s15 =	simm.s32 $0x3C00;
	[tilespmem:v14+s26+$0x0] =	vst.idx.msk $0xffff, v11;
	v14 =	vunpack.i.l.bf16.f32 v26  }
0x15a: {  	v62 =	vor.u32 s22, v0;
	v30 =	vld [tilespmem:s15+$0xFFFFFFC0];
	[tilespmem:v22+s26+$0x0] =	vst.idx.msk $0xffff, v12;
	v12 =	vunpack.i.u.bf16.f32 v26;
	v14 =	vmul.f32 v14, v10  }
0x15b: {  	v20 =	vor.u32 s20, v2;
	v24 =	vor.u32 s20, v3;
	v26 =	vld [tilespmem:s5+$0x30];
	v22 =	vmul.f32 v12, v10  }
0x15c: {  	v21 =	vor.u32 s20, v4;
	v17 =	vor.u32 s20, v5;
	v11 =	vor.u32 s20, v6;
	v12 =	vld.idx.msk [tilespmem:v19+s18+$0x0], $0xffff;
	[tilespmem:v25+s26+$0x0] =	vst.idx.msk $0xffff, v14  }
0x15d: {  	v31 =	vunpack.i.l.bf16.f32 v23;
	v14 =	vunpack.i.u.bf16.f32 v23;
	v25 =	vld [tilespmem:s15+$0x0];
	[tilespmem:v27+s26+$0x0] =	vst.idx.msk $0xffff, v22;
	v23 =	vunpack.i.l.bf16.f32 v28  }
0x15e: {  	v19 =	vmul.f32 v31, v13;
	v22 =	vunpack.i.u.bf16.f32 v28;
	v31 =	vld [tilespmem:s13+$0xFFFFFFE0];
	v27 =	vmul.f32 v23, v8  }
0x15f: {  	v28 =	vmul.f32 v14, v13;
	v13 =	vor.u32 s20, v7;
	v60 =	vmul.f32 v22, v8  }
0x160: {  	v14 =	vld.idx.msk [tilespmem:v18+s18+$0x0], $0xffff;
	v22 =	vunpack.i.u.bf16.f32 v26;
	v23 =	vunpack.i.l.bf16.f32 v26;
	v26 =	vor.u32 s21, v1;
	[tilespmem:v20+s26+$0x0] =	vst.idx.msk $0xffff, v27  }
0x161: {  	v18 =	vor.u32 s22, v2;
	v20 =	vunpack.i.l.bf16.f32 v30;
	[tilespmem:v24+s26+$0x0] =	vst.idx.msk $0xffff, v60;
	v24 =	vor.u32 s14, v4  }
0x162: {  	[tilespmem:v29+s26+$0x0] =	vst.idx.msk $0xffff, v19;
	v19 =	vunpack.i.u.bf16.f32 v30;
	v27 =	vor.u32 s22, v1;
	v20 =	vmul.f32 v20, v12;
	v36 =	vld [tilespmem:s13+$0x20]  }
0x163: {  	s20 =	sadd.s32 $0x6, s9;
	[tilespmem:v59+s26+$0x0] =	vst.idx.msk $0xffff, v28;
	v19 =	vmul.f32 v19, v12;
	v28 =	vunpack.i.u.bf16.f32 v25;
	v29 =	vunpack.i.l.bf16.f32 v31  }
0x164: {  	s5 =	sadd.s32 $0xA1, s20;
	[tilespmem:v61+s26+$0x0] =	vst.idx.msk $0xffff, v20;
	v20 =	vunpack.i.l.bf16.f32 v25;
	v25 =	vunpack.i.u.bf16.f32 v31;
	v31 =	vmul.f32 v29, v10  }
0x165: {  	s23 =	sadd.s32 $0xA0, s20;
	v30 =	vmul.f32 v28, v14;
	v25 =	vmul.f32 v25, v10;
	v29 =	vmov s5;
	[tilespmem:v26+s26+$0x0] =	vst.idx.msk $0xffff, v19  }
0x166: {  	v19 =	vmul.f32 v20, v14;
	v20 =	vor.u32 s22, v3;
	v26 =	vmov s23;
	[tilespmem:v24+s26+$0x0] =	vst.idx.msk $0xffff, v31;
	v28 =	vld [tilespmem:s15+$0xFFFFFFD0]  }
0x167: {  	v24 =	vand.u32 $0xFFFFFFFE, v26;
	[tilespmem:v63+s26+$0x0] =	vst.idx.msk $0xffff, v25;
	v31 =	vunpack.i.u.bf16.f32 v36;
	v25 =	vunpack.i.l.bf16.f32 v36  }
0x168: {  	s3 =	smul.u32 $0x50, s3;
	s17 =	simm.s32 $0x8;
	s23 =	simm.s32 $0x6;
	v24 =	vbroadcast v24, $0x0;
	[tilespmem:v62+s26+$0x0] =	vst.idx.msk $0xffff, v19;
	v19 =	vor.u32 s22, v4;
	v26 =	vld [tilespmem:s13+$0xFFFFFFF0];
	v32 =	vmul.f32 v25, v8  }
.LBB2_8:
0x169: {  	p1 =	slt.u32 s17, $0x4E;
	v25 =	vor.u32 s21, v2;
	[tilespmem:v27+s26+$0x0] =	vst.idx.msk $0xffff, v30;
	v27 =	vor.u32 s22, v5;
	v30 =	vmul.f32 v31, v8  }
0x16a: {  	v31 =	vor.u32 s21, v3;
	v22 =	vmul.f32 v22, v9;
	v33 =	vld [tilespmem:s15+$0x10];
	[tilespmem:v21+s26+$0x0] =	vst.idx.msk $0xffff, v32;
	v21 =	vmul.f32 v23, v9  }
0x16b: {  	v23 =	vor.u32 s22, v6;
	v32 =	vor.u32 s14, v6;
	v29 =	vld.idx.msk [tilespmem:v29+s18+$0x0], $0xffff;
	v35 =	vunpack.i.l.bf16.f32 v28;
	[tilespmem:v17+s26+$0x0] =	vst.idx.msk $0xffff, v30;
	v17 =	vmovc v27  }
0x16c: {  	v9 =	vmovc v8;
	v27 =	vunpack.i.u.bf16.f32 v28;
	v30 =	vor.u32 s14, v7;
	s14 =	smov.u32 s21;
	v28 =	vmul.f32 v35, v12;
	v34 =	vld [tilespmem:s13+$0x30];
	[tilespmem:v15+s26+$0x0] =	vst.idx.msk $0xffff, v21;
	s13 =	smov.u32 s15;
	s15 =	sadd.s32 $0x80, s15  }
0x16d: {  	v8 =	vmovc v14;
	v21 =	vmul.f32 v27, v12;
	v27 =	vor.u32 s22, v7;
	v35 =	vld [tilespmem:s15+$0xFFFFFFC0];
	v36 =	vunpack.i.l.bf16.f32 v26;
	[tilespmem:v16+s26+$0x0] =	vst.idx.msk $0xffff, v22  }
0x16e: {  	v15 =	vmov v11;
	v14 =	vunpack.i.u.bf16.f32 v26;
	v24 =	vld.idx.msk [tilespmem:v24+s18+$0x0], $0xffff;
	[tilespmem:v25+s26+$0x0] =	vst.idx.msk $0xffff, v28;
	v36 =	vmul.f32 v36, v10  }
0x16f: {  	v11 =	vmovc v23;
	v37 =	vmul.f32 v14, v10;
	v25 =	vld [tilespmem:s15+$0x0];
	[tilespmem:v31+s26+$0x0] =	vst.idx.msk $0xffff, v21;
	v21 =	vunpack.i.u.bf16.f32 v33;
	v22 =	vunpack.i.l.bf16.f32 v33  }
0x170: {  	s21 =	sshll.u32 s23, $0x7;
	s23 =	smov.u32 s17;
	v16 =	vmov v13;
	v26 =	vld [tilespmem:s13+$0xFFFFFFE0];
	v28 =	vmul.f32 v22, v8;
	v31 =	vmul.f32 v21, v8;
	[tilespmem:v32+s26+$0x0] =	vst.idx.msk $0xffff, v36  }
0x171: {  	s22 =	sadd.s32 $0x80, s21;
	v13 =	vmovc v27;
	v32 =	vor.u32 s21, v0;
	v14 =	vmovc v29;
	[tilespmem:v30+s26+$0x0] =	vst.idx.msk $0xffff, v37;
	v22 =	vunpack.i.u.bf16.f32 v34;
	v23 =	vunpack.i.l.bf16.f32 v34  }
0x172: {  	v27 =	vor.u32 s22, v1;
	v10 =	vmovc v12;
	v33 =	vor.u32 s22, v0;
	v29 =	vor.u32 s21, v1;
	[tilespmem:v18+s26+$0x0] =	vst.idx.msk $0xffff, v28;
	v21 =	vmovc v19  }
0x173: {  	v30 =	vunpack.i.l.bf16.f32 v35;
	v18 =	vor.u32 s22, v2;
	v19 =	vor.u32 s14, v4;
	[tilespmem:v20+s26+$0x0] =	vst.idx.msk $0xffff, v31  }
0x174: {  	v20 =	vunpack.i.u.bf16.f32 v35;
	v28 =	vmul.f32 v30, v24;
	v31 =	vor.u32 s14, v5;
	v12 =	vmovc v24;
	v34 =	vld [tilespmem:s13+$0x20]  }
0x175: {  	v20 =	vmul.f32 v20, v12;
	v24 =	vunpack.i.u.bf16.f32 v25;
	v30 =	vunpack.i.l.bf16.f32 v26  }
.Ltmp2:
0x176: {  	s5 =	sadd.s32 s17, s9;
	v25 =	vunpack.i.l.bf16.f32 v25;
	v26 =	vunpack.i.u.bf16.f32 v26;
	[tilespmem:v32+s26+$0x0] =	vst.idx.msk $0xffff, v28;
	v32 =	vmul.f32 v30, v10;
	(pc) =	sbr.rel @p1 .LBB2_8-.Ltmp2, $4  }
0x177: {  	s20 =	sadd.s32 $0xA0, s5;
	s5 =	sadd.s32 $0xA1, s5;
	v25 =	vmul.f32 v25, v14;
	v26 =	vmul.f32 v26, v10;
	[tilespmem:v29+s26+$0x0] =	vst.idx.msk $0xffff, v20;
	v20 =	vor.u32 s22, v3  }
0x178: {  	v35 =	vmov s20;
	v30 =	vmul.f32 v24, v14;
	v29 =	vmov s5;
	v28 =	vld [tilespmem:s15+$0xFFFFFFD0];
	[tilespmem:v19+s26+$0x0] =	vst.idx.msk $0xffff, v32  }
0x179: {  	v19 =	vand.u32 $0xFFFFFFFE, v35;
	[tilespmem:v31+s26+$0x0] =	vst.idx.msk $0xffff, v26;
	v31 =	vunpack.i.u.bf16.f32 v34;
	v32 =	vunpack.i.l.bf16.f32 v34  }
0x17a: {  	s17 =	sadd.s32 $0x2, s17;
	v24 =	vbroadcast v19, $0x0;
	v19 =	vor.u32 s22, v4;
	[tilespmem:v33+s26+$0x0] =	vst.idx.msk $0xffff, v25;
	v26 =	vld [tilespmem:s13+$0xFFFFFFF0];
	v32 =	vmul.f32 v32, v8  }
0x17b: {  	_ =	sdelay $0x2  }
0x17c: {  	s20 =	sadd.s32 $0x80, s15  }
0x17d: {  	v33 =	vld [tilespmem:s20+$0xFFFFFFC0]  }
0x17e: {  	v25 =	vld.idx.msk [tilespmem:v24+s18+$0x0], $0xffff  }
0x17f: {  	s17 =	sshll.u32 s23, $0x7;
	v34 =	vld [tilespmem:s20+$0x0]  }
0x180: {  	v24 =	vld.idx.msk [tilespmem:v29+s18+$0x0], $0xffff;
	v29 =	vor.u32 s17, v0  }
0x181: {  	s23 =	sadd.s32 $0x80, s17;
	v35 =	vor.u32 s17, v1  }
0x182: {  	[tilespmem:v27+s26+$0x0] =	vst.idx.msk $0xffff, v30;
	v27 =	vmul.f32 v31, v8;
	v30 =	vor.u32 s23, v0;
	v31 =	vunpack.i.l.bf16.f32 v33  }
0x183: {  	[tilespmem:v21+s26+$0x0] =	vst.idx.msk $0xffff, v32;
	v21 =	vor.u32 s23, v1;
	v55 =	vunpack.i.u.bf16.f32 v33;
	v31 =	vmul.f32 v31, v25  }
0x184: {  	[tilespmem:v17+s26+$0x0] =	vst.idx.msk $0xffff, v27;
	v27 =	vunpack.i.l.bf16.f32 v34;
	v17 =	vmul.f32 v55, v25  }
0x185: {  	v56 =	vld [tilespmem:s15+$0x10];
	v57 =	vunpack.i.u.bf16.f32 v34;
	v27 =	vmul.f32 v27, v24;
	[tilespmem:v29+s26+$0x0] =	vst.idx.msk $0xffff, v31  }
0x186: {  	v29 =	vor.u32 s21, v2;
	[tilespmem:v35+s26+$0x0] =	vst.idx.msk $0xffff, v17;
	v17 =	vmul.f32 v57, v24  }
0x187: {  	v23 =	vmul.f32 v23, v9;
	v31 =	vor.u32 s21, v3;
	[tilespmem:v30+s26+$0x0] =	vst.idx.msk $0xffff, v27;
	v58 =	vld [tilespmem:s20+$0xFFFFFFD0]  }
0x188: {  	v9 =	vmul.f32 v22, v9;
	v22 =	vunpack.i.l.bf16.f32 v28;
	[tilespmem:v21+s26+$0x0] =	vst.idx.msk $0xffff, v17  }
0x189: {  	[tilespmem:v15+s26+$0x0] =	vst.idx.msk $0xffff, v23;
	v17 =	vunpack.i.u.bf16.f32 v28;
	v21 =	vmul.f32 v22, v12;
	v15 =	vld [tilespmem:s20+$0x10]  }
0x18a: {  	[tilespmem:v16+s26+$0x0] =	vst.idx.msk $0xffff, v9;
	v16 =	vor.u32 s17, v2;
	v9 =	vunpack.i.l.bf16.f32 v56;
	v17 =	vmul.f32 v17, v12  }
0x18b: {  	v9 =	vmul.f32 v9, v14;
	v22 =	vor.u32 s17, v3;
	[tilespmem:v29+s26+$0x0] =	vst.idx.msk $0xffff, v21;
	v21 =	vunpack.i.u.bf16.f32 v56  }
0x18c: {  	[tilespmem:v31+s26+$0x0] =	vst.idx.msk $0xffff, v17;
	v17 =	vmul.f32 v21, v14;
	v21 =	vor.u32 s23, v2;
	v23 =	vunpack.i.l.bf16.f32 v58  }
0x18d: {  	[tilespmem:v18+s26+$0x0] =	vst.idx.msk $0xffff, v9;
	v9 =	vor.u32 s23, v3;
	v27 =	vld [tilespmem:s15+$0xFFFFFFE0];
	v18 =	vunpack.i.u.bf16.f32 v58;
	v23 =	vmul.f32 v23, v25  }
0x18e: {  	v28 =	vor.u32 s14, v6;
	[tilespmem:v20+s26+$0x0] =	vst.idx.msk $0xffff, v17;
	v17 =	vmul.f32 v18, v25;
	v18 =	vunpack.i.l.bf16.f32 v15  }
0x18f: {  	v20 =	vor.u32 s14, v7;
	v29 =	vld [tilespmem:s15+$0x20];
	v15 =	vunpack.i.u.bf16.f32 v15;
	[tilespmem:v16+s26+$0x0] =	vst.idx.msk $0xffff, v23;
	v16 =	vmul.f32 v18, v24  }
0x190: {  	v18 =	vunpack.i.l.bf16.f32 v26;
	v23 =	vor.u32 s21, v4;
	v15 =	vmul.f32 v15, v24;
	[tilespmem:v22+s26+$0x0] =	vst.idx.msk $0xffff, v17  }
0x191: {  	v17 =	vunpack.i.u.bf16.f32 v26;
	v18 =	vmul.f32 v18, v10;
	v22 =	vor.u32 s21, v5;
	v26 =	vld [tilespmem:s20+$0xFFFFFFE0];
	[tilespmem:v21+s26+$0x0] =	vst.idx.msk $0xffff, v16  }
0x192: {  	v10 =	vmul.f32 v17, v10;
	v16 =	vunpack.i.l.bf16.f32 v27;
	[tilespmem:v9+s26+$0x0] =	vst.idx.msk $0xffff, v15  }
0x193: {  	v9 =	vor.u32 s22, v5;
	[tilespmem:v28+s26+$0x0] =	vst.idx.msk $0xffff, v18;
	v15 =	vunpack.i.u.bf16.f32 v27;
	v16 =	vmul.f32 v16, v12;
	v17 =	vld [tilespmem:s20+$0x20]  }
0x194: {  	v18 =	vor.u32 s17, v4;
	[tilespmem:v20+s26+$0x0] =	vst.idx.msk $0xffff, v10;
	v10 =	vmul.f32 v15, v12;
	v15 =	vunpack.i.l.bf16.f32 v29  }
0x195: {  	v21 =	vor.u32 s17, v5;
	v20 =	vld [tilespmem:s13+$0x30];
	[tilespmem:v23+s26+$0x0] =	vst.idx.msk $0xffff, v16;
	v16 =	vunpack.i.u.bf16.f32 v29;
	v15 =	vmul.f32 v15, v14  }
0x196: {  	[tilespmem:v22+s26+$0x0] =	vst.idx.msk $0xffff, v10;
	v10 =	vor.u32 s23, v4;
	v16 =	vmul.f32 v16, v14;
	v22 =	vunpack.i.l.bf16.f32 v26  }
0x197: {  	v27 =	vor.u32 s23, v5;
	v23 =	vld [tilespmem:s15+$0xFFFFFFF0];
	[tilespmem:v19+s26+$0x0] =	vst.idx.msk $0xffff, v15;
	v15 =	vunpack.i.u.bf16.f32 v26;
	v19 =	vmul.f32 v22, v25  }
0x198: {  	[tilespmem:v9+s26+$0x0] =	vst.idx.msk $0xffff, v16;
	v9 =	vmul.f32 v15, v25;
	v15 =	vunpack.i.l.bf16.f32 v17  }
0x199: {  	v16 =	vld [tilespmem:s15+$0x30];
	v17 =	vunpack.i.u.bf16.f32 v17;
	[tilespmem:v18+s26+$0x0] =	vst.idx.msk $0xffff, v19;
	v15 =	vmul.f32 v15, v24  }
0x19a: {  	v18 =	vunpack.i.l.bf16.f32 v20;
	v19 =	vor.u32 s21, v6;
	[tilespmem:v21+s26+$0x0] =	vst.idx.msk $0xffff, v9;
	v9 =	vmul.f32 v17, v24  }
0x19b: {  	v17 =	vunpack.i.u.bf16.f32 v20;
	v18 =	vmul.f32 v18, v8;
	v20 =	vor.u32 s21, v7;
	v21 =	vld [tilespmem:s20+$0xFFFFFFF0];
	[tilespmem:v10+s26+$0x0] =	vst.idx.msk $0xffff, v15  }
0x19c: {  	v10 =	vor.u32 s22, v6;
	v8 =	vmul.f32 v17, v8;
	v15 =	vunpack.i.l.bf16.f32 v23;
	[tilespmem:v27+s26+$0x0] =	vst.idx.msk $0xffff, v9  }
0x19d: {  	v9 =	vor.u32 s22, v7;
	[tilespmem:v11+s26+$0x0] =	vst.idx.msk $0xffff, v18;
	v11 =	vunpack.i.u.bf16.f32 v23;
	v15 =	vmul.f32 v15, v12;
	v17 =	vld [tilespmem:s20+$0x30]  }
0x19e: {  	[tilespmem:v13+s26+$0x0] =	vst.idx.msk $0xffff, v8;
	v8 =	vmul.f32 v11, v12;
	v11 =	vunpack.i.l.bf16.f32 v16;
	v12 =	vor.u32 s17, v6  }
0x19f: {  	v13 =	vunpack.i.u.bf16.f32 v16;
	[tilespmem:v19+s26+$0x0] =	vst.idx.msk $0xffff, v15;
	v11 =	vmul.f32 v11, v14;
	v15 =	vor.u32 s17, v7  }
0x1a0: {  	v16 =	vor.u32 s23, v6;
	[tilespmem:v20+s26+$0x0] =	vst.idx.msk $0xffff, v8;
	v8 =	vmul.f32 v13, v14;
	v13 =	vunpack.i.l.bf16.f32 v21  }
0x1a1: {  	v14 =	vor.u32 s23, v7;
	[tilespmem:v10+s26+$0x0] =	vst.idx.msk $0xffff, v11;
	v10 =	vunpack.i.u.bf16.f32 v21;
	v11 =	vmul.f32 v13, v25  }
0x1a2: {  	[tilespmem:v9+s26+$0x0] =	vst.idx.msk $0xffff, v8;
	v8 =	vmul.f32 v10, v25;
	v9 =	vunpack.i.l.bf16.f32 v17  }
0x1a3: {  	v10 =	vunpack.i.u.bf16.f32 v17;
	[tilespmem:v12+s26+$0x0] =	vst.idx.msk $0xffff, v11;
	v9 =	vmul.f32 v9, v24  }
0x1a4: {  	[tilespmem:v15+s26+$0x0] =	vst.idx.msk $0xffff, v8;
	v8 =	vmul.f32 v10, v24  }
0x1a5: {  	[tilespmem:v16+s26+$0x0] =	vst.idx.msk $0xffff, v9  }
0x1a6: {  	s3 =	sadd.s32 $0x640, s3;
	[tilespmem:v14+s26+$0x0] =	vst.idx.msk $0xffff, v8  }
0x1a7: {  	[spmem:s2] =	stream.indirect.scatter.add.f32 [tilespmem:s26], [sflag:$0x5], $0x80, s3, s19, $0xb8;
	[tilespmem:$0x1EB40] =	vst v63  }
0x1a8: {  	s22 =	sadd.s32 $0x0, s9;
	s3 =	sor.u32 $0x3, s12  }
0x1a9: {  	s23 =	sadd.s32 $0xF0, s22;
	p1 =	sgt.u32 s3, $0x10  }
0x1aa: {  	s5 =	sadd.s32 @!p1 $0x1E0, s11;
	s12 =	simm.s32 @!p1 $0x50;
	s13 =	simm.s32 @!p1 $0x3AC0  }
0x1ab: {  	v8 =	vmov s23;
	[tilespmem:s13], [sflag:$0x3] =	stream.indirect.gather @!p1 [hbm4b:s4+s12], $0x40, s5, s12, $0xb8;
	[tilespmem:$0x1EB40] =	vst v63  }
0x1ac: {  	v8 =	vand.u32 $0xFFFFFFFE, v8;
	_ =	swait.ge [sflag:s0], $0x1400  }
0x1ad: {  	v8 =	vbroadcast v8, $0x0;
	[sflag:s0] =	ssyncset.done $0x0  }
0x1ae: {  	[sflag:s0] =	ssyncadd.s32 $0xFFFFEC00  }
0x1af: {  	_ =	swait.ge [sflag:s1], $0x2800  }
0x1b0: {  	[sflag:s1] =	ssyncset.done $0x0  }
0x1b1: {  	s14 =	simm.s32 $0x4F00;
	[sflag:s1] =	ssyncadd.s32 $0xFFFFD800  }
0x1b2: {  	s11 =	sadd.s32 $0xF1, s22;
	v10 =	vld [tilespmem:s14+$0xFFFFFFC0]  }
0x1b3: {  	v9 =	vmov s11;
	v13 =	vld.idx.msk [tilespmem:v8+s18+$0x0], $0xffff  }
0x1b4: {  	s15 =	simm.s32 $0x0  }
0x1b5: {  	v8 =	vor.u32 s15, v0  }
0x1b6: {  	v12 =	vor.u32 s15, v1  }
0x1b7: {  	v11 =	vld [tilespmem:s14+$0x0];
	v14 =	vunpack.i.l.bf16.f32 v10  }
0x1b8: {  	v9 =	vld.idx.msk [tilespmem:v9+s18+$0x0], $0xffff;
	v10 =	vunpack.i.u.bf16.f32 v10;
	v14 =	vmul.f32 v14, v13  }
0x1b9: {  	s17 =	simm.s32 $0x80;
	v10 =	vmul.f32 v10, v13  }
0x1ba: {  	v15 =	vor.u32 s17, v0;
	[tilespmem:v8+s29+$0x0] =	vst.idx.msk $0xffff, v14  }
0x1bb: {  	s20 =	sadd.s32 $0x2, s9;
	v16 =	vor.u32 s17, v1;
	[tilespmem:v12+s29+$0x0] =	vst.idx.msk $0xffff, v10  }
0x1bc: {  	s21 =	sadd.s32 $0xF0, s20;
	v8 =	vunpack.i.l.bf16.f32 v11;
	v10 =	vunpack.i.u.bf16.f32 v11;
	v11 =	vld [tilespmem:s14+$0xFFFFFFD0]  }
0x1bd: {  	v8 =	vmul.f32 v8, v9;
	v12 =	vmov s21  }
0x1be: {  	v10 =	vmul.f32 v10, v9;
	v12 =	vand.u32 $0xFFFFFFFE, v12  }
0x1bf: {  	[tilespmem:v15+s29+$0x0] =	vst.idx.msk $0xffff, v8;
	v8 =	vbroadcast v12, $0x0;
	v12 =	vor.u32 s15, v2  }
0x1c0: {  	v14 =	vor.u32 s15, v3;
	[tilespmem:v16+s29+$0x0] =	vst.idx.msk $0xffff, v10  }
0x1c1: {  	v15 =	vld [tilespmem:s14+$0x10];
	v10 =	vunpack.i.l.bf16.f32 v11  }
0x1c2: {  	v11 =	vunpack.i.u.bf16.f32 v11;
	v10 =	vmul.f32 v10, v13  }
0x1c3: {  	s22 =	sadd.s32 $0xF1, s20;
	s11 =	simm.s32 $0x4F80;
	v11 =	vmul.f32 v11, v13  }
0x1c4: {  	v18 =	vmov s22;
	v19 =	vld [tilespmem:s11+$0xFFFFFFC0];
	v16 =	vor.u32 s17, v2;
	[tilespmem:v12+s29+$0x0] =	vst.idx.msk $0xffff, v10  }
0x1c5: {  	v17 =	vor.u32 s17, v3;
	v10 =	vld.idx.msk [tilespmem:v8+s18+$0x0], $0xffff;
	[tilespmem:v14+s29+$0x0] =	vst.idx.msk $0xffff, v11  }
0x1c6: {  	v29 =	vor.u32 s15, v6;
	s12 =	simm.s32 $0x100;
	v8 =	vunpack.i.l.bf16.f32 v15;
	v12 =	vld [tilespmem:s14+$0xFFFFFFE0]  }
0x1c7: {  	v20 =	vor.u32 s12, v0;
	v11 =	vunpack.i.u.bf16.f32 v15;
	v8 =	vmul.f32 v8, v9  }
0x1c8: {  	v59 =	vor.u32 s15, v7;
	v23 =	vor.u32 s12, v1;
	v21 =	vld [tilespmem:s11+$0x0];
	v11 =	vmul.f32 v11, v9  }
0x1c9: {  	v22 =	vor.u32 s17, v5;
	v24 =	vor.u32 s15, v4;
	[tilespmem:v16+s29+$0x0] =	vst.idx.msk $0xffff, v8;
	v8 =	vld.idx.msk [tilespmem:v18+s18+$0x0], $0xffff;
	v18 =	vunpack.i.l.bf16.f32 v19  }
0x1ca: {  	s23 =	simm.s32 $0x180;
	[tilespmem:v17+s29+$0x0] =	vst.idx.msk $0xffff, v11;
	v11 =	vunpack.i.u.bf16.f32 v19;
	v17 =	vmul.f32 v18, v10;
	v18 =	vor.u32 s15, v5  }
0x1cb: {  	v25 =	vor.u32 s23, v0;
	v19 =	vld [tilespmem:s14+$0x20];
	v11 =	vmul.f32 v11, v10;
	v26 =	vunpack.i.l.bf16.f32 v12  }
0x1cc: {  	v27 =	vor.u32 s23, v1;
	s20 =	sadd.s32 $0x4, s9;
	[tilespmem:v20+s29+$0x0] =	vst.idx.msk $0xffff, v17;
	v12 =	vunpack.i.u.bf16.f32 v12;
	v17 =	vmul.f32 v26, v13  }
0x1cd: {  	s21 =	sadd.s32 $0xF0, s20;
	v14 =	vor.u32 s17, v4;
	v26 =	vunpack.i.l.bf16.f32 v21;
	[tilespmem:v23+s29+$0x0] =	vst.idx.msk $0xffff, v11;
	v11 =	vmul.f32 v12, v13  }
0x1ce: {  	v12 =	vunpack.i.u.bf16.f32 v21;
	v23 =	vmov s21;
	v21 =	vmul.f32 v26, v8;
	v26 =	vld [tilespmem:s11+$0xFFFFFFD0];
	[tilespmem:v24+s29+$0x0] =	vst.idx.msk $0xffff, v17  }
0x1cf: {  	v63 =	vor.u32 s12, v5;
	v12 =	vmul.f32 v12, v8;
	v17 =	vand.u32 $0xFFFFFFFE, v23;
	[tilespmem:v18+s29+$0x0] =	vst.idx.msk $0xffff, v11  }
0x1d0: {  	v11 =	vunpack.i.l.bf16.f32 v19;
	v18 =	vunpack.i.u.bf16.f32 v19;
	v19 =	vbroadcast v17, $0x0;
	[tilespmem:v25+s29+$0x0] =	vst.idx.msk $0xffff, v21  }
0x1d1: {  	v15 =	vor.u32 s17, v6;
	v25 =	vor.u32 s12, v2;
	v23 =	vld [tilespmem:s14+$0xFFFFFFF0];
	v11 =	vmul.f32 v11, v9;
	[tilespmem:v27+s29+$0x0] =	vst.idx.msk $0xffff, v12  }
0x1d2: {  	s13 =	sadd.s32 $0xF1, s20;
	v16 =	vor.u32 s17, v7;
	s15 =	simm.s32 $0x280;
	v12 =	vmul.f32 v18, v9;
	v27 =	vor.u32 s12, v3;
	v28 =	vld [tilespmem:s11+$0x10]  }
0x1d3: {  	v62 =	vor.u32 s15, v0;
	v18 =	vmov s13;
	s13 =	simm.s32 $0x5000;
	[tilespmem:v14+s29+$0x0] =	vst.idx.msk $0xffff, v11;
	v14 =	vunpack.i.l.bf16.f32 v26  }
0x1d4: {  	v20 =	vor.u32 s23, v2;
	v30 =	vld [tilespmem:s13+$0xFFFFFFC0];
	[tilespmem:v22+s29+$0x0] =	vst.idx.msk $0xffff, v12;
	v12 =	vunpack.i.u.bf16.f32 v26;
	v14 =	vmul.f32 v14, v10  }
0x1d5: {  	v24 =	vor.u32 s23, v3;
	v21 =	vor.u32 s23, v4;
	v26 =	vld [tilespmem:s14+$0x30];
	v22 =	vmul.f32 v12, v10  }
0x1d6: {  	v17 =	vor.u32 s23, v5;
	v11 =	vor.u32 s23, v6;
	s14 =	simm.s32 $0x200;
	v31 =	vunpack.i.l.bf16.f32 v23;
	v12 =	vld.idx.msk [tilespmem:v19+s18+$0x0], $0xffff;
	[tilespmem:v25+s29+$0x0] =	vst.idx.msk $0xffff, v14  }
0x1d7: {  	v14 =	vunpack.i.u.bf16.f32 v23;
	v25 =	vld [tilespmem:s13+$0x0];
	v61 =	vor.u32 s14, v0;
	[tilespmem:v27+s29+$0x0] =	vst.idx.msk $0xffff, v22;
	v23 =	vunpack.i.l.bf16.f32 v28  }
0x1d8: {  	v19 =	vmul.f32 v31, v13;
	v22 =	vunpack.i.u.bf16.f32 v28;
	v31 =	vld [tilespmem:s11+$0xFFFFFFE0];
	v27 =	vmul.f32 v23, v8  }
0x1d9: {  	v28 =	vmul.f32 v14, v13;
	v13 =	vor.u32 s23, v7;
	v60 =	vmul.f32 v22, v8  }
0x1da: {  	v14 =	vld.idx.msk [tilespmem:v18+s18+$0x0], $0xffff;
	v22 =	vunpack.i.u.bf16.f32 v26;
	v23 =	vunpack.i.l.bf16.f32 v26;
	v26 =	vor.u32 s14, v1;
	[tilespmem:v20+s29+$0x0] =	vst.idx.msk $0xffff, v27  }
0x1db: {  	v18 =	vor.u32 s15, v2;
	v20 =	vunpack.i.l.bf16.f32 v30;
	[tilespmem:v24+s29+$0x0] =	vst.idx.msk $0xffff, v60;
	v24 =	vor.u32 s12, v4  }
0x1dc: {  	[tilespmem:v29+s29+$0x0] =	vst.idx.msk $0xffff, v19;
	v19 =	vunpack.i.u.bf16.f32 v30;
	v27 =	vor.u32 s15, v1;
	v20 =	vmul.f32 v20, v12;
	v36 =	vld [tilespmem:s11+$0x20]  }
0x1dd: {  	s22 =	sadd.s32 $0x6, s9;
	[tilespmem:v59+s29+$0x0] =	vst.idx.msk $0xffff, v28;
	v19 =	vmul.f32 v19, v12;
	v28 =	vunpack.i.u.bf16.f32 v25;
	v29 =	vunpack.i.l.bf16.f32 v31  }
0x1de: {  	s5 =	sadd.s32 $0xF1, s22;
	[tilespmem:v61+s29+$0x0] =	vst.idx.msk $0xffff, v20;
	v20 =	vunpack.i.l.bf16.f32 v25;
	v25 =	vunpack.i.u.bf16.f32 v31;
	v31 =	vmul.f32 v29, v10  }
0x1df: {  	s23 =	sadd.s32 $0xF0, s22;
	v30 =	vmul.f32 v28, v14;
	v25 =	vmul.f32 v25, v10;
	v29 =	vmov s5;
	[tilespmem:v26+s29+$0x0] =	vst.idx.msk $0xffff, v19  }
0x1e0: {  	v19 =	vmul.f32 v20, v14;
	v20 =	vor.u32 s15, v3;
	v26 =	vmov s23;
	[tilespmem:v24+s29+$0x0] =	vst.idx.msk $0xffff, v31;
	v28 =	vld [tilespmem:s13+$0xFFFFFFD0]  }
0x1e1: {  	v24 =	vand.u32 $0xFFFFFFFE, v26;
	[tilespmem:v63+s29+$0x0] =	vst.idx.msk $0xffff, v25;
	v31 =	vunpack.i.u.bf16.f32 v36;
	v25 =	vunpack.i.l.bf16.f32 v36  }
0x1e2: {  	s3 =	smul.u32 $0x50, s3;
	s17 =	simm.s32 $0x8;
	s21 =	simm.s32 $0x6;
	v24 =	vbroadcast v24, $0x0;
	[tilespmem:v62+s29+$0x0] =	vst.idx.msk $0xffff, v19;
	v19 =	vor.u32 s15, v4;
	v26 =	vld [tilespmem:s11+$0xFFFFFFF0];
	v32 =	vmul.f32 v25, v8  }
.LBB2_10:
0x1e3: {  	p1 =	slt.u32 s17, $0x4E;
	v25 =	vor.u32 s14, v2;
	[tilespmem:v27+s29+$0x0] =	vst.idx.msk $0xffff, v30;
	v27 =	vor.u32 s15, v5;
	v30 =	vmul.f32 v31, v8  }
0x1e4: {  	v31 =	vor.u32 s14, v3;
	v22 =	vmul.f32 v22, v9;
	v33 =	vld [tilespmem:s13+$0x10];
	[tilespmem:v21+s29+$0x0] =	vst.idx.msk $0xffff, v32;
	v21 =	vmul.f32 v23, v9  }
0x1e5: {  	v23 =	vor.u32 s15, v6;
	v32 =	vor.u32 s12, v6;
	v29 =	vld.idx.msk [tilespmem:v29+s18+$0x0], $0xffff;
	v35 =	vunpack.i.l.bf16.f32 v28;
	[tilespmem:v17+s29+$0x0] =	vst.idx.msk $0xffff, v30;
	v17 =	vmovc v27  }
0x1e6: {  	v9 =	vmovc v8;
	v27 =	vunpack.i.u.bf16.f32 v28;
	v30 =	vor.u32 s12, v7;
	s12 =	smov.u32 s14;
	v28 =	vmul.f32 v35, v12;
	v34 =	vld [tilespmem:s11+$0x30];
	[tilespmem:v15+s29+$0x0] =	vst.idx.msk $0xffff, v21;
	s11 =	smov.u32 s13;
	s13 =	sadd.s32 $0x80, s13  }
0x1e7: {  	v8 =	vmovc v14;
	v21 =	vmul.f32 v27, v12;
	v27 =	vor.u32 s15, v7;
	v35 =	vld [tilespmem:s13+$0xFFFFFFC0];
	v36 =	vunpack.i.l.bf16.f32 v26;
	[tilespmem:v16+s29+$0x0] =	vst.idx.msk $0xffff, v22  }
0x1e8: {  	v15 =	vmov v11;
	v14 =	vunpack.i.u.bf16.f32 v26;
	v24 =	vld.idx.msk [tilespmem:v24+s18+$0x0], $0xffff;
	[tilespmem:v25+s29+$0x0] =	vst.idx.msk $0xffff, v28;
	v36 =	vmul.f32 v36, v10  }
0x1e9: {  	v11 =	vmovc v23;
	v37 =	vmul.f32 v14, v10;
	v25 =	vld [tilespmem:s13+$0x0];
	[tilespmem:v31+s29+$0x0] =	vst.idx.msk $0xffff, v21;
	v21 =	vunpack.i.u.bf16.f32 v33;
	v22 =	vunpack.i.l.bf16.f32 v33  }
0x1ea: {  	s14 =	sshll.u32 s21, $0x7;
	s21 =	smov.u32 s17;
	v16 =	vmov v13;
	v26 =	vld [tilespmem:s11+$0xFFFFFFE0];
	v28 =	vmul.f32 v22, v8;
	v31 =	vmul.f32 v21, v8;
	[tilespmem:v32+s29+$0x0] =	vst.idx.msk $0xffff, v36  }
0x1eb: {  	s15 =	sadd.s32 $0x80, s14;
	v13 =	vmovc v27;
	v32 =	vor.u32 s14, v0;
	v14 =	vmovc v29;
	[tilespmem:v30+s29+$0x0] =	vst.idx.msk $0xffff, v37;
	v22 =	vunpack.i.u.bf16.f32 v34;
	v23 =	vunpack.i.l.bf16.f32 v34  }
0x1ec: {  	v27 =	vor.u32 s15, v1;
	v10 =	vmovc v12;
	v33 =	vor.u32 s15, v0;
	v29 =	vor.u32 s14, v1;
	[tilespmem:v18+s29+$0x0] =	vst.idx.msk $0xffff, v28;
	v21 =	vmovc v19  }
0x1ed: {  	v30 =	vunpack.i.l.bf16.f32 v35;
	v18 =	vor.u32 s15, v2;
	v19 =	vor.u32 s12, v4;
	[tilespmem:v20+s29+$0x0] =	vst.idx.msk $0xffff, v31  }
0x1ee: {  	v20 =	vunpack.i.u.bf16.f32 v35;
	v28 =	vmul.f32 v30, v24;
	v31 =	vor.u32 s12, v5;
	v12 =	vmovc v24;
	v34 =	vld [tilespmem:s11+$0x20]  }
0x1ef: {  	v20 =	vmul.f32 v20, v12;
	v24 =	vunpack.i.u.bf16.f32 v25;
	v30 =	vunpack.i.l.bf16.f32 v26  }
.Ltmp3:
0x1f0: {  	s5 =	sadd.s32 s17, s9;
	v25 =	vunpack.i.l.bf16.f32 v25;
	v26 =	vunpack.i.u.bf16.f32 v26;
	[tilespmem:v32+s29+$0x0] =	vst.idx.msk $0xffff, v28;
	v32 =	vmul.f32 v30, v10;
	(pc) =	sbr.rel @p1 .LBB2_10-.Ltmp3, $4  }
0x1f1: {  	s20 =	sadd.s32 $0xF0, s5;
	s5 =	sadd.s32 $0xF1, s5;
	v25 =	vmul.f32 v25, v14;
	v26 =	vmul.f32 v26, v10;
	[tilespmem:v29+s29+$0x0] =	vst.idx.msk $0xffff, v20;
	v20 =	vor.u32 s15, v3  }
0x1f2: {  	v35 =	vmov s20;
	v30 =	vmul.f32 v24, v14;
	v29 =	vmov s5;
	v28 =	vld [tilespmem:s13+$0xFFFFFFD0];
	[tilespmem:v19+s29+$0x0] =	vst.idx.msk $0xffff, v32  }
0x1f3: {  	v19 =	vand.u32 $0xFFFFFFFE, v35;
	[tilespmem:v31+s29+$0x0] =	vst.idx.msk $0xffff, v26;
	v31 =	vunpack.i.u.bf16.f32 v34;
	v32 =	vunpack.i.l.bf16.f32 v34  }
0x1f4: {  	s17 =	sadd.s32 $0x2, s17;
	v24 =	vbroadcast v19, $0x0;
	v19 =	vor.u32 s15, v4;
	[tilespmem:v33+s29+$0x0] =	vst.idx.msk $0xffff, v25;
	v26 =	vld [tilespmem:s11+$0xFFFFFFF0];
	v32 =	vmul.f32 v32, v8  }
0x1f5: {  	_ =	sdelay $0x2  }
0x1f6: {  	s20 =	sadd.s32 $0x80, s13  }
0x1f7: {  	v33 =	vld [tilespmem:s20+$0xFFFFFFC0]  }
0x1f8: {  	v25 =	vld.idx.msk [tilespmem:v24+s18+$0x0], $0xffff  }
0x1f9: {  	s17 =	sshll.u32 s21, $0x7;
	v34 =	vld [tilespmem:s20+$0x0]  }
0x1fa: {  	v24 =	vld.idx.msk [tilespmem:v29+s18+$0x0], $0xffff;
	v50 =	vor.u32 s17, v0  }
0x1fb: {  	s21 =	sadd.s32 $0x80, s17;
	v35 =	vor.u32 s17, v1  }
0x1fc: {  	[tilespmem:v27+s29+$0x0] =	vst.idx.msk $0xffff, v30;
	v51 =	vmul.f32 v31, v8;
	v52 =	vor.u32 s21, v0;
	v53 =	vunpack.i.l.bf16.f32 v33  }
0x1fd: {  	[tilespmem:v21+s29+$0x0] =	vst.idx.msk $0xffff, v32;
	v54 =	vor.u32 s21, v1;
	v55 =	vunpack.i.u.bf16.f32 v33;
	v31 =	vmul.f32 v53, v25  }
0x1fe: {  	[tilespmem:v17+s29+$0x0] =	vst.idx.msk $0xffff, v51;
	v57 =	vunpack.i.l.bf16.f32 v34;
	v56 =	vmul.f32 v55, v25  }
0x1ff: {  	v58 =	vld [tilespmem:s13+$0x10];
	v59 =	vunpack.i.u.bf16.f32 v34;
	v27 =	vmul.f32 v57, v24;
	[tilespmem:v50+s29+$0x0] =	vst.idx.msk $0xffff, v31  }
0x200: {  	v60 =	vor.u32 s14, v2;
	v61 =	vmul.f32 v59, v24;
	[tilespmem:v35+s29+$0x0] =	vst.idx.msk $0xffff, v56  }
0x201: {  	v62 =	vor.u32 s14, v3;
	v23 =	vmul.f32 v23, v9;
	[tilespmem:v52+s29+$0x0] =	vst.idx.msk $0xffff, v27;
	v63 =	vld [tilespmem:s20+$0xFFFFFFD0]  }
0x202: {  	v30 =	vmul.f32 v22, v9;
	v34 =	vunpack.i.l.bf16.f32 v28;
	[tilespmem:v54+s29+$0x0] =	vst.idx.msk $0xffff, v61  }
0x203: {  	[tilespmem:v15+s29+$0x0] =	vst.idx.msk $0xffff, v23;
	v36 =	vmul.f32 v34, v12;
	v35 =	vunpack.i.u.bf16.f32 v28;
	v37 =	vld [tilespmem:s20+$0x10]  }
0x204: {  	v39 =	vor.u32 s17, v2;
	[tilespmem:v16+s29+$0x0] =	vst.idx.msk $0xffff, v30;
	v38 =	vunpack.i.l.bf16.f32 v58;
	v17 =	vmul.f32 v35, v12  }
0x205: {  	v41 =	vor.u32 s17, v3;
	v40 =	vunpack.i.u.bf16.f32 v58;
	v9 =	vmul.f32 v38, v14;
	[tilespmem:v60+s29+$0x0] =	vst.idx.msk $0xffff, v36  }
0x206: {  	v43 =	vor.u32 s21, v2;
	v42 =	vmul.f32 v40, v14;
	[tilespmem:v62+s29+$0x0] =	vst.idx.msk $0xffff, v17;
	v44 =	vunpack.i.l.bf16.f32 v63  }
0x207: {  	v46 =	vor.u32 s21, v3;
	[tilespmem:v18+s29+$0x0] =	vst.idx.msk $0xffff, v9;
	v45 =	vld [tilespmem:s13+$0xFFFFFFE0];
	v47 =	vunpack.i.u.bf16.f32 v63;
	v23 =	vmul.f32 v44, v25  }
0x208: {  	v48 =	vor.u32 s12, v6;
	[tilespmem:v20+s29+$0x0] =	vst.idx.msk $0xffff, v42;
	v50 =	vunpack.i.l.bf16.f32 v37;
	v49 =	vmul.f32 v47, v25  }
0x209: {  	v51 =	vor.u32 s12, v7;
	v52 =	vld [tilespmem:s13+$0x20];
	v15 =	vunpack.i.u.bf16.f32 v37;
	v53 =	vmul.f32 v50, v24;
	[tilespmem:v39+s29+$0x0] =	vst.idx.msk $0xffff, v23  }
0x20a: {  	v55 =	vor.u32 s14, v4;
	v54 =	vunpack.i.l.bf16.f32 v26;
	v15 =	vmul.f32 v15, v24;
	[tilespmem:v41+s29+$0x0] =	vst.idx.msk $0xffff, v49  }
0x20b: {  	v57 =	vor.u32 s14, v5;
	v56 =	vunpack.i.u.bf16.f32 v26;
	v18 =	vmul.f32 v54, v10;
	[tilespmem:v43+s29+$0x0] =	vst.idx.msk $0xffff, v53;
	v58 =	vld [tilespmem:s20+$0xFFFFFFE0]  }
0x20c: {  	v59 =	vmul.f32 v56, v10;
	v60 =	vunpack.i.l.bf16.f32 v45;
	[tilespmem:v46+s29+$0x0] =	vst.idx.msk $0xffff, v15  }
0x20d: {  	v61 =	vor.u32 s15, v5;
	[tilespmem:v48+s29+$0x0] =	vst.idx.msk $0xffff, v18;
	v62 =	vunpack.i.u.bf16.f32 v45;
	v16 =	vmul.f32 v60, v12;
	v63 =	vld [tilespmem:s20+$0x20]  }
0x20e: {  	v32 =	vor.u32 s17, v4;
	[tilespmem:v51+s29+$0x0] =	vst.idx.msk $0xffff, v59;
	v31 =	vunpack.i.l.bf16.f32 v52;
	v30 =	vmul.f32 v62, v12  }
0x20f: {  	v33 =	vld [tilespmem:s11+$0x30];
	v35 =	vor.u32 s17, v5;
	v34 =	vunpack.i.u.bf16.f32 v52;
	v15 =	vmul.f32 v31, v14;
	[tilespmem:v55+s29+$0x0] =	vst.idx.msk $0xffff, v16  }
0x210: {  	v36 =	vor.u32 s21, v4;
	v16 =	vmul.f32 v34, v14;
	[tilespmem:v57+s29+$0x0] =	vst.idx.msk $0xffff, v30;
	v37 =	vunpack.i.l.bf16.f32 v58  }
0x211: {  	v38 =	vor.u32 s21, v5;
	[tilespmem:v19+s29+$0x0] =	vst.idx.msk $0xffff, v15;
	v23 =	vld [tilespmem:s13+$0xFFFFFFF0];
	v39 =	vunpack.i.u.bf16.f32 v58;
	v40 =	vmul.f32 v37, v25  }
0x212: {  	[tilespmem:v61+s29+$0x0] =	vst.idx.msk $0xffff, v16;
	v42 =	vunpack.i.l.bf16.f32 v63;
	v41 =	vmul.f32 v39, v25  }
0x213: {  	v16 =	vld [tilespmem:s13+$0x30];
	v17 =	vunpack.i.u.bf16.f32 v63;
	v15 =	vmul.f32 v42, v24;
	[tilespmem:v32+s29+$0x0] =	vst.idx.msk $0xffff, v40  }
0x214: {  	v44 =	vor.u32 s14, v6;
	v43 =	vunpack.i.l.bf16.f32 v33;
	v45 =	vmul.f32 v17, v24;
	[tilespmem:v35+s29+$0x0] =	vst.idx.msk $0xffff, v41  }
0x215: {  	v47 =	vor.u32 s14, v7;
	v46 =	vunpack.i.u.bf16.f32 v33;
	v18 =	vmul.f32 v43, v8;
	[tilespmem:v36+s29+$0x0] =	vst.idx.msk $0xffff, v15;
	v21 =	vld [tilespmem:s20+$0xFFFFFFF0]  }
0x216: {  	v48 =	vor.u32 s15, v6;
	v8 =	vmul.f32 v46, v8;
	v49 =	vunpack.i.l.bf16.f32 v23;
	[tilespmem:v38+s29+$0x0] =	vst.idx.msk $0xffff, v45  }
0x217: {  	v50 =	vor.u32 s15, v7;
	[tilespmem:v11+s29+$0x0] =	vst.idx.msk $0xffff, v18;
	v51 =	vunpack.i.u.bf16.f32 v23;
	v15 =	vmul.f32 v49, v12;
	v52 =	vld [tilespmem:s20+$0x30]  }
0x218: {  	v54 =	vor.u32 s17, v6;
	[tilespmem:v13+s29+$0x0] =	vst.idx.msk $0xffff, v8;
	v8 =	vmul.f32 v51, v12;
	v53 =	vunpack.i.l.bf16.f32 v16  }
0x219: {  	v56 =	vor.u32 s17, v7;
	v55 =	vunpack.i.u.bf16.f32 v16;
	v11 =	vmul.f32 v53, v14;
	[tilespmem:v44+s29+$0x0] =	vst.idx.msk $0xffff, v15  }
0x21a: {  	v57 =	vor.u32 s21, v6;
	[tilespmem:v47+s29+$0x0] =	vst.idx.msk $0xffff, v8;
	v8 =	vmul.f32 v55, v14;
	v58 =	vunpack.i.l.bf16.f32 v21  }
0x21b: {  	s10 =	sadd.s32 $0x1, s10;
	v59 =	vor.u32 s21, v7;
	[tilespmem:v48+s29+$0x0] =	vst.idx.msk $0xffff, v11;
	v60 =	vunpack.i.u.bf16.f32 v21;
	v61 =	vmul.f32 v58, v25  }
0x21c: {  	p1 =	sne.s32 s10, $0x5;
	[tilespmem:v50+s29+$0x0] =	vst.idx.msk $0xffff, v8;
	v62 =	vunpack.i.l.bf16.f32 v52;
	v8 =	vmul.f32 v60, v25  }
.Ltmp4:
0x21d: {  	v63 =	vunpack.i.u.bf16.f32 v52;
	v9 =	vmul.f32 v62, v24;
	[tilespmem:v54+s29+$0x0] =	vst.idx.msk $0xffff, v61;
	(pc) =	sbr.rel @p1 .LBB2_3-.Ltmp4, $4  }
0x21e: {  	[tilespmem:v56+s29+$0x0] =	vst.idx.msk $0xffff, v8;
	v8 =	vmul.f32 v63, v24  }
0x21f: {  	[tilespmem:v57+s29+$0x0] =	vst.idx.msk $0xffff, v9  }
0x220: {  	s3 =	sadd.s32 $0x640, s3;
	s9 =	sadd.s32 $0x140, s9;
	[tilespmem:v59+s29+$0x0] =	vst.idx.msk $0xffff, v8  }
0x221: {  	[spmem:s2] =	stream.indirect.scatter.add.f32 [tilespmem:s29], [sflag:$0x6], $0x80, s3, s19, $0xb8;
	[tilespmem:$0x1EB40] =	vst v63  }
0x222: {  	s8 =	sadd.s32 $0x1, s8  }
0x223: {  	p1 =	sne.s32 s8, $0x6  }
.Ltmp5:
0x224: {  	_ = 	snop;
	(pc) =	sbr.rel @p1 .LBB2_2-.Ltmp5, $1  }
0x225: {  	_ =	sdelay $0x3  }
0x226: {  	_ =	swait.ge [sflag:s31], $0x2800  }
0x227: {  	[sflag:s31] =	ssyncset.done $0x0  }
0x228: {  	[sflag:s31] =	ssyncadd.s32 $0xFFFFD800  }
0x229: {  	_ =	swait.ge [sflag:s1], $0x2800  }
0x22a: {  	[sflag:s1] =	ssyncset.done $0x0  }
0x22b: {  	s3 =	simm.s32 $0x0;
	s5 =	rddreg [dreg:$0x7];
	[sflag:s1] =	ssyncadd.s32 $0xFFFFD800  }
0x22c: {  	[tilespmem:s3], [sflag:$0x7] =	stream.linear.gather [hbm4b:s5+s3], $0x190, $0x38;
	[tilespmem:$0x1EB40] =	vst v63  }
0x22d: {  	_ =	swait.ge [sflag:s16], $0x190  }
0x22e: {  	[sflag:s16] =	ssyncset.done $0x0  }
0x22f: {  	s8 =	simm.s32 $0x640;
	s23 =	rddreg [dreg:$0x8];
	[sflag:s16] =	ssyncadd.s32 $0xFFFFFE70  }
0x230: {  	[tilespmem:s8], [sflag:$0x7] =	stream.linear.gather [hbm4b:s23+s3], $0x190, $0x38;
	[tilespmem:$0x1EB40] =	vst v63  }
0x231: {  	_ =	swait.ge [sflag:s16], $0x190  }
0x232: {  	[sflag:s16] =	ssyncset.done $0x0  }
0x233: {  	s9 =	rddreg [dreg:$0x9];
	[sflag:s16] =	ssyncadd.s32 $0xFFFFFE70  }
0x234: {  	[tilespmem:s18], [sflag:$0x7] =	stream.linear.gather [hbm4b:s9+s3], $0x190, $0x38;
	[tilespmem:$0x1EB40] =	vst v63  }
0x235: {  	_ =	swait.ge [sflag:s16], $0x190  }
0x236: {  	[sflag:s16] =	ssyncset.done $0x0  }
0x237: {  	s10 =	simm.s32 $0x12C0;
	[sflag:s16] =	ssyncadd.s32 $0xFFFFFE70  }
0x238: {  	[tilespmem:s10], [sflag:$0x1] =	stream.indirect.gather [hbm4b:s4+s19], $0x40, s3, s19, $0xb8;
	[tilespmem:$0x1EB40] =	vst v63  }
0x239: {  	s11 =	simm.s32 $0x26C0  }
0x23a: {  	[tilespmem:s11], [sflag:$0x2] =	stream.indirect.gather [hbm4b:s4+s19], $0x40, s19, s19, $0xb8;
	[tilespmem:$0x1EB40] =	vst v63  }
0x23b: {  	s12 =	simm.s32 $0xA0;
	s13 =	simm.s32 $0x3AC0  }
0x23c: {  	[tilespmem:s13], [sflag:$0x3] =	stream.indirect.gather [hbm4b:s4+s19], $0x40, s12, s19, $0xb8;
	[tilespmem:$0x1EB40] =	vst v63  }
0x23d: {  	s14 =	simm.s32 $0x1;
	s15 =	simm.s32 $0xF0  }
0x23e: {  	v8 =	vmov s14;
	[tilespmem:s24], [sflag:$0x4] =	stream.indirect.gather [hbm4b:s4+s19], $0x40, s15, s19, $0xb8;
	[tilespmem:$0x1EB40] =	vst v63  }
0x23f: {  	_ =	swait.ge [sflag:s25], $0x1400  }
0x240: {  	[sflag:s25] =	ssyncset.done $0x0  }
0x241: {  	s17 =	simm.s32 $0x1300;
	[sflag:s25] =	ssyncadd.s32 $0xFFFFEC00  }
0x242: {  	v9 =	vmov s3;
	v11 =	vld [tilespmem:s17+$0x0]  }
0x243: {  	v10 =	vld.idx.msk [tilespmem:v8+s18+$0x0], $0xffff  }
0x244: {  	v19 =	vshll.u32 v8, $0x7  }
0x245: {  	v13 =	vor.u32 v0, v19  }
0x246: {  	v14 =	vor.u32 v1, v19;
	v12 =	vld [tilespmem:s17+$0xFFFFFFC0]  }
0x247: {  	v15 =	vshll.u32 v9, $0x7;
	v8 =	vld.idx.msk [tilespmem:v9+s18+$0x0], $0xffff;
	v9 =	vunpack.i.l.bf16.f32 v11  }
0x248: {  	v11 =	vunpack.i.u.bf16.f32 v11;
	v9 =	vmul.f32 v9, v10  }
0x249: {  	v16 =	vor.u32 v0, v15;
	v11 =	vmul.f32 v11, v10  }
0x24a: {  	v17 =	vor.u32 v1, v15;
	[tilespmem:v13+s26+$0x0] =	vst.idx.msk $0xffff, v9  }
0x24b: {  	v18 =	vunpack.i.l.bf16.f32 v12;
	[tilespmem:v14+s26+$0x0] =	vst.idx.msk $0xffff, v11  }
0x24c: {  	v9 =	vunpack.i.u.bf16.f32 v12;
	v12 =	vmul.f32 v18, v8;
	v11 =	vld [tilespmem:s17+$0x10]  }
0x24d: {  	v9 =	vmul.f32 v9, v8  }
0x24e: {  	[tilespmem:v16+s26+$0x0] =	vst.idx.msk $0xffff, v12  }
0x24f: {  	s20 =	simm.s32 $0x3;
	[tilespmem:v17+s26+$0x0] =	vst.idx.msk $0xffff, v9;
	v9 =	vor.u32 v2, v19  }
0x250: {  	s21 =	simm.s32 $0x2;
	v14 =	vmov s20;
	v16 =	vor.u32 v3, v19;
	v12 =	vld [tilespmem:s17+$0xFFFFFFD0]  }
0x251: {  	v18 =	vmov s21;
	v13 =	vunpack.i.l.bf16.f32 v11  }
0x252: {  	s3 =	simm.s32 $0x1380;
	v11 =	vunpack.i.u.bf16.f32 v11;
	v13 =	vmul.f32 v13, v10  }
0x253: {  	v21 =	vld [tilespmem:s3+$0x0];
	v17 =	vor.u32 v2, v15;
	v11 =	vmul.f32 v11, v10  }
0x254: {  	v24 =	vld [tilespmem:s3+$0xFFFFFFC0];
	[tilespmem:v9+s26+$0x0] =	vst.idx.msk $0xffff, v13  }
0x255: {  	v20 =	vor.u32 v3, v15;
	v9 =	vunpack.i.l.bf16.f32 v12;
	v13 =	vld.idx.msk [tilespmem:v14+s18+$0x0], $0xffff;
	v12 =	vunpack.i.u.bf16.f32 v12;
	[tilespmem:v16+s26+$0x0] =	vst.idx.msk $0xffff, v11  }
0x256: {  	v16 =	vmul.f32 v9, v8;
	v22 =	vmul.f32 v12, v8;
	v11 =	vshll.u32 v14, $0x7;
	v12 =	vld.idx.msk [tilespmem:v18+s18+$0x0], $0xffff  }
0x257: {  	v14 =	vld [tilespmem:s17+$0x20];
	v25 =	vor.u32 v0, v11  }
0x258: {  	v9 =	vshll.u32 v18, $0x7;
	[tilespmem:v17+s26+$0x0] =	vst.idx.msk $0xffff, v16;
	v16 =	vor.u32 v1, v11  }
0x259: {  	v18 =	vor.u32 v0, v9;
	v17 =	vunpack.i.l.bf16.f32 v21  }
0x25a: {  	v21 =	vunpack.i.u.bf16.f32 v21;
	[tilespmem:v20+s26+$0x0] =	vst.idx.msk $0xffff, v22;
	v22 =	vor.u32 v4, v19;
	v17 =	vmul.f32 v17, v13  }
0x25b: {  	v26 =	vor.u32 v5, v19;
	v30 =	vunpack.i.l.bf16.f32 v24;
	v20 =	vld [tilespmem:s17+$0xFFFFFFE0];
	v21 =	vmul.f32 v21, v13  }
0x25c: {  	v23 =	vor.u32 v4, v15;
	v28 =	vunpack.i.l.bf16.f32 v14;
	[tilespmem:v25+s26+$0x0] =	vst.idx.msk $0xffff, v17;
	v25 =	vmul.f32 v30, v12  }
0x25d: {  	v27 =	vor.u32 v1, v9;
	v14 =	vunpack.i.u.bf16.f32 v14;
	v17 =	vmul.f32 v28, v10;
	[tilespmem:v16+s26+$0x0] =	vst.idx.msk $0xffff, v21  }
0x25e: {  	v29 =	vor.u32 v5, v15;
	v24 =	vunpack.i.u.bf16.f32 v24;
	v14 =	vmul.f32 v14, v10;
	[tilespmem:v18+s26+$0x0] =	vst.idx.msk $0xffff, v25  }
0x25f: {  	v34 =	vor.u32 v2, v11;
	v21 =	vmul.f32 v24, v12;
	v30 =	vld [tilespmem:s3+$0x10];
	[tilespmem:v22+s26+$0x0] =	vst.idx.msk $0xffff, v17  }
0x260: {  	v24 =	vor.u32 v2, v9;
	v16 =	vunpack.i.u.bf16.f32 v20;
	v20 =	vunpack.i.l.bf16.f32 v20;
	[tilespmem:v26+s26+$0x0] =	vst.idx.msk $0xffff, v14  }
0x261: {  	s23 =	simm.s32 $0x5;
	v18 =	vor.u32 v5, v9;
	v25 =	vor.u32 v3, v9;
	v20 =	vmul.f32 v20, v8;
	v33 =	vld [tilespmem:s17+$0x30]  }
0x262: {  	s22 =	simm.s32 $0x4;
	v28 =	vmov s23;
	v17 =	vor.u32 v6, v15;
	[tilespmem:v27+s26+$0x0] =	vst.idx.msk $0xffff, v21;
	v31 =	vmul.f32 v16, v8  }
0x263: {  	v22 =	vmov s22;
	v15 =	vor.u32 v7, v15;
	v26 =	vor.u32 v3, v11;
	v27 =	vld [tilespmem:s3+$0xFFFFFFD0];
	[tilespmem:v23+s26+$0x0] =	vst.idx.msk $0xffff, v20  }
0x264: {  	v21 =	vor.u32 v6, v19;
	v14 =	vshll.u32 v22, $0x7;
	v20 =	vunpack.i.l.bf16.f32 v30;
	[tilespmem:v29+s26+$0x0] =	vst.idx.msk $0xffff, v31  }
0x265: {  	v23 =	vunpack.i.u.bf16.f32 v30;
	v29 =	vmul.f32 v20, v13;
	v20 =	vor.u32 v7, v19;
	v19 =	vld [tilespmem:s17+$0xFFFFFFF0]  }
0x266: {  	s8 =	simm.s32 $0x1400;
	v16 =	vor.u32 v4, v9;
	v32 =	vmul.f32 v23, v13;
	v35 =	vunpack.i.l.bf16.f32 v33  }
0x267: {  	s5 =	simm.s32 $0x6;
	v31 =	vld [tilespmem:s8+$0x0];
	v23 =	vor.u32 v0, v14;
	[tilespmem:v34+s26+$0x0] =	vst.idx.msk $0xffff, v29;
	v30 =	vunpack.i.u.bf16.f32 v33;
	v29 =	vmul.f32 v35, v10  }
.LBB2_14:
0x268: {  	p1 =	slt.u32 s5, $0x4E;
	v33 =	vld.idx.msk [tilespmem:v28+s18+$0x0], $0xffff;
	v34 =	vunpack.i.u.bf16.f32 v27;
	v27 =	vunpack.i.l.bf16.f32 v27;
	[tilespmem:v26+s26+$0x0] =	vst.idx.msk $0xffff, v32;
	v26 =	vmul.f32 v30, v10  }
0x269: {  	v10 =	vmov v13;
	v30 =	vld [tilespmem:s8+$0xFFFFFFC0];
	v27 =	vmul.f32 v27, v12;
	v32 =	vmul.f32 v34, v12;
	[tilespmem:v21+s26+$0x0] =	vst.idx.msk $0xffff, v29  }
0x26a: {  	v29 =	vshll.u32 v28, $0x7;
	v21 =	vld [tilespmem:s3+$0x20];
	v13 =	vunpack.i.u.bf16.f32 v19;
	v19 =	vunpack.i.l.bf16.f32 v19;
	[tilespmem:v20+s26+$0x0] =	vst.idx.msk $0xffff, v26  }
0x26b: {  	v20 =	vld.idx.msk [tilespmem:v22+s18+$0x0], $0xffff;
	v22 =	vor.u32 v0, v29;
	[tilespmem:v24+s26+$0x0] =	vst.idx.msk $0xffff, v27;
	v19 =	vmul.f32 v19, v8  }
0x26c: {  	v24 =	vor.u32 v1, v29;
	[tilespmem:v25+s26+$0x0] =	vst.idx.msk $0xffff, v32;
	v32 =	vmul.f32 v13, v8;
	v8 =	vmov v12  }
0x26d: {  	v27 =	vor.u32 v4, v11;
	v25 =	vor.u32 v1, v14;
	v12 =	vunpack.i.l.bf16.f32 v31;
	v26 =	vld [tilespmem:s3+$0xFFFFFFE0];
	[tilespmem:v17+s26+$0x0] =	vst.idx.msk $0xffff, v19  }
0x26e: {  	v17 =	vunpack.i.u.bf16.f32 v31;
	v31 =	vmul.f32 v12, v33;
	v19 =	vor.u32 v5, v11;
	[tilespmem:v15+s26+$0x0] =	vst.idx.msk $0xffff, v32  }
0x26f: {  	v13 =	vmovc v33;
	v15 =	vunpack.i.u.bf16.f32 v30;
	v17 =	vmul.f32 v17, v33;
	v28 =	vunpack.i.l.bf16.f32 v21  }
0x270: {  	v30 =	vunpack.i.l.bf16.f32 v30;
	[tilespmem:v22+s26+$0x0] =	vst.idx.msk $0xffff, v31;
	v22 =	vunpack.i.u.bf16.f32 v21;
	v21 =	vmul.f32 v28, v10  }
0x271: {  	v28 =	vmul.f32 v30, v20;
	v12 =	vmov v20;
	[tilespmem:v24+s26+$0x0] =	vst.idx.msk $0xffff, v17;
	v17 =	vmul.f32 v22, v10  }
0x272: {  	v20 =	vmul.f32 v15, v12;
	v30 =	vld [tilespmem:s8+$0x10];
	v15 =	vunpack.i.u.bf16.f32 v26;
	v22 =	vunpack.i.l.bf16.f32 v26;
	[tilespmem:v27+s26+$0x0] =	vst.idx.msk $0xffff, v21  }
0x273: {  	v21 =	vmul.f32 v22, v8;
	v31 =	vmul.f32 v15, v8;
	[tilespmem:v19+s26+$0x0] =	vst.idx.msk $0xffff, v17  }
0x274: {  	v22 =	vmov s5;
	v17 =	vor.u32 v6, v9;
	v15 =	vor.u32 v7, v9;
	v9 =	vmovc v14;
	[tilespmem:v23+s26+$0x0] =	vst.idx.msk $0xffff, v28;
	v33 =	vld [tilespmem:s3+$0x30]  }
0x275: {  	s9 =	sadd.s32 $0x1, s5;
	v34 =	vor.u32 v2, v29;
	v14 =	vshll.u32 v22, $0x7;
	v19 =	vor.u32 v4, v9;
	[tilespmem:v25+s26+$0x0] =	vst.idx.msk $0xffff, v20  }
.Ltmp6:
0x276: {  	v26 =	vor.u32 v3, v29;
	v28 =	vmov s9;
	v23 =	vor.u32 v5, v9;
	v27 =	vld [tilespmem:s8+$0xFFFFFFD0];
	[tilespmem:v16+s26+$0x0] =	vst.idx.msk $0xffff, v21;
	v16 =	vmovc v19;
	(pc) =	sbr.rel @p1 .LBB2_14-.Ltmp6, $4  }
0x277: {  	v24 =	vor.u32 v2, v9;
	v21 =	vor.u32 v6, v11;
	v19 =	vunpack.i.l.bf16.f32 v30;
	[tilespmem:v18+s26+$0x0] =	vst.idx.msk $0xffff, v31  }
0x278: {  	v20 =	vor.u32 v7, v11;
	v11 =	vmovc v29;
	v30 =	vunpack.i.u.bf16.f32 v30;
	v18 =	vmovc v23;
	v35 =	vmul.f32 v19, v13;
	v19 =	vld [tilespmem:s3+$0xFFFFFFF0];
	s3 =	smov.u32 s8  }
0x279: {  	v25 =	vor.u32 v3, v9;
	v32 =	vmul.f32 v30, v13;
	s8 =	sadd.s32 $0x80, s8;
	v29 =	vunpack.i.l.bf16.f32 v33  }
0x27a: {  	s5 =	sadd.s32 $0x2, s5;
	v23 =	vor.u32 v0, v14;
	v30 =	vunpack.i.u.bf16.f32 v33;
	v31 =	vld [tilespmem:s8+$0x0];
	[tilespmem:v34+s26+$0x0] =	vst.idx.msk $0xffff, v35;
	v29 =	vmul.f32 v29, v10  }
0x27b: {  	_ =	sdelay $0x3  }
0x27c: {  	v33 =	vld.idx.msk [tilespmem:v28+s18+$0x0], $0xffff  }
0x27d: {  	v34 =	vld [tilespmem:s8+$0xFFFFFFC0];
	v28 =	vshll.u32 v28, $0x7  }
0x27e: {  	v22 =	vld.idx.msk [tilespmem:v22+s18+$0x0], $0xffff;
	v35 =	vor.u32 v0, v28  }
0x27f: {  	v36 =	vor.u32 v1, v28  }
0x280: {  	v37 =	vunpack.i.l.bf16.f32 v31  }
0x281: {  	v38 =	vor.u32 v1, v14;
	v52 =	vunpack.i.u.bf16.f32 v31;
	v37 =	vmul.f32 v37, v33  }
0x282: {  	v31 =	vmul.f32 v52, v33;
	v39 =	vunpack.i.l.bf16.f32 v34  }
0x283: {  	v34 =	vunpack.i.u.bf16.f32 v34;
	v53 =	vmul.f32 v39, v22;
	[tilespmem:v35+s26+$0x0] =	vst.idx.msk $0xffff, v37  }
0x284: {  	v54 =	vmul.f32 v34, v22;
	[tilespmem:v36+s26+$0x0] =	vst.idx.msk $0xffff, v31  }
0x285: {  	[tilespmem:v23+s26+$0x0] =	vst.idx.msk $0xffff, v53;
	v55 =	vld [tilespmem:s8+$0x10]  }
0x286: {  	[tilespmem:v38+s26+$0x0] =	vst.idx.msk $0xffff, v54  }
0x287: {  	v23 =	vld [tilespmem:s8+$0xFFFFFFD0]  }
0x288: {  	v56 =	vunpack.i.l.bf16.f32 v27;
	v57 =	vor.u32 v2, v28  }
0x289: {  	v58 =	vunpack.i.u.bf16.f32 v27;
	v59 =	vor.u32 v3, v28;
	v31 =	vmul.f32 v56, v12  }
0x28a: {  	[tilespmem:v26+s26+$0x0] =	vst.idx.msk $0xffff, v32;
	v61 =	vor.u32 v2, v14;
	v60 =	vmul.f32 v58, v12;
	v62 =	vunpack.i.l.bf16.f32 v55  }
0x28b: {  	v63 =	vld [tilespmem:s3+$0x20];
	v38 =	vor.u32 v3, v14;
	[tilespmem:v24+s26+$0x0] =	vst.idx.msk $0xffff, v31;
	v37 =	vunpack.i.u.bf16.f32 v55;
	v32 =	vmul.f32 v62, v33  }
0x28c: {  	[tilespmem:v25+s26+$0x0] =	vst.idx.msk $0xffff, v60;
	v39 =	vmul.f32 v37, v33;
	v40 =	vunpack.i.l.bf16.f32 v23  }
0x28d: {  	v41 =	vld [tilespmem:s3+$0xFFFFFFE0];
	v23 =	vunpack.i.u.bf16.f32 v23;
	v26 =	vmul.f32 v40, v22;
	[tilespmem:v57+s26+$0x0] =	vst.idx.msk $0xffff, v32  }
0x28e: {  	v42 =	vor.u32 v4, v11;
	v23 =	vmul.f32 v23, v22;
	[tilespmem:v59+s26+$0x0] =	vst.idx.msk $0xffff, v39  }
0x28f: {  	v43 =	vor.u32 v5, v11;
	[tilespmem:v61+s26+$0x0] =	vst.idx.msk $0xffff, v26;
	v44 =	vld [tilespmem:s8+$0x20]  }
0x290: {  	v10 =	vmul.f32 v30, v10;
	v45 =	vunpack.i.l.bf16.f32 v63;
	[tilespmem:v38+s26+$0x0] =	vst.idx.msk $0xffff, v23  }
0x291: {  	[tilespmem:v21+s26+$0x0] =	vst.idx.msk $0xffff, v29;
	v21 =	vunpack.i.u.bf16.f32 v63;
	v23 =	vmul.f32 v45, v13;
	v46 =	vld [tilespmem:s8+$0xFFFFFFE0]  }
0x292: {  	[tilespmem:v20+s26+$0x0] =	vst.idx.msk $0xffff, v10;
	v10 =	vmul.f32 v21, v13;
	v21 =	vor.u32 v4, v28;
	v20 =	vunpack.i.l.bf16.f32 v41  }
0x293: {  	v47 =	vunpack.i.u.bf16.f32 v41;
	v20 =	vmul.f32 v20, v12;
	[tilespmem:v42+s26+$0x0] =	vst.idx.msk $0xffff, v23;
	v23 =	vor.u32 v5, v28  }
0x294: {  	v48 =	vmul.f32 v47, v12;
	[tilespmem:v43+s26+$0x0] =	vst.idx.msk $0xffff, v10;
	v10 =	vor.u32 v4, v14;
	v49 =	vunpack.i.l.bf16.f32 v44  }
0x295: {  	v51 =	vor.u32 v5, v14;
	[tilespmem:v16+s26+$0x0] =	vst.idx.msk $0xffff, v20;
	v50 =	vld [tilespmem:s3+$0x30];
	v16 =	vunpack.i.u.bf16.f32 v44;
	v20 =	vmul.f32 v49, v33  }
0x296: {  	[tilespmem:v18+s26+$0x0] =	vst.idx.msk $0xffff, v48;
	v16 =	vmul.f32 v16, v33;
	v18 =	vunpack.i.l.bf16.f32 v46  }
0x297: {  	v25 =	vld [tilespmem:s3+$0xFFFFFFF0];
	v24 =	vunpack.i.u.bf16.f32 v46;
	v18 =	vmul.f32 v18, v22;
	[tilespmem:v21+s26+$0x0] =	vst.idx.msk $0xffff, v20  }
0x298: {  	v24 =	vmul.f32 v24, v22;
	v20 =	vunpack.i.l.bf16.f32 v19;
	v21 =	vor.u32 v6, v11;
	[tilespmem:v23+s26+$0x0] =	vst.idx.msk $0xffff, v16  }
0x299: {  	v11 =	vor.u32 v7, v11;
	v16 =	vunpack.i.u.bf16.f32 v19;
	v19 =	vmul.f32 v20, v8;
	[tilespmem:v10+s26+$0x0] =	vst.idx.msk $0xffff, v18;
	v20 =	vld [tilespmem:s8+$0x30]  }
0x29a: {  	v10 =	vor.u32 v6, v9;
	v8 =	vmul.f32 v16, v8;
	v16 =	vunpack.i.l.bf16.f32 v50;
	[tilespmem:v51+s26+$0x0] =	vst.idx.msk $0xffff, v24  }
0x29b: {  	v9 =	vor.u32 v7, v9;
	[tilespmem:v17+s26+$0x0] =	vst.idx.msk $0xffff, v19;
	v17 =	vunpack.i.u.bf16.f32 v50;
	v16 =	vmul.f32 v16, v13;
	v18 =	vld [tilespmem:s8+$0xFFFFFFF0]  }
0x29c: {  	[tilespmem:v15+s26+$0x0] =	vst.idx.msk $0xffff, v8;
	v8 =	vmul.f32 v17, v13;
	v13 =	vunpack.i.l.bf16.f32 v25;
	v15 =	vor.u32 v6, v28  }
0x29d: {  	v17 =	vor.u32 v7, v28;
	[tilespmem:v21+s26+$0x0] =	vst.idx.msk $0xffff, v16;
	v16 =	vunpack.i.u.bf16.f32 v25;
	v13 =	vmul.f32 v13, v12  }
0x29e: {  	[tilespmem:v11+s26+$0x0] =	vst.idx.msk $0xffff, v8;
	v8 =	vmul.f32 v16, v12;
	v11 =	vor.u32 v6, v14;
	v12 =	vunpack.i.l.bf16.f32 v20  }
0x29f: {  	[tilespmem:v10+s26+$0x0] =	vst.idx.msk $0xffff, v13;
	v10 =	vor.u32 v7, v14;
	v13 =	vunpack.i.u.bf16.f32 v20;
	v12 =	vmul.f32 v12, v33  }
0x2a0: {  	[tilespmem:v9+s26+$0x0] =	vst.idx.msk $0xffff, v8;
	v8 =	vmul.f32 v13, v33;
	v9 =	vunpack.i.l.bf16.f32 v18  }
0x2a1: {  	v9 =	vmul.f32 v9, v22;
	[tilespmem:v15+s26+$0x0] =	vst.idx.msk $0xffff, v12;
	v12 =	vunpack.i.u.bf16.f32 v18  }
0x2a2: {  	[tilespmem:v17+s26+$0x0] =	vst.idx.msk $0xffff, v8;
	v8 =	vmul.f32 v12, v22  }
0x2a3: {  	[tilespmem:v11+s26+$0x0] =	vst.idx.msk $0xffff, v9  }
0x2a4: {  	s14 =	simm.s32 $0x640;
	[tilespmem:v10+s26+$0x0] =	vst.idx.msk $0xffff, v8  }
0x2a5: {  	[spmem:s2] =	stream.indirect.scatter.add.f32 [tilespmem:s26], [sflag:$0x5], $0x80, s14, s19, $0xb8;
	[tilespmem:$0x1EB40] =	vst v63  }
0x2a6: {  	s15 =	simm.s32 $0x51;
	s5 =	simm.s32 $0x12C0;
	s17 =	simm.s32 $0x140  }
0x2a7: {  	v8 =	vmov s15;
	[tilespmem:s5], [sflag:$0x1] =	stream.indirect.gather [hbm4b:s4+s19], $0x40, s17, s19, $0xb8;
	[tilespmem:$0x1EB40] =	vst v63  }
0x2a8: {  	_ =	swait.ge [sflag:s28], $0x1400  }
0x2a9: {  	[sflag:s28] =	ssyncset.done $0x0  }
0x2aa: {  	s13 =	simm.s32 $0x2700;
	[sflag:s28] =	ssyncadd.s32 $0xFFFFEC00  }
0x2ab: {  	v9 =	vld [tilespmem:s13+$0x0]  }
0x2ac: {  	v12 =	vld.idx.msk [tilespmem:v8+s18+$0x0], $0xffff  }
0x2ad: {  	s20 =	simm.s32 $0x80  }
0x2ae: {  	v8 =	vor.u32 s20, v0  }
0x2af: {  	s21 =	simm.s32 $0x50;
	v10 =	vor.u32 s20, v1  }
0x2b0: {  	v11 =	vmov s21;
	v13 =	vunpack.i.l.bf16.f32 v9  }
0x2b1: {  	v11 =	vand.u32 $0xFFFFFFFE, v11;
	v9 =	vunpack.i.u.bf16.f32 v9;
	v13 =	vmul.f32 v13, v12  }
0x2b2: {  	v11 =	vbroadcast v11, $0x0;
	v9 =	vmul.f32 v9, v12  }
0x2b3: {  	[tilespmem:v8+s29+$0x0] =	vst.idx.msk $0xffff, v13  }
0x2b4: {  	[tilespmem:v10+s29+$0x0] =	vst.idx.msk $0xffff, v9  }
0x2b5: {  	v9 =	vld [tilespmem:s13+$0x10];
	_ =	sdelay $0x1  }
0x2b6: {  	s22 =	simm.s32 $0x53;
	v10 =	vld [tilespmem:s13+$0xFFFFFFC0]  }
0x2b7: {  	v8 =	vld.idx.msk [tilespmem:v11+s18+$0x0], $0xffff;
	v11 =	vor.u32 s20, v2;
	v13 =	vmov s22  }
0x2b8: {  	s8 =	simm.s32 $0x0;
	v14 =	vor.u32 s20, v3  }
0x2b9: {  	v15 =	vor.u32 s8, v0;
	v16 =	vunpack.i.l.bf16.f32 v9  }
0x2ba: {  	s23 =	simm.s32 $0x52;
	s9 =	simm.s32 $0x2780;
	v17 =	vor.u32 s8, v1;
	v9 =	vunpack.i.u.bf16.f32 v9;
	v16 =	vmul.f32 v16, v12  }
0x2bb: {  	v19 =	vmov s23;
	v20 =	vld [tilespmem:s9+$0x0];
	v18 =	vunpack.i.l.bf16.f32 v10;
	v21 =	vmul.f32 v9, v12  }
0x2bc: {  	v19 =	vand.u32 $0xFFFFFFFE, v19;
	v10 =	vunpack.i.u.bf16.f32 v10;
	v18 =	vmul.f32 v18, v8;
	v9 =	vld.idx.msk [tilespmem:v13+s18+$0x0], $0xffff;
	[tilespmem:v11+s29+$0x0] =	vst.idx.msk $0xffff, v16  }
0x2bd: {  	s10 =	simm.s32 $0x180;
	v10 =	vmul.f32 v10, v8;
	v11 =	vbroadcast v19, $0x0;
	[tilespmem:v14+s29+$0x0] =	vst.idx.msk $0xffff, v21  }
0x2be: {  	v13 =	vor.u32 s10, v0;
	[tilespmem:v15+s29+$0x0] =	vst.idx.msk $0xffff, v18;
	v14 =	vld [tilespmem:s13+$0x20]  }
0x2bf: {  	v15 =	vor.u32 s10, v1;
	[tilespmem:v17+s29+$0x0] =	vst.idx.msk $0xffff, v10;
	v17 =	vld [tilespmem:s9+$0xFFFFFFC0]  }
0x2c0: {  	v10 =	vunpack.i.l.bf16.f32 v20;
	v16 =	vld [tilespmem:s13+$0xFFFFFFD0]  }
0x2c1: {  	v18 =	vunpack.i.u.bf16.f32 v20;
	v20 =	vor.u32 s20, v4;
	v19 =	vmul.f32 v10, v9  }
0x2c2: {  	v21 =	vor.u32 s20, v5;
	v18 =	vmul.f32 v18, v9  }
0x2c3: {  	[tilespmem:v13+s29+$0x0] =	vst.idx.msk $0xffff, v19;
	v10 =	vld.idx.msk [tilespmem:v11+s18+$0x0], $0xffff;
	v11 =	vor.u32 s8, v2;
	v13 =	vunpack.i.l.bf16.f32 v14  }
0x2c4: {  	[tilespmem:v15+s29+$0x0] =	vst.idx.msk $0xffff, v18;
	v15 =	vor.u32 s8, v3;
	v14 =	vunpack.i.u.bf16.f32 v14;
	v13 =	vmul.f32 v13, v12  }
0x2c5: {  	s3 =	simm.s32 $0x100;
	v52 =	vunpack.i.u.bf16.f32 v17;
	v19 =	vunpack.i.l.bf16.f32 v16;
	v14 =	vmul.f32 v14, v12  }
0x2c6: {  	s11 =	simm.s32 $0x55;
	v18 =	vor.u32 s3, v0;
	v16 =	vunpack.i.u.bf16.f32 v16;
	v23 =	vld [tilespmem:s9+$0x10];
	v19 =	vmul.f32 v19, v8;
	[tilespmem:v20+s29+$0x0] =	vst.idx.msk $0xffff, v13  }
0x2c7: {  	s12 =	simm.s32 $0x54;
	v16 =	vmul.f32 v16, v8;
	v13 =	vunpack.i.l.bf16.f32 v17;
	v17 =	vmov s11;
	[tilespmem:v21+s29+$0x0] =	vst.idx.msk $0xffff, v14  }
0x2c8: {  	v22 =	vor.u32 s3, v1;
	[tilespmem:v11+s29+$0x0] =	vst.idx.msk $0xffff, v19;
	v11 =	vmov s12;
	v19 =	vld [tilespmem:s13+$0x30]  }
0x2c9: {  	v20 =	vor.u32 s10, v2;
	v11 =	vand.u32 $0xFFFFFFFE, v11;
	[tilespmem:v15+s29+$0x0] =	vst.idx.msk $0xffff, v16  }
0x2ca: {  	s14 =	simm.s32 $0x2800;
	v13 =	vmul.f32 v13, v10;
	v21 =	vor.u32 s10, v3;
	v16 =	vbroadcast v11, $0x0;
	v53 =	vld [tilespmem:s13+$0xFFFFFFE0]  }
0x2cb: {  	v56 =	vor.u32 s20, v6;
	v55 =	vld [tilespmem:s14+$0x0];
	v14 =	vmul.f32 v52, v10;
	v11 =	vunpack.i.l.bf16.f32 v23  }
0x2cc: {  	v23 =	vunpack.i.u.bf16.f32 v23;
	[tilespmem:v18+s29+$0x0] =	vst.idx.msk $0xffff, v13;
	v54 =	vmul.f32 v11, v9;
	v11 =	vld.idx.msk [tilespmem:v17+s18+$0x0], $0xffff;
	v17 =	vor.u32 s20, v7  }
0x2cd: {  	v57 =	vor.u32 s8, v4;
	v18 =	vmul.f32 v23, v9;
	[tilespmem:v22+s29+$0x0] =	vst.idx.msk $0xffff, v14;
	v58 =	vunpack.i.l.bf16.f32 v19  }
0x2ce: {  	s11 =	simm.s32 $0x280;
	v22 =	vor.u32 s8, v5;
	[tilespmem:v20+s29+$0x0] =	vst.idx.msk $0xffff, v54;
	v20 =	vld [tilespmem:s9+$0xFFFFFFD0];
	v19 =	vunpack.i.u.bf16.f32 v19;
	v59 =	vmul.f32 v58, v12  }
0x2cf: {  	v15 =	vor.u32 s11, v0;
	v23 =	vld [tilespmem:s14+$0xFFFFFFC0];
	[tilespmem:v21+s29+$0x0] =	vst.idx.msk $0xffff, v18;
	v19 =	vmul.f32 v19, v12;
	v18 =	vunpack.i.l.bf16.f32 v53  }
0x2d0: {  	v60 =	vor.u32 s3, v2;
	v12 =	vld.idx.msk [tilespmem:v16+s18+$0x0], $0xffff;
	v16 =	vunpack.i.u.bf16.f32 v53;
	v18 =	vmul.f32 v18, v8;
	[tilespmem:v56+s29+$0x0] =	vst.idx.msk $0xffff, v59  }
0x2d1: {  	v26 =	vunpack.i.l.bf16.f32 v55;
	s12 =	simm.s32 $0x200;
	v21 =	vor.u32 s11, v1;
	v61 =	vld [tilespmem:s9+$0x20];
	v16 =	vmul.f32 v16, v8;
	[tilespmem:v17+s29+$0x0] =	vst.idx.msk $0xffff, v19  }
0x2d2: {  	v62 =	vunpack.i.u.bf16.f32 v55;
	v63 =	vor.u32 s12, v0;
	v17 =	vmul.f32 v26, v11;
	[tilespmem:v57+s29+$0x0] =	vst.idx.msk $0xffff, v18  }
0x2d3: {  	v13 =	vor.u32 s12, v1;
	v25 =	vmul.f32 v62, v11;
	v18 =	vunpack.i.u.bf16.f32 v20;
	[tilespmem:v22+s29+$0x0] =	vst.idx.msk $0xffff, v16  }
0x2d4: {  	v20 =	vunpack.i.l.bf16.f32 v20;
	v16 =	vunpack.i.l.bf16.f32 v23;
	[tilespmem:v15+s29+$0x0] =	vst.idx.msk $0xffff, v17;
	v17 =	vor.u32 s10, v4  }
0x2d5: {  	v14 =	vor.u32 s10, v5;
	v15 =	vmul.f32 v20, v10;
	v22 =	vmul.f32 v16, v12;
	v16 =	vld [tilespmem:s13+$0xFFFFFFF0]  }
0x2d6: {  	v19 =	vunpack.i.u.bf16.f32 v23;
	v18 =	vmul.f32 v18, v10;
	v23 =	vunpack.i.l.bf16.f32 v61;
	[tilespmem:v21+s29+$0x0] =	vst.idx.msk $0xffff, v25  }
0x2d7: {  	v21 =	vor.u32 s3, v3;
	v23 =	vmul.f32 v23, v9;
	[tilespmem:v60+s29+$0x0] =	vst.idx.msk $0xffff, v15;
	v15 =	vunpack.i.u.bf16.f32 v61;
	v20 =	vld [tilespmem:s14+$0x10]  }
0x2d8: {  	s15 =	simm.s32 $0x4;
	v19 =	vmul.f32 v19, v12;
	s13 =	simm.s32 $0x2800;
	[tilespmem:v63+s29+$0x0] =	vst.idx.msk $0xffff, v22;
	v22 =	vmul.f32 v15, v9;
	v15 =	vor.u32 s8, v6  }
.LBB2_16:
0x2d9: {  	s5 =	sadd.s32 $0x52, s15;
	s17 =	sshll.u32 s15, $0x7;
	s20 =	sadd.s32 $0x53, s15;
	v24 =	vor.u32 s11, v2;
	v25 =	vor.u32 s11, v3;
	[tilespmem:v17+s29+$0x0] =	vst.idx.msk $0xffff, v23;
	v17 =	vor.u32 s8, v7  }
0x2da: {  	s15 =	sadd.s32 $0x2, s15;
	s8 =	smov.u32 s3;
	v23 =	vmov s5;
	v26 =	vmov s20;
	s5 =	sadd.s32 $0x180, s17;
	[tilespmem:v14+s29+$0x0] =	vst.idx.msk $0xffff, v22;
	v14 =	vunpack.i.l.bf16.f32 v16  }
0x2db: {  	s3 =	smov.u32 s12;
	p1 =	slt.u32 s15, $0x4E;
	v16 =	vunpack.i.u.bf16.f32 v16;
	v22 =	vand.u32 $0xFFFFFFFE, v23;
	v23 =	vor.u32 s5, v0;
	v27 =	vld [tilespmem:s9+$0x30]  }
0x2dc: {  	v16 =	vmul.f32 v16, v8;
	v22 =	vbroadcast v22, $0x0;
	v28 =	vunpack.i.l.bf16.f32 v20;
	[tilespmem:v21+s29+$0x0] =	vst.idx.msk $0xffff, v18  }
0x2dd: {  	s14 =	sadd.s32 $0x80, s14;
	s12 =	sshll.u32 s15, $0x7;
	v14 =	vmul.f32 v14, v8;
	v8 =	vmovc v10;
	v10 =	vmovc v12;
	v18 =	vunpack.i.u.bf16.f32 v20;
	v20 =	vmul.f32 v28, v11;
	v21 =	vld [tilespmem:s9+$0xFFFFFFE0]  }
0x2de: {  	v18 =	vmul.f32 v18, v11;
	v28 =	vld [tilespmem:s14+$0x0];
	[tilespmem:v13+s29+$0x0] =	vst.idx.msk $0xffff, v19;
	v13 =	vor.u32 s12, v1;
	v19 =	vor.u32 s10, v6  }
0x2df: {  	v30 =	vor.u32 s10, v7;
	v29 =	vor.u32 s8, v5;
	s10 =	smov.u32 s11;
	s11 =	smov.u32 s5;
	v26 =	vld.idx.msk [tilespmem:v26+s18+$0x0], $0xffff;
	[tilespmem:v15+s29+$0x0] =	vst.idx.msk $0xffff, v14  }
0x2e0: {  	v15 =	vld [tilespmem:s14+$0xFFFFFFC0];
	[tilespmem:v24+s29+$0x0] =	vst.idx.msk $0xffff, v20;
	v20 =	vor.u32 s8, v4;
	v12 =	vunpack.i.u.bf16.f32 v27;
	v24 =	vunpack.i.l.bf16.f32 v27  }
0x2e1: {  	v14 =	vor.u32 s10, v5;
	v27 =	vld [tilespmem:s13+$0xFFFFFFD0];
	v24 =	vmul.f32 v24, v9;
	v31 =	vmul.f32 v12, v9;
	[tilespmem:v17+s29+$0x0] =	vst.idx.msk $0xffff, v16  }
0x2e2: {  	v9 =	vmovc v11;
	v12 =	vld.idx.msk [tilespmem:v22+s18+$0x0], $0xffff;
	v22 =	vor.u32 s3, v2;
	[tilespmem:v25+s29+$0x0] =	vst.idx.msk $0xffff, v18;
	v16 =	vunpack.i.u.bf16.f32 v21;
	v17 =	vunpack.i.l.bf16.f32 v21  }
0x2e3: {  	v21 =	vor.u32 s11, v1;
	v25 =	vld [tilespmem:s13+$0x20];
	v32 =	vmul.f32 v17, v8;
	v16 =	vmul.f32 v16, v8;
	[tilespmem:v19+s29+$0x0] =	vst.idx.msk $0xffff, v24  }
0x2e4: {  	v24 =	vor.u32 s12, v0;
	v17 =	vunpack.i.u.bf16.f32 v28;
	v18 =	vunpack.i.l.bf16.f32 v28;
	[tilespmem:v30+s29+$0x0] =	vst.idx.msk $0xffff, v31  }
0x2e5: {  	v18 =	vmul.f32 v18, v26;
	v28 =	vmul.f32 v17, v26;
	v17 =	vor.u32 s10, v4;
	[tilespmem:v20+s29+$0x0] =	vst.idx.msk $0xffff, v32  }
.Ltmp7:
0x2e6: {  	v11 =	vmovc v26;
	v19 =	vunpack.i.u.bf16.f32 v15;
	v20 =	vunpack.i.u.bf16.f32 v27;
	v27 =	vunpack.i.l.bf16.f32 v27;
	[tilespmem:v29+s29+$0x0] =	vst.idx.msk $0xffff, v16;
	(pc) =	sbr.rel @p1 .LBB2_16-.Ltmp7, $4  }
0x2e7: {  	v15 =	vunpack.i.l.bf16.f32 v15;
	[tilespmem:v23+s29+$0x0] =	vst.idx.msk $0xffff, v18;
	v23 =	vmul.f32 v27, v10;
	v18 =	vmul.f32 v20, v10;
	v16 =	vld [tilespmem:s9+$0xFFFFFFF0];
	s9 =	smov.u32 s13;
	s13 =	smov.u32 s14  }
0x2e8: {  	v15 =	vmul.f32 v15, v12;
	v19 =	vmul.f32 v19, v12;
	[tilespmem:v21+s29+$0x0] =	vst.idx.msk $0xffff, v28;
	v26 =	vunpack.i.l.bf16.f32 v25  }
0x2e9: {  	v21 =	vor.u32 s3, v3;
	v20 =	vld [tilespmem:s14+$0x10];
	[tilespmem:v22+s29+$0x0] =	vst.idx.msk $0xffff, v23;
	v22 =	vunpack.i.u.bf16.f32 v25;
	v23 =	vmul.f32 v26, v9  }
0x2ea: {  	[tilespmem:v24+s29+$0x0] =	vst.idx.msk $0xffff, v15;
	v22 =	vmul.f32 v22, v9;
	v15 =	vor.u32 s8, v6  }
0x2eb: {  	_ =	sdelay $0x3  }
0x2ec: {  	[tilespmem:v13+s29+$0x0] =	vst.idx.msk $0xffff, v19  }
0x2ed: {  	v13 =	vld [tilespmem:s13+$0xFFFFFFD0]  }
0x2ee: {  	v19 =	vor.u32 s11, v2  }
0x2ef: {  	v24 =	vor.u32 s11, v3  }
0x2f0: {  	v26 =	vor.u32 s12, v2;
	v25 =	vunpack.i.l.bf16.f32 v20  }
0x2f1: {  	v27 =	vor.u32 s12, v3;
	v20 =	vunpack.i.u.bf16.f32 v20;
	v25 =	vmul.f32 v25, v11  }
0x2f2: {  	[tilespmem:v21+s29+$0x0] =	vst.idx.msk $0xffff, v18;
	v18 =	vmul.f32 v20, v11;
	v20 =	vunpack.i.l.bf16.f32 v13  }
0x2f3: {  	v21 =	vld [tilespmem:s9+$0xFFFFFFE0];
	[tilespmem:v19+s29+$0x0] =	vst.idx.msk $0xffff, v25;
	v13 =	vunpack.i.u.bf16.f32 v13;
	v19 =	vmul.f32 v20, v12  }
0x2f4: {  	[tilespmem:v24+s29+$0x0] =	vst.idx.msk $0xffff, v18;
	v13 =	vmul.f32 v13, v12  }
0x2f5: {  	v18 =	vld [tilespmem:s13+$0x20];
	[tilespmem:v26+s29+$0x0] =	vst.idx.msk $0xffff, v19  }
0x2f6: {  	v19 =	vor.u32 s3, v4;
	[tilespmem:v27+s29+$0x0] =	vst.idx.msk $0xffff, v13  }
0x2f7: {  	v13 =	vor.u32 s3, v5;
	v20 =	vld [tilespmem:s13+$0xFFFFFFE0]  }
0x2f8: {  	v51 =	vor.u32 s11, v4;
	v50 =	vunpack.i.l.bf16.f32 v21  }
0x2f9: {  	[tilespmem:v17+s29+$0x0] =	vst.idx.msk $0xffff, v23;
	v17 =	vor.u32 s11, v5;
	v21 =	vunpack.i.u.bf16.f32 v21;
	v23 =	vmul.f32 v50, v10  }
0x2fa: {  	[tilespmem:v14+s29+$0x0] =	vst.idx.msk $0xffff, v22;
	v22 =	vor.u32 s12, v4;
	v14 =	vmul.f32 v21, v10;
	v21 =	vunpack.i.l.bf16.f32 v18  }
0x2fb: {  	v52 =	vld [tilespmem:s9+$0x30];
	v18 =	vunpack.i.u.bf16.f32 v18;
	[tilespmem:v19+s29+$0x0] =	vst.idx.msk $0xffff, v23;
	v19 =	vmul.f32 v21, v11;
	v21 =	vor.u32 s12, v5  }
0x2fc: {  	[tilespmem:v13+s29+$0x0] =	vst.idx.msk $0xffff, v14;
	v13 =	vmul.f32 v18, v11;
	v14 =	vunpack.i.l.bf16.f32 v20  }
0x2fd: {  	v18 =	vor.u32 s8, v7;
	v23 =	vld [tilespmem:s9+$0xFFFFFFF0];
	[tilespmem:v51+s29+$0x0] =	vst.idx.msk $0xffff, v19;
	v19 =	vunpack.i.u.bf16.f32 v20;
	v14 =	vmul.f32 v14, v12  }
0x2fe: {  	v53 =	vor.u32 s10, v6;
	v20 =	vunpack.i.l.bf16.f32 v16;
	[tilespmem:v17+s29+$0x0] =	vst.idx.msk $0xffff, v13;
	v13 =	vmul.f32 v19, v12  }
0x2ff: {  	v16 =	vunpack.i.u.bf16.f32 v16;
	v17 =	vmul.f32 v20, v8;
	v19 =	vor.u32 s10, v7;
	v20 =	vld [tilespmem:s13+$0x30];
	[tilespmem:v22+s29+$0x0] =	vst.idx.msk $0xffff, v14  }
0x300: {  	v8 =	vmul.f32 v16, v8;
	v16 =	vor.u32 s3, v6;
	v14 =	vunpack.i.l.bf16.f32 v52;
	[tilespmem:v21+s29+$0x0] =	vst.idx.msk $0xffff, v13  }
0x301: {  	[tilespmem:v15+s29+$0x0] =	vst.idx.msk $0xffff, v17;
	v15 =	vor.u32 s3, v7;
	v13 =	vunpack.i.u.bf16.f32 v52;
	v14 =	vmul.f32 v14, v9;
	v17 =	vld [tilespmem:s13+$0xFFFFFFF0]  }
0x302: {  	[tilespmem:v18+s29+$0x0] =	vst.idx.msk $0xffff, v8;
	v9 =	vmul.f32 v13, v9;
	v8 =	vunpack.i.l.bf16.f32 v23;
	v13 =	vor.u32 s11, v6  }
0x303: {  	v18 =	vor.u32 s11, v7;
	[tilespmem:v53+s29+$0x0] =	vst.idx.msk $0xffff, v14;
	v14 =	vunpack.i.u.bf16.f32 v23;
	v8 =	vmul.f32 v8, v10  }
0x304: {  	[tilespmem:v19+s29+$0x0] =	vst.idx.msk $0xffff, v9;
	v9 =	vmul.f32 v14, v10;
	v10 =	vunpack.i.l.bf16.f32 v20;
	v14 =	vor.u32 s12, v6  }
0x305: {  	[tilespmem:v16+s29+$0x0] =	vst.idx.msk $0xffff, v8;
	v8 =	vunpack.i.u.bf16.f32 v20;
	v10 =	vmul.f32 v10, v11;
	v16 =	vor.u32 s12, v7  }
0x306: {  	v8 =	vmul.f32 v8, v11;
	[tilespmem:v15+s29+$0x0] =	vst.idx.msk $0xffff, v9;
	v9 =	vunpack.i.l.bf16.f32 v17  }
0x307: {  	[tilespmem:v13+s29+$0x0] =	vst.idx.msk $0xffff, v10;
	v10 =	vunpack.i.u.bf16.f32 v17;
	v9 =	vmul.f32 v9, v12  }
0x308: {  	[tilespmem:v18+s29+$0x0] =	vst.idx.msk $0xffff, v8;
	v8 =	vmul.f32 v10, v12  }
0x309: {  	[tilespmem:v14+s29+$0x0] =	vst.idx.msk $0xffff, v9  }
0x30a: {  	s13 =	simm.s32 $0x690;
	[tilespmem:v16+s29+$0x0] =	vst.idx.msk $0xffff, v8  }
0x30b: {  	[spmem:s2] =	stream.indirect.scatter.add.f32 [tilespmem:s29], [sflag:$0x6], $0x80, s13, s19, $0xb8;
	[tilespmem:$0x1EB40] =	vst v63  }
0x30c: {  	_ =	swait.ge [sflag:s30], $0x1400  }
0x30d: {  	s14 =	simm.s32 $0xA1;
	[sflag:s30] =	ssyncset.done $0x0  }
0x30e: {  	v8 =	vmov s14;
	[sflag:s30] =	ssyncadd.s32 $0xFFFFEC00  }
0x30f: {  	_ =	swait.ge [sflag:s31], $0x2800  }
0x310: {  	[sflag:s31] =	ssyncset.done $0x0  }
0x311: {  	s15 =	simm.s32 $0x3B00;
	[sflag:s31] =	ssyncadd.s32 $0xFFFFD800  }
0x312: {  	v9 =	vld [tilespmem:s15+$0x0]  }
0x313: {  	v12 =	vld.idx.msk [tilespmem:v8+s18+$0x0], $0xffff  }
0x314: {  	s5 =	simm.s32 $0x80  }
0x315: {  	v8 =	vor.u32 s5, v0  }
0x316: {  	s17 =	simm.s32 $0xA0;
	v10 =	vor.u32 s5, v1  }
0x317: {  	v11 =	vmov s17;
	v13 =	vunpack.i.l.bf16.f32 v9  }
0x318: {  	v11 =	vand.u32 $0xFFFFFFFE, v11;
	v9 =	vunpack.i.u.bf16.f32 v9;
	v13 =	vmul.f32 v13, v12  }
0x319: {  	v11 =	vbroadcast v11, $0x0;
	v9 =	vmul.f32 v9, v12  }
0x31a: {  	[tilespmem:v8+s26+$0x0] =	vst.idx.msk $0xffff, v13  }
0x31b: {  	[tilespmem:v10+s26+$0x0] =	vst.idx.msk $0xffff, v9  }
0x31c: {  	v9 =	vld [tilespmem:s15+$0x10];
	_ =	sdelay $0x1  }
0x31d: {  	s20 =	simm.s32 $0xA3;
	v10 =	vld [tilespmem:s15+$0xFFFFFFC0]  }
0x31e: {  	v8 =	vld.idx.msk [tilespmem:v11+s18+$0x0], $0xffff;
	v11 =	vor.u32 s5, v2;
	v13 =	vmov s20  }
0x31f: {  	s8 =	simm.s32 $0x0;
	v14 =	vor.u32 s5, v3  }
0x320: {  	v15 =	vor.u32 s8, v0;
	v16 =	vunpack.i.l.bf16.f32 v9  }
0x321: {  	s21 =	simm.s32 $0xA2;
	s9 =	simm.s32 $0x3B80;
	v17 =	vor.u32 s8, v1;
	v9 =	vunpack.i.u.bf16.f32 v9;
	v16 =	vmul.f32 v16, v12  }
0x322: {  	v19 =	vmov s21;
	v20 =	vld [tilespmem:s9+$0x0];
	v18 =	vunpack.i.l.bf16.f32 v10;
	v21 =	vmul.f32 v9, v12  }
0x323: {  	v19 =	vand.u32 $0xFFFFFFFE, v19;
	v10 =	vunpack.i.u.bf16.f32 v10;
	v18 =	vmul.f32 v18, v8;
	v9 =	vld.idx.msk [tilespmem:v13+s18+$0x0], $0xffff;
	[tilespmem:v11+s26+$0x0] =	vst.idx.msk $0xffff, v16  }
0x324: {  	s10 =	simm.s32 $0x180;
	v10 =	vmul.f32 v10, v8;
	v11 =	vbroadcast v19, $0x0;
	[tilespmem:v14+s26+$0x0] =	vst.idx.msk $0xffff, v21  }
0x325: {  	v13 =	vor.u32 s10, v0;
	[tilespmem:v15+s26+$0x0] =	vst.idx.msk $0xffff, v18;
	v14 =	vld [tilespmem:s15+$0x20]  }
0x326: {  	v15 =	vor.u32 s10, v1;
	[tilespmem:v17+s26+$0x0] =	vst.idx.msk $0xffff, v10;
	v17 =	vld [tilespmem:s9+$0xFFFFFFC0]  }
0x327: {  	v10 =	vunpack.i.l.bf16.f32 v20;
	v16 =	vld [tilespmem:s15+$0xFFFFFFD0]  }
0x328: {  	v18 =	vunpack.i.u.bf16.f32 v20;
	v20 =	vor.u32 s5, v4;
	v19 =	vmul.f32 v10, v9  }
0x329: {  	v21 =	vor.u32 s5, v5;
	v18 =	vmul.f32 v18, v9  }
0x32a: {  	[tilespmem:v13+s26+$0x0] =	vst.idx.msk $0xffff, v19;
	v10 =	vld.idx.msk [tilespmem:v11+s18+$0x0], $0xffff;
	v11 =	vor.u32 s8, v2;
	v13 =	vunpack.i.l.bf16.f32 v14  }
0x32b: {  	[tilespmem:v15+s26+$0x0] =	vst.idx.msk $0xffff, v18;
	v15 =	vor.u32 s8, v3;
	v14 =	vunpack.i.u.bf16.f32 v14;
	v13 =	vmul.f32 v13, v12  }
0x32c: {  	s3 =	simm.s32 $0x100;
	v54 =	vunpack.i.u.bf16.f32 v17;
	v19 =	vunpack.i.l.bf16.f32 v16;
	v14 =	vmul.f32 v14, v12  }
0x32d: {  	s22 =	simm.s32 $0xA5;
	v18 =	vor.u32 s3, v0;
	v16 =	vunpack.i.u.bf16.f32 v16;
	v23 =	vld [tilespmem:s9+$0x10];
	v19 =	vmul.f32 v19, v8;
	[tilespmem:v20+s26+$0x0] =	vst.idx.msk $0xffff, v13  }
0x32e: {  	s23 =	simm.s32 $0xA4;
	v16 =	vmul.f32 v16, v8;
	v13 =	vunpack.i.l.bf16.f32 v17;
	v17 =	vmov s22;
	[tilespmem:v21+s26+$0x0] =	vst.idx.msk $0xffff, v14  }
0x32f: {  	v22 =	vor.u32 s3, v1;
	[tilespmem:v11+s26+$0x0] =	vst.idx.msk $0xffff, v19;
	v11 =	vmov s23;
	v19 =	vld [tilespmem:s15+$0x30]  }
0x330: {  	v20 =	vor.u32 s10, v2;
	v11 =	vand.u32 $0xFFFFFFFE, v11;
	[tilespmem:v15+s26+$0x0] =	vst.idx.msk $0xffff, v16  }
0x331: {  	s14 =	simm.s32 $0x3C00;
	v13 =	vmul.f32 v13, v10;
	v21 =	vor.u32 s10, v3;
	v16 =	vbroadcast v11, $0x0;
	v55 =	vld [tilespmem:s15+$0xFFFFFFE0]  }
0x332: {  	v58 =	vor.u32 s5, v6;
	v57 =	vld [tilespmem:s14+$0x0];
	v14 =	vmul.f32 v54, v10;
	v11 =	vunpack.i.l.bf16.f32 v23  }
0x333: {  	v23 =	vunpack.i.u.bf16.f32 v23;
	[tilespmem:v18+s26+$0x0] =	vst.idx.msk $0xffff, v13;
	v56 =	vmul.f32 v11, v9;
	v11 =	vld.idx.msk [tilespmem:v17+s18+$0x0], $0xffff;
	v17 =	vor.u32 s5, v7  }
0x334: {  	v28 =	vor.u32 s8, v4;
	v18 =	vmul.f32 v23, v9;
	[tilespmem:v22+s26+$0x0] =	vst.idx.msk $0xffff, v14;
	v29 =	vunpack.i.l.bf16.f32 v19  }
0x335: {  	s11 =	simm.s32 $0x280;
	v22 =	vor.u32 s8, v5;
	[tilespmem:v20+s26+$0x0] =	vst.idx.msk $0xffff, v56;
	v20 =	vld [tilespmem:s9+$0xFFFFFFD0];
	v19 =	vunpack.i.u.bf16.f32 v19;
	v59 =	vmul.f32 v29, v12  }
0x336: {  	v15 =	vor.u32 s11, v0;
	v23 =	vld [tilespmem:s14+$0xFFFFFFC0];
	[tilespmem:v21+s26+$0x0] =	vst.idx.msk $0xffff, v18;
	v19 =	vmul.f32 v19, v12;
	v18 =	vunpack.i.l.bf16.f32 v55  }
0x337: {  	v60 =	vor.u32 s3, v2;
	v12 =	vld.idx.msk [tilespmem:v16+s18+$0x0], $0xffff;
	v16 =	vunpack.i.u.bf16.f32 v55;
	v18 =	vmul.f32 v18, v8;
	[tilespmem:v58+s26+$0x0] =	vst.idx.msk $0xffff, v59  }
0x338: {  	s12 =	simm.s32 $0x200;
	v26 =	vunpack.i.l.bf16.f32 v57;
	v21 =	vor.u32 s11, v1;
	v61 =	vld [tilespmem:s9+$0x20];
	v16 =	vmul.f32 v16, v8;
	[tilespmem:v17+s26+$0x0] =	vst.idx.msk $0xffff, v19  }
0x339: {  	v63 =	vor.u32 s12, v0;
	v62 =	vunpack.i.u.bf16.f32 v57;
	v17 =	vmul.f32 v26, v11;
	[tilespmem:v28+s26+$0x0] =	vst.idx.msk $0xffff, v18  }
0x33a: {  	v13 =	vor.u32 s12, v1;
	v25 =	vmul.f32 v62, v11;
	v18 =	vunpack.i.u.bf16.f32 v20;
	[tilespmem:v22+s26+$0x0] =	vst.idx.msk $0xffff, v16  }
0x33b: {  	v20 =	vunpack.i.l.bf16.f32 v20;
	v16 =	vunpack.i.l.bf16.f32 v23;
	[tilespmem:v15+s26+$0x0] =	vst.idx.msk $0xffff, v17;
	v17 =	vor.u32 s10, v4  }
0x33c: {  	v14 =	vor.u32 s10, v5;
	v15 =	vmul.f32 v20, v10;
	v22 =	vmul.f32 v16, v12;
	v16 =	vld [tilespmem:s15+$0xFFFFFFF0]  }
0x33d: {  	v19 =	vunpack.i.u.bf16.f32 v23;
	v18 =	vmul.f32 v18, v10;
	v23 =	vunpack.i.l.bf16.f32 v61;
	[tilespmem:v21+s26+$0x0] =	vst.idx.msk $0xffff, v25  }
0x33e: {  	v21 =	vor.u32 s3, v3;
	v23 =	vmul.f32 v23, v9;
	[tilespmem:v60+s26+$0x0] =	vst.idx.msk $0xffff, v15;
	v15 =	vunpack.i.u.bf16.f32 v61;
	v20 =	vld [tilespmem:s14+$0x10]  }
0x33f: {  	s13 =	simm.s32 $0x3C00;
	v19 =	vmul.f32 v19, v12;
	s15 =	simm.s32 $0x4;
	[tilespmem:v63+s26+$0x0] =	vst.idx.msk $0xffff, v22;
	v22 =	vmul.f32 v15, v9;
	v15 =	vor.u32 s8, v6  }
.LBB2_18:
0x340: {  	s5 =	sadd.s32 $0xA2, s15;
	s17 =	sshll.u32 s15, $0x7;
	s20 =	sadd.s32 $0xA3, s15;
	v24 =	vor.u32 s11, v2;
	v25 =	vor.u32 s11, v3;
	[tilespmem:v17+s26+$0x0] =	vst.idx.msk $0xffff, v23;
	v17 =	vor.u32 s8, v7  }
0x341: {  	s15 =	sadd.s32 $0x2, s15;
	s8 =	smov.u32 s3;
	v23 =	vmov s5;
	v26 =	vmov s20;
	s5 =	sadd.s32 $0x180, s17;
	[tilespmem:v14+s26+$0x0] =	vst.idx.msk $0xffff, v22;
	v14 =	vunpack.i.l.bf16.f32 v16  }
0x342: {  	s3 =	smov.u32 s12;
	p1 =	slt.u32 s15, $0x4E;
	v16 =	vunpack.i.u.bf16.f32 v16;
	v22 =	vand.u32 $0xFFFFFFFE, v23;
	v23 =	vor.u32 s5, v0;
	v27 =	vld [tilespmem:s9+$0x30]  }
0x343: {  	v16 =	vmul.f32 v16, v8;
	v22 =	vbroadcast v22, $0x0;
	v28 =	vunpack.i.l.bf16.f32 v20;
	[tilespmem:v21+s26+$0x0] =	vst.idx.msk $0xffff, v18  }
0x344: {  	s14 =	sadd.s32 $0x80, s14;
	s12 =	sshll.u32 s15, $0x7;
	v14 =	vmul.f32 v14, v8;
	v8 =	vmovc v10;
	v10 =	vmovc v12;
	v18 =	vunpack.i.u.bf16.f32 v20;
	v20 =	vmul.f32 v28, v11;
	v21 =	vld [tilespmem:s9+$0xFFFFFFE0]  }
0x345: {  	v18 =	vmul.f32 v18, v11;
	v28 =	vld [tilespmem:s14+$0x0];
	[tilespmem:v13+s26+$0x0] =	vst.idx.msk $0xffff, v19;
	v13 =	vor.u32 s12, v1;
	v19 =	vor.u32 s10, v6  }
0x346: {  	v30 =	vor.u32 s10, v7;
	v29 =	vor.u32 s8, v5;
	s10 =	smov.u32 s11;
	s11 =	smov.u32 s5;
	v26 =	vld.idx.msk [tilespmem:v26+s18+$0x0], $0xffff;
	[tilespmem:v15+s26+$0x0] =	vst.idx.msk $0xffff, v14  }
0x347: {  	v15 =	vld [tilespmem:s14+$0xFFFFFFC0];
	[tilespmem:v24+s26+$0x0] =	vst.idx.msk $0xffff, v20;
	v20 =	vor.u32 s8, v4;
	v12 =	vunpack.i.u.bf16.f32 v27;
	v24 =	vunpack.i.l.bf16.f32 v27  }
0x348: {  	v14 =	vor.u32 s10, v5;
	v27 =	vld [tilespmem:s13+$0xFFFFFFD0];
	v24 =	vmul.f32 v24, v9;
	v31 =	vmul.f32 v12, v9;
	[tilespmem:v17+s26+$0x0] =	vst.idx.msk $0xffff, v16  }
0x349: {  	v9 =	vmovc v11;
	v12 =	vld.idx.msk [tilespmem:v22+s18+$0x0], $0xffff;
	v22 =	vor.u32 s3, v2;
	[tilespmem:v25+s26+$0x0] =	vst.idx.msk $0xffff, v18;
	v16 =	vunpack.i.u.bf16.f32 v21;
	v17 =	vunpack.i.l.bf16.f32 v21  }
0x34a: {  	v21 =	vor.u32 s11, v1;
	v25 =	vld [tilespmem:s13+$0x20];
	v32 =	vmul.f32 v17, v8;
	v16 =	vmul.f32 v16, v8;
	[tilespmem:v19+s26+$0x0] =	vst.idx.msk $0xffff, v24  }
0x34b: {  	v24 =	vor.u32 s12, v0;
	v17 =	vunpack.i.u.bf16.f32 v28;
	v18 =	vunpack.i.l.bf16.f32 v28;
	[tilespmem:v30+s26+$0x0] =	vst.idx.msk $0xffff, v31  }
0x34c: {  	v18 =	vmul.f32 v18, v26;
	v28 =	vmul.f32 v17, v26;
	v17 =	vor.u32 s10, v4;
	[tilespmem:v20+s26+$0x0] =	vst.idx.msk $0xffff, v32  }
.Ltmp8:
0x34d: {  	v11 =	vmovc v26;
	v19 =	vunpack.i.u.bf16.f32 v15;
	v20 =	vunpack.i.u.bf16.f32 v27;
	v27 =	vunpack.i.l.bf16.f32 v27;
	[tilespmem:v29+s26+$0x0] =	vst.idx.msk $0xffff, v16;
	(pc) =	sbr.rel @p1 .LBB2_18-.Ltmp8, $4  }
0x34e: {  	v15 =	vunpack.i.l.bf16.f32 v15;
	[tilespmem:v23+s26+$0x0] =	vst.idx.msk $0xffff, v18;
	v23 =	vmul.f32 v27, v10;
	v18 =	vmul.f32 v20, v10;
	v16 =	vld [tilespmem:s9+$0xFFFFFFF0];
	s9 =	smov.u32 s13;
	s13 =	smov.u32 s14  }
0x34f: {  	v15 =	vmul.f32 v15, v12;
	v19 =	vmul.f32 v19, v12;
	[tilespmem:v21+s26+$0x0] =	vst.idx.msk $0xffff, v28;
	v26 =	vunpack.i.l.bf16.f32 v25  }
0x350: {  	v21 =	vor.u32 s3, v3;
	v20 =	vld [tilespmem:s14+$0x10];
	[tilespmem:v22+s26+$0x0] =	vst.idx.msk $0xffff, v23;
	v22 =	vunpack.i.u.bf16.f32 v25;
	v23 =	vmul.f32 v26, v9  }
0x351: {  	[tilespmem:v24+s26+$0x0] =	vst.idx.msk $0xffff, v15;
	v22 =	vmul.f32 v22, v9;
	v15 =	vor.u32 s8, v6  }
0x352: {  	_ =	sdelay $0x3  }
0x353: {  	[tilespmem:v13+s26+$0x0] =	vst.idx.msk $0xffff, v19  }
0x354: {  	v13 =	vld [tilespmem:s13+$0xFFFFFFD0]  }
0x355: {  	v19 =	vor.u32 s11, v2  }
0x356: {  	v24 =	vor.u32 s11, v3  }
0x357: {  	v26 =	vor.u32 s12, v2;
	v25 =	vunpack.i.l.bf16.f32 v20  }
0x358: {  	v27 =	vor.u32 s12, v3;
	v20 =	vunpack.i.u.bf16.f32 v20;
	v25 =	vmul.f32 v25, v11  }
0x359: {  	[tilespmem:v21+s26+$0x0] =	vst.idx.msk $0xffff, v18;
	v18 =	vmul.f32 v20, v11;
	v20 =	vunpack.i.l.bf16.f32 v13  }
0x35a: {  	v21 =	vld [tilespmem:s9+$0xFFFFFFE0];
	[tilespmem:v19+s26+$0x0] =	vst.idx.msk $0xffff, v25;
	v13 =	vunpack.i.u.bf16.f32 v13;
	v19 =	vmul.f32 v20, v12  }
0x35b: {  	[tilespmem:v24+s26+$0x0] =	vst.idx.msk $0xffff, v18;
	v13 =	vmul.f32 v13, v12  }
0x35c: {  	v18 =	vld [tilespmem:s13+$0x20];
	[tilespmem:v26+s26+$0x0] =	vst.idx.msk $0xffff, v19  }
0x35d: {  	v19 =	vor.u32 s3, v4;
	[tilespmem:v27+s26+$0x0] =	vst.idx.msk $0xffff, v13  }
0x35e: {  	v13 =	vor.u32 s3, v5;
	v20 =	vld [tilespmem:s13+$0xFFFFFFE0]  }
0x35f: {  	v51 =	vor.u32 s11, v4;
	v50 =	vunpack.i.l.bf16.f32 v21  }
0x360: {  	[tilespmem:v17+s26+$0x0] =	vst.idx.msk $0xffff, v23;
	v17 =	vor.u32 s11, v5;
	v21 =	vunpack.i.u.bf16.f32 v21;
	v23 =	vmul.f32 v50, v10  }
0x361: {  	[tilespmem:v14+s26+$0x0] =	vst.idx.msk $0xffff, v22;
	v22 =	vor.u32 s12, v4;
	v14 =	vmul.f32 v21, v10;
	v21 =	vunpack.i.l.bf16.f32 v18  }
0x362: {  	v52 =	vld [tilespmem:s9+$0x30];
	v18 =	vunpack.i.u.bf16.f32 v18;
	[tilespmem:v19+s26+$0x0] =	vst.idx.msk $0xffff, v23;
	v19 =	vmul.f32 v21, v11;
	v21 =	vor.u32 s12, v5  }
0x363: {  	[tilespmem:v13+s26+$0x0] =	vst.idx.msk $0xffff, v14;
	v13 =	vmul.f32 v18, v11;
	v14 =	vunpack.i.l.bf16.f32 v20  }
0x364: {  	v18 =	vor.u32 s8, v7;
	v23 =	vld [tilespmem:s9+$0xFFFFFFF0];
	[tilespmem:v51+s26+$0x0] =	vst.idx.msk $0xffff, v19;
	v19 =	vunpack.i.u.bf16.f32 v20;
	v14 =	vmul.f32 v14, v12  }
0x365: {  	v53 =	vor.u32 s10, v6;
	v20 =	vunpack.i.l.bf16.f32 v16;
	[tilespmem:v17+s26+$0x0] =	vst.idx.msk $0xffff, v13;
	v13 =	vmul.f32 v19, v12  }
0x366: {  	v16 =	vunpack.i.u.bf16.f32 v16;
	v17 =	vmul.f32 v20, v8;
	v19 =	vor.u32 s10, v7;
	v20 =	vld [tilespmem:s13+$0x30];
	[tilespmem:v22+s26+$0x0] =	vst.idx.msk $0xffff, v14  }
0x367: {  	v8 =	vmul.f32 v16, v8;
	v16 =	vor.u32 s3, v6;
	v14 =	vunpack.i.l.bf16.f32 v52;
	[tilespmem:v21+s26+$0x0] =	vst.idx.msk $0xffff, v13  }
0x368: {  	[tilespmem:v15+s26+$0x0] =	vst.idx.msk $0xffff, v17;
	v15 =	vor.u32 s3, v7;
	v13 =	vunpack.i.u.bf16.f32 v52;
	v14 =	vmul.f32 v14, v9;
	v17 =	vld [tilespmem:s13+$0xFFFFFFF0]  }
0x369: {  	[tilespmem:v18+s26+$0x0] =	vst.idx.msk $0xffff, v8;
	v9 =	vmul.f32 v13, v9;
	v8 =	vunpack.i.l.bf16.f32 v23;
	v13 =	vor.u32 s11, v6  }
0x36a: {  	v18 =	vor.u32 s11, v7;
	[tilespmem:v53+s26+$0x0] =	vst.idx.msk $0xffff, v14;
	v14 =	vunpack.i.u.bf16.f32 v23;
	v8 =	vmul.f32 v8, v10  }
0x36b: {  	[tilespmem:v19+s26+$0x0] =	vst.idx.msk $0xffff, v9;
	v9 =	vmul.f32 v14, v10;
	v10 =	vunpack.i.l.bf16.f32 v20;
	v14 =	vor.u32 s12, v6  }
0x36c: {  	[tilespmem:v16+s26+$0x0] =	vst.idx.msk $0xffff, v8;
	v8 =	vunpack.i.u.bf16.f32 v20;
	v10 =	vmul.f32 v10, v11;
	v16 =	vor.u32 s12, v7  }
0x36d: {  	v8 =	vmul.f32 v8, v11;
	[tilespmem:v15+s26+$0x0] =	vst.idx.msk $0xffff, v9;
	v9 =	vunpack.i.l.bf16.f32 v17  }
0x36e: {  	[tilespmem:v13+s26+$0x0] =	vst.idx.msk $0xffff, v10;
	v10 =	vunpack.i.u.bf16.f32 v17;
	v9 =	vmul.f32 v9, v12  }
0x36f: {  	[tilespmem:v18+s26+$0x0] =	vst.idx.msk $0xffff, v8;
	v8 =	vmul.f32 v10, v12  }
0x370: {  	[tilespmem:v14+s26+$0x0] =	vst.idx.msk $0xffff, v9  }
0x371: {  	s13 =	simm.s32 $0x6E0;
	[tilespmem:v16+s26+$0x0] =	vst.idx.msk $0xffff, v8  }
0x372: {  	[spmem:s2] =	stream.indirect.scatter.add.f32 [tilespmem:s26], [sflag:$0x5], $0x80, s13, s19, $0xb8;
	[tilespmem:$0x1EB40] =	vst v63  }
0x373: {  	_ =	swait.ge [sflag:s0], $0x1400  }
0x374: {  	s14 =	simm.s32 $0xF1;
	[sflag:s0] =	ssyncset.done $0x0  }
0x375: {  	v8 =	vmov s14;
	[sflag:s0] =	ssyncadd.s32 $0xFFFFEC00  }
0x376: {  	_ =	swait.ge [sflag:s1], $0x2800  }
0x377: {  	[sflag:s1] =	ssyncset.done $0x0  }
0x378: {  	s15 =	simm.s32 $0x4F00;
	[sflag:s1] =	ssyncadd.s32 $0xFFFFD800  }
0x379: {  	v9 =	vld [tilespmem:s15+$0x0]  }
0x37a: {  	v12 =	vld.idx.msk [tilespmem:v8+s18+$0x0], $0xffff  }
0x37b: {  	s5 =	simm.s32 $0x80  }
0x37c: {  	v8 =	vor.u32 s5, v0  }
0x37d: {  	s17 =	simm.s32 $0xF0;
	v10 =	vor.u32 s5, v1  }
0x37e: {  	v11 =	vmov s17;
	v13 =	vunpack.i.l.bf16.f32 v9  }
0x37f: {  	v11 =	vand.u32 $0xFFFFFFFE, v11;
	v9 =	vunpack.i.u.bf16.f32 v9;
	v13 =	vmul.f32 v13, v12  }
0x380: {  	v11 =	vbroadcast v11, $0x0;
	v9 =	vmul.f32 v9, v12  }
0x381: {  	[tilespmem:v8+s29+$0x0] =	vst.idx.msk $0xffff, v13  }
0x382: {  	[tilespmem:v10+s29+$0x0] =	vst.idx.msk $0xffff, v9  }
0x383: {  	v9 =	vld [tilespmem:s15+$0x10];
	_ =	sdelay $0x1  }
0x384: {  	s20 =	simm.s32 $0xF3;
	v10 =	vld [tilespmem:s15+$0xFFFFFFC0]  }
0x385: {  	v8 =	vld.idx.msk [tilespmem:v11+s18+$0x0], $0xffff;
	v11 =	vor.u32 s5, v2;
	v13 =	vmov s20  }
0x386: {  	s8 =	simm.s32 $0x0;
	v14 =	vor.u32 s5, v3  }
0x387: {  	v15 =	vor.u32 s8, v0;
	v16 =	vunpack.i.l.bf16.f32 v9  }
0x388: {  	s21 =	simm.s32 $0xF2;
	s9 =	simm.s32 $0x4F80;
	v17 =	vor.u32 s8, v1;
	v9 =	vunpack.i.u.bf16.f32 v9;
	v16 =	vmul.f32 v16, v12  }
0x389: {  	v19 =	vmov s21;
	v20 =	vld [tilespmem:s9+$0x0];
	v18 =	vunpack.i.l.bf16.f32 v10;
	v21 =	vmul.f32 v9, v12  }
0x38a: {  	v19 =	vand.u32 $0xFFFFFFFE, v19;
	v10 =	vunpack.i.u.bf16.f32 v10;
	v18 =	vmul.f32 v18, v8;
	v9 =	vld.idx.msk [tilespmem:v13+s18+$0x0], $0xffff;
	[tilespmem:v11+s29+$0x0] =	vst.idx.msk $0xffff, v16  }
0x38b: {  	s10 =	simm.s32 $0x180;
	v10 =	vmul.f32 v10, v8;
	v11 =	vbroadcast v19, $0x0;
	[tilespmem:v14+s29+$0x0] =	vst.idx.msk $0xffff, v21  }
0x38c: {  	v13 =	vor.u32 s10, v0;
	[tilespmem:v15+s29+$0x0] =	vst.idx.msk $0xffff, v18;
	v14 =	vld [tilespmem:s15+$0x20]  }
0x38d: {  	v15 =	vor.u32 s10, v1;
	[tilespmem:v17+s29+$0x0] =	vst.idx.msk $0xffff, v10;
	v17 =	vld [tilespmem:s9+$0xFFFFFFC0]  }
0x38e: {  	v10 =	vunpack.i.l.bf16.f32 v20;
	v16 =	vld [tilespmem:s15+$0xFFFFFFD0]  }
0x38f: {  	v18 =	vunpack.i.u.bf16.f32 v20;
	v20 =	vor.u32 s5, v4;
	v19 =	vmul.f32 v10, v9  }
0x390: {  	v21 =	vor.u32 s5, v5;
	v18 =	vmul.f32 v18, v9  }
0x391: {  	[tilespmem:v13+s29+$0x0] =	vst.idx.msk $0xffff, v19;
	v10 =	vld.idx.msk [tilespmem:v11+s18+$0x0], $0xffff;
	v11 =	vor.u32 s8, v2;
	v13 =	vunpack.i.l.bf16.f32 v14  }
0x392: {  	[tilespmem:v15+s29+$0x0] =	vst.idx.msk $0xffff, v18;
	v15 =	vor.u32 s8, v3;
	v14 =	vunpack.i.u.bf16.f32 v14;
	v13 =	vmul.f32 v13, v12  }
0x393: {  	s3 =	simm.s32 $0x100;
	v54 =	vunpack.i.u.bf16.f32 v17;
	v19 =	vunpack.i.l.bf16.f32 v16;
	v14 =	vmul.f32 v14, v12  }
0x394: {  	s22 =	simm.s32 $0xF5;
	v18 =	vor.u32 s3, v0;
	v16 =	vunpack.i.u.bf16.f32 v16;
	v23 =	vld [tilespmem:s9+$0x10];
	v19 =	vmul.f32 v19, v8;
	[tilespmem:v20+s29+$0x0] =	vst.idx.msk $0xffff, v13  }
0x395: {  	s23 =	simm.s32 $0xF4;
	v16 =	vmul.f32 v16, v8;
	v13 =	vunpack.i.l.bf16.f32 v17;
	v17 =	vmov s22;
	[tilespmem:v21+s29+$0x0] =	vst.idx.msk $0xffff, v14  }
0x396: {  	v22 =	vor.u32 s3, v1;
	[tilespmem:v11+s29+$0x0] =	vst.idx.msk $0xffff, v19;
	v11 =	vmov s23;
	v19 =	vld [tilespmem:s15+$0x30]  }
0x397: {  	v20 =	vor.u32 s10, v2;
	v11 =	vand.u32 $0xFFFFFFFE, v11;
	[tilespmem:v15+s29+$0x0] =	vst.idx.msk $0xffff, v16  }
0x398: {  	s14 =	simm.s32 $0x5000;
	v13 =	vmul.f32 v13, v10;
	v21 =	vor.u32 s10, v3;
	v16 =	vbroadcast v11, $0x0;
	v55 =	vld [tilespmem:s15+$0xFFFFFFE0]  }
0x399: {  	v58 =	vor.u32 s5, v6;
	v57 =	vld [tilespmem:s14+$0x0];
	v14 =	vmul.f32 v54, v10;
	v11 =	vunpack.i.l.bf16.f32 v23  }
0x39a: {  	v23 =	vunpack.i.u.bf16.f32 v23;
	[tilespmem:v18+s29+$0x0] =	vst.idx.msk $0xffff, v13;
	v56 =	vmul.f32 v11, v9;
	v11 =	vld.idx.msk [tilespmem:v17+s18+$0x0], $0xffff;
	v17 =	vor.u32 s5, v7  }
0x39b: {  	v28 =	vor.u32 s8, v4;
	v18 =	vmul.f32 v23, v9;
	[tilespmem:v22+s29+$0x0] =	vst.idx.msk $0xffff, v14;
	v29 =	vunpack.i.l.bf16.f32 v19  }
0x39c: {  	s11 =	simm.s32 $0x280;
	v22 =	vor.u32 s8, v5;
	[tilespmem:v20+s29+$0x0] =	vst.idx.msk $0xffff, v56;
	v20 =	vld [tilespmem:s9+$0xFFFFFFD0];
	v19 =	vunpack.i.u.bf16.f32 v19;
	v59 =	vmul.f32 v29, v12  }
0x39d: {  	v15 =	vor.u32 s11, v0;
	v23 =	vld [tilespmem:s14+$0xFFFFFFC0];
	[tilespmem:v21+s29+$0x0] =	vst.idx.msk $0xffff, v18;
	v19 =	vmul.f32 v19, v12;
	v18 =	vunpack.i.l.bf16.f32 v55  }
0x39e: {  	v60 =	vor.u32 s3, v2;
	v12 =	vld.idx.msk [tilespmem:v16+s18+$0x0], $0xffff;
	v16 =	vunpack.i.u.bf16.f32 v55;
	v18 =	vmul.f32 v18, v8;
	[tilespmem:v58+s29+$0x0] =	vst.idx.msk $0xffff, v59  }
0x39f: {  	s12 =	simm.s32 $0x200;
	v26 =	vunpack.i.l.bf16.f32 v57;
	v21 =	vor.u32 s11, v1;
	v61 =	vld [tilespmem:s9+$0x20];
	v16 =	vmul.f32 v16, v8;
	[tilespmem:v17+s29+$0x0] =	vst.idx.msk $0xffff, v19  }
0x3a0: {  	v63 =	vor.u32 s12, v0;
	v62 =	vunpack.i.u.bf16.f32 v57;
	v17 =	vmul.f32 v26, v11;
	[tilespmem:v28+s29+$0x0] =	vst.idx.msk $0xffff, v18  }
0x3a1: {  	v13 =	vor.u32 s12, v1;
	v25 =	vmul.f32 v62, v11;
	v18 =	vunpack.i.u.bf16.f32 v20;
	[tilespmem:v22+s29+$0x0] =	vst.idx.msk $0xffff, v16  }
0x3a2: {  	v20 =	vunpack.i.l.bf16.f32 v20;
	v16 =	vunpack.i.l.bf16.f32 v23;
	[tilespmem:v15+s29+$0x0] =	vst.idx.msk $0xffff, v17;
	v17 =	vor.u32 s10, v4  }
0x3a3: {  	v14 =	vor.u32 s10, v5;
	v15 =	vmul.f32 v20, v10;
	v22 =	vmul.f32 v16, v12;
	v16 =	vld [tilespmem:s15+$0xFFFFFFF0]  }
0x3a4: {  	v19 =	vunpack.i.u.bf16.f32 v23;
	v18 =	vmul.f32 v18, v10;
	v23 =	vunpack.i.l.bf16.f32 v61;
	[tilespmem:v21+s29+$0x0] =	vst.idx.msk $0xffff, v25  }
0x3a5: {  	v21 =	vor.u32 s3, v3;
	v23 =	vmul.f32 v23, v9;
	[tilespmem:v60+s29+$0x0] =	vst.idx.msk $0xffff, v15;
	v15 =	vunpack.i.u.bf16.f32 v61;
	v20 =	vld [tilespmem:s14+$0x10]  }
0x3a6: {  	s13 =	simm.s32 $0x5000;
	v19 =	vmul.f32 v19, v12;
	s15 =	simm.s32 $0x4;
	[tilespmem:v63+s29+$0x0] =	vst.idx.msk $0xffff, v22;
	v22 =	vmul.f32 v15, v9;
	v15 =	vor.u32 s8, v6  }
.LBB2_20:
0x3a7: {  	s5 =	sadd.s32 $0xF2, s15;
	s17 =	sshll.u32 s15, $0x7;
	s20 =	sadd.s32 $0xF3, s15;
	v24 =	vor.u32 s11, v2;
	v25 =	vor.u32 s11, v3;
	[tilespmem:v17+s29+$0x0] =	vst.idx.msk $0xffff, v23;
	v17 =	vor.u32 s8, v7  }
0x3a8: {  	s15 =	sadd.s32 $0x2, s15;
	s8 =	smov.u32 s3;
	v23 =	vmov s5;
	v26 =	vmov s20;
	s5 =	sadd.s32 $0x180, s17;
	[tilespmem:v14+s29+$0x0] =	vst.idx.msk $0xffff, v22;
	v14 =	vunpack.i.l.bf16.f32 v16  }
0x3a9: {  	s3 =	smov.u32 s12;
	p1 =	slt.u32 s15, $0x4E;
	v16 =	vunpack.i.u.bf16.f32 v16;
	v22 =	vand.u32 $0xFFFFFFFE, v23;
	v23 =	vor.u32 s5, v0;
	v27 =	vld [tilespmem:s9+$0x30]  }
0x3aa: {  	v16 =	vmul.f32 v16, v8;
	v22 =	vbroadcast v22, $0x0;
	v28 =	vunpack.i.l.bf16.f32 v20;
	[tilespmem:v21+s29+$0x0] =	vst.idx.msk $0xffff, v18  }
0x3ab: {  	s14 =	sadd.s32 $0x80, s14;
	s12 =	sshll.u32 s15, $0x7;
	v14 =	vmul.f32 v14, v8;
	v8 =	vmovc v10;
	v10 =	vmovc v12;
	v18 =	vunpack.i.u.bf16.f32 v20;
	v20 =	vmul.f32 v28, v11;
	v21 =	vld [tilespmem:s9+$0xFFFFFFE0]  }
0x3ac: {  	v18 =	vmul.f32 v18, v11;
	v28 =	vld [tilespmem:s14+$0x0];
	[tilespmem:v13+s29+$0x0] =	vst.idx.msk $0xffff, v19;
	v13 =	vor.u32 s12, v1;
	v19 =	vor.u32 s10, v6  }
0x3ad: {  	v30 =	vor.u32 s10, v7;
	v29 =	vor.u32 s8, v5;
	s10 =	smov.u32 s11;
	s11 =	smov.u32 s5;
	v26 =	vld.idx.msk [tilespmem:v26+s18+$0x0], $0xffff;
	[tilespmem:v15+s29+$0x0] =	vst.idx.msk $0xffff, v14  }
0x3ae: {  	v15 =	vld [tilespmem:s14+$0xFFFFFFC0];
	[tilespmem:v24+s29+$0x0] =	vst.idx.msk $0xffff, v20;
	v20 =	vor.u32 s8, v4;
	v12 =	vunpack.i.u.bf16.f32 v27;
	v24 =	vunpack.i.l.bf16.f32 v27  }
0x3af: {  	v14 =	vor.u32 s10, v5;
	v27 =	vld [tilespmem:s13+$0xFFFFFFD0];
	v24 =	vmul.f32 v24, v9;
	v31 =	vmul.f32 v12, v9;
	[tilespmem:v17+s29+$0x0] =	vst.idx.msk $0xffff, v16  }
0x3b0: {  	v9 =	vmovc v11;
	v12 =	vld.idx.msk [tilespmem:v22+s18+$0x0], $0xffff;
	v22 =	vor.u32 s3, v2;
	[tilespmem:v25+s29+$0x0] =	vst.idx.msk $0xffff, v18;
	v16 =	vunpack.i.u.bf16.f32 v21;
	v17 =	vunpack.i.l.bf16.f32 v21  }
0x3b1: {  	v21 =	vor.u32 s11, v1;
	v25 =	vld [tilespmem:s13+$0x20];
	v32 =	vmul.f32 v17, v8;
	v16 =	vmul.f32 v16, v8;
	[tilespmem:v19+s29+$0x0] =	vst.idx.msk $0xffff, v24  }
0x3b2: {  	v24 =	vor.u32 s12, v0;
	v17 =	vunpack.i.u.bf16.f32 v28;
	v18 =	vunpack.i.l.bf16.f32 v28;
	[tilespmem:v30+s29+$0x0] =	vst.idx.msk $0xffff, v31  }
0x3b3: {  	v18 =	vmul.f32 v18, v26;
	v28 =	vmul.f32 v17, v26;
	v17 =	vor.u32 s10, v4;
	[tilespmem:v20+s29+$0x0] =	vst.idx.msk $0xffff, v32  }
.Ltmp9:
0x3b4: {  	v11 =	vmovc v26;
	v19 =	vunpack.i.u.bf16.f32 v15;
	v20 =	vunpack.i.u.bf16.f32 v27;
	v27 =	vunpack.i.l.bf16.f32 v27;
	[tilespmem:v29+s29+$0x0] =	vst.idx.msk $0xffff, v16;
	(pc) =	sbr.rel @p1 .LBB2_20-.Ltmp9, $4  }
0x3b5: {  	v15 =	vunpack.i.l.bf16.f32 v15;
	[tilespmem:v23+s29+$0x0] =	vst.idx.msk $0xffff, v18;
	v23 =	vmul.f32 v27, v10;
	v18 =	vmul.f32 v20, v10;
	v16 =	vld [tilespmem:s9+$0xFFFFFFF0];
	s9 =	smov.u32 s13;
	s13 =	smov.u32 s14  }
0x3b6: {  	v15 =	vmul.f32 v15, v12;
	v19 =	vmul.f32 v19, v12;
	[tilespmem:v21+s29+$0x0] =	vst.idx.msk $0xffff, v28;
	v26 =	vunpack.i.l.bf16.f32 v25  }
0x3b7: {  	v21 =	vor.u32 s3, v3;
	v20 =	vld [tilespmem:s14+$0x10];
	[tilespmem:v22+s29+$0x0] =	vst.idx.msk $0xffff, v23;
	v22 =	vunpack.i.u.bf16.f32 v25;
	v23 =	vmul.f32 v26, v9  }
0x3b8: {  	[tilespmem:v24+s29+$0x0] =	vst.idx.msk $0xffff, v15;
	v22 =	vmul.f32 v22, v9;
	v15 =	vor.u32 s8, v6  }
0x3b9: {  	_ =	sdelay $0x3  }
0x3ba: {  	[tilespmem:v13+s29+$0x0] =	vst.idx.msk $0xffff, v19  }
0x3bb: {  	v13 =	vld [tilespmem:s13+$0xFFFFFFD0]  }
0x3bc: {  	v19 =	vor.u32 s11, v2  }
0x3bd: {  	v24 =	vor.u32 s11, v3  }
0x3be: {  	v26 =	vor.u32 s12, v2;
	v25 =	vunpack.i.l.bf16.f32 v20  }
0x3bf: {  	v27 =	vor.u32 s12, v3;
	v20 =	vunpack.i.u.bf16.f32 v20;
	v25 =	vmul.f32 v25, v11  }
0x3c0: {  	[tilespmem:v21+s29+$0x0] =	vst.idx.msk $0xffff, v18;
	v18 =	vmul.f32 v20, v11;
	v20 =	vunpack.i.l.bf16.f32 v13  }
0x3c1: {  	v21 =	vld [tilespmem:s9+$0xFFFFFFE0];
	[tilespmem:v19+s29+$0x0] =	vst.idx.msk $0xffff, v25;
	v13 =	vunpack.i.u.bf16.f32 v13;
	v19 =	vmul.f32 v20, v12  }
0x3c2: {  	[tilespmem:v24+s29+$0x0] =	vst.idx.msk $0xffff, v18;
	v13 =	vmul.f32 v13, v12  }
0x3c3: {  	v18 =	vld [tilespmem:s13+$0x20];
	[tilespmem:v26+s29+$0x0] =	vst.idx.msk $0xffff, v19  }
0x3c4: {  	v19 =	vor.u32 s3, v4;
	[tilespmem:v27+s29+$0x0] =	vst.idx.msk $0xffff, v13  }
0x3c5: {  	v13 =	vor.u32 s3, v5;
	v20 =	vld [tilespmem:s13+$0xFFFFFFE0]  }
0x3c6: {  	v51 =	vor.u32 s11, v4;
	v50 =	vunpack.i.l.bf16.f32 v21  }
0x3c7: {  	[tilespmem:v17+s29+$0x0] =	vst.idx.msk $0xffff, v23;
	v17 =	vor.u32 s11, v5;
	v21 =	vunpack.i.u.bf16.f32 v21;
	v23 =	vmul.f32 v50, v10  }
0x3c8: {  	[tilespmem:v14+s29+$0x0] =	vst.idx.msk $0xffff, v22;
	v22 =	vor.u32 s12, v4;
	v14 =	vmul.f32 v21, v10;
	v21 =	vunpack.i.l.bf16.f32 v18  }
0x3c9: {  	v52 =	vld [tilespmem:s9+$0x30];
	v18 =	vunpack.i.u.bf16.f32 v18;
	[tilespmem:v19+s29+$0x0] =	vst.idx.msk $0xffff, v23;
	v19 =	vmul.f32 v21, v11;
	v21 =	vor.u32 s12, v5  }
0x3ca: {  	[tilespmem:v13+s29+$0x0] =	vst.idx.msk $0xffff, v14;
	v13 =	vmul.f32 v18, v11;
	v14 =	vunpack.i.l.bf16.f32 v20  }
0x3cb: {  	v18 =	vor.u32 s8, v7;
	v23 =	vld [tilespmem:s9+$0xFFFFFFF0];
	[tilespmem:v51+s29+$0x0] =	vst.idx.msk $0xffff, v19;
	v19 =	vunpack.i.u.bf16.f32 v20;
	v14 =	vmul.f32 v14, v12  }
0x3cc: {  	v53 =	vor.u32 s10, v6;
	v20 =	vunpack.i.l.bf16.f32 v16;
	[tilespmem:v17+s29+$0x0] =	vst.idx.msk $0xffff, v13;
	v13 =	vmul.f32 v19, v12  }
0x3cd: {  	v16 =	vunpack.i.u.bf16.f32 v16;
	v17 =	vmul.f32 v20, v8;
	v19 =	vor.u32 s10, v7;
	v20 =	vld [tilespmem:s13+$0x30];
	[tilespmem:v22+s29+$0x0] =	vst.idx.msk $0xffff, v14  }
0x3ce: {  	v8 =	vmul.f32 v16, v8;
	v16 =	vor.u32 s3, v6;
	v14 =	vunpack.i.l.bf16.f32 v52;
	[tilespmem:v21+s29+$0x0] =	vst.idx.msk $0xffff, v13  }
0x3cf: {  	[tilespmem:v15+s29+$0x0] =	vst.idx.msk $0xffff, v17;
	v15 =	vor.u32 s3, v7;
	v13 =	vunpack.i.u.bf16.f32 v52;
	v14 =	vmul.f32 v14, v9;
	v17 =	vld [tilespmem:s13+$0xFFFFFFF0]  }
0x3d0: {  	[tilespmem:v18+s29+$0x0] =	vst.idx.msk $0xffff, v8;
	v9 =	vmul.f32 v13, v9;
	v8 =	vunpack.i.l.bf16.f32 v23;
	v13 =	vor.u32 s11, v6  }
0x3d1: {  	v18 =	vor.u32 s11, v7;
	[tilespmem:v53+s29+$0x0] =	vst.idx.msk $0xffff, v14;
	v14 =	vunpack.i.u.bf16.f32 v23;
	v8 =	vmul.f32 v8, v10  }
0x3d2: {  	[tilespmem:v19+s29+$0x0] =	vst.idx.msk $0xffff, v9;
	v9 =	vmul.f32 v14, v10;
	v10 =	vunpack.i.l.bf16.f32 v20;
	v14 =	vor.u32 s12, v6  }
0x3d3: {  	[tilespmem:v16+s29+$0x0] =	vst.idx.msk $0xffff, v8;
	v8 =	vunpack.i.u.bf16.f32 v20;
	v10 =	vmul.f32 v10, v11;
	v16 =	vor.u32 s12, v7  }
0x3d4: {  	v8 =	vmul.f32 v8, v11;
	[tilespmem:v15+s29+$0x0] =	vst.idx.msk $0xffff, v9;
	v9 =	vunpack.i.l.bf16.f32 v17  }
0x3d5: {  	[tilespmem:v13+s29+$0x0] =	vst.idx.msk $0xffff, v10;
	v10 =	vunpack.i.u.bf16.f32 v17;
	v9 =	vmul.f32 v9, v12  }
0x3d6: {  	[tilespmem:v18+s29+$0x0] =	vst.idx.msk $0xffff, v8;
	v8 =	vmul.f32 v10, v12  }
0x3d7: {  	[tilespmem:v14+s29+$0x0] =	vst.idx.msk $0xffff, v9  }
0x3d8: {  	s13 =	simm.s32 $0x730;
	[tilespmem:v16+s29+$0x0] =	vst.idx.msk $0xffff, v8  }
0x3d9: {  	[spmem:s2] =	stream.indirect.scatter.add.f32 [tilespmem:s29], [sflag:$0x6], $0x80, s13, s19, $0xb8;
	[tilespmem:$0x1EB40] =	vst v63  }
0x3da: {  	_ =	swait.ge [sflag:s25], $0x1400  }
0x3db: {  	s14 =	simm.s32 $0x141;
	[sflag:s25] =	ssyncset.done $0x0  }
0x3dc: {  	v8 =	vmov s14;
	[sflag:s25] =	ssyncadd.s32 $0xFFFFEC00  }
0x3dd: {  	_ =	swait.ge [sflag:s31], $0x2800  }
0x3de: {  	[sflag:s31] =	ssyncset.done $0x0  }
0x3df: {  	s15 =	simm.s32 $0x1300;
	[sflag:s31] =	ssyncadd.s32 $0xFFFFD800  }
0x3e0: {  	v9 =	vld [tilespmem:s15+$0x0]  }
0x3e1: {  	v12 =	vld.idx.msk [tilespmem:v8+s18+$0x0], $0xffff  }
0x3e2: {  	s5 =	simm.s32 $0x80  }
0x3e3: {  	v8 =	vor.u32 s5, v0  }
0x3e4: {  	s17 =	simm.s32 $0x140;
	v10 =	vor.u32 s5, v1  }
0x3e5: {  	v11 =	vmov s17;
	v13 =	vunpack.i.l.bf16.f32 v9  }
0x3e6: {  	v11 =	vand.u32 $0xFFFFFFFE, v11;
	v9 =	vunpack.i.u.bf16.f32 v9;
	v13 =	vmul.f32 v13, v12  }
0x3e7: {  	v11 =	vbroadcast v11, $0x0;
	v9 =	vmul.f32 v9, v12  }
0x3e8: {  	[tilespmem:v8+s26+$0x0] =	vst.idx.msk $0xffff, v13  }
0x3e9: {  	[tilespmem:v10+s26+$0x0] =	vst.idx.msk $0xffff, v9  }
0x3ea: {  	v9 =	vld [tilespmem:s15+$0x10];
	_ =	sdelay $0x1  }
0x3eb: {  	s20 =	simm.s32 $0x143;
	v10 =	vld [tilespmem:s15+$0xFFFFFFC0]  }
0x3ec: {  	v8 =	vld.idx.msk [tilespmem:v11+s18+$0x0], $0xffff;
	v11 =	vor.u32 s5, v2;
	v13 =	vmov s20  }
0x3ed: {  	s8 =	simm.s32 $0x0;
	v14 =	vor.u32 s5, v3  }
0x3ee: {  	v15 =	vor.u32 s8, v0;
	v16 =	vunpack.i.l.bf16.f32 v9  }
0x3ef: {  	s21 =	simm.s32 $0x142;
	s9 =	simm.s32 $0x1380;
	v17 =	vor.u32 s8, v1;
	v9 =	vunpack.i.u.bf16.f32 v9;
	v16 =	vmul.f32 v16, v12  }
0x3f0: {  	v19 =	vmov s21;
	v20 =	vld [tilespmem:s9+$0x0];
	v18 =	vunpack.i.l.bf16.f32 v10;
	v21 =	vmul.f32 v9, v12  }
0x3f1: {  	v19 =	vand.u32 $0xFFFFFFFE, v19;
	v10 =	vunpack.i.u.bf16.f32 v10;
	v18 =	vmul.f32 v18, v8;
	v9 =	vld.idx.msk [tilespmem:v13+s18+$0x0], $0xffff;
	[tilespmem:v11+s26+$0x0] =	vst.idx.msk $0xffff, v16  }
0x3f2: {  	s10 =	simm.s32 $0x180;
	v10 =	vmul.f32 v10, v8;
	v11 =	vbroadcast v19, $0x0;
	[tilespmem:v14+s26+$0x0] =	vst.idx.msk $0xffff, v21  }
0x3f3: {  	v13 =	vor.u32 s10, v0;
	[tilespmem:v15+s26+$0x0] =	vst.idx.msk $0xffff, v18;
	v14 =	vld [tilespmem:s15+$0x20]  }
0x3f4: {  	v15 =	vor.u32 s10, v1;
	[tilespmem:v17+s26+$0x0] =	vst.idx.msk $0xffff, v10;
	v17 =	vld [tilespmem:s9+$0xFFFFFFC0]  }
0x3f5: {  	v10 =	vunpack.i.l.bf16.f32 v20;
	v16 =	vld [tilespmem:s15+$0xFFFFFFD0]  }
0x3f6: {  	v18 =	vunpack.i.u.bf16.f32 v20;
	v20 =	vor.u32 s5, v4;
	v19 =	vmul.f32 v10, v9  }
0x3f7: {  	v21 =	vor.u32 s5, v5;
	v18 =	vmul.f32 v18, v9  }
0x3f8: {  	[tilespmem:v13+s26+$0x0] =	vst.idx.msk $0xffff, v19;
	v10 =	vld.idx.msk [tilespmem:v11+s18+$0x0], $0xffff;
	v11 =	vor.u32 s8, v2;
	v13 =	vunpack.i.l.bf16.f32 v14  }
0x3f9: {  	[tilespmem:v15+s26+$0x0] =	vst.idx.msk $0xffff, v18;
	v15 =	vor.u32 s8, v3;
	v14 =	vunpack.i.u.bf16.f32 v14;
	v13 =	vmul.f32 v13, v12  }
0x3fa: {  	s3 =	simm.s32 $0x100;
	v54 =	vunpack.i.u.bf16.f32 v17;
	v19 =	vunpack.i.l.bf16.f32 v16;
	v14 =	vmul.f32 v14, v12  }
0x3fb: {  	s22 =	simm.s32 $0x145;
	v18 =	vor.u32 s3, v0;
	v16 =	vunpack.i.u.bf16.f32 v16;
	v23 =	vld [tilespmem:s9+$0x10];
	v19 =	vmul.f32 v19, v8;
	[tilespmem:v20+s26+$0x0] =	vst.idx.msk $0xffff, v13  }
0x3fc: {  	s23 =	simm.s32 $0x144;
	v16 =	vmul.f32 v16, v8;
	v13 =	vunpack.i.l.bf16.f32 v17;
	v17 =	vmov s22;
	[tilespmem:v21+s26+$0x0] =	vst.idx.msk $0xffff, v14  }
0x3fd: {  	v22 =	vor.u32 s3, v1;
	[tilespmem:v11+s26+$0x0] =	vst.idx.msk $0xffff, v19;
	v11 =	vmov s23;
	v19 =	vld [tilespmem:s15+$0x30]  }
0x3fe: {  	v20 =	vor.u32 s10, v2;
	v11 =	vand.u32 $0xFFFFFFFE, v11;
	[tilespmem:v15+s26+$0x0] =	vst.idx.msk $0xffff, v16  }
0x3ff: {  	s14 =	simm.s32 $0x1400;
	v13 =	vmul.f32 v13, v10;
	v21 =	vor.u32 s10, v3;
	v16 =	vbroadcast v11, $0x0;
	v55 =	vld [tilespmem:s15+$0xFFFFFFE0]  }
0x400: {  	v58 =	vor.u32 s5, v6;
	v57 =	vld [tilespmem:s14+$0x0];
	v14 =	vmul.f32 v54, v10;
	v11 =	vunpack.i.l.bf16.f32 v23  }
0x401: {  	v23 =	vunpack.i.u.bf16.f32 v23;
	[tilespmem:v18+s26+$0x0] =	vst.idx.msk $0xffff, v13;
	v56 =	vmul.f32 v11, v9;
	v11 =	vld.idx.msk [tilespmem:v17+s18+$0x0], $0xffff;
	v17 =	vor.u32 s5, v7  }
0x402: {  	v28 =	vor.u32 s8, v4;
	v18 =	vmul.f32 v23, v9;
	[tilespmem:v22+s26+$0x0] =	vst.idx.msk $0xffff, v14;
	v29 =	vunpack.i.l.bf16.f32 v19  }
0x403: {  	s11 =	simm.s32 $0x280;
	v22 =	vor.u32 s8, v5;
	[tilespmem:v20+s26+$0x0] =	vst.idx.msk $0xffff, v56;
	v20 =	vld [tilespmem:s9+$0xFFFFFFD0];
	v19 =	vunpack.i.u.bf16.f32 v19;
	v59 =	vmul.f32 v29, v12  }
0x404: {  	v15 =	vor.u32 s11, v0;
	v23 =	vld [tilespmem:s14+$0xFFFFFFC0];
	[tilespmem:v21+s26+$0x0] =	vst.idx.msk $0xffff, v18;
	v19 =	vmul.f32 v19, v12;
	v18 =	vunpack.i.l.bf16.f32 v55  }
0x405: {  	v60 =	vor.u32 s3, v2;
	v12 =	vld.idx.msk [tilespmem:v16+s18+$0x0], $0xffff;
	v16 =	vunpack.i.u.bf16.f32 v55;
	v18 =	vmul.f32 v18, v8;
	[tilespmem:v58+s26+$0x0] =	vst.idx.msk $0xffff, v59  }
0x406: {  	s12 =	simm.s32 $0x200;
	v26 =	vunpack.i.l.bf16.f32 v57;
	v21 =	vor.u32 s11, v1;
	v61 =	vld [tilespmem:s9+$0x20];
	v16 =	vmul.f32 v16, v8;
	[tilespmem:v17+s26+$0x0] =	vst.idx.msk $0xffff, v19  }
0x407: {  	v63 =	vor.u32 s12, v0;
	v62 =	vunpack.i.u.bf16.f32 v57;
	v17 =	vmul.f32 v26, v11;
	[tilespmem:v28+s26+$0x0] =	vst.idx.msk $0xffff, v18  }
0x408: {  	v13 =	vor.u32 s12, v1;
	v25 =	vmul.f32 v62, v11;
	v18 =	vunpack.i.u.bf16.f32 v20;
	[tilespmem:v22+s26+$0x0] =	vst.idx.msk $0xffff, v16  }
0x409: {  	v20 =	vunpack.i.l.bf16.f32 v20;
	v16 =	vunpack.i.l.bf16.f32 v23;
	[tilespmem:v15+s26+$0x0] =	vst.idx.msk $0xffff, v17;
	v17 =	vor.u32 s10, v4  }
0x40a: {  	v14 =	vor.u32 s10, v5;
	v15 =	vmul.f32 v20, v10;
	v22 =	vmul.f32 v16, v12;
	v16 =	vld [tilespmem:s15+$0xFFFFFFF0]  }
0x40b: {  	v19 =	vunpack.i.u.bf16.f32 v23;
	v18 =	vmul.f32 v18, v10;
	v23 =	vunpack.i.l.bf16.f32 v61;
	[tilespmem:v21+s26+$0x0] =	vst.idx.msk $0xffff, v25  }
0x40c: {  	v21 =	vor.u32 s3, v3;
	v23 =	vmul.f32 v23, v9;
	[tilespmem:v60+s26+$0x0] =	vst.idx.msk $0xffff, v15;
	v15 =	vunpack.i.u.bf16.f32 v61;
	v20 =	vld [tilespmem:s14+$0x10]  }
0x40d: {  	s13 =	simm.s32 $0x1400;
	v19 =	vmul.f32 v19, v12;
	s15 =	simm.s32 $0x4;
	[tilespmem:v63+s26+$0x0] =	vst.idx.msk $0xffff, v22;
	v22 =	vmul.f32 v15, v9;
	v15 =	vor.u32 s8, v6  }
.LBB2_22:
0x40e: {  	s5 =	sadd.s32 $0x142, s15;
	s17 =	sshll.u32 s15, $0x7;
	s20 =	sadd.s32 $0x143, s15;
	v24 =	vor.u32 s11, v2;
	v25 =	vor.u32 s11, v3;
	[tilespmem:v17+s26+$0x0] =	vst.idx.msk $0xffff, v23;
	v17 =	vor.u32 s8, v7  }
0x40f: {  	s15 =	sadd.s32 $0x2, s15;
	s8 =	smov.u32 s3;
	v23 =	vmov s5;
	v26 =	vmov s20;
	s5 =	sadd.s32 $0x180, s17;
	[tilespmem:v14+s26+$0x0] =	vst.idx.msk $0xffff, v22;
	v14 =	vunpack.i.l.bf16.f32 v16  }
0x410: {  	s3 =	smov.u32 s12;
	p1 =	slt.u32 s15, $0x4E;
	v16 =	vunpack.i.u.bf16.f32 v16;
	v22 =	vand.u32 $0xFFFFFFFE, v23;
	v23 =	vor.u32 s5, v0;
	v27 =	vld [tilespmem:s9+$0x30]  }
0x411: {  	v16 =	vmul.f32 v16, v8;
	v22 =	vbroadcast v22, $0x0;
	v28 =	vunpack.i.l.bf16.f32 v20;
	[tilespmem:v21+s26+$0x0] =	vst.idx.msk $0xffff, v18  }
0x412: {  	s14 =	sadd.s32 $0x80, s14;
	s12 =	sshll.u32 s15, $0x7;
	v14 =	vmul.f32 v14, v8;
	v8 =	vmovc v10;
	v10 =	vmovc v12;
	v18 =	vunpack.i.u.bf16.f32 v20;
	v20 =	vmul.f32 v28, v11;
	v21 =	vld [tilespmem:s9+$0xFFFFFFE0]  }
0x413: {  	v18 =	vmul.f32 v18, v11;
	v28 =	vld [tilespmem:s14+$0x0];
	[tilespmem:v13+s26+$0x0] =	vst.idx.msk $0xffff, v19;
	v13 =	vor.u32 s12, v1;
	v19 =	vor.u32 s10, v6  }
0x414: {  	v30 =	vor.u32 s10, v7;
	v29 =	vor.u32 s8, v5;
	s10 =	smov.u32 s11;
	s11 =	smov.u32 s5;
	v26 =	vld.idx.msk [tilespmem:v26+s18+$0x0], $0xffff;
	[tilespmem:v15+s26+$0x0] =	vst.idx.msk $0xffff, v14  }
0x415: {  	v15 =	vld [tilespmem:s14+$0xFFFFFFC0];
	[tilespmem:v24+s26+$0x0] =	vst.idx.msk $0xffff, v20;
	v20 =	vor.u32 s8, v4;
	v12 =	vunpack.i.u.bf16.f32 v27;
	v24 =	vunpack.i.l.bf16.f32 v27  }
0x416: {  	v14 =	vor.u32 s10, v5;
	v27 =	vld [tilespmem:s13+$0xFFFFFFD0];
	v24 =	vmul.f32 v24, v9;
	v31 =	vmul.f32 v12, v9;
	[tilespmem:v17+s26+$0x0] =	vst.idx.msk $0xffff, v16  }
0x417: {  	v9 =	vmovc v11;
	v12 =	vld.idx.msk [tilespmem:v22+s18+$0x0], $0xffff;
	v22 =	vor.u32 s3, v2;
	[tilespmem:v25+s26+$0x0] =	vst.idx.msk $0xffff, v18;
	v16 =	vunpack.i.u.bf16.f32 v21;
	v17 =	vunpack.i.l.bf16.f32 v21  }
0x418: {  	v21 =	vor.u32 s11, v1;
	v25 =	vld [tilespmem:s13+$0x20];
	v32 =	vmul.f32 v17, v8;
	v16 =	vmul.f32 v16, v8;
	[tilespmem:v19+s26+$0x0] =	vst.idx.msk $0xffff, v24  }
0x419: {  	v24 =	vor.u32 s12, v0;
	v17 =	vunpack.i.u.bf16.f32 v28;
	v18 =	vunpack.i.l.bf16.f32 v28;
	[tilespmem:v30+s26+$0x0] =	vst.idx.msk $0xffff, v31  }
0x41a: {  	v18 =	vmul.f32 v18, v26;
	v28 =	vmul.f32 v17, v26;
	v17 =	vor.u32 s10, v4;
	[tilespmem:v20+s26+$0x0] =	vst.idx.msk $0xffff, v32  }
.Ltmp10:
0x41b: {  	v11 =	vmovc v26;
	v19 =	vunpack.i.u.bf16.f32 v15;
	v20 =	vunpack.i.u.bf16.f32 v27;
	v27 =	vunpack.i.l.bf16.f32 v27;
	[tilespmem:v29+s26+$0x0] =	vst.idx.msk $0xffff, v16;
	(pc) =	sbr.rel @p1 .LBB2_22-.Ltmp10, $4  }
0x41c: {  	v15 =	vunpack.i.l.bf16.f32 v15;
	[tilespmem:v23+s26+$0x0] =	vst.idx.msk $0xffff, v18;
	v23 =	vmul.f32 v27, v10;
	v18 =	vmul.f32 v20, v10;
	v16 =	vld [tilespmem:s9+$0xFFFFFFF0];
	s9 =	smov.u32 s13;
	s13 =	smov.u32 s14  }
0x41d: {  	v15 =	vmul.f32 v15, v12;
	v19 =	vmul.f32 v19, v12;
	[tilespmem:v21+s26+$0x0] =	vst.idx.msk $0xffff, v28;
	v26 =	vunpack.i.l.bf16.f32 v25  }
0x41e: {  	v21 =	vor.u32 s3, v3;
	v20 =	vld [tilespmem:s14+$0x10];
	[tilespmem:v22+s26+$0x0] =	vst.idx.msk $0xffff, v23;
	v22 =	vunpack.i.u.bf16.f32 v25;
	v23 =	vmul.f32 v26, v9  }
0x41f: {  	[tilespmem:v24+s26+$0x0] =	vst.idx.msk $0xffff, v15;
	v22 =	vmul.f32 v22, v9;
	v15 =	vor.u32 s8, v6  }
0x420: {  	_ =	sdelay $0x3  }
0x421: {  	[tilespmem:v13+s26+$0x0] =	vst.idx.msk $0xffff, v19  }
0x422: {  	v13 =	vld [tilespmem:s13+$0xFFFFFFD0]  }
0x423: {  	v57 =	vor.u32 s11, v2  }
0x424: {  	v24 =	vor.u32 s11, v3  }
0x425: {  	v26 =	vor.u32 s12, v2;
	[tilespmem:v21+s26+$0x0] =	vst.idx.msk $0xffff, v18;
	v25 =	vunpack.i.l.bf16.f32 v20  }
0x426: {  	v27 =	vor.u32 s12, v3;
	v61 =	vld [tilespmem:s9+$0xFFFFFFE0];
	v58 =	vunpack.i.u.bf16.f32 v20;
	v25 =	vmul.f32 v25, v11  }
0x427: {  	v59 =	vmul.f32 v58, v11;
	v60 =	vunpack.i.l.bf16.f32 v13  }
0x428: {  	[tilespmem:v57+s26+$0x0] =	vst.idx.msk $0xffff, v25;
	v13 =	vunpack.i.u.bf16.f32 v13;
	v20 =	vmul.f32 v60, v12  }
0x429: {  	v62 =	vor.u32 s3, v4;
	[tilespmem:v24+s26+$0x0] =	vst.idx.msk $0xffff, v59;
	v13 =	vmul.f32 v13, v12  }
0x42a: {  	v63 =	vor.u32 s3, v5;
	v18 =	vld [tilespmem:s13+$0x20];
	[tilespmem:v26+s26+$0x0] =	vst.idx.msk $0xffff, v20  }
0x42b: {  	v29 =	vunpack.i.l.bf16.f32 v61;
	[tilespmem:v27+s26+$0x0] =	vst.idx.msk $0xffff, v13  }
0x42c: {  	[tilespmem:v17+s26+$0x0] =	vst.idx.msk $0xffff, v23;
	v40 =	vor.u32 s8, v7;
	v19 =	vunpack.i.u.bf16.f32 v61;
	v32 =	vmul.f32 v29, v10;
	v28 =	vld [tilespmem:s13+$0xFFFFFFE0]  }
0x42d: {  	v30 =	vor.u32 s11, v4;
	[tilespmem:v14+s26+$0x0] =	vst.idx.msk $0xffff, v22;
	v42 =	vunpack.i.l.bf16.f32 v16;
	v33 =	vmul.f32 v19, v10  }
0x42e: {  	v31 =	vor.u32 s11, v5;
	v45 =	vunpack.i.u.bf16.f32 v16;
	v46 =	vmul.f32 v42, v8;
	[tilespmem:v62+s26+$0x0] =	vst.idx.msk $0xffff, v32  }
0x42f: {  	v35 =	vor.u32 s12, v4;
	v8 =	vmul.f32 v45, v8;
	[tilespmem:v63+s26+$0x0] =	vst.idx.msk $0xffff, v33;
	v34 =	vunpack.i.l.bf16.f32 v18  }
0x430: {  	v37 =	vor.u32 s12, v5;
	[tilespmem:v15+s26+$0x0] =	vst.idx.msk $0xffff, v46;
	v23 =	vld [tilespmem:s9+$0xFFFFFFF0];
	v18 =	vunpack.i.u.bf16.f32 v18;
	v19 =	vmul.f32 v34, v11  }
0x431: {  	[tilespmem:v40+s26+$0x0] =	vst.idx.msk $0xffff, v8;
	v38 =	vmul.f32 v18, v11;
	v39 =	vunpack.i.l.bf16.f32 v28  }
0x432: {  	v36 =	vld [tilespmem:s9+$0x30];
	[tilespmem:v30+s26+$0x0] =	vst.idx.msk $0xffff, v19;
	v41 =	vunpack.i.u.bf16.f32 v28;
	v14 =	vmul.f32 v39, v12  }
0x433: {  	v50 =	vor.u32 s3, v6;
	[tilespmem:v31+s26+$0x0] =	vst.idx.msk $0xffff, v38;
	v44 =	vmul.f32 v41, v12  }
0x434: {  	v52 =	vor.u32 s3, v7;
	v48 =	vld [tilespmem:s13+$0x30];
	[tilespmem:v35+s26+$0x0] =	vst.idx.msk $0xffff, v14  }
0x435: {  	v43 =	vor.u32 s10, v6;
	v8 =	vunpack.i.l.bf16.f32 v23;
	[tilespmem:v37+s26+$0x0] =	vst.idx.msk $0xffff, v44  }
0x436: {  	v47 =	vor.u32 s10, v7;
	v56 =	vunpack.i.u.bf16.f32 v23;
	v8 =	vmul.f32 v8, v10;
	v53 =	vld [tilespmem:s13+$0xFFFFFFF0]  }
0x437: {  	v55 =	vor.u32 s11, v6;
	v49 =	vunpack.i.l.bf16.f32 v36;
	v58 =	vmul.f32 v56, v10  }
0x438: {  	v57 =	vor.u32 s11, v7;
	v51 =	vunpack.i.u.bf16.f32 v36;
	v14 =	vmul.f32 v49, v9;
	[tilespmem:v50+s26+$0x0] =	vst.idx.msk $0xffff, v8  }
0x439: {  	v60 =	vor.u32 s12, v6;
	v54 =	vmul.f32 v51, v9;
	[tilespmem:v52+s26+$0x0] =	vst.idx.msk $0xffff, v58;
	v59 =	vunpack.i.l.bf16.f32 v48  }
0x43a: {  	v61 =	vor.u32 s12, v7;
	[tilespmem:v43+s26+$0x0] =	vst.idx.msk $0xffff, v14;
	v8 =	vunpack.i.u.bf16.f32 v48;
	v10 =	vmul.f32 v59, v11  }
0x43b: {  	[tilespmem:v47+s26+$0x0] =	vst.idx.msk $0xffff, v54;
	v8 =	vmul.f32 v8, v11;
	v62 =	vunpack.i.l.bf16.f32 v53  }
0x43c: {  	[tilespmem:v55+s26+$0x0] =	vst.idx.msk $0xffff, v10;
	v63 =	vunpack.i.u.bf16.f32 v53;
	v9 =	vmul.f32 v62, v12  }
0x43d: {  	[tilespmem:v57+s26+$0x0] =	vst.idx.msk $0xffff, v8;
	v8 =	vmul.f32 v63, v12  }
0x43e: {  	[tilespmem:v60+s26+$0x0] =	vst.idx.msk $0xffff, v9  }
0x43f: {  	s22 =	simm.s32 $0x780;
	[tilespmem:v61+s26+$0x0] =	vst.idx.msk $0xffff, v8  }
0x440: {  	[spmem:s2] =	stream.indirect.scatter.add.f32 [tilespmem:s26], [sflag:$0x5], $0x80, s22, s19, $0xb8;
	[tilespmem:$0x1EB40] =	vst v63  }
0x441: {  	_ =	swait.ge [sflag:s1], $0x2800  }
0x442: {  	[sflag:s1] =	ssyncset.done $0x0  }
0x443: {  	[sflag:s1] =	ssyncadd.s32 $0xFFFFD800  }
0x444: {  	_ =	swait.ge [sflag:s31], $0x2800  }
0x445: {  	[sflag:s31] =	ssyncset.done $0x0  }
0x446: {  	[sflag:s31] =	ssyncadd.s32 $0xFFFFD800  }
0x447: {  	[bflag:$0x0] =	sbarrier.arrive $0xFFFF  }
0x448: {  	s3 =	rddreg [dreg:$0xa]  }
0x449: {  	s8 =	rddreg [dreg:$0xc]  }
0x44a: {  	s9 =	rddreg [dreg:$0xd]  }
0x44b: {  	[hbm:s3], [sflag:s8] =	dma.local @!p0 [spmem:s9], $0x3E80  }
0x44c: {  	s3 =	simm.s32 @!p0 $0x7  }
0x44d: {  	_ =	swait.ge @!p0 [sflag:s3], $0x3E80  }
0x44e: {  	s23 =	rddreg [dreg:$0x4]  }
0x44f: {  	s5 =	rddreg [dreg:$0xb];
	s11 =	sadd.s32 $0x1, s23  }
0x450: {  	p1 =	sne.s32 s11, s5  }
.Ltmp11:
0x451: {  	_ = 	snop;
	(pc) =	sbr.rel @p1 .LBB2_1-.Ltmp11, $3  }
0x452: {  	_ =	sdelay $0x1  }
0x453: {  	[sflag:s3] =	ssyncset.done @!p0 $0x0  }
0x454: {  	[sflag:s3] =	ssyncadd.s32 @!p0 $0xFFFFC180  }
0x455: {  	_ =	sfence.sel $0x180000  }
0x456: {  	[bflag:$0x0] =	sbarrier.arrive $0xFFFF  }
0x457: {  	_ =	strace $0x9000004A  }
0x458: {  	s0 =	stileid.u32;
	[bflag:$0x2] =	sbarrier.arrive $0xFFFF  }
0x459: {  	p0 =	sne.s32 s0, $0x0;
	s0 =	rddreg [dreg:$0x3]  }
0x45a: {  	s0 =	sadd.s32 @!p0 $0x100000, s0  }
0x45b: {  	[sflag:s0] =	ssyncadd.tile.s32 @!p0 $0x1;
	_ =	shalt  }
.Lfunc_end2:
_tile_overlayer_lowered:
.L_overlay_start_2:
0x45c: {  	(tag) =	ssettag $0x2  }
0x45d: {  	s0 =	rddreg [dreg:$0x0];
	s2 =	stileid.u32  }
0x45e: {  	s1 =	rddreg [dreg:$0x1];
	p0 =	sne.s32 s2, $0x0  }
0x45f: {  	s3 =	rddreg [dreg:$0x2];
	[bflag:$0x3] =	sbarrier.arrive $0xFFFF;
	s2 =	simm.s32 @!p0 $0x1C07  }
0x460: {  	[timem:s3], [sflag:s2] =	dma.local @!p0 [hbm:s0], s1  }
0x461: {  	s0 =	simm.s32 @!p0 $0x7  }
0x462: {  	_ =	swait.ge @!p0 [sflag:s0], s1  }
0x463: {  	s1 =	ssub.s32 @!p0 $0x0, s1;
	[sflag:s0] =	ssyncset.done @!p0 $0x0  }
0x464: {  	[sflag:s0] =	ssyncadd.s32 @!p0 s1  }
0x465: {  	[bflag:$0x3] =	sbarrier.arrive $0xFFFF  }
0x466: {  	_ =	shalt  }

</sc_bundles>
